<compile_context>
chip_gen: v7x
topology: tpu7x:2x2x1
jax: 0.10.2.dev20260603
libtpu: 0.0.44.dev20260713+nightly
codegen_flags: <defaults>
</compile_context>

<pallas_src>
import functools

import jax
import jax.numpy as jnp
from jax import lax
from jax.experimental import pallas as pl
from jax.experimental.pallas import tpu as pltpu
from jax.experimental.pallas import tpu_sc as plsc

_N = 10000
_E = 320000
_R = 4
_B = 8
_H = 128

_NC = 2
_NS = 16
_NW = _NC * _NS
_CH = 128
_CPT = 79
_EPT = _CPT * _CH
_EPAD = _EPT * _NW
_RPT = 632
_NSEG = _NS * _RPT
_TAIL = _RPT - 4 * _CH



_BLK = 400


def _wcat(basis_ref, coeff_ref):
    c = coeff_ref[...].astype(jnp.bfloat16).astype(jnp.float32)
    ws = []
    for r in range(_R):
        b0 = basis_ref[0].astype(jnp.bfloat16).astype(jnp.float32)
        w = c[r, 0] * b0
        for b in range(1, _B):
            bb = basis_ref[b].astype(jnp.bfloat16).astype(jnp.float32)
            w = w + c[r, b] * bb
        ws.append(w)
    return jnp.concatenate(ws, axis=1)


def _table_body(x_ref, basis_ref, coeff_ref, t_ref):
    t_ref[...] = jnp.dot(x_ref[...], _wcat(basis_ref, coeff_ref),
                         preferred_element_type=jnp.float32)


def _combine_body(a0_ref, a1_ref, d0_ref, d1_ref, basis_ref, coeff_ref,
                  h_ref, t_ref):
    deg = d0_ref[:, 0:1] + d1_ref[:, 0:1]
    h = jnp.maximum((a0_ref[...] + a1_ref[...]) / jnp.maximum(deg, 1.0), 0.0)
    h_ref[...] = h
    t_ref[...] = jnp.dot(h, _wcat(basis_ref, coeff_ref),
                         preferred_element_type=jnp.float32)


def _final_body(a0_ref, a1_ref, d0_ref, d1_ref, w_ref, b_ref, h_ref, r_ref):
    deg = d0_ref[:, 0:1] + d1_ref[:, 0:1]
    h = jnp.maximum((a0_ref[...] + a1_ref[...]) / jnp.maximum(deg, 1.0), 0.0)
    h_ref[...] = h
    r_ref[...] = jnp.dot(h, w_ref[...],
                         preferred_element_type=jnp.float32) + b_ref[0, 0]


def _tc_table(x, basis, coeff):
    return pl.pallas_call(
        _table_body,
        grid=(_N // _BLK,),
        in_specs=[
            pl.BlockSpec((_BLK, _H), lambda i: (i, 0)),
            pl.BlockSpec((_B, _H, _H), lambda i: (0, 0, 0)),
            pl.BlockSpec((_R, _B), lambda i: (0, 0)),
        ],
        out_specs=pl.BlockSpec((_BLK, _R * _H), lambda i: (i, 0)),
        out_shape=jax.ShapeDtypeStruct((_N, _R * _H), jnp.float32),
    )(x, basis, coeff)


def _tc_combine(a0, a1, d0, d1, basis, coeff):
    return pl.pallas_call(
        _combine_body,
        grid=(_N // _BLK,),
        in_specs=[
            pl.BlockSpec((_BLK, _H), lambda i: (i, 0)),
            pl.BlockSpec((_BLK, _H), lambda i: (i, 0)),
            pl.BlockSpec((_BLK, _H), lambda i: (i, 0)),
            pl.BlockSpec((_BLK, _H), lambda i: (i, 0)),
            pl.BlockSpec((_B, _H, _H), lambda i: (0, 0, 0)),
            pl.BlockSpec((_R, _B), lambda i: (0, 0)),
        ],
        out_specs=[
            pl.BlockSpec((_BLK, _H), lambda i: (i, 0)),
            pl.BlockSpec((_BLK, _R * _H), lambda i: (i, 0)),
        ],
        out_shape=[
            jax.ShapeDtypeStruct((_N, _H), jnp.float32),
            jax.ShapeDtypeStruct((_N, _R * _H), jnp.float32),
        ],
    )(a0, a1, d0, d1, basis, coeff)


def _tc_final(a0, a1, d0, d1, dec_w, dec_b):
    return pl.pallas_call(
        _final_body,
        grid=(_N // _BLK,),
        in_specs=[
            pl.BlockSpec((_BLK, _H), lambda i: (i, 0)),
            pl.BlockSpec((_BLK, _H), lambda i: (i, 0)),
            pl.BlockSpec((_BLK, _H), lambda i: (i, 0)),
            pl.BlockSpec((_BLK, _H), lambda i: (i, 0)),
            pl.BlockSpec((_H, 1), lambda i: (0, 0)),
            pl.BlockSpec((1, 1), lambda i: (0, 0)),
        ],
        out_specs=[
            pl.BlockSpec((_BLK, _H), lambda i: (i, 0)),
            pl.BlockSpec((_BLK, 1), lambda i: (i, 0)),
        ],
        out_shape=[
            jax.ShapeDtypeStruct((_N, _H), jnp.float32),
            jax.ShapeDtypeStruct((_N, 1), jnp.float32),
        ],
    )(a0, a1, d0, d1, dec_w, dec_b)




_SC_MESH = plsc.VectorSubcoreMesh(core_axis_name="c", subcore_axis_name="s")


def _sc_scatter_body(edge_hbm, tbl_hbm, agg_out,
                     pc_v, idxc_v, dstc_v, rows_v, agg_sp, sem):
    cid = lax.axis_index("c")
    sid = lax.axis_index("s")
    wid = cid * _NS + sid
    base = sid * _RPT

    def zero_row(i, _):
        for k in range(_H // 16):
            rows_v[i, pl.ds(k * 16, 16)] = jnp.zeros((16,), jnp.float32)
        return 0

    lax.fori_loop(0, _CH, zero_row, 0)

    for k in range(4):
        pltpu.sync_copy(rows_v, agg_sp.at[pl.ds(base + k * _CH, _CH)])
    pltpu.sync_copy(rows_v.at[pl.ds(0, _TAIL)],
                    agg_sp.at[pl.ds(base + 4 * _CH, _TAIL)])

    plsc.subcore_barrier()

    def chunk(j, _):
        pltpu.sync_copy(edge_hbm.at[wid, j], pc_v)
        for k in range(_CH // 16):
            p = pc_v[pl.ds(k * 16, 16)]
            dstc_v[pl.ds(k * 16, 16)] = lax.shift_right_logical(p, 16)
            idxc_v[pl.ds(k * 16, 16)] = lax.bitwise_and(
                p, jnp.full((16,), 0xFFFF, jnp.int32))
        pltpu.async_copy(tbl_hbm.at[idxc_v], rows_v, sem).wait()
        pltpu.sync_copy(rows_v, agg_sp.at[dstc_v], add=True)
        return 0

    lax.fori_loop(0, _CPT, chunk, 0)

    plsc.subcore_barrier()

    for k in range(4):
        s = pl.ds(base + k * _CH, _CH)
        pltpu.sync_copy(agg_sp.at[s], rows_v)
        pltpu.sync_copy(rows_v, agg_out.at[cid, s])
    t = pl.ds(base + 4 * _CH, _TAIL)
    pltpu.sync_copy(agg_sp.at[t], rows_v.at[pl.ds(0, _TAIL)])
    pltpu.sync_copy(rows_v.at[pl.ds(0, _TAIL)], agg_out.at[cid, t])


_sc_scatter = pl.kernel(
    _sc_scatter_body,
    out_type=[jax.ShapeDtypeStruct((_NC, _NSEG, _H), jnp.float32)],
    mesh=_SC_MESH,
    scratch_types=[
        pltpu.VMEM((_CH,), jnp.int32),
        pltpu.VMEM((_CH,), jnp.int32),
        pltpu.VMEM((_CH,), jnp.int32),
        pltpu.VMEM((_CH, _H), jnp.float32),
        pltpu.VMEM_SHARED((_NSEG, _H), jnp.float32),
        pltpu.SemaphoreType.DMA,
    ],
)


def _sc_deg_body(edge_hbm, deg_out, pc_v, dstc_v, ones_v, deg_sp, sem):
    cid = lax.axis_index("c")
    sid = lax.axis_index("s")
    wid = cid * _NS + sid
    base = sid * _RPT

    def zero_row(i, _):
        for k in range(_H // 16):
            ones_v[i, pl.ds(k * 16, 16)] = jnp.zeros((16,), jnp.float32)
        return 0

    lax.fori_loop(0, _CH, zero_row, 0)
    for k in range(4):
        pltpu.sync_copy(ones_v, deg_sp.at[pl.ds(base + k * _CH, _CH)])
    pltpu.sync_copy(ones_v.at[pl.ds(0, _TAIL)],
                    deg_sp.at[pl.ds(base + 4 * _CH, _TAIL)])

    def one_row(i, _):
        for k in range(_H // 16):
            ones_v[i, pl.ds(k * 16, 16)] = jnp.ones((16,), jnp.float32)
        return 0

    lax.fori_loop(0, _CH, one_row, 0)

    plsc.subcore_barrier()

    def chunk(j, _):
        pltpu.sync_copy(edge_hbm.at[wid, j], pc_v)
        for k in range(_CH // 16):
            p = pc_v[pl.ds(k * 16, 16)]
            dstc_v[pl.ds(k * 16, 16)] = lax.shift_right_logical(p, 16)
        pltpu.sync_copy(ones_v, deg_sp.at[dstc_v], add=True)
        return 0

    lax.fori_loop(0, _CPT, chunk, 0)

    plsc.subcore_barrier()

    for k in range(4):
        s = pl.ds(base + k * _CH, _CH)
        pltpu.sync_copy(deg_sp.at[s], ones_v)
        pltpu.sync_copy(ones_v, deg_out.at[cid, s])
    t = pl.ds(base + 4 * _CH, _TAIL)
    pltpu.sync_copy(deg_sp.at[t], ones_v.at[pl.ds(0, _TAIL)])
    pltpu.sync_copy(ones_v.at[pl.ds(0, _TAIL)], deg_out.at[cid, t])


_sc_deg = pl.kernel(
    _sc_deg_body,
    out_type=[jax.ShapeDtypeStruct((_NC, _NSEG, _H), jnp.float32)],
    mesh=_SC_MESH,
    scratch_types=[
        pltpu.VMEM((_CH,), jnp.int32),
        pltpu.VMEM((_CH,), jnp.int32),
        pltpu.VMEM((_CH, _H), jnp.float32),
        pltpu.VMEM_SHARED((_NSEG, _H), jnp.float32),
        pltpu.SemaphoreType.DMA,
    ],
)




def kernel(x, edge_index, edge_type, basis1, coeff1, basis2, coeff2,
           dec_W, dec_b):
    src = edge_index[0]
    dst = edge_index[1]
    idx = src * _R + edge_type
    pad = _EPAD - _E
    packed = jnp.concatenate(
        [(dst << 16) | idx,
         jnp.full((pad,), _N << 16, jnp.int32)]).reshape(_NW, _CPT, _CH)

    t1 = _tc_table(x, basis1, coeff1).reshape(_N * _R, _H)
    [deg_all] = _sc_deg(packed)
    [agg1] = _sc_scatter(packed, t1)
    h1, t2 = _tc_combine(agg1[0, :_N], agg1[1, :_N],
                         deg_all[0, :_N], deg_all[1, :_N], basis2, coeff2)
    [agg2] = _sc_scatter(packed, t2.reshape(_N * _R, _H))
    h2, rec = _tc_final(agg2[0, :_N], agg2[1, :_N],
                        deg_all[0, :_N], deg_all[1, :_N],
                        dec_W, dec_b.reshape(1, 1))
    return (rec[:, 0], h2)

# --- scband reference (transcript-rebuilt; emitter-appended) ---
"""Pipeline reference for scband-pan-rep-rgcnhetero-37383395345263 (READ-ONLY COPY).

The authoritative reference and input builder live on the scoring server;
editing this copy changes nothing except your own understanding.
"""

import jax, jax.numpy as jnp
import numpy as np

N = 10000
E = 320000
R = 4
B = 8
H = 128
O = 128


def setup_inputs(seed: int = 0) -> dict:
    key = jax.random.key(seed)
    ks = jax.random.split(key, 10)
    x = jax.random.normal(ks[0], (N, H), dtype=jnp.float32)
    edge_index = jax.random.randint(ks[1], (2, E), 0, N, dtype=jnp.int32)
    edge_type = jax.random.randint(ks[2], (E,), 0, R, dtype=jnp.int32)
    # basis-decomposed relation weights (RelGraphConv with num_bases=8)
    basis1 = jax.random.normal(ks[3], (B, H, H), dtype=jnp.float32) * 0.05
    coeff1 = jax.random.normal(ks[4], (R, B), dtype=jnp.float32) * 0.3
    basis2 = jax.random.normal(ks[5], (B, H, O), dtype=jnp.float32) * 0.05
    coeff2 = jax.random.normal(ks[6], (R, B), dtype=jnp.float32) * 0.3
    # attribute decoder (h_dim -> reconstruct_dim=1)
    dec_W = jax.random.normal(ks[7], (O, 1), dtype=jnp.float32) * 0.05
    dec_b = jnp.zeros((1,), dtype=jnp.float32)
    return {
        'x': x,
        'edge_index': edge_index,
        'edge_type': edge_type,
        'basis1': basis1,
        'coeff1': coeff1,
        'basis2': basis2,
        'coeff2': coeff2,
        'dec_W': dec_W,
        'dec_b': dec_b,
    }


def _rgcn_layer(x, edge_index, edge_type, basis, coeff):
    # basis decomposition: W_r = sum_b coeff[r,b] * basis[b]
    W = jnp.einsum('rb,bdo->rdo', coeff, basis)  # [R, d_in, d_out]
    src = edge_index[0]
    dst = edge_index[1]
    n = x.shape[0]
    # per-node, per-relation transform, then gather per-edge message
    xW = jnp.einsum('nd,rdo->nro', x, W)  # [N, R, d_out]
    msg = xW[src, edge_type]  # [E, d_out] gather
    agg = jax.ops.segment_sum(msg, dst, num_segments=n)  # scatter-add
    deg = jax.ops.segment_sum(jnp.ones((src.shape[0],), x.dtype), dst, num_segments=n)
    agg = agg / jnp.clip(deg, 1.0, None)[:, None]
    return jax.nn.relu(agg)


def reference(x, edge_index, edge_type, basis1, coeff1, basis2, coeff2, dec_W, dec_b):
    # encoder: 2-layer relational GCN (i2h + hidden, num_hidden_layers=1)
    h = _rgcn_layer(x, edge_index, edge_type, basis1, coeff1)
    h = _rgcn_layer(h, edge_index, edge_type, basis2, coeff2)
    # multipleAttributeDecoder: per-node linear reconstruction of attributes
    reconstructed = h @ dec_W + dec_b  # [N, 1]
    return (jnp.squeeze(reconstructed, -1), h)

if __name__ == "__main__":
    import jax
    _d = setup_inputs()
    print(jax.jit(kernel)(*tuple(_d.values())))

</pallas_src>

<mosaic_0001>
#map = affine_map<(d0, d1) -> (0, 0, 0)>
module attributes {stable_mosaic.version = 14 : i64} {
  func.func @_sc_deg_body(%arg0: i32, %arg1: i32, %arg2: memref<32x79x128xi32, #tpu.memory_space<hbm>>, %arg3: memref<2x10112x128xf32, #tpu.memory_space<hbm>>, %arg4: memref<128xi32, #tpu.memory_space<vmem>>, %arg5: memref<128xi32, #tpu.memory_space<vmem>>, %arg6: memref<128x128xf32, #tpu.memory_space<vmem>>, %arg7: memref<10112x128xf32, #tpu.memory_space<vmem_shared>>, %arg8: memref<!tpu.dma_semaphore, #tpu.memory_space<semaphore_mem>>) attributes {dimension_semantics = [#tpu.dimension_semantics<core_parallel>, #tpu.dimension_semantics<subcore_parallel>], iteration_bounds = array<i64: 2, 16>, scalar_prefetch = 0 : i64, scratch_operands = 5 : i64, tpu.core_type = #tpu.core_type<sc_vector_subcore>, window_params = [{transform_indices = #map}, {transform_indices = #map}]} {
    %mul3A = arith.constant 16 : i32
    %mul3A_0 = arith.muli %arg0, %mul3A : i32
    %add3A = arith.addi %mul3A_0, %arg1 : i32
    %mul3A_1 = arith.constant 632 : i32
    %mul3A_2 = arith.muli %arg1, %mul3A_1 : i32
    %scan3A = arith.constant 0 : i32
    %scan3A_3 = arith.constant 0 : i32
    %scan3A_4 = arith.constant 128 : i32
    %scan3A_5 = arith.addi %scan3A_3, %scan3A_4 : i32
    %scan3A_6 = arith.constant 1 : i32
    %scan3A_7 = scf.for %scan3A_44 = %scan3A_3 to %scan3A_5 step %scan3A_6 iter_args(%scan3A_45 = %scan3A) -> (i32)  : i32 {
      %broadcast_in_dim3A = arith.constant 0.000000e+00 : f32
      %broadcast_in_dim3A_46 = vector.broadcast %broadcast_in_dim3A : f32 to vector<16xf32>
      %swap3A = arith.index_cast %scan3A_44 : i32 to index
      %swap3A_47 = arith.constant 0 : index
      %swap3A_48 = tpu.vector_load %arg6[%swap3A, %swap3A_47] {strides = array<i32>} : memref<128x128xf32, #tpu.memory_space<vmem>>, vector<1x16xf32>,
      %swap3A_49 = vector.shape_cast %swap3A_48 : vector<1x16xf32> to vector<16xf32>
      %swap3A_50 = vector.shape_cast %broadcast_in_dim3A_46 : vector<16xf32> to vector<1x16xf32>
      tpu.vector_store %arg6[%swap3A, %swap3A_47], %swap3A_50 {strides = array<i32>} : memref<128x128xf32, #tpu.memory_space<vmem>>, vector<1x16xf32>,
      %broadcast_in_dim3A_51 = arith.constant 0.000000e+00 : f32
      %broadcast_in_dim3A_52 = vector.broadcast %broadcast_in_dim3A_51 : f32 to vector<16xf32>
      %swap3A_53 = arith.index_cast %scan3A_44 : i32 to index
      %swap3A_54 = arith.constant 16 : index
      %swap3A_55 = tpu.vector_load %arg6[%swap3A_53, %swap3A_54] {strides = array<i32>} : memref<128x128xf32, #tpu.memory_space<vmem>>, vector<1x16xf32>,
      %swap3A_56 = vector.shape_cast %swap3A_55 : vector<1x16xf32> to vector<16xf32>
      %swap3A_57 = vector.shape_cast %broadcast_in_dim3A_52 : vector<16xf32> to vector<1x16xf32>
      tpu.vector_store %arg6[%swap3A_53, %swap3A_54], %swap3A_57 {strides = array<i32>} : memref<128x128xf32, #tpu.memory_space<vmem>>, vector<1x16xf32>,
      %broadcast_in_dim3A_58 = arith.constant 0.000000e+00 : f32
      %broadcast_in_dim3A_59 = vector.broadcast %broadcast_in_dim3A_58 : f32 to vector<16xf32>
      %swap3A_60 = arith.index_cast %scan3A_44 : i32 to index
      %swap3A_61 = arith.constant 32 : index
      %swap3A_62 = tpu.vector_load %arg6[%swap3A_60, %swap3A_61] {strides = array<i32>} : memref<128x128xf32, #tpu.memory_space<vmem>>, vector<1x16xf32>,
      %swap3A_63 = vector.shape_cast %swap3A_62 : vector<1x16xf32> to vector<16xf32>
      %swap3A_64 = vector.shape_cast %broadcast_in_dim3A_59 : vector<16xf32> to vector<1x16xf32>
      tpu.vector_store %arg6[%swap3A_60, %swap3A_61], %swap3A_64 {strides = array<i32>} : memref<128x128xf32, #tpu.memory_space<vmem>>, vector<1x16xf32>,
      %broadcast_in_dim3A_65 = arith.constant 0.000000e+00 : f32
      %broadcast_in_dim3A_66 = vector.broadcast %broadcast_in_dim3A_65 : f32 to vector<16xf32>
      %swap3A_67 = arith.index_cast %scan3A_44 : i32 to index
      %swap3A_68 = arith.constant 48 : index
      %swap3A_69 = tpu.vector_load %arg6[%swap3A_67, %swap3A_68] {strides = array<i32>} : memref<128x128xf32, #tpu.memory_space<vmem>>, vector<1x16xf32>,
      %swap3A_70 = vector.shape_cast %swap3A_69 : vector<1x16xf32> to vector<16xf32>
      %swap3A_71 = vector.shape_cast %broadcast_in_dim3A_66 : vector<16xf32> to vector<1x16xf32>
      tpu.vector_store %arg6[%swap3A_67, %swap3A_68], %swap3A_71 {strides = array<i32>} : memref<128x128xf32, #tpu.memory_space<vmem>>, vector<1x16xf32>,
      %broadcast_in_dim3A_72 = arith.constant 0.000000e+00 : f32
      %broadcast_in_dim3A_73 = vector.broadcast %broadcast_in_dim3A_72 : f32 to vector<16xf32>
      %swap3A_74 = arith.index_cast %scan3A_44 : i32 to index
      %swap3A_75 = arith.constant 64 : index
      %swap3A_76 = tpu.vector_load %arg6[%swap3A_74, %swap3A_75] {strides = array<i32>} : memref<128x128xf32, #tpu.memory_space<vmem>>, vector<1x16xf32>,
      %swap3A_77 = vector.shape_cast %swap3A_76 : vector<1x16xf32> to vector<16xf32>
      %swap3A_78 = vector.shape_cast %broadcast_in_dim3A_73 : vector<16xf32> to vector<1x16xf32>
      tpu.vector_store %arg6[%swap3A_74, %swap3A_75], %swap3A_78 {strides = array<i32>} : memref<128x128xf32, #tpu.memory_space<vmem>>, vector<1x16xf32>,
      %broadcast_in_dim3A_79 = arith.constant 0.000000e+00 : f32
      %broadcast_in_dim3A_80 = vector.broadcast %broadcast_in_dim3A_79 : f32 to vector<16xf32>
      %swap3A_81 = arith.index_cast %scan3A_44 : i32 to index
      %swap3A_82 = arith.constant 80 : index
      %swap3A_83 = tpu.vector_load %arg6[%swap3A_81, %swap3A_82] {strides = array<i32>} : memref<128x128xf32, #tpu.memory_space<vmem>>, vector<1x16xf32>,
      %swap3A_84 = vector.shape_cast %swap3A_83 : vector<1x16xf32> to vector<16xf32>
      %swap3A_85 = vector.shape_cast %broadcast_in_dim3A_80 : vector<16xf32> to vector<1x16xf32>
      tpu.vector_store %arg6[%swap3A_81, %swap3A_82], %swap3A_85 {strides = array<i32>} : memref<128x128xf32, #tpu.memory_space<vmem>>, vector<1x16xf32>,
      %broadcast_in_dim3A_86 = arith.constant 0.000000e+00 : f32
      %broadcast_in_dim3A_87 = vector.broadcast %broadcast_in_dim3A_86 : f32 to vector<16xf32>
      %swap3A_88 = arith.index_cast %scan3A_44 : i32 to index
      %swap3A_89 = arith.constant 96 : index
      %swap3A_90 = tpu.vector_load %arg6[%swap3A_88, %swap3A_89] {strides = array<i32>} : memref<128x128xf32, #tpu.memory_space<vmem>>, vector<1x16xf32>,
      %swap3A_91 = vector.shape_cast %swap3A_90 : vector<1x16xf32> to vector<16xf32>
      %swap3A_92 = vector.shape_cast %broadcast_in_dim3A_87 : vector<16xf32> to vector<1x16xf32>
      tpu.vector_store %arg6[%swap3A_88, %swap3A_89], %swap3A_92 {strides = array<i32>} : memref<128x128xf32, #tpu.memory_space<vmem>>, vector<1x16xf32>,
      %broadcast_in_dim3A_93 = arith.constant 0.000000e+00 : f32
      %broadcast_in_dim3A_94 = vector.broadcast %broadcast_in_dim3A_93 : f32 to vector<16xf32>
      %swap3A_95 = arith.index_cast %scan3A_44 : i32 to index
      %swap3A_96 = arith.constant 112 : index
      %swap3A_97 = tpu.vector_load %arg6[%swap3A_95, %swap3A_96] {strides = array<i32>} : memref<128x128xf32, #tpu.memory_space<vmem>>, vector<1x16xf32>,
      %swap3A_98 = vector.shape_cast %swap3A_97 : vector<1x16xf32> to vector<16xf32>
      %swap3A_99 = vector.shape_cast %broadcast_in_dim3A_94 : vector<16xf32> to vector<1x16xf32>
      tpu.vector_store %arg6[%swap3A_95, %swap3A_96], %swap3A_99 {strides = array<i32>} : memref<128x128xf32, #tpu.memory_space<vmem>>, vector<1x16xf32>,
      %scan3A_100 = arith.constant 0 : i32
      scf.yield %scan3A_100 : i32
    }
    %scan3A_8 = arith.constant 128 : i32
    %add3A_9 = arith.constant 0 : i32
    %add3A_10 = arith.addi %mul3A_2, %add3A_9 : i32
    "tpu.region"() ({
      %run_scoped3A = tpu.sem_alloc : memref<!tpu.dma_semaphore, #tpu.memory_space<semaphore_mem>>
      %dma_start3A = arith.constant 0 : i32
      %dma_start3A_44 = tpu.memref_slice %arg7[%add3A_10, %dma_start3A] : memref<10112x128xf32, #tpu.memory_space<vmem_shared>> -> memref<128x128xf32, #tpu.memory_space<vmem_shared>>
      %dma_start3A_45 = arith.constant 0 : i32
      %dma_start3A_46 = tpu.memref_slice %arg7[%add3A_10, %dma_start3A_45] : memref<10112x128xf32, #tpu.memory_space<vmem_shared>> -> memref<128x128xf32, #tpu.memory_space<vmem_shared>>
      tpu.enqueue_dma source(%arg6 : memref<128x128xf32, #tpu.memory_space<vmem>>) target(%dma_start3A_46 : memref<128x128xf32, #tpu.memory_space<vmem_shared>>) target_semaphore(%run_scoped3A : memref<!tpu.dma_semaphore, #tpu.memory_space<semaphore_mem>>)
      %dma_wait3A = arith.constant 0 : i32
      %dma_wait3A_47 = tpu.memref_slice %arg7[%add3A_10, %dma_wait3A] : memref<10112x128xf32, #tpu.memory_space<vmem_shared>> -> memref<128x128xf32, #tpu.memory_space<vmem_shared>>
      %dma_wait3A_48 = arith.constant 0 : i32
      %dma_wait3A_49 = tpu.memref_slice %arg7[%add3A_10, %dma_wait3A_48] : memref<10112x128xf32, #tpu.memory_space<vmem_shared>> -> memref<128x128xf32, #tpu.memory_space<vmem_shared>>
      tpu.wait_dma2 semaphore(%run_scoped3A : memref<!tpu.dma_semaphore, #tpu.memory_space<semaphore_mem>>) src(%arg6 : memref<128x128xf32, #tpu.memory_space<vmem>>) dst(%dma_wait3A_49 : memref<128x128xf32, #tpu.memory_space<vmem_shared>>)
      tpu.yield
    }) : () -> ()
    %add3A_11 = arith.constant 128 : i32
    %add3A_12 = arith.addi %mul3A_2, %add3A_11 : i32
    "tpu.region"() ({
      %run_scoped3A = tpu.sem_alloc : memref<!tpu.dma_semaphore, #tpu.memory_space<semaphore_mem>>
      %dma_start3A = arith.constant 0 : i32
      %dma_start3A_44 = tpu.memref_slice %arg7[%add3A_12, %dma_start3A] : memref<10112x128xf32, #tpu.memory_space<vmem_shared>> -> memref<128x128xf32, #tpu.memory_space<vmem_shared>>
      %dma_start3A_45 = arith.constant 0 : i32
      %dma_start3A_46 = tpu.memref_slice %arg7[%add3A_12, %dma_start3A_45] : memref<10112x128xf32, #tpu.memory_space<vmem_shared>> -> memref<128x128xf32, #tpu.memory_space<vmem_shared>>
      tpu.enqueue_dma source(%arg6 : memref<128x128xf32, #tpu.memory_space<vmem>>) target(%dma_start3A_46 : memref<128x128xf32, #tpu.memory_space<vmem_shared>>) target_semaphore(%run_scoped3A : memref<!tpu.dma_semaphore, #tpu.memory_space<semaphore_mem>>)
      %dma_wait3A = arith.constant 0 : i32
      %dma_wait3A_47 = tpu.memref_slice %arg7[%add3A_12, %dma_wait3A] : memref<10112x128xf32, #tpu.memory_space<vmem_shared>> -> memref<128x128xf32, #tpu.memory_space<vmem_shared>>
      %dma_wait3A_48 = arith.constant 0 : i32
      %dma_wait3A_49 = tpu.memref_slice %arg7[%add3A_12, %dma_wait3A_48] : memref<10112x128xf32, #tpu.memory_space<vmem_shared>> -> memref<128x128xf32, #tpu.memory_space<vmem_shared>>
      tpu.wait_dma2 semaphore(%run_scoped3A : memref<!tpu.dma_semaphore, #tpu.memory_space<semaphore_mem>>) src(%arg6 : memref<128x128xf32, #tpu.memory_space<vmem>>) dst(%dma_wait3A_49 : memref<128x128xf32, #tpu.memory_space<vmem_shared>>)
      tpu.yield
    }) : () -> ()
    %add3A_13 = arith.constant 256 : i32
    %add3A_14 = arith.addi %mul3A_2, %add3A_13 : i32
    "tpu.region"() ({
      %run_scoped3A = tpu.sem_alloc : memref<!tpu.dma_semaphore, #tpu.memory_space<semaphore_mem>>
      %dma_start3A = arith.constant 0 : i32
      %dma_start3A_44 = tpu.memref_slice %arg7[%add3A_14, %dma_start3A] : memref<10112x128xf32, #tpu.memory_space<vmem_shared>> -> memref<128x128xf32, #tpu.memory_space<vmem_shared>>
      %dma_start3A_45 = arith.constant 0 : i32
      %dma_start3A_46 = tpu.memref_slice %arg7[%add3A_14, %dma_start3A_45] : memref<10112x128xf32, #tpu.memory_space<vmem_shared>> -> memref<128x128xf32, #tpu.memory_space<vmem_shared>>
      tpu.enqueue_dma source(%arg6 : memref<128x128xf32, #tpu.memory_space<vmem>>) target(%dma_start3A_46 : memref<128x128xf32, #tpu.memory_space<vmem_shared>>) target_semaphore(%run_scoped3A : memref<!tpu.dma_semaphore, #tpu.memory_space<semaphore_mem>>)
      %dma_wait3A = arith.constant 0 : i32
      %dma_wait3A_47 = tpu.memref_slice %arg7[%add3A_14, %dma_wait3A] : memref<10112x128xf32, #tpu.memory_space<vmem_shared>> -> memref<128x128xf32, #tpu.memory_space<vmem_shared>>
      %dma_wait3A_48 = arith.constant 0 : i32
      %dma_wait3A_49 = tpu.memref_slice %arg7[%add3A_14, %dma_wait3A_48] : memref<10112x128xf32, #tpu.memory_space<vmem_shared>> -> memref<128x128xf32, #tpu.memory_space<vmem_shared>>
      tpu.wait_dma2 semaphore(%run_scoped3A : memref<!tpu.dma_semaphore, #tpu.memory_space<semaphore_mem>>) src(%arg6 : memref<128x128xf32, #tpu.memory_space<vmem>>) dst(%dma_wait3A_49 : memref<128x128xf32, #tpu.memory_space<vmem_shared>>)
      tpu.yield
    }) : () -> ()
    %add3A_15 = arith.constant 384 : i32
    %add3A_16 = arith.addi %mul3A_2, %add3A_15 : i32
    "tpu.region"() ({
      %run_scoped3A = tpu.sem_alloc : memref<!tpu.dma_semaphore, #tpu.memory_space<semaphore_mem>>
      %dma_start3A = arith.constant 0 : i32
      %dma_start3A_44 = tpu.memref_slice %arg7[%add3A_16, %dma_start3A] : memref<10112x128xf32, #tpu.memory_space<vmem_shared>> -> memref<128x128xf32, #tpu.memory_space<vmem_shared>>
      %dma_start3A_45 = arith.constant 0 : i32
      %dma_start3A_46 = tpu.memref_slice %arg7[%add3A_16, %dma_start3A_45] : memref<10112x128xf32, #tpu.memory_space<vmem_shared>> -> memref<128x128xf32, #tpu.memory_space<vmem_shared>>
      tpu.enqueue_dma source(%arg6 : memref<128x128xf32, #tpu.memory_space<vmem>>) target(%dma_start3A_46 : memref<128x128xf32, #tpu.memory_space<vmem_shared>>) target_semaphore(%run_scoped3A : memref<!tpu.dma_semaphore, #tpu.memory_space<semaphore_mem>>)
      %dma_wait3A = arith.constant 0 : i32
      %dma_wait3A_47 = tpu.memref_slice %arg7[%add3A_16, %dma_wait3A] : memref<10112x128xf32, #tpu.memory_space<vmem_shared>> -> memref<128x128xf32, #tpu.memory_space<vmem_shared>>
      %dma_wait3A_48 = arith.constant 0 : i32
      %dma_wait3A_49 = tpu.memref_slice %arg7[%add3A_16, %dma_wait3A_48] : memref<10112x128xf32, #tpu.memory_space<vmem_shared>> -> memref<128x128xf32, #tpu.memory_space<vmem_shared>>
      tpu.wait_dma2 semaphore(%run_scoped3A : memref<!tpu.dma_semaphore, #tpu.memory_space<semaphore_mem>>) src(%arg6 : memref<128x128xf32, #tpu.memory_space<vmem>>) dst(%dma_wait3A_49 : memref<128x128xf32, #tpu.memory_space<vmem_shared>>)
      tpu.yield
    }) : () -> ()
    %add3A_17 = arith.constant 512 : i32
    %add3A_18 = arith.addi %mul3A_2, %add3A_17 : i32
    "tpu.region"() ({
      %run_scoped3A = tpu.sem_alloc : memref<!tpu.dma_semaphore, #tpu.memory_space<semaphore_mem>>
      %dma_start3A = arith.constant 0 : i32
      %dma_start3A_44 = arith.constant 0 : i32
      %dma_start3A_45 = tpu.memref_slice %arg6[%dma_start3A, %dma_start3A_44] : memref<128x128xf32, #tpu.memory_space<vmem>> -> memref<120x128xf32, #tpu.memory_space<vmem>>
      %dma_start3A_46 = arith.constant 0 : i32
      %dma_start3A_47 = tpu.memref_slice %arg7[%add3A_18, %dma_start3A_46] : memref<10112x128xf32, #tpu.memory_space<vmem_shared>> -> memref<120x128xf32, #tpu.memory_space<vmem_shared>>
      %dma_start3A_48 = arith.constant 0 : i32
      %dma_start3A_49 = tpu.memref_slice %arg7[%add3A_18, %dma_start3A_48] : memref<10112x128xf32, #tpu.memory_space<vmem_shared>> -> memref<120x128xf32, #tpu.memory_space<vmem_shared>>
      %dma_start3A_50 = arith.constant 0 : i32
      %dma_start3A_51 = arith.constant 0 : i32
      %dma_start3A_52 = tpu.memref_slice %arg6[%dma_start3A_50, %dma_start3A_51] : memref<128x128xf32, #tpu.memory_space<vmem>> -> memref<120x128xf32, #tpu.memory_space<vmem>>
      tpu.enqueue_dma source(%dma_start3A_52 : memref<120x128xf32, #tpu.memory_space<vmem>>) target(%dma_start3A_49 : memref<120x128xf32, #tpu.memory_space<vmem_shared>>) target_semaphore(%run_scoped3A : memref<!tpu.dma_semaphore, #tpu.memory_space<semaphore_mem>>)
      %dma_wait3A = arith.constant 0 : i32
      %dma_wait3A_53 = arith.constant 0 : i32
      %dma_wait3A_54 = tpu.memref_slice %arg6[%dma_wait3A, %dma_wait3A_53] : memref<128x128xf32, #tpu.memory_space<vmem>> -> memref<120x128xf32, #tpu.memory_space<vmem>>
      %dma_wait3A_55 = arith.constant 0 : i32
      %dma_wait3A_56 = tpu.memref_slice %arg7[%add3A_18, %dma_wait3A_55] : memref<10112x128xf32, #tpu.memory_space<vmem_shared>> -> memref<120x128xf32, #tpu.memory_space<vmem_shared>>
      %dma_wait3A_57 = arith.constant 0 : i32
      %dma_wait3A_58 = tpu.memref_slice %arg7[%add3A_18, %dma_wait3A_57] : memref<10112x128xf32, #tpu.memory_space<vmem_shared>> -> memref<120x128xf32, #tpu.memory_space<vmem_shared>>
      %dma_wait3A_59 = arith.constant 0 : i32
      %dma_wait3A_60 = arith.constant 0 : i32
      %dma_wait3A_61 = tpu.memref_slice %arg6[%dma_wait3A_59, %dma_wait3A_60] : memref<128x128xf32, #tpu.memory_space<vmem>> -> memref<120x128xf32, #tpu.memory_space<vmem>>
      tpu.wait_dma2 semaphore(%run_scoped3A : memref<!tpu.dma_semaphore, #tpu.memory_space<semaphore_mem>>) src(%dma_wait3A_61 : memref<120x128xf32, #tpu.memory_space<vmem>>) dst(%dma_wait3A_58 : memref<120x128xf32, #tpu.memory_space<vmem_shared>>)
      tpu.yield
    }) : () -> ()
    %scan3A_19 = arith.constant 0 : i32
    %scan3A_20 = arith.constant 0 : i32
    %scan3A_21 = arith.constant 128 : i32
    %scan3A_22 = arith.addi %scan3A_20, %scan3A_21 : i32
    %scan3A_23 = arith.constant 1 : i32
    %scan3A_24 = scf.for %scan3A_44 = %scan3A_20 to %scan3A_22 step %scan3A_23 iter_args(%scan3A_45 = %scan3A_19) -> (i32)  : i32 {
      %broadcast_in_dim3A = arith.constant 1.000000e+00 : f32
      %broadcast_in_dim3A_46 = vector.broadcast %broadcast_in_dim3A : f32 to vector<16xf32>
      %swap3A = arith.index_cast %scan3A_44 : i32 to index
      %swap3A_47 = arith.constant 0 : index
      %swap3A_48 = tpu.vector_load %arg6[%swap3A, %swap3A_47] {strides = array<i32>} : memref<128x128xf32, #tpu.memory_space<vmem>>, vector<1x16xf32>,
      %swap3A_49 = vector.shape_cast %swap3A_48 : vector<1x16xf32> to vector<16xf32>
      %swap3A_50 = vector.shape_cast %broadcast_in_dim3A_46 : vector<16xf32> to vector<1x16xf32>
      tpu.vector_store %arg6[%swap3A, %swap3A_47], %swap3A_50 {strides = array<i32>} : memref<128x128xf32, #tpu.memory_space<vmem>>, vector<1x16xf32>,
      %broadcast_in_dim3A_51 = arith.constant 1.000000e+00 : f32
      %broadcast_in_dim3A_52 = vector.broadcast %broadcast_in_dim3A_51 : f32 to vector<16xf32>
      %swap3A_53 = arith.index_cast %scan3A_44 : i32 to index
      %swap3A_54 = arith.constant 16 : index
      %swap3A_55 = tpu.vector_load %arg6[%swap3A_53, %swap3A_54] {strides = array<i32>} : memref<128x128xf32, #tpu.memory_space<vmem>>, vector<1x16xf32>,
      %swap3A_56 = vector.shape_cast %swap3A_55 : vector<1x16xf32> to vector<16xf32>
      %swap3A_57 = vector.shape_cast %broadcast_in_dim3A_52 : vector<16xf32> to vector<1x16xf32>
      tpu.vector_store %arg6[%swap3A_53, %swap3A_54], %swap3A_57 {strides = array<i32>} : memref<128x128xf32, #tpu.memory_space<vmem>>, vector<1x16xf32>,
      %broadcast_in_dim3A_58 = arith.constant 1.000000e+00 : f32
      %broadcast_in_dim3A_59 = vector.broadcast %broadcast_in_dim3A_58 : f32 to vector<16xf32>
      %swap3A_60 = arith.index_cast %scan3A_44 : i32 to index
      %swap3A_61 = arith.constant 32 : index
      %swap3A_62 = tpu.vector_load %arg6[%swap3A_60, %swap3A_61] {strides = array<i32>} : memref<128x128xf32, #tpu.memory_space<vmem>>, vector<1x16xf32>,
      %swap3A_63 = vector.shape_cast %swap3A_62 : vector<1x16xf32> to vector<16xf32>
      %swap3A_64 = vector.shape_cast %broadcast_in_dim3A_59 : vector<16xf32> to vector<1x16xf32>
      tpu.vector_store %arg6[%swap3A_60, %swap3A_61], %swap3A_64 {strides = array<i32>} : memref<128x128xf32, #tpu.memory_space<vmem>>, vector<1x16xf32>,
      %broadcast_in_dim3A_65 = arith.constant 1.000000e+00 : f32
      %broadcast_in_dim3A_66 = vector.broadcast %broadcast_in_dim3A_65 : f32 to vector<16xf32>
      %swap3A_67 = arith.index_cast %scan3A_44 : i32 to index
      %swap3A_68 = arith.constant 48 : index
      %swap3A_69 = tpu.vector_load %arg6[%swap3A_67, %swap3A_68] {strides = array<i32>} : memref<128x128xf32, #tpu.memory_space<vmem>>, vector<1x16xf32>,
      %swap3A_70 = vector.shape_cast %swap3A_69 : vector<1x16xf32> to vector<16xf32>
      %swap3A_71 = vector.shape_cast %broadcast_in_dim3A_66 : vector<16xf32> to vector<1x16xf32>
      tpu.vector_store %arg6[%swap3A_67, %swap3A_68], %swap3A_71 {strides = array<i32>} : memref<128x128xf32, #tpu.memory_space<vmem>>, vector<1x16xf32>,
      %broadcast_in_dim3A_72 = arith.constant 1.000000e+00 : f32
      %broadcast_in_dim3A_73 = vector.broadcast %broadcast_in_dim3A_72 : f32 to vector<16xf32>
      %swap3A_74 = arith.index_cast %scan3A_44 : i32 to index
      %swap3A_75 = arith.constant 64 : index
      %swap3A_76 = tpu.vector_load %arg6[%swap3A_74, %swap3A_75] {strides = array<i32>} : memref<128x128xf32, #tpu.memory_space<vmem>>, vector<1x16xf32>,
      %swap3A_77 = vector.shape_cast %swap3A_76 : vector<1x16xf32> to vector<16xf32>
      %swap3A_78 = vector.shape_cast %broadcast_in_dim3A_73 : vector<16xf32> to vector<1x16xf32>
      tpu.vector_store %arg6[%swap3A_74, %swap3A_75], %swap3A_78 {strides = array<i32>} : memref<128x128xf32, #tpu.memory_space<vmem>>, vector<1x16xf32>,
      %broadcast_in_dim3A_79 = arith.constant 1.000000e+00 : f32
      %broadcast_in_dim3A_80 = vector.broadcast %broadcast_in_dim3A_79 : f32 to vector<16xf32>
      %swap3A_81 = arith.index_cast %scan3A_44 : i32 to index
      %swap3A_82 = arith.constant 80 : index
      %swap3A_83 = tpu.vector_load %arg6[%swap3A_81, %swap3A_82] {strides = array<i32>} : memref<128x128xf32, #tpu.memory_space<vmem>>, vector<1x16xf32>,
      %swap3A_84 = vector.shape_cast %swap3A_83 : vector<1x16xf32> to vector<16xf32>
      %swap3A_85 = vector.shape_cast %broadcast_in_dim3A_80 : vector<16xf32> to vector<1x16xf32>
      tpu.vector_store %arg6[%swap3A_81, %swap3A_82], %swap3A_85 {strides = array<i32>} : memref<128x128xf32, #tpu.memory_space<vmem>>, vector<1x16xf32>,
      %broadcast_in_dim3A_86 = arith.constant 1.000000e+00 : f32
      %broadcast_in_dim3A_87 = vector.broadcast %broadcast_in_dim3A_86 : f32 to vector<16xf32>
      %swap3A_88 = arith.index_cast %scan3A_44 : i32 to index
      %swap3A_89 = arith.constant 96 : index
      %swap3A_90 = tpu.vector_load %arg6[%swap3A_88, %swap3A_89] {strides = array<i32>} : memref<128x128xf32, #tpu.memory_space<vmem>>, vector<1x16xf32>,
      %swap3A_91 = vector.shape_cast %swap3A_90 : vector<1x16xf32> to vector<16xf32>
      %swap3A_92 = vector.shape_cast %broadcast_in_dim3A_87 : vector<16xf32> to vector<1x16xf32>
      tpu.vector_store %arg6[%swap3A_88, %swap3A_89], %swap3A_92 {strides = array<i32>} : memref<128x128xf32, #tpu.memory_space<vmem>>, vector<1x16xf32>,
      %broadcast_in_dim3A_93 = arith.constant 1.000000e+00 : f32
      %broadcast_in_dim3A_94 = vector.broadcast %broadcast_in_dim3A_93 : f32 to vector<16xf32>
      %swap3A_95 = arith.index_cast %scan3A_44 : i32 to index
      %swap3A_96 = arith.constant 112 : index
      %swap3A_97 = tpu.vector_load %arg6[%swap3A_95, %swap3A_96] {strides = array<i32>} : memref<128x128xf32, #tpu.memory_space<vmem>>, vector<1x16xf32>,
      %swap3A_98 = vector.shape_cast %swap3A_97 : vector<1x16xf32> to vector<16xf32>
      %swap3A_99 = vector.shape_cast %broadcast_in_dim3A_94 : vector<16xf32> to vector<1x16xf32>
      tpu.vector_store %arg6[%swap3A_95, %swap3A_96], %swap3A_99 {strides = array<i32>} : memref<128x128xf32, #tpu.memory_space<vmem>>, vector<1x16xf32>,
      %scan3A_100 = arith.constant 0 : i32
      scf.yield %scan3A_100 : i32
    }
    %scan3A_25 = arith.constant 128 : i32
    %barrier3A = arith.constant 0 : index
    tpu.barrier barrier_id(%barrier3A)
    %scan3A_26 = arith.constant 0 : i32
    %scan3A_27 = arith.constant 0 : i32
    %scan3A_28 = arith.constant 79 : i32
    %scan3A_29 = arith.addi %scan3A_27, %scan3A_28 : i32
    %scan3A_30 = arith.constant 1 : i32
    %scan3A_31 = scf.for %scan3A_44 = %scan3A_27 to %scan3A_29 step %scan3A_30 iter_args(%scan3A_45 = %scan3A_26) -> (i32)  : i32 {
      "tpu.region"() ({
        %run_scoped3A = tpu.sem_alloc : memref<!tpu.dma_semaphore, #tpu.memory_space<semaphore_mem>>
        %dma_start3A = arith.constant 0 : i32
        %dma_start3A_124 = tpu.memref_slice %arg2[%add3A, %scan3A_44, %dma_start3A] : memref<32x79x128xi32, #tpu.memory_space<hbm>> -> memref<1x1x128xi32, #tpu.memory_space<hbm>>
        %dma_start3A_125 = tpu.memref_squeeze %dma_start3A_124 : memref<1x1x128xi32, #tpu.memory_space<hbm>> -> memref<128xi32, #tpu.memory_space<hbm>>
        %dma_start3A_126 = arith.constant 0 : i32
        %dma_start3A_127 = tpu.memref_slice %arg2[%add3A, %scan3A_44, %dma_start3A_126] : memref<32x79x128xi32, #tpu.memory_space<hbm>> -> memref<1x1x128xi32, #tpu.memory_space<hbm>>
        %dma_start3A_128 = tpu.memref_squeeze %dma_start3A_127 : memref<1x1x128xi32, #tpu.memory_space<hbm>> -> memref<128xi32, #tpu.memory_space<hbm>>
        tpu.enqueue_dma source(%dma_start3A_128 : memref<128xi32, #tpu.memory_space<hbm>>) target(%arg4 : memref<128xi32, #tpu.memory_space<vmem>>) target_semaphore(%run_scoped3A : memref<!tpu.dma_semaphore, #tpu.memory_space<semaphore_mem>>)
        %dma_wait3A = arith.constant 0 : i32
        %dma_wait3A_129 = tpu.memref_slice %arg2[%add3A, %scan3A_44, %dma_wait3A] : memref<32x79x128xi32, #tpu.memory_space<hbm>> -> memref<1x1x128xi32, #tpu.memory_space<hbm>>
        %dma_wait3A_130 = tpu.memref_squeeze %dma_wait3A_129 : memref<1x1x128xi32, #tpu.memory_space<hbm>> -> memref<128xi32, #tpu.memory_space<hbm>>
        %dma_wait3A_131 = arith.constant 0 : i32
        %dma_wait3A_132 = tpu.memref_slice %arg2[%add3A, %scan3A_44, %dma_wait3A_131] : memref<32x79x128xi32, #tpu.memory_space<hbm>> -> memref<1x1x128xi32, #tpu.memory_space<hbm>>
        %dma_wait3A_133 = tpu.memref_squeeze %dma_wait3A_132 : memref<1x1x128xi32, #tpu.memory_space<hbm>> -> memref<128xi32, #tpu.memory_space<hbm>>
        tpu.wait_dma2 semaphore(%run_scoped3A : memref<!tpu.dma_semaphore, #tpu.memory_space<semaphore_mem>>) src(%dma_wait3A_133 : memref<128xi32, #tpu.memory_space<hbm>>) dst(%arg4 : memref<128xi32, #tpu.memory_space<vmem>>)
        tpu.yield
      }) : () -> ()
      %get3A = arith.constant 0 : index
      %get3A_46 = tpu.vector_load %arg4[%get3A] {strides = array<i32>} : memref<128xi32, #tpu.memory_space<vmem>>, vector<16xi32>,
      %get3A_47 = vector.shape_cast %get3A_46 : vector<16xi32> to vector<16xi32>
      %shift_right_logical3A = arith.constant 16 : i32
      %shift_right_logical3A_48 = vector.broadcast %shift_right_logical3A : i32 to vector<16xi32>
      %shift_right_logical3A_49 = arith.shrui %get3A_47, %shift_right_logical3A_48 : vector<16xi32>
      %swap3A = arith.constant 0 : index
      %swap3A_50 = tpu.vector_load %arg5[%swap3A] {strides = array<i32>} : memref<128xi32, #tpu.memory_space<vmem>>, vector<16xi32>,
      %swap3A_51 = vector.shape_cast %swap3A_50 : vector<16xi32> to vector<16xi32>
      %swap3A_52 = vector.shape_cast %shift_right_logical3A_49 : vector<16xi32> to vector<16xi32>
      tpu.vector_store %arg5[%swap3A], %swap3A_52 {strides = array<i32>} : memref<128xi32, #tpu.memory_space<vmem>>, vector<16xi32>,
      %get3A_53 = arith.constant 16 : index
      %get3A_54 = tpu.vector_load %arg4[%get3A_53] {strides = array<i32>} : memref<128xi32, #tpu.memory_space<vmem>>, vector<16xi32>,
      %get3A_55 = vector.shape_cast %get3A_54 : vector<16xi32> to vector<16xi32>
      %shift_right_logical3A_56 = arith.constant 16 : i32
      %shift_right_logical3A_57 = vector.broadcast %shift_right_logical3A_56 : i32 to vector<16xi32>
      %shift_right_logical3A_58 = arith.shrui %get3A_55, %shift_right_logical3A_57 : vector<16xi32>
      %swap3A_59 = arith.constant 16 : index
      %swap3A_60 = tpu.vector_load %arg5[%swap3A_59] {strides = array<i32>} : memref<128xi32, #tpu.memory_space<vmem>>, vector<16xi32>,
      %swap3A_61 = vector.shape_cast %swap3A_60 : vector<16xi32> to vector<16xi32>
      %swap3A_62 = vector.shape_cast %shift_right_logical3A_58 : vector<16xi32> to vector<16xi32>
      tpu.vector_store %arg5[%swap3A_59], %swap3A_62 {strides = array<i32>} : memref<128xi32, #tpu.memory_space<vmem>>, vector<16xi32>,
      %get3A_63 = arith.constant 32 : index
      %get3A_64 = tpu.vector_load %arg4[%get3A_63] {strides = array<i32>} : memref<128xi32, #tpu.memory_space<vmem>>, vector<16xi32>,
      %get3A_65 = vector.shape_cast %get3A_64 : vector<16xi32> to vector<16xi32>
      %shift_right_logical3A_66 = arith.constant 16 : i32
      %shift_right_logical3A_67 = vector.broadcast %shift_right_logical3A_66 : i32 to vector<16xi32>
      %shift_right_logical3A_68 = arith.shrui %get3A_65, %shift_right_logical3A_67 : vector<16xi32>
      %swap3A_69 = arith.constant 32 : index
      %swap3A_70 = tpu.vector_load %arg5[%swap3A_69] {strides = array<i32>} : memref<128xi32, #tpu.memory_space<vmem>>, vector<16xi32>,
      %swap3A_71 = vector.shape_cast %swap3A_70 : vector<16xi32> to vector<16xi32>
      %swap3A_72 = vector.shape_cast %shift_right_logical3A_68 : vector<16xi32> to vector<16xi32>
      tpu.vector_store %arg5[%swap3A_69], %swap3A_72 {strides = array<i32>} : memref<128xi32, #tpu.memory_space<vmem>>, vector<16xi32>,
      %get3A_73 = arith.constant 48 : index
      %get3A_74 = tpu.vector_load %arg4[%get3A_73] {strides = array<i32>} : memref<128xi32, #tpu.memory_space<vmem>>, vector<16xi32>,
      %get3A_75 = vector.shape_cast %get3A_74 : vector<16xi32> to vector<16xi32>
      %shift_right_logical3A_76 = arith.constant 16 : i32
      %shift_right_logical3A_77 = vector.broadcast %shift_right_logical3A_76 : i32 to vector<16xi32>
      %shift_right_logical3A_78 = arith.shrui %get3A_75, %shift_right_logical3A_77 : vector<16xi32>
      %swap3A_79 = arith.constant 48 : index
      %swap3A_80 = tpu.vector_load %arg5[%swap3A_79] {strides = array<i32>} : memref<128xi32, #tpu.memory_space<vmem>>, vector<16xi32>,
      %swap3A_81 = vector.shape_cast %swap3A_80 : vector<16xi32> to vector<16xi32>
      %swap3A_82 = vector.shape_cast %shift_right_logical3A_78 : vector<16xi32> to vector<16xi32>
      tpu.vector_store %arg5[%swap3A_79], %swap3A_82 {strides = array<i32>} : memref<128xi32, #tpu.memory_space<vmem>>, vector<16xi32>,
      %get3A_83 = arith.constant 64 : index
      %get3A_84 = tpu.vector_load %arg4[%get3A_83] {strides = array<i32>} : memref<128xi32, #tpu.memory_space<vmem>>, vector<16xi32>,
      %get3A_85 = vector.shape_cast %get3A_84 : vector<16xi32> to vector<16xi32>
      %shift_right_logical3A_86 = arith.constant 16 : i32
      %shift_right_logical3A_87 = vector.broadcast %shift_right_logical3A_86 : i32 to vector<16xi32>
      %shift_right_logical3A_88 = arith.shrui %get3A_85, %shift_right_logical3A_87 : vector<16xi32>
      %swap3A_89 = arith.constant 64 : index
      %swap3A_90 = tpu.vector_load %arg5[%swap3A_89] {strides = array<i32>} : memref<128xi32, #tpu.memory_space<vmem>>, vector<16xi32>,
      %swap3A_91 = vector.shape_cast %swap3A_90 : vector<16xi32> to vector<16xi32>
      %swap3A_92 = vector.shape_cast %shift_right_logical3A_88 : vector<16xi32> to vector<16xi32>
      tpu.vector_store %arg5[%swap3A_89], %swap3A_92 {strides = array<i32>} : memref<128xi32, #tpu.memory_space<vmem>>, vector<16xi32>,
      %get3A_93 = arith.constant 80 : index
      %get3A_94 = tpu.vector_load %arg4[%get3A_93] {strides = array<i32>} : memref<128xi32, #tpu.memory_space<vmem>>, vector<16xi32>,
      %get3A_95 = vector.shape_cast %get3A_94 : vector<16xi32> to vector<16xi32>
      %shift_right_logical3A_96 = arith.constant 16 : i32
      %shift_right_logical3A_97 = vector.broadcast %shift_right_logical3A_96 : i32 to vector<16xi32>
      %shift_right_logical3A_98 = arith.shrui %get3A_95, %shift_right_logical3A_97 : vector<16xi32>
      %swap3A_99 = arith.constant 80 : index
      %swap3A_100 = tpu.vector_load %arg5[%swap3A_99] {strides = array<i32>} : memref<128xi32, #tpu.memory_space<vmem>>, vector<16xi32>,
      %swap3A_101 = vector.shape_cast %swap3A_100 : vector<16xi32> to vector<16xi32>
      %swap3A_102 = vector.shape_cast %shift_right_logical3A_98 : vector<16xi32> to vector<16xi32>
      tpu.vector_store %arg5[%swap3A_99], %swap3A_102 {strides = array<i32>} : memref<128xi32, #tpu.memory_space<vmem>>, vector<16xi32>,
      %get3A_103 = arith.constant 96 : index
      %get3A_104 = tpu.vector_load %arg4[%get3A_103] {strides = array<i32>} : memref<128xi32, #tpu.memory_space<vmem>>, vector<16xi32>,
      %get3A_105 = vector.shape_cast %get3A_104 : vector<16xi32> to vector<16xi32>
      %shift_right_logical3A_106 = arith.constant 16 : i32
      %shift_right_logical3A_107 = vector.broadcast %shift_right_logical3A_106 : i32 to vector<16xi32>
      %shift_right_logical3A_108 = arith.shrui %get3A_105, %shift_right_logical3A_107 : vector<16xi32>
      %swap3A_109 = arith.constant 96 : index
      %swap3A_110 = tpu.vector_load %arg5[%swap3A_109] {strides = array<i32>} : memref<128xi32, #tpu.memory_space<vmem>>, vector<16xi32>,
      %swap3A_111 = vector.shape_cast %swap3A_110 : vector<16xi32> to vector<16xi32>
      %swap3A_112 = vector.shape_cast %shift_right_logical3A_108 : vector<16xi32> to vector<16xi32>
      tpu.vector_store %arg5[%swap3A_109], %swap3A_112 {strides = array<i32>} : memref<128xi32, #tpu.memory_space<vmem>>, vector<16xi32>,
      %get3A_113 = arith.constant 112 : index
      %get3A_114 = tpu.vector_load %arg4[%get3A_113] {strides = array<i32>} : memref<128xi32, #tpu.memory_space<vmem>>, vector<16xi32>,
      %get3A_115 = vector.shape_cast %get3A_114 : vector<16xi32> to vector<16xi32>
      %shift_right_logical3A_116 = arith.constant 16 : i32
      %shift_right_logical3A_117 = vector.broadcast %shift_right_logical3A_116 : i32 to vector<16xi32>
      %shift_right_logical3A_118 = arith.shrui %get3A_115, %shift_right_logical3A_117 : vector<16xi32>
      %swap3A_119 = arith.constant 112 : index
      %swap3A_120 = tpu.vector_load %arg5[%swap3A_119] {strides = array<i32>} : memref<128xi32, #tpu.memory_space<vmem>>, vector<16xi32>,
      %swap3A_121 = vector.shape_cast %swap3A_120 : vector<16xi32> to vector<16xi32>
      %swap3A_122 = vector.shape_cast %shift_right_logical3A_118 : vector<16xi32> to vector<16xi32>
      tpu.vector_store %arg5[%swap3A_119], %swap3A_122 {strides = array<i32>} : memref<128xi32, #tpu.memory_space<vmem>>, vector<16xi32>,
      "tpu.region"() ({
        %run_scoped3A = tpu.sem_alloc : memref<!tpu.dma_semaphore, #tpu.memory_space<semaphore_mem>>
        %dma_start3A = arith.constant 0 : i32
        %dma_start3A_124 = arith.constant 0 : i32
        %dma_start3A_125 = tpu.memref_slice %arg7[%dma_start3A, %dma_start3A_124] : memref<10112x128xf32, #tpu.memory_space<vmem_shared>> -> memref<10112x128xf32, #tpu.memory_space<vmem_shared>>
        tpu.enqueue_indirect_dma source(%arg6 : memref<128x128xf32, #tpu.memory_space<vmem>>) target(%dma_start3A_125 : memref<10112x128xf32, #tpu.memory_space<vmem_shared>>) offsets(%arg5 : memref<128xi32, #tpu.memory_space<vmem>>) semaphore(%run_scoped3A : memref<!tpu.dma_semaphore, #tpu.memory_space<semaphore_mem>>) {add = true}
        %dma_wait3A = arith.constant 0 : i32
        %dma_wait3A_126 = arith.constant 0 : i32
        %dma_wait3A_127 = tpu.memref_slice %arg7[%dma_wait3A, %dma_wait3A_126] : memref<10112x128xf32, #tpu.memory_space<vmem_shared>> -> memref<10112x128xf32, #tpu.memory_space<vmem_shared>>
        tpu.wait_indirect_dma semaphore(%run_scoped3A : memref<!tpu.dma_semaphore, #tpu.memory_space<semaphore_mem>>) src(%arg6 : memref<128x128xf32, #tpu.memory_space<vmem>>) dst(%dma_wait3A_127 : memref<10112x128xf32, #tpu.memory_space<vmem_shared>>)
        tpu.yield
      }) : () -> ()
      %scan3A_123 = arith.constant 0 : i32
      scf.yield %scan3A_123 : i32
    }
    %scan3A_32 = arith.constant 79 : i32
    %barrier3A_33 = arith.constant 0 : index
    tpu.barrier barrier_id(%barrier3A_33)
    %add3A_34 = arith.constant 0 : i32
    %add3A_35 = arith.addi %mul3A_2, %add3A_34 : i32
    "tpu.region"() ({
      %run_scoped3A = tpu.sem_alloc : memref<!tpu.dma_semaphore, #tpu.memory_space<semaphore_mem>>
      %dma_start3A = arith.constant 0 : i32
      %dma_start3A_44 = tpu.memref_slice %arg7[%add3A_35, %dma_start3A] : memref<10112x128xf32, #tpu.memory_space<vmem_shared>> -> memref<128x128xf32, #tpu.memory_space<vmem_shared>>
      %dma_start3A_45 = arith.constant 0 : i32
      %dma_start3A_46 = tpu.memref_slice %arg7[%add3A_35, %dma_start3A_45] : memref<10112x128xf32, #tpu.memory_space<vmem_shared>> -> memref<128x128xf32, #tpu.memory_space<vmem_shared>>
      tpu.enqueue_dma source(%dma_start3A_46 : memref<128x128xf32, #tpu.memory_space<vmem_shared>>) target(%arg6 : memref<128x128xf32, #tpu.memory_space<vmem>>) target_semaphore(%run_scoped3A : memref<!tpu.dma_semaphore, #tpu.memory_space<semaphore_mem>>)
      %dma_wait3A = arith.constant 0 : i32
      %dma_wait3A_47 = tpu.memref_slice %arg7[%add3A_35, %dma_wait3A] : memref<10112x128xf32, #tpu.memory_space<vmem_shared>> -> memref<128x128xf32, #tpu.memory_space<vmem_shared>>
      %dma_wait3A_48 = arith.constant 0 : i32
      %dma_wait3A_49 = tpu.memref_slice %arg7[%add3A_35, %dma_wait3A_48] : memref<10112x128xf32, #tpu.memory_space<vmem_shared>> -> memref<128x128xf32, #tpu.memory_space<vmem_shared>>
      tpu.wait_dma2 semaphore(%run_scoped3A : memref<!tpu.dma_semaphore, #tpu.memory_space<semaphore_mem>>) src(%dma_wait3A_49 : memref<128x128xf32, #tpu.memory_space<vmem_shared>>) dst(%arg6 : memref<128x128xf32, #tpu.memory_space<vmem>>)
      tpu.yield
    }) : () -> ()
    "tpu.region"() ({
      %run_scoped3A = tpu.sem_alloc : memref<!tpu.dma_semaphore, #tpu.memory_space<semaphore_mem>>
      %dma_start3A = arith.constant 0 : i32
      %dma_start3A_44 = tpu.memref_slice %arg3[%arg0, %add3A_35, %dma_start3A] : memref<2x10112x128xf32, #tpu.memory_space<hbm>> -> memref<1x128x128xf32, #tpu.memory_space<hbm>>
      %dma_start3A_45 = tpu.memref_squeeze %dma_start3A_44 : memref<1x128x128xf32, #tpu.memory_space<hbm>> -> memref<128x128xf32, #tpu.memory_space<hbm>>
      %dma_start3A_46 = arith.constant 0 : i32
      %dma_start3A_47 = tpu.memref_slice %arg3[%arg0, %add3A_35, %dma_start3A_46] : memref<2x10112x128xf32, #tpu.memory_space<hbm>> -> memref<1x128x128xf32, #tpu.memory_space<hbm>>
      %dma_start3A_48 = tpu.memref_squeeze %dma_start3A_47 : memref<1x128x128xf32, #tpu.memory_space<hbm>> -> memref<128x128xf32, #tpu.memory_space<hbm>>
      tpu.enqueue_dma source(%arg6 : memref<128x128xf32, #tpu.memory_space<vmem>>) target(%dma_start3A_48 : memref<128x128xf32, #tpu.memory_space<hbm>>) target_semaphore(%run_scoped3A : memref<!tpu.dma_semaphore, #tpu.memory_space<semaphore_mem>>)
      %dma_wait3A = arith.constant 0 : i32
      %dma_wait3A_49 = tpu.memref_slice %arg3[%arg0, %add3A_35, %dma_wait3A] : memref<2x10112x128xf32, #tpu.memory_space<hbm>> -> memref<1x128x128xf32, #tpu.memory_space<hbm>>
      %dma_wait3A_50 = tpu.memref_squeeze %dma_wait3A_49 : memref<1x128x128xf32, #tpu.memory_space<hbm>> -> memref<128x128xf32, #tpu.memory_space<hbm>>
      %dma_wait3A_51 = arith.constant 0 : i32
      %dma_wait3A_52 = tpu.memref_slice %arg3[%arg0, %add3A_35, %dma_wait3A_51] : memref<2x10112x128xf32, #tpu.memory_space<hbm>> -> memref<1x128x128xf32, #tpu.memory_space<hbm>>
      %dma_wait3A_53 = tpu.memref_squeeze %dma_wait3A_52 : memref<1x128x128xf32, #tpu.memory_space<hbm>> -> memref<128x128xf32, #tpu.memory_space<hbm>>
      tpu.wait_dma2 semaphore(%run_scoped3A : memref<!tpu.dma_semaphore, #tpu.memory_space<semaphore_mem>>) src(%arg6 : memref<128x128xf32, #tpu.memory_space<vmem>>) dst(%dma_wait3A_53 : memref<128x128xf32, #tpu.memory_space<hbm>>)
      tpu.yield
    }) : () -> ()
    %add3A_36 = arith.constant 128 : i32
    %add3A_37 = arith.addi %mul3A_2, %add3A_36 : i32
    "tpu.region"() ({
      %run_scoped3A = tpu.sem_alloc : memref<!tpu.dma_semaphore, #tpu.memory_space<semaphore_mem>>
      %dma_start3A = arith.constant 0 : i32
      %dma_start3A_44 = tpu.memref_slice %arg7[%add3A_37, %dma_start3A] : memref<10112x128xf32, #tpu.memory_space<vmem_shared>> -> memref<128x128xf32, #tpu.memory_space<vmem_shared>>
      %dma_start3A_45 = arith.constant 0 : i32
      %dma_start3A_46 = tpu.memref_slice %arg7[%add3A_37, %dma_start3A_45] : memref<10112x128xf32, #tpu.memory_space<vmem_shared>> -> memref<128x128xf32, #tpu.memory_space<vmem_shared>>
      tpu.enqueue_dma source(%dma_start3A_46 : memref<128x128xf32, #tpu.memory_space<vmem_shared>>) target(%arg6 : memref<128x128xf32, #tpu.memory_space<vmem>>) target_semaphore(%run_scoped3A : memref<!tpu.dma_semaphore, #tpu.memory_space<semaphore_mem>>)
      %dma_wait3A = arith.constant 0 : i32
      %dma_wait3A_47 = tpu.memref_slice %arg7[%add3A_37, %dma_wait3A] : memref<10112x128xf32, #tpu.memory_space<vmem_shared>> -> memref<128x128xf32, #tpu.memory_space<vmem_shared>>
      %dma_wait3A_48 = arith.constant 0 : i32
      %dma_wait3A_49 = tpu.memref_slice %arg7[%add3A_37, %dma_wait3A_48] : memref<10112x128xf32, #tpu.memory_space<vmem_shared>> -> memref<128x128xf32, #tpu.memory_space<vmem_shared>>
      tpu.wait_dma2 semaphore(%run_scoped3A : memref<!tpu.dma_semaphore, #tpu.memory_space<semaphore_mem>>) src(%dma_wait3A_49 : memref<128x128xf32, #tpu.memory_space<vmem_shared>>) dst(%arg6 : memref<128x128xf32, #tpu.memory_space<vmem>>)
      tpu.yield
    }) : () -> ()
    "tpu.region"() ({
      %run_scoped3A = tpu.sem_alloc : memref<!tpu.dma_semaphore, #tpu.memory_space<semaphore_mem>>
      %dma_start3A = arith.constant 0 : i32
      %dma_start3A_44 = tpu.memref_slice %arg3[%arg0, %add3A_37, %dma_start3A] : memref<2x10112x128xf32, #tpu.memory_space<hbm>> -> memref<1x128x128xf32, #tpu.memory_space<hbm>>
      %dma_start3A_45 = tpu.memref_squeeze %dma_start3A_44 : memref<1x128x128xf32, #tpu.memory_space<hbm>> -> memref<128x128xf32, #tpu.memory_space<hbm>>
      %dma_start3A_46 = arith.constant 0 : i32
      %dma_start3A_47 = tpu.memref_slice %arg3[%arg0, %add3A_37, %dma_start3A_46] : memref<2x10112x128xf32, #tpu.memory_space<hbm>> -> memref<1x128x128xf32, #tpu.memory_space<hbm>>
      %dma_start3A_48 = tpu.memref_squeeze %dma_start3A_47 : memref<1x128x128xf32, #tpu.memory_space<hbm>> -> memref<128x128xf32, #tpu.memory_space<hbm>>
      tpu.enqueue_dma source(%arg6 : memref<128x128xf32, #tpu.memory_space<vmem>>) target(%dma_start3A_48 : memref<128x128xf32, #tpu.memory_space<hbm>>) target_semaphore(%run_scoped3A : memref<!tpu.dma_semaphore, #tpu.memory_space<semaphore_mem>>)
      %dma_wait3A = arith.constant 0 : i32
      %dma_wait3A_49 = tpu.memref_slice %arg3[%arg0, %add3A_37, %dma_wait3A] : memref<2x10112x128xf32, #tpu.memory_space<hbm>> -> memref<1x128x128xf32, #tpu.memory_space<hbm>>
      %dma_wait3A_50 = tpu.memref_squeeze %dma_wait3A_49 : memref<1x128x128xf32, #tpu.memory_space<hbm>> -> memref<128x128xf32, #tpu.memory_space<hbm>>
      %dma_wait3A_51 = arith.constant 0 : i32
      %dma_wait3A_52 = tpu.memref_slice %arg3[%arg0, %add3A_37, %dma_wait3A_51] : memref<2x10112x128xf32, #tpu.memory_space<hbm>> -> memref<1x128x128xf32, #tpu.memory_space<hbm>>
      %dma_wait3A_53 = tpu.memref_squeeze %dma_wait3A_52 : memref<1x128x128xf32, #tpu.memory_space<hbm>> -> memref<128x128xf32, #tpu.memory_space<hbm>>
      tpu.wait_dma2 semaphore(%run_scoped3A : memref<!tpu.dma_semaphore, #tpu.memory_space<semaphore_mem>>) src(%arg6 : memref<128x128xf32, #tpu.memory_space<vmem>>) dst(%dma_wait3A_53 : memref<128x128xf32, #tpu.memory_space<hbm>>)
      tpu.yield
    }) : () -> ()
    %add3A_38 = arith.constant 256 : i32
    %add3A_39 = arith.addi %mul3A_2, %add3A_38 : i32
    "tpu.region"() ({
      %run_scoped3A = tpu.sem_alloc : memref<!tpu.dma_semaphore, #tpu.memory_space<semaphore_mem>>
      %dma_start3A = arith.constant 0 : i32
      %dma_start3A_44 = tpu.memref_slice %arg7[%add3A_39, %dma_start3A] : memref<10112x128xf32, #tpu.memory_space<vmem_shared>> -> memref<128x128xf32, #tpu.memory_space<vmem_shared>>
      %dma_start3A_45 = arith.constant 0 : i32
      %dma_start3A_46 = tpu.memref_slice %arg7[%add3A_39, %dma_start3A_45] : memref<10112x128xf32, #tpu.memory_space<vmem_shared>> -> memref<128x128xf32, #tpu.memory_space<vmem_shared>>
      tpu.enqueue_dma source(%dma_start3A_46 : memref<128x128xf32, #tpu.memory_space<vmem_shared>>) target(%arg6 : memref<128x128xf32, #tpu.memory_space<vmem>>) target_semaphore(%run_scoped3A : memref<!tpu.dma_semaphore, #tpu.memory_space<semaphore_mem>>)
      %dma_wait3A = arith.constant 0 : i32
      %dma_wait3A_47 = tpu.memref_slice %arg7[%add3A_39, %dma_wait3A] : memref<10112x128xf32, #tpu.memory_space<vmem_shared>> -> memref<128x128xf32, #tpu.memory_space<vmem_shared>>
      %dma_wait3A_48 = arith.constant 0 : i32
      %dma_wait3A_49 = tpu.memref_slice %arg7[%add3A_39, %dma_wait3A_48] : memref<10112x128xf32, #tpu.memory_space<vmem_shared>> -> memref<128x128xf32, #tpu.memory_space<vmem_shared>>
      tpu.wait_dma2 semaphore(%run_scoped3A : memref<!tpu.dma_semaphore, #tpu.memory_space<semaphore_mem>>) src(%dma_wait3A_49 : memref<128x128xf32, #tpu.memory_space<vmem_shared>>) dst(%arg6 : memref<128x128xf32, #tpu.memory_space<vmem>>)
      tpu.yield
    }) : () -> ()
    "tpu.region"() ({
      %run_scoped3A = tpu.sem_alloc : memref<!tpu.dma_semaphore, #tpu.memory_space<semaphore_mem>>
      %dma_start3A = arith.constant 0 : i32
      %dma_start3A_44 = tpu.memref_slice %arg3[%arg0, %add3A_39, %dma_start3A] : memref<2x10112x128xf32, #tpu.memory_space<hbm>> -> memref<1x128x128xf32, #tpu.memory_space<hbm>>
      %dma_start3A_45 = tpu.memref_squeeze %dma_start3A_44 : memref<1x128x128xf32, #tpu.memory_space<hbm>> -> memref<128x128xf32, #tpu.memory_space<hbm>>
      %dma_start3A_46 = arith.constant 0 : i32
      %dma_start3A_47 = tpu.memref_slice %arg3[%arg0, %add3A_39, %dma_start3A_46] : memref<2x10112x128xf32, #tpu.memory_space<hbm>> -> memref<1x128x128xf32, #tpu.memory_space<hbm>>
      %dma_start3A_48 = tpu.memref_squeeze %dma_start3A_47 : memref<1x128x128xf32, #tpu.memory_space<hbm>> -> memref<128x128xf32, #tpu.memory_space<hbm>>
      tpu.enqueue_dma source(%arg6 : memref<128x128xf32, #tpu.memory_space<vmem>>) target(%dma_start3A_48 : memref<128x128xf32, #tpu.memory_space<hbm>>) target_semaphore(%run_scoped3A : memref<!tpu.dma_semaphore, #tpu.memory_space<semaphore_mem>>)
      %dma_wait3A = arith.constant 0 : i32
      %dma_wait3A_49 = tpu.memref_slice %arg3[%arg0, %add3A_39, %dma_wait3A] : memref<2x10112x128xf32, #tpu.memory_space<hbm>> -> memref<1x128x128xf32, #tpu.memory_space<hbm>>
      %dma_wait3A_50 = tpu.memref_squeeze %dma_wait3A_49 : memref<1x128x128xf32, #tpu.memory_space<hbm>> -> memref<128x128xf32, #tpu.memory_space<hbm>>
      %dma_wait3A_51 = arith.constant 0 : i32
      %dma_wait3A_52 = tpu.memref_slice %arg3[%arg0, %add3A_39, %dma_wait3A_51] : memref<2x10112x128xf32, #tpu.memory_space<hbm>> -> memref<1x128x128xf32, #tpu.memory_space<hbm>>
      %dma_wait3A_53 = tpu.memref_squeeze %dma_wait3A_52 : memref<1x128x128xf32, #tpu.memory_space<hbm>> -> memref<128x128xf32, #tpu.memory_space<hbm>>
      tpu.wait_dma2 semaphore(%run_scoped3A : memref<!tpu.dma_semaphore, #tpu.memory_space<semaphore_mem>>) src(%arg6 : memref<128x128xf32, #tpu.memory_space<vmem>>) dst(%dma_wait3A_53 : memref<128x128xf32, #tpu.memory_space<hbm>>)
      tpu.yield
    }) : () -> ()
    %add3A_40 = arith.constant 384 : i32
    %add3A_41 = arith.addi %mul3A_2, %add3A_40 : i32
    "tpu.region"() ({
      %run_scoped3A = tpu.sem_alloc : memref<!tpu.dma_semaphore, #tpu.memory_space<semaphore_mem>>
      %dma_start3A = arith.constant 0 : i32
      %dma_start3A_44 = tpu.memref_slice %arg7[%add3A_41, %dma_start3A] : memref<10112x128xf32, #tpu.memory_space<vmem_shared>> -> memref<128x128xf32, #tpu.memory_space<vmem_shared>>
      %dma_start3A_45 = arith.constant 0 : i32
      %dma_start3A_46 = tpu.memref_slice %arg7[%add3A_41, %dma_start3A_45] : memref<10112x128xf32, #tpu.memory_space<vmem_shared>> -> memref<128x128xf32, #tpu.memory_space<vmem_shared>>
      tpu.enqueue_dma source(%dma_start3A_46 : memref<128x128xf32, #tpu.memory_space<vmem_shared>>) target(%arg6 : memref<128x128xf32, #tpu.memory_space<vmem>>) target_semaphore(%run_scoped3A : memref<!tpu.dma_semaphore, #tpu.memory_space<semaphore_mem>>)
      %dma_wait3A = arith.constant 0 : i32
      %dma_wait3A_47 = tpu.memref_slice %arg7[%add3A_41, %dma_wait3A] : memref<10112x128xf32, #tpu.memory_space<vmem_shared>> -> memref<128x128xf32, #tpu.memory_space<vmem_shared>>
      %dma_wait3A_48 = arith.constant 0 : i32
      %dma_wait3A_49 = tpu.memref_slice %arg7[%add3A_41, %dma_wait3A_48] : memref<10112x128xf32, #tpu.memory_space<vmem_shared>> -> memref<128x128xf32, #tpu.memory_space<vmem_shared>>
      tpu.wait_dma2 semaphore(%run_scoped3A : memref<!tpu.dma_semaphore, #tpu.memory_space<semaphore_mem>>) src(%dma_wait3A_49 : memref<128x128xf32, #tpu.memory_space<vmem_shared>>) dst(%arg6 : memref<128x128xf32, #tpu.memory_space<vmem>>)
      tpu.yield
    }) : () -> ()
    "tpu.region"() ({
      %run_scoped3A = tpu.sem_alloc : memref<!tpu.dma_semaphore, #tpu.memory_space<semaphore_mem>>
      %dma_start3A = arith.constant 0 : i32
      %dma_start3A_44 = tpu.memref_slice %arg3[%arg0, %add3A_41, %dma_start3A] : memref<2x10112x128xf32, #tpu.memory_space<hbm>> -> memref<1x128x128xf32, #tpu.memory_space<hbm>>
      %dma_start3A_45 = tpu.memref_squeeze %dma_start3A_44 : memref<1x128x128xf32, #tpu.memory_space<hbm>> -> memref<128x128xf32, #tpu.memory_space<hbm>>
      %dma_start3A_46 = arith.constant 0 : i32
      %dma_start3A_47 = tpu.memref_slice %arg3[%arg0, %add3A_41, %dma_start3A_46] : memref<2x10112x128xf32, #tpu.memory_space<hbm>> -> memref<1x128x128xf32, #tpu.memory_space<hbm>>
      %dma_start3A_48 = tpu.memref_squeeze %dma_start3A_47 : memref<1x128x128xf32, #tpu.memory_space<hbm>> -> memref<128x128xf32, #tpu.memory_space<hbm>>
      tpu.enqueue_dma source(%arg6 : memref<128x128xf32, #tpu.memory_space<vmem>>) target(%dma_start3A_48 : memref<128x128xf32, #tpu.memory_space<hbm>>) target_semaphore(%run_scoped3A : memref<!tpu.dma_semaphore, #tpu.memory_space<semaphore_mem>>)
      %dma_wait3A = arith.constant 0 : i32
      %dma_wait3A_49 = tpu.memref_slice %arg3[%arg0, %add3A_41, %dma_wait3A] : memref<2x10112x128xf32, #tpu.memory_space<hbm>> -> memref<1x128x128xf32, #tpu.memory_space<hbm>>
      %dma_wait3A_50 = tpu.memref_squeeze %dma_wait3A_49 : memref<1x128x128xf32, #tpu.memory_space<hbm>> -> memref<128x128xf32, #tpu.memory_space<hbm>>
      %dma_wait3A_51 = arith.constant 0 : i32
      %dma_wait3A_52 = tpu.memref_slice %arg3[%arg0, %add3A_41, %dma_wait3A_51] : memref<2x10112x128xf32, #tpu.memory_space<hbm>> -> memref<1x128x128xf32, #tpu.memory_space<hbm>>
      %dma_wait3A_53 = tpu.memref_squeeze %dma_wait3A_52 : memref<1x128x128xf32, #tpu.memory_space<hbm>> -> memref<128x128xf32, #tpu.memory_space<hbm>>
      tpu.wait_dma2 semaphore(%run_scoped3A : memref<!tpu.dma_semaphore, #tpu.memory_space<semaphore_mem>>) src(%arg6 : memref<128x128xf32, #tpu.memory_space<vmem>>) dst(%dma_wait3A_53 : memref<128x128xf32, #tpu.memory_space<hbm>>)
      tpu.yield
    }) : () -> ()
    %add3A_42 = arith.constant 512 : i32
    %add3A_43 = arith.addi %mul3A_2, %add3A_42 : i32
    "tpu.region"() ({
      %run_scoped3A = tpu.sem_alloc : memref<!tpu.dma_semaphore, #tpu.memory_space<semaphore_mem>>
      %dma_start3A = arith.constant 0 : i32
      %dma_start3A_44 = arith.constant 0 : i32
      %dma_start3A_45 = tpu.memref_slice %arg6[%dma_start3A, %dma_start3A_44] : memref<128x128xf32, #tpu.memory_space<vmem>> -> memref<120x128xf32, #tpu.memory_space<vmem>>
      %dma_start3A_46 = arith.constant 0 : i32
      %dma_start3A_47 = tpu.memref_slice %arg7[%add3A_43, %dma_start3A_46] : memref<10112x128xf32, #tpu.memory_space<vmem_shared>> -> memref<120x128xf32, #tpu.memory_space<vmem_shared>>
      %dma_start3A_48 = arith.constant 0 : i32
      %dma_start3A_49 = arith.constant 0 : i32
      %dma_start3A_50 = tpu.memref_slice %arg6[%dma_start3A_48, %dma_start3A_49] : memref<128x128xf32, #tpu.memory_space<vmem>> -> memref<120x128xf32, #tpu.memory_space<vmem>>
      %dma_start3A_51 = arith.constant 0 : i32
      %dma_start3A_52 = tpu.memref_slice %arg7[%add3A_43, %dma_start3A_51] : memref<10112x128xf32, #tpu.memory_space<vmem_shared>> -> memref<120x128xf32, #tpu.memory_space<vmem_shared>>
      tpu.enqueue_dma source(%dma_start3A_52 : memref<120x128xf32, #tpu.memory_space<vmem_shared>>) target(%dma_start3A_50 : memref<120x128xf32, #tpu.memory_space<vmem>>) target_semaphore(%run_scoped3A : memref<!tpu.dma_semaphore, #tpu.memory_space<semaphore_mem>>)
      %dma_wait3A = arith.constant 0 : i32
      %dma_wait3A_53 = arith.constant 0 : i32
      %dma_wait3A_54 = tpu.memref_slice %arg6[%dma_wait3A, %dma_wait3A_53] : memref<128x128xf32, #tpu.memory_space<vmem>> -> memref<120x128xf32, #tpu.memory_space<vmem>>
      %dma_wait3A_55 = arith.constant 0 : i32
      %dma_wait3A_56 = tpu.memref_slice %arg7[%add3A_43, %dma_wait3A_55] : memref<10112x128xf32, #tpu.memory_space<vmem_shared>> -> memref<120x128xf32, #tpu.memory_space<vmem_shared>>
      %dma_wait3A_57 = arith.constant 0 : i32
      %dma_wait3A_58 = arith.constant 0 : i32
      %dma_wait3A_59 = tpu.memref_slice %arg6[%dma_wait3A_57, %dma_wait3A_58] : memref<128x128xf32, #tpu.memory_space<vmem>> -> memref<120x128xf32, #tpu.memory_space<vmem>>
      %dma_wait3A_60 = arith.constant 0 : i32
      %dma_wait3A_61 = tpu.memref_slice %arg7[%add3A_43, %dma_wait3A_60] : memref<10112x128xf32, #tpu.memory_space<vmem_shared>> -> memref<120x128xf32, #tpu.memory_space<vmem_shared>>
      tpu.wait_dma2 semaphore(%run_scoped3A : memref<!tpu.dma_semaphore, #tpu.memory_space<semaphore_mem>>) src(%dma_wait3A_61 : memref<120x128xf32, #tpu.memory_space<vmem_shared>>) dst(%dma_wait3A_59 : memref<120x128xf32, #tpu.memory_space<vmem>>)
      tpu.yield
    }) : () -> ()
    "tpu.region"() ({
      %run_scoped3A = tpu.sem_alloc : memref<!tpu.dma_semaphore, #tpu.memory_space<semaphore_mem>>
      %dma_start3A = arith.constant 0 : i32
      %dma_start3A_44 = arith.constant 0 : i32
      %dma_start3A_45 = tpu.memref_slice %arg6[%dma_start3A, %dma_start3A_44] : memref<128x128xf32, #tpu.memory_space<vmem>> -> memref<120x128xf32, #tpu.memory_space<vmem>>
      %dma_start3A_46 = arith.constant 0 : i32
      %dma_start3A_47 = tpu.memref_slice %arg3[%arg0, %add3A_43, %dma_start3A_46] : memref<2x10112x128xf32, #tpu.memory_space<hbm>> -> memref<1x120x128xf32, #tpu.memory_space<hbm>>
      %dma_start3A_48 = tpu.memref_squeeze %dma_start3A_47 : memref<1x120x128xf32, #tpu.memory_space<hbm>> -> memref<120x128xf32, #tpu.memory_space<hbm>>
      %dma_start3A_49 = arith.constant 0 : i32
      %dma_start3A_50 = tpu.memref_slice %arg3[%arg0, %add3A_43, %dma_start3A_49] : memref<2x10112x128xf32, #tpu.memory_space<hbm>> -> memref<1x120x128xf32, #tpu.memory_space<hbm>>
      %dma_start3A_51 = tpu.memref_squeeze %dma_start3A_50 : memref<1x120x128xf32, #tpu.memory_space<hbm>> -> memref<120x128xf32, #tpu.memory_space<hbm>>
      %dma_start3A_52 = arith.constant 0 : i32
      %dma_start3A_53 = arith.constant 0 : i32
      %dma_start3A_54 = tpu.memref_slice %arg6[%dma_start3A_52, %dma_start3A_53] : memref<128x128xf32, #tpu.memory_space<vmem>> -> memref<120x128xf32, #tpu.memory_space<vmem>>
      tpu.enqueue_dma source(%dma_start3A_54 : memref<120x128xf32, #tpu.memory_space<vmem>>) target(%dma_start3A_51 : memref<120x128xf32, #tpu.memory_space<hbm>>) target_semaphore(%run_scoped3A : memref<!tpu.dma_semaphore, #tpu.memory_space<semaphore_mem>>)
      %dma_wait3A = arith.constant 0 : i32
      %dma_wait3A_55 = arith.constant 0 : i32
      %dma_wait3A_56 = tpu.memref_slice %arg6[%dma_wait3A, %dma_wait3A_55] : memref<128x128xf32, #tpu.memory_space<vmem>> -> memref<120x128xf32, #tpu.memory_space<vmem>>
      %dma_wait3A_57 = arith.constant 0 : i32
      %dma_wait3A_58 = tpu.memref_slice %arg3[%arg0, %add3A_43, %dma_wait3A_57] : memref<2x10112x128xf32, #tpu.memory_space<hbm>> -> memref<1x120x128xf32, #tpu.memory_space<hbm>>
      %dma_wait3A_59 = tpu.memref_squeeze %dma_wait3A_58 : memref<1x120x128xf32, #tpu.memory_space<hbm>> -> memref<120x128xf32, #tpu.memory_space<hbm>>
      %dma_wait3A_60 = arith.constant 0 : i32
      %dma_wait3A_61 = tpu.memref_slice %arg3[%arg0, %add3A_43, %dma_wait3A_60] : memref<2x10112x128xf32, #tpu.memory_space<hbm>> -> memref<1x120x128xf32, #tpu.memory_space<hbm>>
      %dma_wait3A_62 = tpu.memref_squeeze %dma_wait3A_61 : memref<1x120x128xf32, #tpu.memory_space<hbm>> -> memref<120x128xf32, #tpu.memory_space<hbm>>
      %dma_wait3A_63 = arith.constant 0 : i32
      %dma_wait3A_64 = arith.constant 0 : i32
      %dma_wait3A_65 = tpu.memref_slice %arg6[%dma_wait3A_63, %dma_wait3A_64] : memref<128x128xf32, #tpu.memory_space<vmem>> -> memref<120x128xf32, #tpu.memory_space<vmem>>
      tpu.wait_dma2 semaphore(%run_scoped3A : memref<!tpu.dma_semaphore, #tpu.memory_space<semaphore_mem>>) src(%dma_wait3A_65 : memref<120x128xf32, #tpu.memory_space<vmem>>) dst(%dma_wait3A_62 : memref<120x128xf32, #tpu.memory_space<hbm>>)
      tpu.yield
    }) : () -> ()
    return
  }
}

#map = affine_map<(d0, d1) -> (0, 0, 0)>
#map1 = affine_map<(d0, d1) -> (0, 0)>
module attributes {stable_mosaic.version = 14 : i64} {
  func.func @_sc_scatter_body(%arg0: i32, %arg1: i32, %arg2: memref<32x79x128xi32, #tpu.memory_space<hbm>>, %arg3: memref<40000x128xf32, #tpu.memory_space<hbm>>, %arg4: memref<2x10112x128xf32, #tpu.memory_space<hbm>>, %arg5: memref<128xi32, #tpu.memory_space<vmem>>, %arg6: memref<128xi32, #tpu.memory_space<vmem>>, %arg7: memref<128xi32, #tpu.memory_space<vmem>>, %arg8: memref<128x128xf32, #tpu.memory_space<vmem>>, %arg9: memref<10112x128xf32, #tpu.memory_space<vmem_shared>>, %arg10: memref<!tpu.dma_semaphore, #tpu.memory_space<semaphore_mem>>) attributes {dimension_semantics = [#tpu.dimension_semantics<core_parallel>, #tpu.dimension_semantics<subcore_parallel>], iteration_bounds = array<i64: 2, 16>, scalar_prefetch = 0 : i64, scratch_operands = 6 : i64, tpu.core_type = #tpu.core_type<sc_vector_subcore>, window_params = [{transform_indices = #map}, {transform_indices = #map1}, {transform_indices = #map}]} {
    %mul3A = arith.constant 16 : i32
    %mul3A_0 = arith.muli %arg0, %mul3A : i32
    %add3A = arith.addi %mul3A_0, %arg1 : i32
    %mul3A_1 = arith.constant 632 : i32
    %mul3A_2 = arith.muli %arg1, %mul3A_1 : i32
    %scan3A = arith.constant 0 : i32
    %scan3A_3 = arith.constant 0 : i32
    %scan3A_4 = arith.constant 128 : i32
    %scan3A_5 = arith.addi %scan3A_3, %scan3A_4 : i32
    %scan3A_6 = arith.constant 1 : i32
    %scan3A_7 = scf.for %scan3A_37 = %scan3A_3 to %scan3A_5 step %scan3A_6 iter_args(%scan3A_38 = %scan3A) -> (i32)  : i32 {
      %broadcast_in_dim3A = arith.constant 0.000000e+00 : f32
      %broadcast_in_dim3A_39 = vector.broadcast %broadcast_in_dim3A : f32 to vector<16xf32>
      %swap3A = arith.index_cast %scan3A_37 : i32 to index
      %swap3A_40 = arith.constant 0 : index
      %swap3A_41 = tpu.vector_load %arg8[%swap3A, %swap3A_40] {strides = array<i32>} : memref<128x128xf32, #tpu.memory_space<vmem>>, vector<1x16xf32>,
      %swap3A_42 = vector.shape_cast %swap3A_41 : vector<1x16xf32> to vector<16xf32>
      %swap3A_43 = vector.shape_cast %broadcast_in_dim3A_39 : vector<16xf32> to vector<1x16xf32>
      tpu.vector_store %arg8[%swap3A, %swap3A_40], %swap3A_43 {strides = array<i32>} : memref<128x128xf32, #tpu.memory_space<vmem>>, vector<1x16xf32>,
      %broadcast_in_dim3A_44 = arith.constant 0.000000e+00 : f32
      %broadcast_in_dim3A_45 = vector.broadcast %broadcast_in_dim3A_44 : f32 to vector<16xf32>
      %swap3A_46 = arith.index_cast %scan3A_37 : i32 to index
      %swap3A_47 = arith.constant 16 : index
      %swap3A_48 = tpu.vector_load %arg8[%swap3A_46, %swap3A_47] {strides = array<i32>} : memref<128x128xf32, #tpu.memory_space<vmem>>, vector<1x16xf32>,
      %swap3A_49 = vector.shape_cast %swap3A_48 : vector<1x16xf32> to vector<16xf32>
      %swap3A_50 = vector.shape_cast %broadcast_in_dim3A_45 : vector<16xf32> to vector<1x16xf32>
      tpu.vector_store %arg8[%swap3A_46, %swap3A_47], %swap3A_50 {strides = array<i32>} : memref<128x128xf32, #tpu.memory_space<vmem>>, vector<1x16xf32>,
      %broadcast_in_dim3A_51 = arith.constant 0.000000e+00 : f32
      %broadcast_in_dim3A_52 = vector.broadcast %broadcast_in_dim3A_51 : f32 to vector<16xf32>
      %swap3A_53 = arith.index_cast %scan3A_37 : i32 to index
      %swap3A_54 = arith.constant 32 : index
      %swap3A_55 = tpu.vector_load %arg8[%swap3A_53, %swap3A_54] {strides = array<i32>} : memref<128x128xf32, #tpu.memory_space<vmem>>, vector<1x16xf32>,
      %swap3A_56 = vector.shape_cast %swap3A_55 : vector<1x16xf32> to vector<16xf32>
      %swap3A_57 = vector.shape_cast %broadcast_in_dim3A_52 : vector<16xf32> to vector<1x16xf32>
      tpu.vector_store %arg8[%swap3A_53, %swap3A_54], %swap3A_57 {strides = array<i32>} : memref<128x128xf32, #tpu.memory_space<vmem>>, vector<1x16xf32>,
      %broadcast_in_dim3A_58 = arith.constant 0.000000e+00 : f32
      %broadcast_in_dim3A_59 = vector.broadcast %broadcast_in_dim3A_58 : f32 to vector<16xf32>
      %swap3A_60 = arith.index_cast %scan3A_37 : i32 to index
      %swap3A_61 = arith.constant 48 : index
      %swap3A_62 = tpu.vector_load %arg8[%swap3A_60, %swap3A_61] {strides = array<i32>} : memref<128x128xf32, #tpu.memory_space<vmem>>, vector<1x16xf32>,
      %swap3A_63 = vector.shape_cast %swap3A_62 : vector<1x16xf32> to vector<16xf32>
      %swap3A_64 = vector.shape_cast %broadcast_in_dim3A_59 : vector<16xf32> to vector<1x16xf32>
      tpu.vector_store %arg8[%swap3A_60, %swap3A_61], %swap3A_64 {strides = array<i32>} : memref<128x128xf32, #tpu.memory_space<vmem>>, vector<1x16xf32>,
      %broadcast_in_dim3A_65 = arith.constant 0.000000e+00 : f32
      %broadcast_in_dim3A_66 = vector.broadcast %broadcast_in_dim3A_65 : f32 to vector<16xf32>
      %swap3A_67 = arith.index_cast %scan3A_37 : i32 to index
      %swap3A_68 = arith.constant 64 : index
      %swap3A_69 = tpu.vector_load %arg8[%swap3A_67, %swap3A_68] {strides = array<i32>} : memref<128x128xf32, #tpu.memory_space<vmem>>, vector<1x16xf32>,
      %swap3A_70 = vector.shape_cast %swap3A_69 : vector<1x16xf32> to vector<16xf32>
      %swap3A_71 = vector.shape_cast %broadcast_in_dim3A_66 : vector<16xf32> to vector<1x16xf32>
      tpu.vector_store %arg8[%swap3A_67, %swap3A_68], %swap3A_71 {strides = array<i32>} : memref<128x128xf32, #tpu.memory_space<vmem>>, vector<1x16xf32>,
      %broadcast_in_dim3A_72 = arith.constant 0.000000e+00 : f32
      %broadcast_in_dim3A_73 = vector.broadcast %broadcast_in_dim3A_72 : f32 to vector<16xf32>
      %swap3A_74 = arith.index_cast %scan3A_37 : i32 to index
      %swap3A_75 = arith.constant 80 : index
      %swap3A_76 = tpu.vector_load %arg8[%swap3A_74, %swap3A_75] {strides = array<i32>} : memref<128x128xf32, #tpu.memory_space<vmem>>, vector<1x16xf32>,
      %swap3A_77 = vector.shape_cast %swap3A_76 : vector<1x16xf32> to vector<16xf32>
      %swap3A_78 = vector.shape_cast %broadcast_in_dim3A_73 : vector<16xf32> to vector<1x16xf32>
      tpu.vector_store %arg8[%swap3A_74, %swap3A_75], %swap3A_78 {strides = array<i32>} : memref<128x128xf32, #tpu.memory_space<vmem>>, vector<1x16xf32>,
      %broadcast_in_dim3A_79 = arith.constant 0.000000e+00 : f32
      %broadcast_in_dim3A_80 = vector.broadcast %broadcast_in_dim3A_79 : f32 to vector<16xf32>
      %swap3A_81 = arith.index_cast %scan3A_37 : i32 to index
      %swap3A_82 = arith.constant 96 : index
      %swap3A_83 = tpu.vector_load %arg8[%swap3A_81, %swap3A_82] {strides = array<i32>} : memref<128x128xf32, #tpu.memory_space<vmem>>, vector<1x16xf32>,
      %swap3A_84 = vector.shape_cast %swap3A_83 : vector<1x16xf32> to vector<16xf32>
      %swap3A_85 = vector.shape_cast %broadcast_in_dim3A_80 : vector<16xf32> to vector<1x16xf32>
      tpu.vector_store %arg8[%swap3A_81, %swap3A_82], %swap3A_85 {strides = array<i32>} : memref<128x128xf32, #tpu.memory_space<vmem>>, vector<1x16xf32>,
      %broadcast_in_dim3A_86 = arith.constant 0.000000e+00 : f32
      %broadcast_in_dim3A_87 = vector.broadcast %broadcast_in_dim3A_86 : f32 to vector<16xf32>
      %swap3A_88 = arith.index_cast %scan3A_37 : i32 to index
      %swap3A_89 = arith.constant 112 : index
      %swap3A_90 = tpu.vector_load %arg8[%swap3A_88, %swap3A_89] {strides = array<i32>} : memref<128x128xf32, #tpu.memory_space<vmem>>, vector<1x16xf32>,
      %swap3A_91 = vector.shape_cast %swap3A_90 : vector<1x16xf32> to vector<16xf32>
      %swap3A_92 = vector.shape_cast %broadcast_in_dim3A_87 : vector<16xf32> to vector<1x16xf32>
      tpu.vector_store %arg8[%swap3A_88, %swap3A_89], %swap3A_92 {strides = array<i32>} : memref<128x128xf32, #tpu.memory_space<vmem>>, vector<1x16xf32>,
      %scan3A_93 = arith.constant 0 : i32
      scf.yield %scan3A_93 : i32
    }
    %scan3A_8 = arith.constant 128 : i32
    %add3A_9 = arith.constant 0 : i32
    %add3A_10 = arith.addi %mul3A_2, %add3A_9 : i32
    "tpu.region"() ({
      %run_scoped3A = tpu.sem_alloc : memref<!tpu.dma_semaphore, #tpu.memory_space<semaphore_mem>>
      %dma_start3A = arith.constant 0 : i32
      %dma_start3A_37 = tpu.memref_slice %arg9[%add3A_10, %dma_start3A] : memref<10112x128xf32, #tpu.memory_space<vmem_shared>> -> memref<128x128xf32, #tpu.memory_space<vmem_shared>>
      %dma_start3A_38 = arith.constant 0 : i32
      %dma_start3A_39 = tpu.memref_slice %arg9[%add3A_10, %dma_start3A_38] : memref<10112x128xf32, #tpu.memory_space<vmem_shared>> -> memref<128x128xf32, #tpu.memory_space<vmem_shared>>
      tpu.enqueue_dma source(%arg8 : memref<128x128xf32, #tpu.memory_space<vmem>>) target(%dma_start3A_39 : memref<128x128xf32, #tpu.memory_space<vmem_shared>>) target_semaphore(%run_scoped3A : memref<!tpu.dma_semaphore, #tpu.memory_space<semaphore_mem>>)
      %dma_wait3A = arith.constant 0 : i32
      %dma_wait3A_40 = tpu.memref_slice %arg9[%add3A_10, %dma_wait3A] : memref<10112x128xf32, #tpu.memory_space<vmem_shared>> -> memref<128x128xf32, #tpu.memory_space<vmem_shared>>
      %dma_wait3A_41 = arith.constant 0 : i32
      %dma_wait3A_42 = tpu.memref_slice %arg9[%add3A_10, %dma_wait3A_41] : memref<10112x128xf32, #tpu.memory_space<vmem_shared>> -> memref<128x128xf32, #tpu.memory_space<vmem_shared>>
      tpu.wait_dma2 semaphore(%run_scoped3A : memref<!tpu.dma_semaphore, #tpu.memory_space<semaphore_mem>>) src(%arg8 : memref<128x128xf32, #tpu.memory_space<vmem>>) dst(%dma_wait3A_42 : memref<128x128xf32, #tpu.memory_space<vmem_shared>>)
      tpu.yield
    }) : () -> ()
    %add3A_11 = arith.constant 128 : i32
    %add3A_12 = arith.addi %mul3A_2, %add3A_11 : i32
    "tpu.region"() ({
      %run_scoped3A = tpu.sem_alloc : memref<!tpu.dma_semaphore, #tpu.memory_space<semaphore_mem>>
      %dma_start3A = arith.constant 0 : i32
      %dma_start3A_37 = tpu.memref_slice %arg9[%add3A_12, %dma_start3A] : memref<10112x128xf32, #tpu.memory_space<vmem_shared>> -> memref<128x128xf32, #tpu.memory_space<vmem_shared>>
      %dma_start3A_38 = arith.constant 0 : i32
      %dma_start3A_39 = tpu.memref_slice %arg9[%add3A_12, %dma_start3A_38] : memref<10112x128xf32, #tpu.memory_space<vmem_shared>> -> memref<128x128xf32, #tpu.memory_space<vmem_shared>>
      tpu.enqueue_dma source(%arg8 : memref<128x128xf32, #tpu.memory_space<vmem>>) target(%dma_start3A_39 : memref<128x128xf32, #tpu.memory_space<vmem_shared>>) target_semaphore(%run_scoped3A : memref<!tpu.dma_semaphore, #tpu.memory_space<semaphore_mem>>)
      %dma_wait3A = arith.constant 0 : i32
      %dma_wait3A_40 = tpu.memref_slice %arg9[%add3A_12, %dma_wait3A] : memref<10112x128xf32, #tpu.memory_space<vmem_shared>> -> memref<128x128xf32, #tpu.memory_space<vmem_shared>>
      %dma_wait3A_41 = arith.constant 0 : i32
      %dma_wait3A_42 = tpu.memref_slice %arg9[%add3A_12, %dma_wait3A_41] : memref<10112x128xf32, #tpu.memory_space<vmem_shared>> -> memref<128x128xf32, #tpu.memory_space<vmem_shared>>
      tpu.wait_dma2 semaphore(%run_scoped3A : memref<!tpu.dma_semaphore, #tpu.memory_space<semaphore_mem>>) src(%arg8 : memref<128x128xf32, #tpu.memory_space<vmem>>) dst(%dma_wait3A_42 : memref<128x128xf32, #tpu.memory_space<vmem_shared>>)
      tpu.yield
    }) : () -> ()
    %add3A_13 = arith.constant 256 : i32
    %add3A_14 = arith.addi %mul3A_2, %add3A_13 : i32
    "tpu.region"() ({
      %run_scoped3A = tpu.sem_alloc : memref<!tpu.dma_semaphore, #tpu.memory_space<semaphore_mem>>
      %dma_start3A = arith.constant 0 : i32
      %dma_start3A_37 = tpu.memref_slice %arg9[%add3A_14, %dma_start3A] : memref<10112x128xf32, #tpu.memory_space<vmem_shared>> -> memref<128x128xf32, #tpu.memory_space<vmem_shared>>
      %dma_start3A_38 = arith.constant 0 : i32
      %dma_start3A_39 = tpu.memref_slice %arg9[%add3A_14, %dma_start3A_38] : memref<10112x128xf32, #tpu.memory_space<vmem_shared>> -> memref<128x128xf32, #tpu.memory_space<vmem_shared>>
      tpu.enqueue_dma source(%arg8 : memref<128x128xf32, #tpu.memory_space<vmem>>) target(%dma_start3A_39 : memref<128x128xf32, #tpu.memory_space<vmem_shared>>) target_semaphore(%run_scoped3A : memref<!tpu.dma_semaphore, #tpu.memory_space<semaphore_mem>>)
      %dma_wait3A = arith.constant 0 : i32
      %dma_wait3A_40 = tpu.memref_slice %arg9[%add3A_14, %dma_wait3A] : memref<10112x128xf32, #tpu.memory_space<vmem_shared>> -> memref<128x128xf32, #tpu.memory_space<vmem_shared>>
      %dma_wait3A_41 = arith.constant 0 : i32
      %dma_wait3A_42 = tpu.memref_slice %arg9[%add3A_14, %dma_wait3A_41] : memref<10112x128xf32, #tpu.memory_space<vmem_shared>> -> memref<128x128xf32, #tpu.memory_space<vmem_shared>>
      tpu.wait_dma2 semaphore(%run_scoped3A : memref<!tpu.dma_semaphore, #tpu.memory_space<semaphore_mem>>) src(%arg8 : memref<128x128xf32, #tpu.memory_space<vmem>>) dst(%dma_wait3A_42 : memref<128x128xf32, #tpu.memory_space<vmem_shared>>)
      tpu.yield
    }) : () -> ()
    %add3A_15 = arith.constant 384 : i32
    %add3A_16 = arith.addi %mul3A_2, %add3A_15 : i32
    "tpu.region"() ({
      %run_scoped3A = tpu.sem_alloc : memref<!tpu.dma_semaphore, #tpu.memory_space<semaphore_mem>>
      %dma_start3A = arith.constant 0 : i32
      %dma_start3A_37 = tpu.memref_slice %arg9[%add3A_16, %dma_start3A] : memref<10112x128xf32, #tpu.memory_space<vmem_shared>> -> memref<128x128xf32, #tpu.memory_space<vmem_shared>>
      %dma_start3A_38 = arith.constant 0 : i32
      %dma_start3A_39 = tpu.memref_slice %arg9[%add3A_16, %dma_start3A_38] : memref<10112x128xf32, #tpu.memory_space<vmem_shared>> -> memref<128x128xf32, #tpu.memory_space<vmem_shared>>
      tpu.enqueue_dma source(%arg8 : memref<128x128xf32, #tpu.memory_space<vmem>>) target(%dma_start3A_39 : memref<128x128xf32, #tpu.memory_space<vmem_shared>>) target_semaphore(%run_scoped3A : memref<!tpu.dma_semaphore, #tpu.memory_space<semaphore_mem>>)
      %dma_wait3A = arith.constant 0 : i32
      %dma_wait3A_40 = tpu.memref_slice %arg9[%add3A_16, %dma_wait3A] : memref<10112x128xf32, #tpu.memory_space<vmem_shared>> -> memref<128x128xf32, #tpu.memory_space<vmem_shared>>
      %dma_wait3A_41 = arith.constant 0 : i32
      %dma_wait3A_42 = tpu.memref_slice %arg9[%add3A_16, %dma_wait3A_41] : memref<10112x128xf32, #tpu.memory_space<vmem_shared>> -> memref<128x128xf32, #tpu.memory_space<vmem_shared>>
      tpu.wait_dma2 semaphore(%run_scoped3A : memref<!tpu.dma_semaphore, #tpu.memory_space<semaphore_mem>>) src(%arg8 : memref<128x128xf32, #tpu.memory_space<vmem>>) dst(%dma_wait3A_42 : memref<128x128xf32, #tpu.memory_space<vmem_shared>>)
      tpu.yield
    }) : () -> ()
    %add3A_17 = arith.constant 512 : i32
    %add3A_18 = arith.addi %mul3A_2, %add3A_17 : i32
    "tpu.region"() ({
      %run_scoped3A = tpu.sem_alloc : memref<!tpu.dma_semaphore, #tpu.memory_space<semaphore_mem>>
      %dma_start3A = arith.constant 0 : i32
      %dma_start3A_37 = arith.constant 0 : i32
      %dma_start3A_38 = tpu.memref_slice %arg8[%dma_start3A, %dma_start3A_37] : memref<128x128xf32, #tpu.memory_space<vmem>> -> memref<120x128xf32, #tpu.memory_space<vmem>>
      %dma_start3A_39 = arith.constant 0 : i32
      %dma_start3A_40 = tpu.memref_slice %arg9[%add3A_18, %dma_start3A_39] : memref<10112x128xf32, #tpu.memory_space<vmem_shared>> -> memref<120x128xf32, #tpu.memory_space<vmem_shared>>
      %dma_start3A_41 = arith.constant 0 : i32
      %dma_start3A_42 = tpu.memref_slice %arg9[%add3A_18, %dma_start3A_41] : memref<10112x128xf32, #tpu.memory_space<vmem_shared>> -> memref<120x128xf32, #tpu.memory_space<vmem_shared>>
      %dma_start3A_43 = arith.constant 0 : i32
      %dma_start3A_44 = arith.constant 0 : i32
      %dma_start3A_45 = tpu.memref_slice %arg8[%dma_start3A_43, %dma_start3A_44] : memref<128x128xf32, #tpu.memory_space<vmem>> -> memref<120x128xf32, #tpu.memory_space<vmem>>
      tpu.enqueue_dma source(%dma_start3A_45 : memref<120x128xf32, #tpu.memory_space<vmem>>) target(%dma_start3A_42 : memref<120x128xf32, #tpu.memory_space<vmem_shared>>) target_semaphore(%run_scoped3A : memref<!tpu.dma_semaphore, #tpu.memory_space<semaphore_mem>>)
      %dma_wait3A = arith.constant 0 : i32
      %dma_wait3A_46 = arith.constant 0 : i32
      %dma_wait3A_47 = tpu.memref_slice %arg8[%dma_wait3A, %dma_wait3A_46] : memref<128x128xf32, #tpu.memory_space<vmem>> -> memref<120x128xf32, #tpu.memory_space<vmem>>
      %dma_wait3A_48 = arith.constant 0 : i32
      %dma_wait3A_49 = tpu.memref_slice %arg9[%add3A_18, %dma_wait3A_48] : memref<10112x128xf32, #tpu.memory_space<vmem_shared>> -> memref<120x128xf32, #tpu.memory_space<vmem_shared>>
      %dma_wait3A_50 = arith.constant 0 : i32
      %dma_wait3A_51 = tpu.memref_slice %arg9[%add3A_18, %dma_wait3A_50] : memref<10112x128xf32, #tpu.memory_space<vmem_shared>> -> memref<120x128xf32, #tpu.memory_space<vmem_shared>>
      %dma_wait3A_52 = arith.constant 0 : i32
      %dma_wait3A_53 = arith.constant 0 : i32
      %dma_wait3A_54 = tpu.memref_slice %arg8[%dma_wait3A_52, %dma_wait3A_53] : memref<128x128xf32, #tpu.memory_space<vmem>> -> memref<120x128xf32, #tpu.memory_space<vmem>>
      tpu.wait_dma2 semaphore(%run_scoped3A : memref<!tpu.dma_semaphore, #tpu.memory_space<semaphore_mem>>) src(%dma_wait3A_54 : memref<120x128xf32, #tpu.memory_space<vmem>>) dst(%dma_wait3A_51 : memref<120x128xf32, #tpu.memory_space<vmem_shared>>)
      tpu.yield
    }) : () -> ()
    %barrier3A = arith.constant 0 : index
    tpu.barrier barrier_id(%barrier3A)
    %scan3A_19 = arith.constant 0 : i32
    %scan3A_20 = arith.constant 0 : i32
    %scan3A_21 = arith.constant 79 : i32
    %scan3A_22 = arith.addi %scan3A_20, %scan3A_21 : i32
    %scan3A_23 = arith.constant 1 : i32
    %scan3A_24 = scf.for %scan3A_37 = %scan3A_20 to %scan3A_22 step %scan3A_23 iter_args(%scan3A_38 = %scan3A_19) -> (i32)  : i32 {
      "tpu.region"() ({
        %run_scoped3A = tpu.sem_alloc : memref<!tpu.dma_semaphore, #tpu.memory_space<semaphore_mem>>
        %dma_start3A_175 = arith.constant 0 : i32
        %dma_start3A_176 = tpu.memref_slice %arg2[%add3A, %scan3A_37, %dma_start3A_175] : memref<32x79x128xi32, #tpu.memory_space<hbm>> -> memref<1x1x128xi32, #tpu.memory_space<hbm>>
        %dma_start3A_177 = tpu.memref_squeeze %dma_start3A_176 : memref<1x1x128xi32, #tpu.memory_space<hbm>> -> memref<128xi32, #tpu.memory_space<hbm>>
        %dma_start3A_178 = arith.constant 0 : i32
        %dma_start3A_179 = tpu.memref_slice %arg2[%add3A, %scan3A_37, %dma_start3A_178] : memref<32x79x128xi32, #tpu.memory_space<hbm>> -> memref<1x1x128xi32, #tpu.memory_space<hbm>>
        %dma_start3A_180 = tpu.memref_squeeze %dma_start3A_179 : memref<1x1x128xi32, #tpu.memory_space<hbm>> -> memref<128xi32, #tpu.memory_space<hbm>>
        tpu.enqueue_dma source(%dma_start3A_180 : memref<128xi32, #tpu.memory_space<hbm>>) target(%arg5 : memref<128xi32, #tpu.memory_space<vmem>>) target_semaphore(%run_scoped3A : memref<!tpu.dma_semaphore, #tpu.memory_space<semaphore_mem>>)
        %dma_wait3A_181 = arith.constant 0 : i32
        %dma_wait3A_182 = tpu.memref_slice %arg2[%add3A, %scan3A_37, %dma_wait3A_181] : memref<32x79x128xi32, #tpu.memory_space<hbm>> -> memref<1x1x128xi32, #tpu.memory_space<hbm>>
        %dma_wait3A_183 = tpu.memref_squeeze %dma_wait3A_182 : memref<1x1x128xi32, #tpu.memory_space<hbm>> -> memref<128xi32, #tpu.memory_space<hbm>>
        %dma_wait3A_184 = arith.constant 0 : i32
        %dma_wait3A_185 = tpu.memref_slice %arg2[%add3A, %scan3A_37, %dma_wait3A_184] : memref<32x79x128xi32, #tpu.memory_space<hbm>> -> memref<1x1x128xi32, #tpu.memory_space<hbm>>
        %dma_wait3A_186 = tpu.memref_squeeze %dma_wait3A_185 : memref<1x1x128xi32, #tpu.memory_space<hbm>> -> memref<128xi32, #tpu.memory_space<hbm>>
        tpu.wait_dma2 semaphore(%run_scoped3A : memref<!tpu.dma_semaphore, #tpu.memory_space<semaphore_mem>>) src(%dma_wait3A_186 : memref<128xi32, #tpu.memory_space<hbm>>) dst(%arg5 : memref<128xi32, #tpu.memory_space<vmem>>)
        tpu.yield
      }) : () -> ()
      %get3A = arith.constant 0 : index
      %get3A_39 = tpu.vector_load %arg5[%get3A] {strides = array<i32>} : memref<128xi32, #tpu.memory_space<vmem>>, vector<16xi32>,
      %get3A_40 = vector.shape_cast %get3A_39 : vector<16xi32> to vector<16xi32>
      %shift_right_logical3A = arith.constant 16 : i32
      %shift_right_logical3A_41 = vector.broadcast %shift_right_logical3A : i32 to vector<16xi32>
      %shift_right_logical3A_42 = arith.shrui %get3A_40, %shift_right_logical3A_41 : vector<16xi32>
      %swap3A = arith.constant 0 : index
      %swap3A_43 = tpu.vector_load %arg7[%swap3A] {strides = array<i32>} : memref<128xi32, #tpu.memory_space<vmem>>, vector<16xi32>,
      %swap3A_44 = vector.shape_cast %swap3A_43 : vector<16xi32> to vector<16xi32>
      %swap3A_45 = vector.shape_cast %shift_right_logical3A_42 : vector<16xi32> to vector<16xi32>
      tpu.vector_store %arg7[%swap3A], %swap3A_45 {strides = array<i32>} : memref<128xi32, #tpu.memory_space<vmem>>, vector<16xi32>,
      %broadcast_in_dim3A = arith.constant 65535 : i32
      %broadcast_in_dim3A_46 = vector.broadcast %broadcast_in_dim3A : i32 to vector<16xi32>
      %and3A = arith.andi %get3A_40, %broadcast_in_dim3A_46 : vector<16xi32>
      %swap3A_47 = arith.constant 0 : index
      %swap3A_48 = tpu.vector_load %arg6[%swap3A_47] {strides = array<i32>} : memref<128xi32, #tpu.memory_space<vmem>>, vector<16xi32>,
      %swap3A_49 = vector.shape_cast %swap3A_48 : vector<16xi32> to vector<16xi32>
      %swap3A_50 = vector.shape_cast %and3A : vector<16xi32> to vector<16xi32>
      tpu.vector_store %arg6[%swap3A_47], %swap3A_50 {strides = array<i32>} : memref<128xi32, #tpu.memory_space<vmem>>, vector<16xi32>,
      %get3A_51 = arith.constant 16 : index
      %get3A_52 = tpu.vector_load %arg5[%get3A_51] {strides = array<i32>} : memref<128xi32, #tpu.memory_space<vmem>>, vector<16xi32>,
      %get3A_53 = vector.shape_cast %get3A_52 : vector<16xi32> to vector<16xi32>
      %shift_right_logical3A_54 = arith.constant 16 : i32
      %shift_right_logical3A_55 = vector.broadcast %shift_right_logical3A_54 : i32 to vector<16xi32>
      %shift_right_logical3A_56 = arith.shrui %get3A_53, %shift_right_logical3A_55 : vector<16xi32>
      %swap3A_57 = arith.constant 16 : index
      %swap3A_58 = tpu.vector_load %arg7[%swap3A_57] {strides = array<i32>} : memref<128xi32, #tpu.memory_space<vmem>>, vector<16xi32>,
      %swap3A_59 = vector.shape_cast %swap3A_58 : vector<16xi32> to vector<16xi32>
      %swap3A_60 = vector.shape_cast %shift_right_logical3A_56 : vector<16xi32> to vector<16xi32>
      tpu.vector_store %arg7[%swap3A_57], %swap3A_60 {strides = array<i32>} : memref<128xi32, #tpu.memory_space<vmem>>, vector<16xi32>,
      %broadcast_in_dim3A_61 = arith.constant 65535 : i32
      %broadcast_in_dim3A_62 = vector.broadcast %broadcast_in_dim3A_61 : i32 to vector<16xi32>
      %and3A_63 = arith.andi %get3A_53, %broadcast_in_dim3A_62 : vector<16xi32>
      %swap3A_64 = arith.constant 16 : index
      %swap3A_65 = tpu.vector_load %arg6[%swap3A_64] {strides = array<i32>} : memref<128xi32, #tpu.memory_space<vmem>>, vector<16xi32>,
      %swap3A_66 = vector.shape_cast %swap3A_65 : vector<16xi32> to vector<16xi32>
      %swap3A_67 = vector.shape_cast %and3A_63 : vector<16xi32> to vector<16xi32>
      tpu.vector_store %arg6[%swap3A_64], %swap3A_67 {strides = array<i32>} : memref<128xi32, #tpu.memory_space<vmem>>, vector<16xi32>,
      %get3A_68 = arith.constant 32 : index
      %get3A_69 = tpu.vector_load %arg5[%get3A_68] {strides = array<i32>} : memref<128xi32, #tpu.memory_space<vmem>>, vector<16xi32>,
      %get3A_70 = vector.shape_cast %get3A_69 : vector<16xi32> to vector<16xi32>
      %shift_right_logical3A_71 = arith.constant 16 : i32
      %shift_right_logical3A_72 = vector.broadcast %shift_right_logical3A_71 : i32 to vector<16xi32>
      %shift_right_logical3A_73 = arith.shrui %get3A_70, %shift_right_logical3A_72 : vector<16xi32>
      %swap3A_74 = arith.constant 32 : index
      %swap3A_75 = tpu.vector_load %arg7[%swap3A_74] {strides = array<i32>} : memref<128xi32, #tpu.memory_space<vmem>>, vector<16xi32>,
      %swap3A_76 = vector.shape_cast %swap3A_75 : vector<16xi32> to vector<16xi32>
      %swap3A_77 = vector.shape_cast %shift_right_logical3A_73 : vector<16xi32> to vector<16xi32>
      tpu.vector_store %arg7[%swap3A_74], %swap3A_77 {strides = array<i32>} : memref<128xi32, #tpu.memory_space<vmem>>, vector<16xi32>,
      %broadcast_in_dim3A_78 = arith.constant 65535 : i32
      %broadcast_in_dim3A_79 = vector.broadcast %broadcast_in_dim3A_78 : i32 to vector<16xi32>
      %and3A_80 = arith.andi %get3A_70, %broadcast_in_dim3A_79 : vector<16xi32>
      %swap3A_81 = arith.constant 32 : index
      %swap3A_82 = tpu.vector_load %arg6[%swap3A_81] {strides = array<i32>} : memref<128xi32, #tpu.memory_space<vmem>>, vector<16xi32>,
      %swap3A_83 = vector.shape_cast %swap3A_82 : vector<16xi32> to vector<16xi32>
      %swap3A_84 = vector.shape_cast %and3A_80 : vector<16xi32> to vector<16xi32>
      tpu.vector_store %arg6[%swap3A_81], %swap3A_84 {strides = array<i32>} : memref<128xi32, #tpu.memory_space<vmem>>, vector<16xi32>,
      %get3A_85 = arith.constant 48 : index
      %get3A_86 = tpu.vector_load %arg5[%get3A_85] {strides = array<i32>} : memref<128xi32, #tpu.memory_space<vmem>>, vector<16xi32>,
      %get3A_87 = vector.shape_cast %get3A_86 : vector<16xi32> to vector<16xi32>
      %shift_right_logical3A_88 = arith.constant 16 : i32
      %shift_right_logical3A_89 = vector.broadcast %shift_right_logical3A_88 : i32 to vector<16xi32>
      %shift_right_logical3A_90 = arith.shrui %get3A_87, %shift_right_logical3A_89 : vector<16xi32>
      %swap3A_91 = arith.constant 48 : index
      %swap3A_92 = tpu.vector_load %arg7[%swap3A_91] {strides = array<i32>} : memref<128xi32, #tpu.memory_space<vmem>>, vector<16xi32>,
      %swap3A_93 = vector.shape_cast %swap3A_92 : vector<16xi32> to vector<16xi32>
      %swap3A_94 = vector.shape_cast %shift_right_logical3A_90 : vector<16xi32> to vector<16xi32>
      tpu.vector_store %arg7[%swap3A_91], %swap3A_94 {strides = array<i32>} : memref<128xi32, #tpu.memory_space<vmem>>, vector<16xi32>,
      %broadcast_in_dim3A_95 = arith.constant 65535 : i32
      %broadcast_in_dim3A_96 = vector.broadcast %broadcast_in_dim3A_95 : i32 to vector<16xi32>
      %and3A_97 = arith.andi %get3A_87, %broadcast_in_dim3A_96 : vector<16xi32>
      %swap3A_98 = arith.constant 48 : index
      %swap3A_99 = tpu.vector_load %arg6[%swap3A_98] {strides = array<i32>} : memref<128xi32, #tpu.memory_space<vmem>>, vector<16xi32>,
      %swap3A_100 = vector.shape_cast %swap3A_99 : vector<16xi32> to vector<16xi32>
      %swap3A_101 = vector.shape_cast %and3A_97 : vector<16xi32> to vector<16xi32>
      tpu.vector_store %arg6[%swap3A_98], %swap3A_101 {strides = array<i32>} : memref<128xi32, #tpu.memory_space<vmem>>, vector<16xi32>,
      %get3A_102 = arith.constant 64 : index
      %get3A_103 = tpu.vector_load %arg5[%get3A_102] {strides = array<i32>} : memref<128xi32, #tpu.memory_space<vmem>>, vector<16xi32>,
      %get3A_104 = vector.shape_cast %get3A_103 : vector<16xi32> to vector<16xi32>
      %shift_right_logical3A_105 = arith.constant 16 : i32
      %shift_right_logical3A_106 = vector.broadcast %shift_right_logical3A_105 : i32 to vector<16xi32>
      %shift_right_logical3A_107 = arith.shrui %get3A_104, %shift_right_logical3A_106 : vector<16xi32>
      %swap3A_108 = arith.constant 64 : index
      %swap3A_109 = tpu.vector_load %arg7[%swap3A_108] {strides = array<i32>} : memref<128xi32, #tpu.memory_space<vmem>>, vector<16xi32>,
      %swap3A_110 = vector.shape_cast %swap3A_109 : vector<16xi32> to vector<16xi32>
      %swap3A_111 = vector.shape_cast %shift_right_logical3A_107 : vector<16xi32> to vector<16xi32>
      tpu.vector_store %arg7[%swap3A_108], %swap3A_111 {strides = array<i32>} : memref<128xi32, #tpu.memory_space<vmem>>, vector<16xi32>,
      %broadcast_in_dim3A_112 = arith.constant 65535 : i32
      %broadcast_in_dim3A_113 = vector.broadcast %broadcast_in_dim3A_112 : i32 to vector<16xi32>
      %and3A_114 = arith.andi %get3A_104, %broadcast_in_dim3A_113 : vector<16xi32>
      %swap3A_115 = arith.constant 64 : index
      %swap3A_116 = tpu.vector_load %arg6[%swap3A_115] {strides = array<i32>} : memref<128xi32, #tpu.memory_space<vmem>>, vector<16xi32>,
      %swap3A_117 = vector.shape_cast %swap3A_116 : vector<16xi32> to vector<16xi32>
      %swap3A_118 = vector.shape_cast %and3A_114 : vector<16xi32> to vector<16xi32>
      tpu.vector_store %arg6[%swap3A_115], %swap3A_118 {strides = array<i32>} : memref<128xi32, #tpu.memory_space<vmem>>, vector<16xi32>,
      %get3A_119 = arith.constant 80 : index
      %get3A_120 = tpu.vector_load %arg5[%get3A_119] {strides = array<i32>} : memref<128xi32, #tpu.memory_space<vmem>>, vector<16xi32>,
      %get3A_121 = vector.shape_cast %get3A_120 : vector<16xi32> to vector<16xi32>
      %shift_right_logical3A_122 = arith.constant 16 : i32
      %shift_right_logical3A_123 = vector.broadcast %shift_right_logical3A_122 : i32 to vector<16xi32>
      %shift_right_logical3A_124 = arith.shrui %get3A_121, %shift_right_logical3A_123 : vector<16xi32>
      %swap3A_125 = arith.constant 80 : index
      %swap3A_126 = tpu.vector_load %arg7[%swap3A_125] {strides = array<i32>} : memref<128xi32, #tpu.memory_space<vmem>>, vector<16xi32>,
      %swap3A_127 = vector.shape_cast %swap3A_126 : vector<16xi32> to vector<16xi32>
      %swap3A_128 = vector.shape_cast %shift_right_logical3A_124 : vector<16xi32> to vector<16xi32>
      tpu.vector_store %arg7[%swap3A_125], %swap3A_128 {strides = array<i32>} : memref<128xi32, #tpu.memory_space<vmem>>, vector<16xi32>,
      %broadcast_in_dim3A_129 = arith.constant 65535 : i32
      %broadcast_in_dim3A_130 = vector.broadcast %broadcast_in_dim3A_129 : i32 to vector<16xi32>
      %and3A_131 = arith.andi %get3A_121, %broadcast_in_dim3A_130 : vector<16xi32>
      %swap3A_132 = arith.constant 80 : index
      %swap3A_133 = tpu.vector_load %arg6[%swap3A_132] {strides = array<i32>} : memref<128xi32, #tpu.memory_space<vmem>>, vector<16xi32>,
      %swap3A_134 = vector.shape_cast %swap3A_133 : vector<16xi32> to vector<16xi32>
      %swap3A_135 = vector.shape_cast %and3A_131 : vector<16xi32> to vector<16xi32>
      tpu.vector_store %arg6[%swap3A_132], %swap3A_135 {strides = array<i32>} : memref<128xi32, #tpu.memory_space<vmem>>, vector<16xi32>,
      %get3A_136 = arith.constant 96 : index
      %get3A_137 = tpu.vector_load %arg5[%get3A_136] {strides = array<i32>} : memref<128xi32, #tpu.memory_space<vmem>>, vector<16xi32>,
      %get3A_138 = vector.shape_cast %get3A_137 : vector<16xi32> to vector<16xi32>
      %shift_right_logical3A_139 = arith.constant 16 : i32
      %shift_right_logical3A_140 = vector.broadcast %shift_right_logical3A_139 : i32 to vector<16xi32>
      %shift_right_logical3A_141 = arith.shrui %get3A_138, %shift_right_logical3A_140 : vector<16xi32>
      %swap3A_142 = arith.constant 96 : index
      %swap3A_143 = tpu.vector_load %arg7[%swap3A_142] {strides = array<i32>} : memref<128xi32, #tpu.memory_space<vmem>>, vector<16xi32>,
      %swap3A_144 = vector.shape_cast %swap3A_143 : vector<16xi32> to vector<16xi32>
      %swap3A_145 = vector.shape_cast %shift_right_logical3A_141 : vector<16xi32> to vector<16xi32>
      tpu.vector_store %arg7[%swap3A_142], %swap3A_145 {strides = array<i32>} : memref<128xi32, #tpu.memory_space<vmem>>, vector<16xi32>,
      %broadcast_in_dim3A_146 = arith.constant 65535 : i32
      %broadcast_in_dim3A_147 = vector.broadcast %broadcast_in_dim3A_146 : i32 to vector<16xi32>
      %and3A_148 = arith.andi %get3A_138, %broadcast_in_dim3A_147 : vector<16xi32>
      %swap3A_149 = arith.constant 96 : index
      %swap3A_150 = tpu.vector_load %arg6[%swap3A_149] {strides = array<i32>} : memref<128xi32, #tpu.memory_space<vmem>>, vector<16xi32>,
      %swap3A_151 = vector.shape_cast %swap3A_150 : vector<16xi32> to vector<16xi32>
      %swap3A_152 = vector.shape_cast %and3A_148 : vector<16xi32> to vector<16xi32>
      tpu.vector_store %arg6[%swap3A_149], %swap3A_152 {strides = array<i32>} : memref<128xi32, #tpu.memory_space<vmem>>, vector<16xi32>,
      %get3A_153 = arith.constant 112 : index
      %get3A_154 = tpu.vector_load %arg5[%get3A_153] {strides = array<i32>} : memref<128xi32, #tpu.memory_space<vmem>>, vector<16xi32>,
      %get3A_155 = vector.shape_cast %get3A_154 : vector<16xi32> to vector<16xi32>
      %shift_right_logical3A_156 = arith.constant 16 : i32
      %shift_right_logical3A_157 = vector.broadcast %shift_right_logical3A_156 : i32 to vector<16xi32>
      %shift_right_logical3A_158 = arith.shrui %get3A_155, %shift_right_logical3A_157 : vector<16xi32>
      %swap3A_159 = arith.constant 112 : index
      %swap3A_160 = tpu.vector_load %arg7[%swap3A_159] {strides = array<i32>} : memref<128xi32, #tpu.memory_space<vmem>>, vector<16xi32>,
      %swap3A_161 = vector.shape_cast %swap3A_160 : vector<16xi32> to vector<16xi32>
      %swap3A_162 = vector.shape_cast %shift_right_logical3A_158 : vector<16xi32> to vector<16xi32>
      tpu.vector_store %arg7[%swap3A_159], %swap3A_162 {strides = array<i32>} : memref<128xi32, #tpu.memory_space<vmem>>, vector<16xi32>,
      %broadcast_in_dim3A_163 = arith.constant 65535 : i32
      %broadcast_in_dim3A_164 = vector.broadcast %broadcast_in_dim3A_163 : i32 to vector<16xi32>
      %and3A_165 = arith.andi %get3A_155, %broadcast_in_dim3A_164 : vector<16xi32>
      %swap3A_166 = arith.constant 112 : index
      %swap3A_167 = tpu.vector_load %arg6[%swap3A_166] {strides = array<i32>} : memref<128xi32, #tpu.memory_space<vmem>>, vector<16xi32>,
      %swap3A_168 = vector.shape_cast %swap3A_167 : vector<16xi32> to vector<16xi32>
      %swap3A_169 = vector.shape_cast %and3A_165 : vector<16xi32> to vector<16xi32>
      tpu.vector_store %arg6[%swap3A_166], %swap3A_169 {strides = array<i32>} : memref<128xi32, #tpu.memory_space<vmem>>, vector<16xi32>,
      %dma_start3A = arith.constant 0 : i32
      %dma_start3A_170 = arith.constant 0 : i32
      %dma_start3A_171 = tpu.memref_slice %arg3[%dma_start3A, %dma_start3A_170] : memref<40000x128xf32, #tpu.memory_space<hbm>> -> memref<40000x128xf32, #tpu.memory_space<hbm>>
      tpu.enqueue_indirect_dma source(%dma_start3A_171 : memref<40000x128xf32, #tpu.memory_space<hbm>>) target(%arg8 : memref<128x128xf32, #tpu.memory_space<vmem>>) offsets(%arg6 : memref<128xi32, #tpu.memory_space<vmem>>) semaphore(%arg10 : memref<!tpu.dma_semaphore, #tpu.memory_space<semaphore_mem>>)
      %dma_wait3A = arith.constant 0 : i32
      %dma_wait3A_172 = arith.constant 0 : i32
      %dma_wait3A_173 = tpu.memref_slice %arg3[%dma_wait3A, %dma_wait3A_172] : memref<40000x128xf32, #tpu.memory_space<hbm>> -> memref<40000x128xf32, #tpu.memory_space<hbm>>
      tpu.wait_indirect_dma semaphore(%arg10 : memref<!tpu.dma_semaphore, #tpu.memory_space<semaphore_mem>>) src(%dma_wait3A_173 : memref<40000x128xf32, #tpu.memory_space<hbm>>) dst(%arg8 : memref<128x128xf32, #tpu.memory_space<vmem>>)
      "tpu.region"() ({
        %run_scoped3A = tpu.sem_alloc : memref<!tpu.dma_semaphore, #tpu.memory_space<semaphore_mem>>
        %dma_start3A_175 = arith.constant 0 : i32
        %dma_start3A_176 = arith.constant 0 : i32
        %dma_start3A_177 = tpu.memref_slice %arg9[%dma_start3A_175, %dma_start3A_176] : memref<10112x128xf32, #tpu.memory_space<vmem_shared>> -> memref<10112x128xf32, #tpu.memory_space<vmem_shared>>
        tpu.enqueue_indirect_dma source(%arg8 : memref<128x128xf32, #tpu.memory_space<vmem>>) target(%dma_start3A_177 : memref<10112x128xf32, #tpu.memory_space<vmem_shared>>) offsets(%arg7 : memref<128xi32, #tpu.memory_space<vmem>>) semaphore(%run_scoped3A : memref<!tpu.dma_semaphore, #tpu.memory_space<semaphore_mem>>) {add = true}
        %dma_wait3A_178 = arith.constant 0 : i32
        %dma_wait3A_179 = arith.constant 0 : i32
        %dma_wait3A_180 = tpu.memref_slice %arg9[%dma_wait3A_178, %dma_wait3A_179] : memref<10112x128xf32, #tpu.memory_space<vmem_shared>> -> memref<10112x128xf32, #tpu.memory_space<vmem_shared>>
        tpu.wait_indirect_dma semaphore(%run_scoped3A : memref<!tpu.dma_semaphore, #tpu.memory_space<semaphore_mem>>) src(%arg8 : memref<128x128xf32, #tpu.memory_space<vmem>>) dst(%dma_wait3A_180 : memref<10112x128xf32, #tpu.memory_space<vmem_shared>>)
        tpu.yield
      }) : () -> ()
      %scan3A_174 = arith.constant 0 : i32
      scf.yield %scan3A_174 : i32
    }
    %scan3A_25 = arith.constant 79 : i32
    %barrier3A_26 = arith.constant 0 : index
    tpu.barrier barrier_id(%barrier3A_26)
    %add3A_27 = arith.constant 0 : i32
    %add3A_28 = arith.addi %mul3A_2, %add3A_27 : i32
    "tpu.region"() ({
      %run_scoped3A = tpu.sem_alloc : memref<!tpu.dma_semaphore, #tpu.memory_space<semaphore_mem>>
      %dma_start3A = arith.constant 0 : i32
      %dma_start3A_37 = tpu.memref_slice %arg9[%add3A_28, %dma_start3A] : memref<10112x128xf32, #tpu.memory_space<vmem_shared>> -> memref<128x128xf32, #tpu.memory_space<vmem_shared>>
      %dma_start3A_38 = arith.constant 0 : i32
      %dma_start3A_39 = tpu.memref_slice %arg9[%add3A_28, %dma_start3A_38] : memref<10112x128xf32, #tpu.memory_space<vmem_shared>> -> memref<128x128xf32, #tpu.memory_space<vmem_shared>>
      tpu.enqueue_dma source(%dma_start3A_39 : memref<128x128xf32, #tpu.memory_space<vmem_shared>>) target(%arg8 : memref<128x128xf32, #tpu.memory_space<vmem>>) target_semaphore(%run_scoped3A : memref<!tpu.dma_semaphore, #tpu.memory_space<semaphore_mem>>)
      %dma_wait3A = arith.constant 0 : i32
      %dma_wait3A_40 = tpu.memref_slice %arg9[%add3A_28, %dma_wait3A] : memref<10112x128xf32, #tpu.memory_space<vmem_shared>> -> memref<128x128xf32, #tpu.memory_space<vmem_shared>>
      %dma_wait3A_41 = arith.constant 0 : i32
      %dma_wait3A_42 = tpu.memref_slice %arg9[%add3A_28, %dma_wait3A_41] : memref<10112x128xf32, #tpu.memory_space<vmem_shared>> -> memref<128x128xf32, #tpu.memory_space<vmem_shared>>
      tpu.wait_dma2 semaphore(%run_scoped3A : memref<!tpu.dma_semaphore, #tpu.memory_space<semaphore_mem>>) src(%dma_wait3A_42 : memref<128x128xf32, #tpu.memory_space<vmem_shared>>) dst(%arg8 : memref<128x128xf32, #tpu.memory_space<vmem>>)
      tpu.yield
    }) : () -> ()
    "tpu.region"() ({
      %run_scoped3A = tpu.sem_alloc : memref<!tpu.dma_semaphore, #tpu.memory_space<semaphore_mem>>
      %dma_start3A = arith.constant 0 : i32
      %dma_start3A_37 = tpu.memref_slice %arg4[%arg0, %add3A_28, %dma_start3A] : memref<2x10112x128xf32, #tpu.memory_space<hbm>> -> memref<1x128x128xf32, #tpu.memory_space<hbm>>
      %dma_start3A_38 = tpu.memref_squeeze %dma_start3A_37 : memref<1x128x128xf32, #tpu.memory_space<hbm>> -> memref<128x128xf32, #tpu.memory_space<hbm>>
      %dma_start3A_39 = arith.constant 0 : i32
      %dma_start3A_40 = tpu.memref_slice %arg4[%arg0, %add3A_28, %dma_start3A_39] : memref<2x10112x128xf32, #tpu.memory_space<hbm>> -> memref<1x128x128xf32, #tpu.memory_space<hbm>>
      %dma_start3A_41 = tpu.memref_squeeze %dma_start3A_40 : memref<1x128x128xf32, #tpu.memory_space<hbm>> -> memref<128x128xf32, #tpu.memory_space<hbm>>
      tpu.enqueue_dma source(%arg8 : memref<128x128xf32, #tpu.memory_space<vmem>>) target(%dma_start3A_41 : memref<128x128xf32, #tpu.memory_space<hbm>>) target_semaphore(%run_scoped3A : memref<!tpu.dma_semaphore, #tpu.memory_space<semaphore_mem>>)
      %dma_wait3A = arith.constant 0 : i32
      %dma_wait3A_42 = tpu.memref_slice %arg4[%arg0, %add3A_28, %dma_wait3A] : memref<2x10112x128xf32, #tpu.memory_space<hbm>> -> memref<1x128x128xf32, #tpu.memory_space<hbm>>
      %dma_wait3A_43 = tpu.memref_squeeze %dma_wait3A_42 : memref<1x128x128xf32, #tpu.memory_space<hbm>> -> memref<128x128xf32, #tpu.memory_space<hbm>>
      %dma_wait3A_44 = arith.constant 0 : i32
      %dma_wait3A_45 = tpu.memref_slice %arg4[%arg0, %add3A_28, %dma_wait3A_44] : memref<2x10112x128xf32, #tpu.memory_space<hbm>> -> memref<1x128x128xf32, #tpu.memory_space<hbm>>
      %dma_wait3A_46 = tpu.memref_squeeze %dma_wait3A_45 : memref<1x128x128xf32, #tpu.memory_space<hbm>> -> memref<128x128xf32, #tpu.memory_space<hbm>>
      tpu.wait_dma2 semaphore(%run_scoped3A : memref<!tpu.dma_semaphore, #tpu.memory_space<semaphore_mem>>) src(%arg8 : memref<128x128xf32, #tpu.memory_space<vmem>>) dst(%dma_wait3A_46 : memref<128x128xf32, #tpu.memory_space<hbm>>)
      tpu.yield
    }) : () -> ()
    %add3A_29 = arith.constant 128 : i32
    %add3A_30 = arith.addi %mul3A_2, %add3A_29 : i32
    "tpu.region"() ({
      %run_scoped3A = tpu.sem_alloc : memref<!tpu.dma_semaphore, #tpu.memory_space<semaphore_mem>>
      %dma_start3A = arith.constant 0 : i32
      %dma_start3A_37 = tpu.memref_slice %arg9[%add3A_30, %dma_start3A] : memref<10112x128xf32, #tpu.memory_space<vmem_shared>> -> memref<128x128xf32, #tpu.memory_space<vmem_shared>>
      %dma_start3A_38 = arith.constant 0 : i32
      %dma_start3A_39 = tpu.memref_slice %arg9[%add3A_30, %dma_start3A_38] : memref<10112x128xf32, #tpu.memory_space<vmem_shared>> -> memref<128x128xf32, #tpu.memory_space<vmem_shared>>
      tpu.enqueue_dma source(%dma_start3A_39 : memref<128x128xf32, #tpu.memory_space<vmem_shared>>) target(%arg8 : memref<128x128xf32, #tpu.memory_space<vmem>>) target_semaphore(%run_scoped3A : memref<!tpu.dma_semaphore, #tpu.memory_space<semaphore_mem>>)
      %dma_wait3A = arith.constant 0 : i32
      %dma_wait3A_40 = tpu.memref_slice %arg9[%add3A_30, %dma_wait3A] : memref<10112x128xf32, #tpu.memory_space<vmem_shared>> -> memref<128x128xf32, #tpu.memory_space<vmem_shared>>
      %dma_wait3A_41 = arith.constant 0 : i32
      %dma_wait3A_42 = tpu.memref_slice %arg9[%add3A_30, %dma_wait3A_41] : memref<10112x128xf32, #tpu.memory_space<vmem_shared>> -> memref<128x128xf32, #tpu.memory_space<vmem_shared>>
      tpu.wait_dma2 semaphore(%run_scoped3A : memref<!tpu.dma_semaphore, #tpu.memory_space<semaphore_mem>>) src(%dma_wait3A_42 : memref<128x128xf32, #tpu.memory_space<vmem_shared>>) dst(%arg8 : memref<128x128xf32, #tpu.memory_space<vmem>>)
      tpu.yield
    }) : () -> ()
    "tpu.region"() ({
      %run_scoped3A = tpu.sem_alloc : memref<!tpu.dma_semaphore, #tpu.memory_space<semaphore_mem>>
      %dma_start3A = arith.constant 0 : i32
      %dma_start3A_37 = tpu.memref_slice %arg4[%arg0, %add3A_30, %dma_start3A] : memref<2x10112x128xf32, #tpu.memory_space<hbm>> -> memref<1x128x128xf32, #tpu.memory_space<hbm>>
      %dma_start3A_38 = tpu.memref_squeeze %dma_start3A_37 : memref<1x128x128xf32, #tpu.memory_space<hbm>> -> memref<128x128xf32, #tpu.memory_space<hbm>>
      %dma_start3A_39 = arith.constant 0 : i32
      %dma_start3A_40 = tpu.memref_slice %arg4[%arg0, %add3A_30, %dma_start3A_39] : memref<2x10112x128xf32, #tpu.memory_space<hbm>> -> memref<1x128x128xf32, #tpu.memory_space<hbm>>
      %dma_start3A_41 = tpu.memref_squeeze %dma_start3A_40 : memref<1x128x128xf32, #tpu.memory_space<hbm>> -> memref<128x128xf32, #tpu.memory_space<hbm>>
      tpu.enqueue_dma source(%arg8 : memref<128x128xf32, #tpu.memory_space<vmem>>) target(%dma_start3A_41 : memref<128x128xf32, #tpu.memory_space<hbm>>) target_semaphore(%run_scoped3A : memref<!tpu.dma_semaphore, #tpu.memory_space<semaphore_mem>>)
      %dma_wait3A = arith.constant 0 : i32
      %dma_wait3A_42 = tpu.memref_slice %arg4[%arg0, %add3A_30, %dma_wait3A] : memref<2x10112x128xf32, #tpu.memory_space<hbm>> -> memref<1x128x128xf32, #tpu.memory_space<hbm>>
      %dma_wait3A_43 = tpu.memref_squeeze %dma_wait3A_42 : memref<1x128x128xf32, #tpu.memory_space<hbm>> -> memref<128x128xf32, #tpu.memory_space<hbm>>
      %dma_wait3A_44 = arith.constant 0 : i32
      %dma_wait3A_45 = tpu.memref_slice %arg4[%arg0, %add3A_30, %dma_wait3A_44] : memref<2x10112x128xf32, #tpu.memory_space<hbm>> -> memref<1x128x128xf32, #tpu.memory_space<hbm>>
      %dma_wait3A_46 = tpu.memref_squeeze %dma_wait3A_45 : memref<1x128x128xf32, #tpu.memory_space<hbm>> -> memref<128x128xf32, #tpu.memory_space<hbm>>
      tpu.wait_dma2 semaphore(%run_scoped3A : memref<!tpu.dma_semaphore, #tpu.memory_space<semaphore_mem>>) src(%arg8 : memref<128x128xf32, #tpu.memory_space<vmem>>) dst(%dma_wait3A_46 : memref<128x128xf32, #tpu.memory_space<hbm>>)
      tpu.yield
    }) : () -> ()
    %add3A_31 = arith.constant 256 : i32
    %add3A_32 = arith.addi %mul3A_2, %add3A_31 : i32
    "tpu.region"() ({
      %run_scoped3A = tpu.sem_alloc : memref<!tpu.dma_semaphore, #tpu.memory_space<semaphore_mem>>
      %dma_start3A = arith.constant 0 : i32
      %dma_start3A_37 = tpu.memref_slice %arg9[%add3A_32, %dma_start3A] : memref<10112x128xf32, #tpu.memory_space<vmem_shared>> -> memref<128x128xf32, #tpu.memory_space<vmem_shared>>
      %dma_start3A_38 = arith.constant 0 : i32
      %dma_start3A_39 = tpu.memref_slice %arg9[%add3A_32, %dma_start3A_38] : memref<10112x128xf32, #tpu.memory_space<vmem_shared>> -> memref<128x128xf32, #tpu.memory_space<vmem_shared>>
      tpu.enqueue_dma source(%dma_start3A_39 : memref<128x128xf32, #tpu.memory_space<vmem_shared>>) target(%arg8 : memref<128x128xf32, #tpu.memory_space<vmem>>) target_semaphore(%run_scoped3A : memref<!tpu.dma_semaphore, #tpu.memory_space<semaphore_mem>>)
      %dma_wait3A = arith.constant 0 : i32
      %dma_wait3A_40 = tpu.memref_slice %arg9[%add3A_32, %dma_wait3A] : memref<10112x128xf32, #tpu.memory_space<vmem_shared>> -> memref<128x128xf32, #tpu.memory_space<vmem_shared>>
      %dma_wait3A_41 = arith.constant 0 : i32
      %dma_wait3A_42 = tpu.memref_slice %arg9[%add3A_32, %dma_wait3A_41] : memref<10112x128xf32, #tpu.memory_space<vmem_shared>> -> memref<128x128xf32, #tpu.memory_space<vmem_shared>>
      tpu.wait_dma2 semaphore(%run_scoped3A : memref<!tpu.dma_semaphore, #tpu.memory_space<semaphore_mem>>) src(%dma_wait3A_42 : memref<128x128xf32, #tpu.memory_space<vmem_shared>>) dst(%arg8 : memref<128x128xf32, #tpu.memory_space<vmem>>)
      tpu.yield
    }) : () -> ()
    "tpu.region"() ({
      %run_scoped3A = tpu.sem_alloc : memref<!tpu.dma_semaphore, #tpu.memory_space<semaphore_mem>>
      %dma_start3A = arith.constant 0 : i32
      %dma_start3A_37 = tpu.memref_slice %arg4[%arg0, %add3A_32, %dma_start3A] : memref<2x10112x128xf32, #tpu.memory_space<hbm>> -> memref<1x128x128xf32, #tpu.memory_space<hbm>>
      %dma_start3A_38 = tpu.memref_squeeze %dma_start3A_37 : memref<1x128x128xf32, #tpu.memory_space<hbm>> -> memref<128x128xf32, #tpu.memory_space<hbm>>
      %dma_start3A_39 = arith.constant 0 : i32
      %dma_start3A_40 = tpu.memref_slice %arg4[%arg0, %add3A_32, %dma_start3A_39] : memref<2x10112x128xf32, #tpu.memory_space<hbm>> -> memref<1x128x128xf32, #tpu.memory_space<hbm>>
      %dma_start3A_41 = tpu.memref_squeeze %dma_start3A_40 : memref<1x128x128xf32, #tpu.memory_space<hbm>> -> memref<128x128xf32, #tpu.memory_space<hbm>>
      tpu.enqueue_dma source(%arg8 : memref<128x128xf32, #tpu.memory_space<vmem>>) target(%dma_start3A_41 : memref<128x128xf32, #tpu.memory_space<hbm>>) target_semaphore(%run_scoped3A : memref<!tpu.dma_semaphore, #tpu.memory_space<semaphore_mem>>)
      %dma_wait3A = arith.constant 0 : i32
      %dma_wait3A_42 = tpu.memref_slice %arg4[%arg0, %add3A_32, %dma_wait3A] : memref<2x10112x128xf32, #tpu.memory_space<hbm>> -> memref<1x128x128xf32, #tpu.memory_space<hbm>>
      %dma_wait3A_43 = tpu.memref_squeeze %dma_wait3A_42 : memref<1x128x128xf32, #tpu.memory_space<hbm>> -> memref<128x128xf32, #tpu.memory_space<hbm>>
      %dma_wait3A_44 = arith.constant 0 : i32
      %dma_wait3A_45 = tpu.memref_slice %arg4[%arg0, %add3A_32, %dma_wait3A_44] : memref<2x10112x128xf32, #tpu.memory_space<hbm>> -> memref<1x128x128xf32, #tpu.memory_space<hbm>>
      %dma_wait3A_46 = tpu.memref_squeeze %dma_wait3A_45 : memref<1x128x128xf32, #tpu.memory_space<hbm>> -> memref<128x128xf32, #tpu.memory_space<hbm>>
      tpu.wait_dma2 semaphore(%run_scoped3A : memref<!tpu.dma_semaphore, #tpu.memory_space<semaphore_mem>>) src(%arg8 : memref<128x128xf32, #tpu.memory_space<vmem>>) dst(%dma_wait3A_46 : memref<128x128xf32, #tpu.memory_space<hbm>>)
      tpu.yield
    }) : () -> ()
    %add3A_33 = arith.constant 384 : i32
    %add3A_34 = arith.addi %mul3A_2, %add3A_33 : i32
    "tpu.region"() ({
      %run_scoped3A = tpu.sem_alloc : memref<!tpu.dma_semaphore, #tpu.memory_space<semaphore_mem>>
      %dma_start3A = arith.constant 0 : i32
      %dma_start3A_37 = tpu.memref_slice %arg9[%add3A_34, %dma_start3A] : memref<10112x128xf32, #tpu.memory_space<vmem_shared>> -> memref<128x128xf32, #tpu.memory_space<vmem_shared>>
      %dma_start3A_38 = arith.constant 0 : i32
      %dma_start3A_39 = tpu.memref_slice %arg9[%add3A_34, %dma_start3A_38] : memref<10112x128xf32, #tpu.memory_space<vmem_shared>> -> memref<128x128xf32, #tpu.memory_space<vmem_shared>>
      tpu.enqueue_dma source(%dma_start3A_39 : memref<128x128xf32, #tpu.memory_space<vmem_shared>>) target(%arg8 : memref<128x128xf32, #tpu.memory_space<vmem>>) target_semaphore(%run_scoped3A : memref<!tpu.dma_semaphore, #tpu.memory_space<semaphore_mem>>)
      %dma_wait3A = arith.constant 0 : i32
      %dma_wait3A_40 = tpu.memref_slice %arg9[%add3A_34, %dma_wait3A] : memref<10112x128xf32, #tpu.memory_space<vmem_shared>> -> memref<128x128xf32, #tpu.memory_space<vmem_shared>>
      %dma_wait3A_41 = arith.constant 0 : i32
      %dma_wait3A_42 = tpu.memref_slice %arg9[%add3A_34, %dma_wait3A_41] : memref<10112x128xf32, #tpu.memory_space<vmem_shared>> -> memref<128x128xf32, #tpu.memory_space<vmem_shared>>
      tpu.wait_dma2 semaphore(%run_scoped3A : memref<!tpu.dma_semaphore, #tpu.memory_space<semaphore_mem>>) src(%dma_wait3A_42 : memref<128x128xf32, #tpu.memory_space<vmem_shared>>) dst(%arg8 : memref<128x128xf32, #tpu.memory_space<vmem>>)
      tpu.yield
    }) : () -> ()
    "tpu.region"() ({
      %run_scoped3A = tpu.sem_alloc : memref<!tpu.dma_semaphore, #tpu.memory_space<semaphore_mem>>
      %dma_start3A = arith.constant 0 : i32
      %dma_start3A_37 = tpu.memref_slice %arg4[%arg0, %add3A_34, %dma_start3A] : memref<2x10112x128xf32, #tpu.memory_space<hbm>> -> memref<1x128x128xf32, #tpu.memory_space<hbm>>
      %dma_start3A_38 = tpu.memref_squeeze %dma_start3A_37 : memref<1x128x128xf32, #tpu.memory_space<hbm>> -> memref<128x128xf32, #tpu.memory_space<hbm>>
      %dma_start3A_39 = arith.constant 0 : i32
      %dma_start3A_40 = tpu.memref_slice %arg4[%arg0, %add3A_34, %dma_start3A_39] : memref<2x10112x128xf32, #tpu.memory_space<hbm>> -> memref<1x128x128xf32, #tpu.memory_space<hbm>>
      %dma_start3A_41 = tpu.memref_squeeze %dma_start3A_40 : memref<1x128x128xf32, #tpu.memory_space<hbm>> -> memref<128x128xf32, #tpu.memory_space<hbm>>
      tpu.enqueue_dma source(%arg8 : memref<128x128xf32, #tpu.memory_space<vmem>>) target(%dma_start3A_41 : memref<128x128xf32, #tpu.memory_space<hbm>>) target_semaphore(%run_scoped3A : memref<!tpu.dma_semaphore, #tpu.memory_space<semaphore_mem>>)
      %dma_wait3A = arith.constant 0 : i32
      %dma_wait3A_42 = tpu.memref_slice %arg4[%arg0, %add3A_34, %dma_wait3A] : memref<2x10112x128xf32, #tpu.memory_space<hbm>> -> memref<1x128x128xf32, #tpu.memory_space<hbm>>
      %dma_wait3A_43 = tpu.memref_squeeze %dma_wait3A_42 : memref<1x128x128xf32, #tpu.memory_space<hbm>> -> memref<128x128xf32, #tpu.memory_space<hbm>>
      %dma_wait3A_44 = arith.constant 0 : i32
      %dma_wait3A_45 = tpu.memref_slice %arg4[%arg0, %add3A_34, %dma_wait3A_44] : memref<2x10112x128xf32, #tpu.memory_space<hbm>> -> memref<1x128x128xf32, #tpu.memory_space<hbm>>
      %dma_wait3A_46 = tpu.memref_squeeze %dma_wait3A_45 : memref<1x128x128xf32, #tpu.memory_space<hbm>> -> memref<128x128xf32, #tpu.memory_space<hbm>>
      tpu.wait_dma2 semaphore(%run_scoped3A : memref<!tpu.dma_semaphore, #tpu.memory_space<semaphore_mem>>) src(%arg8 : memref<128x128xf32, #tpu.memory_space<vmem>>) dst(%dma_wait3A_46 : memref<128x128xf32, #tpu.memory_space<hbm>>)
      tpu.yield
    }) : () -> ()
    %add3A_35 = arith.constant 512 : i32
    %add3A_36 = arith.addi %mul3A_2, %add3A_35 : i32
    "tpu.region"() ({
      %run_scoped3A = tpu.sem_alloc : memref<!tpu.dma_semaphore, #tpu.memory_space<semaphore_mem>>
      %dma_start3A = arith.constant 0 : i32
      %dma_start3A_37 = arith.constant 0 : i32
      %dma_start3A_38 = tpu.memref_slice %arg8[%dma_start3A, %dma_start3A_37] : memref<128x128xf32, #tpu.memory_space<vmem>> -> memref<120x128xf32, #tpu.memory_space<vmem>>
      %dma_start3A_39 = arith.constant 0 : i32
      %dma_start3A_40 = tpu.memref_slice %arg9[%add3A_36, %dma_start3A_39] : memref<10112x128xf32, #tpu.memory_space<vmem_shared>> -> memref<120x128xf32, #tpu.memory_space<vmem_shared>>
      %dma_start3A_41 = arith.constant 0 : i32
      %dma_start3A_42 = arith.constant 0 : i32
      %dma_start3A_43 = tpu.memref_slice %arg8[%dma_start3A_41, %dma_start3A_42] : memref<128x128xf32, #tpu.memory_space<vmem>> -> memref<120x128xf32, #tpu.memory_space<vmem>>
      %dma_start3A_44 = arith.constant 0 : i32
      %dma_start3A_45 = tpu.memref_slice %arg9[%add3A_36, %dma_start3A_44] : memref<10112x128xf32, #tpu.memory_space<vmem_shared>> -> memref<120x128xf32, #tpu.memory_space<vmem_shared>>
      tpu.enqueue_dma source(%dma_start3A_45 : memref<120x128xf32, #tpu.memory_space<vmem_shared>>) target(%dma_start3A_43 : memref<120x128xf32, #tpu.memory_space<vmem>>) target_semaphore(%run_scoped3A : memref<!tpu.dma_semaphore, #tpu.memory_space<semaphore_mem>>)
      %dma_wait3A = arith.constant 0 : i32
      %dma_wait3A_46 = arith.constant 0 : i32
      %dma_wait3A_47 = tpu.memref_slice %arg8[%dma_wait3A, %dma_wait3A_46] : memref<128x128xf32, #tpu.memory_space<vmem>> -> memref<120x128xf32, #tpu.memory_space<vmem>>
      %dma_wait3A_48 = arith.constant 0 : i32
      %dma_wait3A_49 = tpu.memref_slice %arg9[%add3A_36, %dma_wait3A_48] : memref<10112x128xf32, #tpu.memory_space<vmem_shared>> -> memref<120x128xf32, #tpu.memory_space<vmem_shared>>
      %dma_wait3A_50 = arith.constant 0 : i32
      %dma_wait3A_51 = arith.constant 0 : i32
      %dma_wait3A_52 = tpu.memref_slice %arg8[%dma_wait3A_50, %dma_wait3A_51] : memref<128x128xf32, #tpu.memory_space<vmem>> -> memref<120x128xf32, #tpu.memory_space<vmem>>
      %dma_wait3A_53 = arith.constant 0 : i32
      %dma_wait3A_54 = tpu.memref_slice %arg9[%add3A_36, %dma_wait3A_53] : memref<10112x128xf32, #tpu.memory_space<vmem_shared>> -> memref<120x128xf32, #tpu.memory_space<vmem_shared>>
      tpu.wait_dma2 semaphore(%run_scoped3A : memref<!tpu.dma_semaphore, #tpu.memory_space<semaphore_mem>>) src(%dma_wait3A_54 : memref<120x128xf32, #tpu.memory_space<vmem_shared>>) dst(%dma_wait3A_52 : memref<120x128xf32, #tpu.memory_space<vmem>>)
      tpu.yield
    }) : () -> ()
    "tpu.region"() ({
      %run_scoped3A = tpu.sem_alloc : memref<!tpu.dma_semaphore, #tpu.memory_space<semaphore_mem>>
      %dma_start3A = arith.constant 0 : i32
      %dma_start3A_37 = arith.constant 0 : i32
      %dma_start3A_38 = tpu.memref_slice %arg8[%dma_start3A, %dma_start3A_37] : memref<128x128xf32, #tpu.memory_space<vmem>> -> memref<120x128xf32, #tpu.memory_space<vmem>>
      %dma_start3A_39 = arith.constant 0 : i32
      %dma_start3A_40 = tpu.memref_slice %arg4[%arg0, %add3A_36, %dma_start3A_39] : memref<2x10112x128xf32, #tpu.memory_space<hbm>> -> memref<1x120x128xf32, #tpu.memory_space<hbm>>
      %dma_start3A_41 = tpu.memref_squeeze %dma_start3A_40 : memref<1x120x128xf32, #tpu.memory_space<hbm>> -> memref<120x128xf32, #tpu.memory_space<hbm>>
      %dma_start3A_42 = arith.constant 0 : i32
      %dma_start3A_43 = tpu.memref_slice %arg4[%arg0, %add3A_36, %dma_start3A_42] : memref<2x10112x128xf32, #tpu.memory_space<hbm>> -> memref<1x120x128xf32, #tpu.memory_space<hbm>>
      %dma_start3A_44 = tpu.memref_squeeze %dma_start3A_43 : memref<1x120x128xf32, #tpu.memory_space<hbm>> -> memref<120x128xf32, #tpu.memory_space<hbm>>
      %dma_start3A_45 = arith.constant 0 : i32
      %dma_start3A_46 = arith.constant 0 : i32
      %dma_start3A_47 = tpu.memref_slice %arg8[%dma_start3A_45, %dma_start3A_46] : memref<128x128xf32, #tpu.memory_space<vmem>> -> memref<120x128xf32, #tpu.memory_space<vmem>>
      tpu.enqueue_dma source(%dma_start3A_47 : memref<120x128xf32, #tpu.memory_space<vmem>>) target(%dma_start3A_44 : memref<120x128xf32, #tpu.memory_space<hbm>>) target_semaphore(%run_scoped3A : memref<!tpu.dma_semaphore, #tpu.memory_space<semaphore_mem>>)
      %dma_wait3A = arith.constant 0 : i32
      %dma_wait3A_48 = arith.constant 0 : i32
      %dma_wait3A_49 = tpu.memref_slice %arg8[%dma_wait3A, %dma_wait3A_48] : memref<128x128xf32, #tpu.memory_space<vmem>> -> memref<120x128xf32, #tpu.memory_space<vmem>>
      %dma_wait3A_50 = arith.constant 0 : i32
      %dma_wait3A_51 = tpu.memref_slice %arg4[%arg0, %add3A_36, %dma_wait3A_50] : memref<2x10112x128xf32, #tpu.memory_space<hbm>> -> memref<1x120x128xf32, #tpu.memory_space<hbm>>
      %dma_wait3A_52 = tpu.memref_squeeze %dma_wait3A_51 : memref<1x120x128xf32, #tpu.memory_space<hbm>> -> memref<120x128xf32, #tpu.memory_space<hbm>>
      %dma_wait3A_53 = arith.constant 0 : i32
      %dma_wait3A_54 = tpu.memref_slice %arg4[%arg0, %add3A_36, %dma_wait3A_53] : memref<2x10112x128xf32, #tpu.memory_space<hbm>> -> memref<1x120x128xf32, #tpu.memory_space<hbm>>
      %dma_wait3A_55 = tpu.memref_squeeze %dma_wait3A_54 : memref<1x120x128xf32, #tpu.memory_space<hbm>> -> memref<120x128xf32, #tpu.memory_space<hbm>>
      %dma_wait3A_56 = arith.constant 0 : i32
      %dma_wait3A_57 = arith.constant 0 : i32
      %dma_wait3A_58 = tpu.memref_slice %arg8[%dma_wait3A_56, %dma_wait3A_57] : memref<128x128xf32, #tpu.memory_space<vmem>> -> memref<120x128xf32, #tpu.memory_space<vmem>>
      tpu.wait_dma2 semaphore(%run_scoped3A : memref<!tpu.dma_semaphore, #tpu.memory_space<semaphore_mem>>) src(%dma_wait3A_58 : memref<120x128xf32, #tpu.memory_space<vmem>>) dst(%dma_wait3A_55 : memref<120x128xf32, #tpu.memory_space<hbm>>)
      tpu.yield
    }) : () -> ()
    return
  }
}

#map = affine_map<(d0, d1) -> (0, 0, 0)>
#map1 = affine_map<(d0, d1) -> (0, 0)>
module attributes {stable_mosaic.version = 14 : i64} {
  func.func @_sc_scatter_body(%arg0: i32, %arg1: i32, %arg2: memref<32x79x128xi32, #tpu.memory_space<hbm>>, %arg3: memref<40000x128xf32, #tpu.memory_space<hbm>>, %arg4: memref<2x10112x128xf32, #tpu.memory_space<hbm>>, %arg5: memref<128xi32, #tpu.memory_space<vmem>>, %arg6: memref<128xi32, #tpu.memory_space<vmem>>, %arg7: memref<128xi32, #tpu.memory_space<vmem>>, %arg8: memref<128x128xf32, #tpu.memory_space<vmem>>, %arg9: memref<10112x128xf32, #tpu.memory_space<vmem_shared>>, %arg10: memref<!tpu.dma_semaphore, #tpu.memory_space<semaphore_mem>>) attributes {dimension_semantics = [#tpu.dimension_semantics<core_parallel>, #tpu.dimension_semantics<subcore_parallel>], iteration_bounds = array<i64: 2, 16>, scalar_prefetch = 0 : i64, scratch_operands = 6 : i64, tpu.core_type = #tpu.core_type<sc_vector_subcore>, window_params = [{transform_indices = #map}, {transform_indices = #map1}, {transform_indices = #map}]} {
    %mul3A = arith.constant 16 : i32
    %mul3A_0 = arith.muli %arg0, %mul3A : i32
    %add3A = arith.addi %mul3A_0, %arg1 : i32
    %mul3A_1 = arith.constant 632 : i32
    %mul3A_2 = arith.muli %arg1, %mul3A_1 : i32
    %scan3A = arith.constant 0 : i32
    %scan3A_3 = arith.constant 0 : i32
    %scan3A_4 = arith.constant 128 : i32
    %scan3A_5 = arith.addi %scan3A_3, %scan3A_4 : i32
    %scan3A_6 = arith.constant 1 : i32
    %scan3A_7 = scf.for %scan3A_37 = %scan3A_3 to %scan3A_5 step %scan3A_6 iter_args(%scan3A_38 = %scan3A) -> (i32)  : i32 {
      %broadcast_in_dim3A = arith.constant 0.000000e+00 : f32
      %broadcast_in_dim3A_39 = vector.broadcast %broadcast_in_dim3A : f32 to vector<16xf32>
      %swap3A = arith.index_cast %scan3A_37 : i32 to index
      %swap3A_40 = arith.constant 0 : index
      %swap3A_41 = tpu.vector_load %arg8[%swap3A, %swap3A_40] {strides = array<i32>} : memref<128x128xf32, #tpu.memory_space<vmem>>, vector<1x16xf32>,
      %swap3A_42 = vector.shape_cast %swap3A_41 : vector<1x16xf32> to vector<16xf32>
      %swap3A_43 = vector.shape_cast %broadcast_in_dim3A_39 : vector<16xf32> to vector<1x16xf32>
      tpu.vector_store %arg8[%swap3A, %swap3A_40], %swap3A_43 {strides = array<i32>} : memref<128x128xf32, #tpu.memory_space<vmem>>, vector<1x16xf32>,
      %broadcast_in_dim3A_44 = arith.constant 0.000000e+00 : f32
      %broadcast_in_dim3A_45 = vector.broadcast %broadcast_in_dim3A_44 : f32 to vector<16xf32>
      %swap3A_46 = arith.index_cast %scan3A_37 : i32 to index
      %swap3A_47 = arith.constant 16 : index
      %swap3A_48 = tpu.vector_load %arg8[%swap3A_46, %swap3A_47] {strides = array<i32>} : memref<128x128xf32, #tpu.memory_space<vmem>>, vector<1x16xf32>,
      %swap3A_49 = vector.shape_cast %swap3A_48 : vector<1x16xf32> to vector<16xf32>
      %swap3A_50 = vector.shape_cast %broadcast_in_dim3A_45 : vector<16xf32> to vector<1x16xf32>
      tpu.vector_store %arg8[%swap3A_46, %swap3A_47], %swap3A_50 {strides = array<i32>} : memref<128x128xf32, #tpu.memory_space<vmem>>, vector<1x16xf32>,
      %broadcast_in_dim3A_51 = arith.constant 0.000000e+00 : f32
      %broadcast_in_dim3A_52 = vector.broadcast %broadcast_in_dim3A_51 : f32 to vector<16xf32>
      %swap3A_53 = arith.index_cast %scan3A_37 : i32 to index
      %swap3A_54 = arith.constant 32 : index
      %swap3A_55 = tpu.vector_load %arg8[%swap3A_53, %swap3A_54] {strides = array<i32>} : memref<128x128xf32, #tpu.memory_space<vmem>>, vector<1x16xf32>,
      %swap3A_56 = vector.shape_cast %swap3A_55 : vector<1x16xf32> to vector<16xf32>
      %swap3A_57 = vector.shape_cast %broadcast_in_dim3A_52 : vector<16xf32> to vector<1x16xf32>
      tpu.vector_store %arg8[%swap3A_53, %swap3A_54], %swap3A_57 {strides = array<i32>} : memref<128x128xf32, #tpu.memory_space<vmem>>, vector<1x16xf32>,
      %broadcast_in_dim3A_58 = arith.constant 0.000000e+00 : f32
      %broadcast_in_dim3A_59 = vector.broadcast %broadcast_in_dim3A_58 : f32 to vector<16xf32>
      %swap3A_60 = arith.index_cast %scan3A_37 : i32 to index
      %swap3A_61 = arith.constant 48 : index
      %swap3A_62 = tpu.vector_load %arg8[%swap3A_60, %swap3A_61] {strides = array<i32>} : memref<128x128xf32, #tpu.memory_space<vmem>>, vector<1x16xf32>,
      %swap3A_63 = vector.shape_cast %swap3A_62 : vector<1x16xf32> to vector<16xf32>
      %swap3A_64 = vector.shape_cast %broadcast_in_dim3A_59 : vector<16xf32> to vector<1x16xf32>
      tpu.vector_store %arg8[%swap3A_60, %swap3A_61], %swap3A_64 {strides = array<i32>} : memref<128x128xf32, #tpu.memory_space<vmem>>, vector<1x16xf32>,
      %broadcast_in_dim3A_65 = arith.constant 0.000000e+00 : f32
      %broadcast_in_dim3A_66 = vector.broadcast %broadcast_in_dim3A_65 : f32 to vector<16xf32>
      %swap3A_67 = arith.index_cast %scan3A_37 : i32 to index
      %swap3A_68 = arith.constant 64 : index
      %swap3A_69 = tpu.vector_load %arg8[%swap3A_67, %swap3A_68] {strides = array<i32>} : memref<128x128xf32, #tpu.memory_space<vmem>>, vector<1x16xf32>,
      %swap3A_70 = vector.shape_cast %swap3A_69 : vector<1x16xf32> to vector<16xf32>
      %swap3A_71 = vector.shape_cast %broadcast_in_dim3A_66 : vector<16xf32> to vector<1x16xf32>
      tpu.vector_store %arg8[%swap3A_67, %swap3A_68], %swap3A_71 {strides = array<i32>} : memref<128x128xf32, #tpu.memory_space<vmem>>, vector<1x16xf32>,
      %broadcast_in_dim3A_72 = arith.constant 0.000000e+00 : f32
      %broadcast_in_dim3A_73 = vector.broadcast %broadcast_in_dim3A_72 : f32 to vector<16xf32>
      %swap3A_74 = arith.index_cast %scan3A_37 : i32 to index
      %swap3A_75 = arith.constant 80 : index
      %swap3A_76 = tpu.vector_load %arg8[%swap3A_74, %swap3A_75] {strides = array<i32>} : memref<128x128xf32, #tpu.memory_space<vmem>>, vector<1x16xf32>,
      %swap3A_77 = vector.shape_cast %swap3A_76 : vector<1x16xf32> to vector<16xf32>
      %swap3A_78 = vector.shape_cast %broadcast_in_dim3A_73 : vector<16xf32> to vector<1x16xf32>
      tpu.vector_store %arg8[%swap3A_74, %swap3A_75], %swap3A_78 {strides = array<i32>} : memref<128x128xf32, #tpu.memory_space<vmem>>, vector<1x16xf32>,
      %broadcast_in_dim3A_79 = arith.constant 0.000000e+00 : f32
      %broadcast_in_dim3A_80 = vector.broadcast %broadcast_in_dim3A_79 : f32 to vector<16xf32>
      %swap3A_81 = arith.index_cast %scan3A_37 : i32 to index
      %swap3A_82 = arith.constant 96 : index
      %swap3A_83 = tpu.vector_load %arg8[%swap3A_81, %swap3A_82] {strides = array<i32>} : memref<128x128xf32, #tpu.memory_space<vmem>>, vector<1x16xf32>,
      %swap3A_84 = vector.shape_cast %swap3A_83 : vector<1x16xf32> to vector<16xf32>
      %swap3A_85 = vector.shape_cast %broadcast_in_dim3A_80 : vector<16xf32> to vector<1x16xf32>
      tpu.vector_store %arg8[%swap3A_81, %swap3A_82], %swap3A_85 {strides = array<i32>} : memref<128x128xf32, #tpu.memory_space<vmem>>, vector<1x16xf32>,
      %broadcast_in_dim3A_86 = arith.constant 0.000000e+00 : f32
      %broadcast_in_dim3A_87 = vector.broadcast %broadcast_in_dim3A_86 : f32 to vector<16xf32>
      %swap3A_88 = arith.index_cast %scan3A_37 : i32 to index
      %swap3A_89 = arith.constant 112 : index
      %swap3A_90 = tpu.vector_load %arg8[%swap3A_88, %swap3A_89] {strides = array<i32>} : memref<128x128xf32, #tpu.memory_space<vmem>>, vector<1x16xf32>,
      %swap3A_91 = vector.shape_cast %swap3A_90 : vector<1x16xf32> to vector<16xf32>
      %swap3A_92 = vector.shape_cast %broadcast_in_dim3A_87 : vector<16xf32> to vector<1x16xf32>
      tpu.vector_store %arg8[%swap3A_88, %swap3A_89], %swap3A_92 {strides = array<i32>} : memref<128x128xf32, #tpu.memory_space<vmem>>, vector<1x16xf32>,
      %scan3A_93 = arith.constant 0 : i32
      scf.yield %scan3A_93 : i32
    }
    %scan3A_8 = arith.constant 128 : i32
    %add3A_9 = arith.constant 0 : i32
    %add3A_10 = arith.addi %mul3A_2, %add3A_9 : i32
    "tpu.region"() ({
      %run_scoped3A = tpu.sem_alloc : memref<!tpu.dma_semaphore, #tpu.memory_space<semaphore_mem>>
      %dma_start3A = arith.constant 0 : i32
      %dma_start3A_37 = tpu.memref_slice %arg9[%add3A_10, %dma_start3A] : memref<10112x128xf32, #tpu.memory_space<vmem_shared>> -> memref<128x128xf32, #tpu.memory_space<vmem_shared>>
      %dma_start3A_38 = arith.constant 0 : i32
      %dma_start3A_39 = tpu.memref_slice %arg9[%add3A_10, %dma_start3A_38] : memref<10112x128xf32, #tpu.memory_space<vmem_shared>> -> memref<128x128xf32, #tpu.memory_space<vmem_shared>>
      tpu.enqueue_dma source(%arg8 : memref<128x128xf32, #tpu.memory_space<vmem>>) target(%dma_start3A_39 : memref<128x128xf32, #tpu.memory_space<vmem_shared>>) target_semaphore(%run_scoped3A : memref<!tpu.dma_semaphore, #tpu.memory_space<semaphore_mem>>)
      %dma_wait3A = arith.constant 0 : i32
      %dma_wait3A_40 = tpu.memref_slice %arg9[%add3A_10, %dma_wait3A] : memref<10112x128xf32, #tpu.memory_space<vmem_shared>> -> memref<128x128xf32, #tpu.memory_space<vmem_shared>>
      %dma_wait3A_41 = arith.constant 0 : i32
      %dma_wait3A_42 = tpu.memref_slice %arg9[%add3A_10, %dma_wait3A_41] : memref<10112x128xf32, #tpu.memory_space<vmem_shared>> -> memref<128x128xf32, #tpu.memory_space<vmem_shared>>
      tpu.wait_dma2 semaphore(%run_scoped3A : memref<!tpu.dma_semaphore, #tpu.memory_space<semaphore_mem>>) src(%arg8 : memref<128x128xf32, #tpu.memory_space<vmem>>) dst(%dma_wait3A_42 : memref<128x128xf32, #tpu.memory_space<vmem_shared>>)
      tpu.yield
    }) : () -> ()
    %add3A_11 = arith.constant 128 : i32
    %add3A_12 = arith.addi %mul3A_2, %add3A_11 : i32
    "tpu.region"() ({
      %run_scoped3A = tpu.sem_alloc : memref<!tpu.dma_semaphore, #tpu.memory_space<semaphore_mem>>
      %dma_start3A = arith.constant 0 : i32
      %dma_start3A_37 = tpu.memref_slice %arg9[%add3A_12, %dma_start3A] : memref<10112x128xf32, #tpu.memory_space<vmem_shared>> -> memref<128x128xf32, #tpu.memory_space<vmem_shared>>
      %dma_start3A_38 = arith.constant 0 : i32
      %dma_start3A_39 = tpu.memref_slice %arg9[%add3A_12, %dma_start3A_38] : memref<10112x128xf32, #tpu.memory_space<vmem_shared>> -> memref<128x128xf32, #tpu.memory_space<vmem_shared>>
      tpu.enqueue_dma source(%arg8 : memref<128x128xf32, #tpu.memory_space<vmem>>) target(%dma_start3A_39 : memref<128x128xf32, #tpu.memory_space<vmem_shared>>) target_semaphore(%run_scoped3A : memref<!tpu.dma_semaphore, #tpu.memory_space<semaphore_mem>>)
      %dma_wait3A = arith.constant 0 : i32
      %dma_wait3A_40 = tpu.memref_slice %arg9[%add3A_12, %dma_wait3A] : memref<10112x128xf32, #tpu.memory_space<vmem_shared>> -> memref<128x128xf32, #tpu.memory_space<vmem_shared>>
      %dma_wait3A_41 = arith.constant 0 : i32
      %dma_wait3A_42 = tpu.memref_slice %arg9[%add3A_12, %dma_wait3A_41] : memref<10112x128xf32, #tpu.memory_space<vmem_shared>> -> memref<128x128xf32, #tpu.memory_space<vmem_shared>>
      tpu.wait_dma2 semaphore(%run_scoped3A : memref<!tpu.dma_semaphore, #tpu.memory_space<semaphore_mem>>) src(%arg8 : memref<128x128xf32, #tpu.memory_space<vmem>>) dst(%dma_wait3A_42 : memref<128x128xf32, #tpu.memory_space<vmem_shared>>)
      tpu.yield
    }) : () -> ()
    %add3A_13 = arith.constant 256 : i32
    %add3A_14 = arith.addi %mul3A_2, %add3A_13 : i32
    "tpu.region"() ({
      %run_scoped3A = tpu.sem_alloc : memref<!tpu.dma_semaphore, #tpu.memory_space<semaphore_mem>>
      %dma_start3A = arith.constant 0 : i32
      %dma_start3A_37 = tpu.memref_slice %arg9[%add3A_14, %dma_start3A] : memref<10112x128xf32, #tpu.memory_space<vmem_shared>> -> memref<128x128xf32, #tpu.memory_space<vmem_shared>>
      %dma_start3A_38 = arith.constant 0 : i32
      %dma_start3A_39 = tpu.memref_slice %arg9[%add3A_14, %dma_start3A_38] : memref<10112x128xf32, #tpu.memory_space<vmem_shared>> -> memref<128x128xf32, #tpu.memory_space<vmem_shared>>
      tpu.enqueue_dma source(%arg8 : memref<128x128xf32, #tpu.memory_space<vmem>>) target(%dma_start3A_39 : memref<128x128xf32, #tpu.memory_space<vmem_shared>>) target_semaphore(%run_scoped3A : memref<!tpu.dma_semaphore, #tpu.memory_space<semaphore_mem>>)
      %dma_wait3A = arith.constant 0 : i32
      %dma_wait3A_40 = tpu.memref_slice %arg9[%add3A_14, %dma_wait3A] : memref<10112x128xf32, #tpu.memory_space<vmem_shared>> -> memref<128x128xf32, #tpu.memory_space<vmem_shared>>
      %dma_wait3A_41 = arith.constant 0 : i32
      %dma_wait3A_42 = tpu.memref_slice %arg9[%add3A_14, %dma_wait3A_41] : memref<10112x128xf32, #tpu.memory_space<vmem_shared>> -> memref<128x128xf32, #tpu.memory_space<vmem_shared>>
      tpu.wait_dma2 semaphore(%run_scoped3A : memref<!tpu.dma_semaphore, #tpu.memory_space<semaphore_mem>>) src(%arg8 : memref<128x128xf32, #tpu.memory_space<vmem>>) dst(%dma_wait3A_42 : memref<128x128xf32, #tpu.memory_space<vmem_shared>>)
      tpu.yield
    }) : () -> ()
    %add3A_15 = arith.constant 384 : i32
    %add3A_16 = arith.addi %mul3A_2, %add3A_15 : i32
    "tpu.region"() ({
      %run_scoped3A = tpu.sem_alloc : memref<!tpu.dma_semaphore, #tpu.memory_space<semaphore_mem>>
      %dma_start3A = arith.constant 0 : i32
      %dma_start3A_37 = tpu.memref_slice %arg9[%add3A_16, %dma_start3A] : memref<10112x128xf32, #tpu.memory_space<vmem_shared>> -> memref<128x128xf32, #tpu.memory_space<vmem_shared>>
      %dma_start3A_38 = arith.constant 0 : i32
      %dma_start3A_39 = tpu.memref_slice %arg9[%add3A_16, %dma_start3A_38] : memref<10112x128xf32, #tpu.memory_space<vmem_shared>> -> memref<128x128xf32, #tpu.memory_space<vmem_shared>>
      tpu.enqueue_dma source(%arg8 : memref<128x128xf32, #tpu.memory_space<vmem>>) target(%dma_start3A_39 : memref<128x128xf32, #tpu.memory_space<vmem_shared>>) target_semaphore(%run_scoped3A : memref<!tpu.dma_semaphore, #tpu.memory_space<semaphore_mem>>)
      %dma_wait3A = arith.constant 0 : i32
      %dma_wait3A_40 = tpu.memref_slice %arg9[%add3A_16, %dma_wait3A] : memref<10112x128xf32, #tpu.memory_space<vmem_shared>> -> memref<128x128xf32, #tpu.memory_space<vmem_shared>>
      %dma_wait3A_41 = arith.constant 0 : i32
      %dma_wait3A_42 = tpu.memref_slice %arg9[%add3A_16, %dma_wait3A_41] : memref<10112x128xf32, #tpu.memory_space<vmem_shared>> -> memref<128x128xf32, #tpu.memory_space<vmem_shared>>
      tpu.wait_dma2 semaphore(%run_scoped3A : memref<!tpu.dma_semaphore, #tpu.memory_space<semaphore_mem>>) src(%arg8 : memref<128x128xf32, #tpu.memory_space<vmem>>) dst(%dma_wait3A_42 : memref<128x128xf32, #tpu.memory_space<vmem_shared>>)
      tpu.yield
    }) : () -> ()
    %add3A_17 = arith.constant 512 : i32
    %add3A_18 = arith.addi %mul3A_2, %add3A_17 : i32
    "tpu.region"() ({
      %run_scoped3A = tpu.sem_alloc : memref<!tpu.dma_semaphore, #tpu.memory_space<semaphore_mem>>
      %dma_start3A = arith.constant 0 : i32
      %dma_start3A_37 = arith.constant 0 : i32
      %dma_start3A_38 = tpu.memref_slice %arg8[%dma_start3A, %dma_start3A_37] : memref<128x128xf32, #tpu.memory_space<vmem>> -> memref<120x128xf32, #tpu.memory_space<vmem>>
      %dma_start3A_39 = arith.constant 0 : i32
      %dma_start3A_40 = tpu.memref_slice %arg9[%add3A_18, %dma_start3A_39] : memref<10112x128xf32, #tpu.memory_space<vmem_shared>> -> memref<120x128xf32, #tpu.memory_space<vmem_shared>>
      %dma_start3A_41 = arith.constant 0 : i32
      %dma_start3A_42 = tpu.memref_slice %arg9[%add3A_18, %dma_start3A_41] : memref<10112x128xf32, #tpu.memory_space<vmem_shared>> -> memref<120x128xf32, #tpu.memory_space<vmem_shared>>
      %dma_start3A_43 = arith.constant 0 : i32
      %dma_start3A_44 = arith.constant 0 : i32
      %dma_start3A_45 = tpu.memref_slice %arg8[%dma_start3A_43, %dma_start3A_44] : memref<128x128xf32, #tpu.memory_space<vmem>> -> memref<120x128xf32, #tpu.memory_space<vmem>>
      tpu.enqueue_dma source(%dma_start3A_45 : memref<120x128xf32, #tpu.memory_space<vmem>>) target(%dma_start3A_42 : memref<120x128xf32, #tpu.memory_space<vmem_shared>>) target_semaphore(%run_scoped3A : memref<!tpu.dma_semaphore, #tpu.memory_space<semaphore_mem>>)
      %dma_wait3A = arith.constant 0 : i32
      %dma_wait3A_46 = arith.constant 0 : i32
      %dma_wait3A_47 = tpu.memref_slice %arg8[%dma_wait3A, %dma_wait3A_46] : memref<128x128xf32, #tpu.memory_space<vmem>> -> memref<120x128xf32, #tpu.memory_space<vmem>>
      %dma_wait3A_48 = arith.constant 0 : i32
      %dma_wait3A_49 = tpu.memref_slice %arg9[%add3A_18, %dma_wait3A_48] : memref<10112x128xf32, #tpu.memory_space<vmem_shared>> -> memref<120x128xf32, #tpu.memory_space<vmem_shared>>
      %dma_wait3A_50 = arith.constant 0 : i32
      %dma_wait3A_51 = tpu.memref_slice %arg9[%add3A_18, %dma_wait3A_50] : memref<10112x128xf32, #tpu.memory_space<vmem_shared>> -> memref<120x128xf32, #tpu.memory_space<vmem_shared>>
      %dma_wait3A_52 = arith.constant 0 : i32
      %dma_wait3A_53 = arith.constant 0 : i32
      %dma_wait3A_54 = tpu.memref_slice %arg8[%dma_wait3A_52, %dma_wait3A_53] : memref<128x128xf32, #tpu.memory_space<vmem>> -> memref<120x128xf32, #tpu.memory_space<vmem>>
      tpu.wait_dma2 semaphore(%run_scoped3A : memref<!tpu.dma_semaphore, #tpu.memory_space<semaphore_mem>>) src(%dma_wait3A_54 : memref<120x128xf32, #tpu.memory_space<vmem>>) dst(%dma_wait3A_51 : memref<120x128xf32, #tpu.memory_space<vmem_shared>>)
      tpu.yield
    }) : () -> ()
    %barrier3A = arith.constant 0 : index
    tpu.barrier barrier_id(%barrier3A)
    %scan3A_19 = arith.constant 0 : i32
    %scan3A_20 = arith.constant 0 : i32
    %scan3A_21 = arith.constant 79 : i32
    %scan3A_22 = arith.addi %scan3A_20, %scan3A_21 : i32
    %scan3A_23 = arith.constant 1 : i32
    %scan3A_24 = scf.for %scan3A_37 = %scan3A_20 to %scan3A_22 step %scan3A_23 iter_args(%scan3A_38 = %scan3A_19) -> (i32)  : i32 {
      "tpu.region"() ({
        %run_scoped3A = tpu.sem_alloc : memref<!tpu.dma_semaphore, #tpu.memory_space<semaphore_mem>>
        %dma_start3A_175 = arith.constant 0 : i32
        %dma_start3A_176 = tpu.memref_slice %arg2[%add3A, %scan3A_37, %dma_start3A_175] : memref<32x79x128xi32, #tpu.memory_space<hbm>> -> memref<1x1x128xi32, #tpu.memory_space<hbm>>
        %dma_start3A_177 = tpu.memref_squeeze %dma_start3A_176 : memref<1x1x128xi32, #tpu.memory_space<hbm>> -> memref<128xi32, #tpu.memory_space<hbm>>
        %dma_start3A_178 = arith.constant 0 : i32
        %dma_start3A_179 = tpu.memref_slice %arg2[%add3A, %scan3A_37, %dma_start3A_178] : memref<32x79x128xi32, #tpu.memory_space<hbm>> -> memref<1x1x128xi32, #tpu.memory_space<hbm>>
        %dma_start3A_180 = tpu.memref_squeeze %dma_start3A_179 : memref<1x1x128xi32, #tpu.memory_space<hbm>> -> memref<128xi32, #tpu.memory_space<hbm>>
        tpu.enqueue_dma source(%dma_start3A_180 : memref<128xi32, #tpu.memory_space<hbm>>) target(%arg5 : memref<128xi32, #tpu.memory_space<vmem>>) target_semaphore(%run_scoped3A : memref<!tpu.dma_semaphore, #tpu.memory_space<semaphore_mem>>)
        %dma_wait3A_181 = arith.constant 0 : i32
        %dma_wait3A_182 = tpu.memref_slice %arg2[%add3A, %scan3A_37, %dma_wait3A_181] : memref<32x79x128xi32, #tpu.memory_space<hbm>> -> memref<1x1x128xi32, #tpu.memory_space<hbm>>
        %dma_wait3A_183 = tpu.memref_squeeze %dma_wait3A_182 : memref<1x1x128xi32, #tpu.memory_space<hbm>> -> memref<128xi32, #tpu.memory_space<hbm>>
        %dma_wait3A_184 = arith.constant 0 : i32
        %dma_wait3A_185 = tpu.memref_slice %arg2[%add3A, %scan3A_37, %dma_wait3A_184] : memref<32x79x128xi32, #tpu.memory_space<hbm>> -> memref<1x1x128xi32, #tpu.memory_space<hbm>>
        %dma_wait3A_186 = tpu.memref_squeeze %dma_wait3A_185 : memref<1x1x128xi32, #tpu.memory_space<hbm>> -> memref<128xi32, #tpu.memory_space<hbm>>
        tpu.wait_dma2 semaphore(%run_scoped3A : memref<!tpu.dma_semaphore, #tpu.memory_space<semaphore_mem>>) src(%dma_wait3A_186 : memref<128xi32, #tpu.memory_space<hbm>>) dst(%arg5 : memref<128xi32, #tpu.memory_space<vmem>>)
        tpu.yield
      }) : () -> ()
      %get3A = arith.constant 0 : index
      %get3A_39 = tpu.vector_load %arg5[%get3A] {strides = array<i32>} : memref<128xi32, #tpu.memory_space<vmem>>, vector<16xi32>,
      %get3A_40 = vector.shape_cast %get3A_39 : vector<16xi32> to vector<16xi32>
      %shift_right_logical3A = arith.constant 16 : i32
      %shift_right_logical3A_41 = vector.broadcast %shift_right_logical3A : i32 to vector<16xi32>
      %shift_right_logical3A_42 = arith.shrui %get3A_40, %shift_right_logical3A_41 : vector<16xi32>
      %swap3A = arith.constant 0 : index
      %swap3A_43 = tpu.vector_load %arg7[%swap3A] {strides = array<i32>} : memref<128xi32, #tpu.memory_space<vmem>>, vector<16xi32>,
      %swap3A_44 = vector.shape_cast %swap3A_43 : vector<16xi32> to vector<16xi32>
      %swap3A_45 = vector.shape_cast %shift_right_logical3A_42 : vector<16xi32> to vector<16xi32>
      tpu.vector_store %arg7[%swap3A], %swap3A_45 {strides = array<i32>} : memref<128xi32, #tpu.memory_space<vmem>>, vector<16xi32>,
      %broadcast_in_dim3A = arith.constant 65535 : i32
      %broadcast_in_dim3A_46 = vector.broadcast %broadcast_in_dim3A : i32 to vector<16xi32>
      %and3A = arith.andi %get3A_40, %broadcast_in_dim3A_46 : vector<16xi32>
      %swap3A_47 = arith.constant 0 : index
      %swap3A_48 = tpu.vector_load %arg6[%swap3A_47] {strides = array<i32>} : memref<128xi32, #tpu.memory_space<vmem>>, vector<16xi32>,
      %swap3A_49 = vector.shape_cast %swap3A_48 : vector<16xi32> to vector<16xi32>
      %swap3A_50 = vector.shape_cast %and3A : vector<16xi32> to vector<16xi32>
      tpu.vector_store %arg6[%swap3A_47], %swap3A_50 {strides = array<i32>} : memref<128xi32, #tpu.memory_space<vmem>>, vector<16xi32>,
      %get3A_51 = arith.constant 16 : index
      %get3A_52 = tpu.vector_load %arg5[%get3A_51] {strides = array<i32>} : memref<128xi32, #tpu.memory_space<vmem>>, vector<16xi32>,
      %get3A_53 = vector.shape_cast %get3A_52 : vector<16xi32> to vector<16xi32>
      %shift_right_logical3A_54 = arith.constant 16 : i32
      %shift_right_logical3A_55 = vector.broadcast %shift_right_logical3A_54 : i32 to vector<16xi32>
      %shift_right_logical3A_56 = arith.shrui %get3A_53, %shift_right_logical3A_55 : vector<16xi32>
      %swap3A_57 = arith.constant 16 : index
      %swap3A_58 = tpu.vector_load %arg7[%swap3A_57] {strides = array<i32>} : memref<128xi32, #tpu.memory_space<vmem>>, vector<16xi32>,
      %swap3A_59 = vector.shape_cast %swap3A_58 : vector<16xi32> to vector<16xi32>
      %swap3A_60 = vector.shape_cast %shift_right_logical3A_56 : vector<16xi32> to vector<16xi32>
      tpu.vector_store %arg7[%swap3A_57], %swap3A_60 {strides = array<i32>} : memref<128xi32, #tpu.memory_space<vmem>>, vector<16xi32>,
      %broadcast_in_dim3A_61 = arith.constant 65535 : i32
      %broadcast_in_dim3A_62 = vector.broadcast %broadcast_in_dim3A_61 : i32 to vector<16xi32>
      %and3A_63 = arith.andi %get3A_53, %broadcast_in_dim3A_62 : vector<16xi32>
      %swap3A_64 = arith.constant 16 : index
      %swap3A_65 = tpu.vector_load %arg6[%swap3A_64] {strides = array<i32>} : memref<128xi32, #tpu.memory_space<vmem>>, vector<16xi32>,
      %swap3A_66 = vector.shape_cast %swap3A_65 : vector<16xi32> to vector<16xi32>
      %swap3A_67 = vector.shape_cast %and3A_63 : vector<16xi32> to vector<16xi32>
      tpu.vector_store %arg6[%swap3A_64], %swap3A_67 {strides = array<i32>} : memref<128xi32, #tpu.memory_space<vmem>>, vector<16xi32>,
      %get3A_68 = arith.constant 32 : index
      %get3A_69 = tpu.vector_load %arg5[%get3A_68] {strides = array<i32>} : memref<128xi32, #tpu.memory_space<vmem>>, vector<16xi32>,
      %get3A_70 = vector.shape_cast %get3A_69 : vector<16xi32> to vector<16xi32>
      %shift_right_logical3A_71 = arith.constant 16 : i32
      %shift_right_logical3A_72 = vector.broadcast %shift_right_logical3A_71 : i32 to vector<16xi32>
      %shift_right_logical3A_73 = arith.shrui %get3A_70, %shift_right_logical3A_72 : vector<16xi32>
      %swap3A_74 = arith.constant 32 : index
      %swap3A_75 = tpu.vector_load %arg7[%swap3A_74] {strides = array<i32>} : memref<128xi32, #tpu.memory_space<vmem>>, vector<16xi32>,
      %swap3A_76 = vector.shape_cast %swap3A_75 : vector<16xi32> to vector<16xi32>
      %swap3A_77 = vector.shape_cast %shift_right_logical3A_73 : vector<16xi32> to vector<16xi32>
      tpu.vector_store %arg7[%swap3A_74], %swap3A_77 {strides = array<i32>} : memref<128xi32, #tpu.memory_space<vmem>>, vector<16xi32>,
      %broadcast_in_dim3A_78 = arith.constant 65535 : i32
      %broadcast_in_dim3A_79 = vector.broadcast %broadcast_in_dim3A_78 : i32 to vector<16xi32>
      %and3A_80 = arith.andi %get3A_70, %broadcast_in_dim3A_79 : vector<16xi32>
      %swap3A_81 = arith.constant 32 : index
      %swap3A_82 = tpu.vector_load %arg6[%swap3A_81] {strides = array<i32>} : memref<128xi32, #tpu.memory_space<vmem>>, vector<16xi32>,
      %swap3A_83 = vector.shape_cast %swap3A_82 : vector<16xi32> to vector<16xi32>
      %swap3A_84 = vector.shape_cast %and3A_80 : vector<16xi32> to vector<16xi32>
      tpu.vector_store %arg6[%swap3A_81], %swap3A_84 {strides = array<i32>} : memref<128xi32, #tpu.memory_space<vmem>>, vector<16xi32>,
      %get3A_85 = arith.constant 48 : index
      %get3A_86 = tpu.vector_load %arg5[%get3A_85] {strides = array<i32>} : memref<128xi32, #tpu.memory_space<vmem>>, vector<16xi32>,
      %get3A_87 = vector.shape_cast %get3A_86 : vector<16xi32> to vector<16xi32>
      %shift_right_logical3A_88 = arith.constant 16 : i32
      %shift_right_logical3A_89 = vector.broadcast %shift_right_logical3A_88 : i32 to vector<16xi32>
      %shift_right_logical3A_90 = arith.shrui %get3A_87, %shift_right_logical3A_89 : vector<16xi32>
      %swap3A_91 = arith.constant 48 : index
      %swap3A_92 = tpu.vector_load %arg7[%swap3A_91] {strides = array<i32>} : memref<128xi32, #tpu.memory_space<vmem>>, vector<16xi32>,
      %swap3A_93 = vector.shape_cast %swap3A_92 : vector<16xi32> to vector<16xi32>
      %swap3A_94 = vector.shape_cast %shift_right_logical3A_90 : vector<16xi32> to vector<16xi32>
      tpu.vector_store %arg7[%swap3A_91], %swap3A_94 {strides = array<i32>} : memref<128xi32, #tpu.memory_space<vmem>>, vector<16xi32>,
      %broadcast_in_dim3A_95 = arith.constant 65535 : i32
      %broadcast_in_dim3A_96 = vector.broadcast %broadcast_in_dim3A_95 : i32 to vector<16xi32>
      %and3A_97 = arith.andi %get3A_87, %broadcast_in_dim3A_96 : vector<16xi32>
      %swap3A_98 = arith.constant 48 : index
      %swap3A_99 = tpu.vector_load %arg6[%swap3A_98] {strides = array<i32>} : memref<128xi32, #tpu.memory_space<vmem>>, vector<16xi32>,
      %swap3A_100 = vector.shape_cast %swap3A_99 : vector<16xi32> to vector<16xi32>
      %swap3A_101 = vector.shape_cast %and3A_97 : vector<16xi32> to vector<16xi32>
      tpu.vector_store %arg6[%swap3A_98], %swap3A_101 {strides = array<i32>} : memref<128xi32, #tpu.memory_space<vmem>>, vector<16xi32>,
      %get3A_102 = arith.constant 64 : index
      %get3A_103 = tpu.vector_load %arg5[%get3A_102] {strides = array<i32>} : memref<128xi32, #tpu.memory_space<vmem>>, vector<16xi32>,
      %get3A_104 = vector.shape_cast %get3A_103 : vector<16xi32> to vector<16xi32>
      %shift_right_logical3A_105 = arith.constant 16 : i32
      %shift_right_logical3A_106 = vector.broadcast %shift_right_logical3A_105 : i32 to vector<16xi32>
      %shift_right_logical3A_107 = arith.shrui %get3A_104, %shift_right_logical3A_106 : vector<16xi32>
      %swap3A_108 = arith.constant 64 : index
      %swap3A_109 = tpu.vector_load %arg7[%swap3A_108] {strides = array<i32>} : memref<128xi32, #tpu.memory_space<vmem>>, vector<16xi32>,
      %swap3A_110 = vector.shape_cast %swap3A_109 : vector<16xi32> to vector<16xi32>
      %swap3A_111 = vector.shape_cast %shift_right_logical3A_107 : vector<16xi32> to vector<16xi32>
      tpu.vector_store %arg7[%swap3A_108], %swap3A_111 {strides = array<i32>} : memref<128xi32, #tpu.memory_space<vmem>>, vector<16xi32>,
      %broadcast_in_dim3A_112 = arith.constant 65535 : i32
      %broadcast_in_dim3A_113 = vector.broadcast %broadcast_in_dim3A_112 : i32 to vector<16xi32>
      %and3A_114 = arith.andi %get3A_104, %broadcast_in_dim3A_113 : vector<16xi32>
      %swap3A_115 = arith.constant 64 : index
      %swap3A_116 = tpu.vector_load %arg6[%swap3A_115] {strides = array<i32>} : memref<128xi32, #tpu.memory_space<vmem>>, vector<16xi32>,
      %swap3A_117 = vector.shape_cast %swap3A_116 : vector<16xi32> to vector<16xi32>
      %swap3A_118 = vector.shape_cast %and3A_114 : vector<16xi32> to vector<16xi32>
      tpu.vector_store %arg6[%swap3A_115], %swap3A_118 {strides = array<i32>} : memref<128xi32, #tpu.memory_space<vmem>>, vector<16xi32>,
      %get3A_119 = arith.constant 80 : index
      %get3A_120 = tpu.vector_load %arg5[%get3A_119] {strides = array<i32>} : memref<128xi32, #tpu.memory_space<vmem>>, vector<16xi32>,
      %get3A_121 = vector.shape_cast %get3A_120 : vector<16xi32> to vector<16xi32>
      %shift_right_logical3A_122 = arith.constant 16 : i32
      %shift_right_logical3A_123 = vector.broadcast %shift_right_logical3A_122 : i32 to vector<16xi32>
      %shift_right_logical3A_124 = arith.shrui %get3A_121, %shift_right_logical3A_123 : vector<16xi32>
      %swap3A_125 = arith.constant 80 : index
      %swap3A_126 = tpu.vector_load %arg7[%swap3A_125] {strides = array<i32>} : memref<128xi32, #tpu.memory_space<vmem>>, vector<16xi32>,
      %swap3A_127 = vector.shape_cast %swap3A_126 : vector<16xi32> to vector<16xi32>
      %swap3A_128 = vector.shape_cast %shift_right_logical3A_124 : vector<16xi32> to vector<16xi32>
      tpu.vector_store %arg7[%swap3A_125], %swap3A_128 {strides = array<i32>} : memref<128xi32, #tpu.memory_space<vmem>>, vector<16xi32>,
      %broadcast_in_dim3A_129 = arith.constant 65535 : i32
      %broadcast_in_dim3A_130 = vector.broadcast %broadcast_in_dim3A_129 : i32 to vector<16xi32>
      %and3A_131 = arith.andi %get3A_121, %broadcast_in_dim3A_130 : vector<16xi32>
      %swap3A_132 = arith.constant 80 : index
      %swap3A_133 = tpu.vector_load %arg6[%swap3A_132] {strides = array<i32>} : memref<128xi32, #tpu.memory_space<vmem>>, vector<16xi32>,
      %swap3A_134 = vector.shape_cast %swap3A_133 : vector<16xi32> to vector<16xi32>
      %swap3A_135 = vector.shape_cast %and3A_131 : vector<16xi32> to vector<16xi32>
      tpu.vector_store %arg6[%swap3A_132], %swap3A_135 {strides = array<i32>} : memref<128xi32, #tpu.memory_space<vmem>>, vector<16xi32>,
      %get3A_136 = arith.constant 96 : index
      %get3A_137 = tpu.vector_load %arg5[%get3A_136] {strides = array<i32>} : memref<128xi32, #tpu.memory_space<vmem>>, vector<16xi32>,
      %get3A_138 = vector.shape_cast %get3A_137 : vector<16xi32> to vector<16xi32>
      %shift_right_logical3A_139 = arith.constant 16 : i32
      %shift_right_logical3A_140 = vector.broadcast %shift_right_logical3A_139 : i32 to vector<16xi32>
      %shift_right_logical3A_141 = arith.shrui %get3A_138, %shift_right_logical3A_140 : vector<16xi32>
      %swap3A_142 = arith.constant 96 : index
      %swap3A_143 = tpu.vector_load %arg7[%swap3A_142] {strides = array<i32>} : memref<128xi32, #tpu.memory_space<vmem>>, vector<16xi32>,
      %swap3A_144 = vector.shape_cast %swap3A_143 : vector<16xi32> to vector<16xi32>
      %swap3A_145 = vector.shape_cast %shift_right_logical3A_141 : vector<16xi32> to vector<16xi32>
      tpu.vector_store %arg7[%swap3A_142], %swap3A_145 {strides = array<i32>} : memref<128xi32, #tpu.memory_space<vmem>>, vector<16xi32>,
      %broadcast_in_dim3A_146 = arith.constant 65535 : i32
      %broadcast_in_dim3A_147 = vector.broadcast %broadcast_in_dim3A_146 : i32 to vector<16xi32>
      %and3A_148 = arith.andi %get3A_138, %broadcast_in_dim3A_147 : vector<16xi32>
      %swap3A_149 = arith.constant 96 : index
      %swap3A_150 = tpu.vector_load %arg6[%swap3A_149] {strides = array<i32>} : memref<128xi32, #tpu.memory_space<vmem>>, vector<16xi32>,
      %swap3A_151 = vector.shape_cast %swap3A_150 : vector<16xi32> to vector<16xi32>
      %swap3A_152 = vector.shape_cast %and3A_148 : vector<16xi32> to vector<16xi32>
      tpu.vector_store %arg6[%swap3A_149], %swap3A_152 {strides = array<i32>} : memref<128xi32, #tpu.memory_space<vmem>>, vector<16xi32>,
      %get3A_153 = arith.constant 112 : index
      %get3A_154 = tpu.vector_load %arg5[%get3A_153] {strides = array<i32>} : memref<128xi32, #tpu.memory_space<vmem>>, vector<16xi32>,
      %get3A_155 = vector.shape_cast %get3A_154 : vector<16xi32> to vector<16xi32>
      %shift_right_logical3A_156 = arith.constant 16 : i32
      %shift_right_logical3A_157 = vector.broadcast %shift_right_logical3A_156 : i32 to vector<16xi32>
      %shift_right_logical3A_158 = arith.shrui %get3A_155, %shift_right_logical3A_157 : vector<16xi32>
      %swap3A_159 = arith.constant 112 : index
      %swap3A_160 = tpu.vector_load %arg7[%swap3A_159] {strides = array<i32>} : memref<128xi32, #tpu.memory_space<vmem>>, vector<16xi32>,
      %swap3A_161 = vector.shape_cast %swap3A_160 : vector<16xi32> to vector<16xi32>
      %swap3A_162 = vector.shape_cast %shift_right_logical3A_158 : vector<16xi32> to vector<16xi32>
      tpu.vector_store %arg7[%swap3A_159], %swap3A_162 {strides = array<i32>} : memref<128xi32, #tpu.memory_space<vmem>>, vector<16xi32>,
      %broadcast_in_dim3A_163 = arith.constant 65535 : i32
      %broadcast_in_dim3A_164 = vector.broadcast %broadcast_in_dim3A_163 : i32 to vector<16xi32>
      %and3A_165 = arith.andi %get3A_155, %broadcast_in_dim3A_164 : vector<16xi32>
      %swap3A_166 = arith.constant 112 : index
      %swap3A_167 = tpu.vector_load %arg6[%swap3A_166] {strides = array<i32>} : memref<128xi32, #tpu.memory_space<vmem>>, vector<16xi32>,
      %swap3A_168 = vector.shape_cast %swap3A_167 : vector<16xi32> to vector<16xi32>
      %swap3A_169 = vector.shape_cast %and3A_165 : vector<16xi32> to vector<16xi32>
      tpu.vector_store %arg6[%swap3A_166], %swap3A_169 {strides = array<i32>} : memref<128xi32, #tpu.memory_space<vmem>>, vector<16xi32>,
      %dma_start3A = arith.constant 0 : i32
      %dma_start3A_170 = arith.constant 0 : i32
      %dma_start3A_171 = tpu.memref_slice %arg3[%dma_start3A, %dma_start3A_170] : memref<40000x128xf32, #tpu.memory_space<hbm>> -> memref<40000x128xf32, #tpu.memory_space<hbm>>
      tpu.enqueue_indirect_dma source(%dma_start3A_171 : memref<40000x128xf32, #tpu.memory_space<hbm>>) target(%arg8 : memref<128x128xf32, #tpu.memory_space<vmem>>) offsets(%arg6 : memref<128xi32, #tpu.memory_space<vmem>>) semaphore(%arg10 : memref<!tpu.dma_semaphore, #tpu.memory_space<semaphore_mem>>)
      %dma_wait3A = arith.constant 0 : i32
      %dma_wait3A_172 = arith.constant 0 : i32
      %dma_wait3A_173 = tpu.memref_slice %arg3[%dma_wait3A, %dma_wait3A_172] : memref<40000x128xf32, #tpu.memory_space<hbm>> -> memref<40000x128xf32, #tpu.memory_space<hbm>>
      tpu.wait_indirect_dma semaphore(%arg10 : memref<!tpu.dma_semaphore, #tpu.memory_space<semaphore_mem>>) src(%dma_wait3A_173 : memref<40000x128xf32, #tpu.memory_space<hbm>>) dst(%arg8 : memref<128x128xf32, #tpu.memory_space<vmem>>)
      "tpu.region"() ({
        %run_scoped3A = tpu.sem_alloc : memref<!tpu.dma_semaphore, #tpu.memory_space<semaphore_mem>>
        %dma_start3A_175 = arith.constant 0 : i32
        %dma_start3A_176 = arith.constant 0 : i32
        %dma_start3A_177 = tpu.memref_slice %arg9[%dma_start3A_175, %dma_start3A_176] : memref<10112x128xf32, #tpu.memory_space<vmem_shared>> -> memref<10112x128xf32, #tpu.memory_space<vmem_shared>>
        tpu.enqueue_indirect_dma source(%arg8 : memref<128x128xf32, #tpu.memory_space<vmem>>) target(%dma_start3A_177 : memref<10112x128xf32, #tpu.memory_space<vmem_shared>>) offsets(%arg7 : memref<128xi32, #tpu.memory_space<vmem>>) semaphore(%run_scoped3A : memref<!tpu.dma_semaphore, #tpu.memory_space<semaphore_mem>>) {add = true}
        %dma_wait3A_178 = arith.constant 0 : i32
        %dma_wait3A_179 = arith.constant 0 : i32
        %dma_wait3A_180 = tpu.memref_slice %arg9[%dma_wait3A_178, %dma_wait3A_179] : memref<10112x128xf32, #tpu.memory_space<vmem_shared>> -> memref<10112x128xf32, #tpu.memory_space<vmem_shared>>
        tpu.wait_indirect_dma semaphore(%run_scoped3A : memref<!tpu.dma_semaphore, #tpu.memory_space<semaphore_mem>>) src(%arg8 : memref<128x128xf32, #tpu.memory_space<vmem>>) dst(%dma_wait3A_180 : memref<10112x128xf32, #tpu.memory_space<vmem_shared>>)
        tpu.yield
      }) : () -> ()
      %scan3A_174 = arith.constant 0 : i32
      scf.yield %scan3A_174 : i32
    }
    %scan3A_25 = arith.constant 79 : i32
    %barrier3A_26 = arith.constant 0 : index
    tpu.barrier barrier_id(%barrier3A_26)
    %add3A_27 = arith.constant 0 : i32
    %add3A_28 = arith.addi %mul3A_2, %add3A_27 : i32
    "tpu.region"() ({
      %run_scoped3A = tpu.sem_alloc : memref<!tpu.dma_semaphore, #tpu.memory_space<semaphore_mem>>
      %dma_start3A = arith.constant 0 : i32
      %dma_start3A_37 = tpu.memref_slice %arg9[%add3A_28, %dma_start3A] : memref<10112x128xf32, #tpu.memory_space<vmem_shared>> -> memref<128x128xf32, #tpu.memory_space<vmem_shared>>
      %dma_start3A_38 = arith.constant 0 : i32
      %dma_start3A_39 = tpu.memref_slice %arg9[%add3A_28, %dma_start3A_38] : memref<10112x128xf32, #tpu.memory_space<vmem_shared>> -> memref<128x128xf32, #tpu.memory_space<vmem_shared>>
      tpu.enqueue_dma source(%dma_start3A_39 : memref<128x128xf32, #tpu.memory_space<vmem_shared>>) target(%arg8 : memref<128x128xf32, #tpu.memory_space<vmem>>) target_semaphore(%run_scoped3A : memref<!tpu.dma_semaphore, #tpu.memory_space<semaphore_mem>>)
      %dma_wait3A = arith.constant 0 : i32
      %dma_wait3A_40 = tpu.memref_slice %arg9[%add3A_28, %dma_wait3A] : memref<10112x128xf32, #tpu.memory_space<vmem_shared>> -> memref<128x128xf32, #tpu.memory_space<vmem_shared>>
      %dma_wait3A_41 = arith.constant 0 : i32
      %dma_wait3A_42 = tpu.memref_slice %arg9[%add3A_28, %dma_wait3A_41] : memref<10112x128xf32, #tpu.memory_space<vmem_shared>> -> memref<128x128xf32, #tpu.memory_space<vmem_shared>>
      tpu.wait_dma2 semaphore(%run_scoped3A : memref<!tpu.dma_semaphore, #tpu.memory_space<semaphore_mem>>) src(%dma_wait3A_42 : memref<128x128xf32, #tpu.memory_space<vmem_shared>>) dst(%arg8 : memref<128x128xf32, #tpu.memory_space<vmem>>)
      tpu.yield
    }) : () -> ()
    "tpu.region"() ({
      %run_scoped3A = tpu.sem_alloc : memref<!tpu.dma_semaphore, #tpu.memory_space<semaphore_mem>>
      %dma_start3A = arith.constant 0 : i32
      %dma_start3A_37 = tpu.memref_slice %arg4[%arg0, %add3A_28, %dma_start3A] : memref<2x10112x128xf32, #tpu.memory_space<hbm>> -> memref<1x128x128xf32, #tpu.memory_space<hbm>>
      %dma_start3A_38 = tpu.memref_squeeze %dma_start3A_37 : memref<1x128x128xf32, #tpu.memory_space<hbm>> -> memref<128x128xf32, #tpu.memory_space<hbm>>
      %dma_start3A_39 = arith.constant 0 : i32
      %dma_start3A_40 = tpu.memref_slice %arg4[%arg0, %add3A_28, %dma_start3A_39] : memref<2x10112x128xf32, #tpu.memory_space<hbm>> -> memref<1x128x128xf32, #tpu.memory_space<hbm>>
      %dma_start3A_41 = tpu.memref_squeeze %dma_start3A_40 : memref<1x128x128xf32, #tpu.memory_space<hbm>> -> memref<128x128xf32, #tpu.memory_space<hbm>>
      tpu.enqueue_dma source(%arg8 : memref<128x128xf32, #tpu.memory_space<vmem>>) target(%dma_start3A_41 : memref<128x128xf32, #tpu.memory_space<hbm>>) target_semaphore(%run_scoped3A : memref<!tpu.dma_semaphore, #tpu.memory_space<semaphore_mem>>)
      %dma_wait3A = arith.constant 0 : i32
      %dma_wait3A_42 = tpu.memref_slice %arg4[%arg0, %add3A_28, %dma_wait3A] : memref<2x10112x128xf32, #tpu.memory_space<hbm>> -> memref<1x128x128xf32, #tpu.memory_space<hbm>>
      %dma_wait3A_43 = tpu.memref_squeeze %dma_wait3A_42 : memref<1x128x128xf32, #tpu.memory_space<hbm>> -> memref<128x128xf32, #tpu.memory_space<hbm>>
      %dma_wait3A_44 = arith.constant 0 : i32
      %dma_wait3A_45 = tpu.memref_slice %arg4[%arg0, %add3A_28, %dma_wait3A_44] : memref<2x10112x128xf32, #tpu.memory_space<hbm>> -> memref<1x128x128xf32, #tpu.memory_space<hbm>>
      %dma_wait3A_46 = tpu.memref_squeeze %dma_wait3A_45 : memref<1x128x128xf32, #tpu.memory_space<hbm>> -> memref<128x128xf32, #tpu.memory_space<hbm>>
      tpu.wait_dma2 semaphore(%run_scoped3A : memref<!tpu.dma_semaphore, #tpu.memory_space<semaphore_mem>>) src(%arg8 : memref<128x128xf32, #tpu.memory_space<vmem>>) dst(%dma_wait3A_46 : memref<128x128xf32, #tpu.memory_space<hbm>>)
      tpu.yield
    }) : () -> ()
    %add3A_29 = arith.constant 128 : i32
    %add3A_30 = arith.addi %mul3A_2, %add3A_29 : i32
    "tpu.region"() ({
      %run_scoped3A = tpu.sem_alloc : memref<!tpu.dma_semaphore, #tpu.memory_space<semaphore_mem>>
      %dma_start3A = arith.constant 0 : i32
      %dma_start3A_37 = tpu.memref_slice %arg9[%add3A_30, %dma_start3A] : memref<10112x128xf32, #tpu.memory_space<vmem_shared>> -> memref<128x128xf32, #tpu.memory_space<vmem_shared>>
      %dma_start3A_38 = arith.constant 0 : i32
      %dma_start3A_39 = tpu.memref_slice %arg9[%add3A_30, %dma_start3A_38] : memref<10112x128xf32, #tpu.memory_space<vmem_shared>> -> memref<128x128xf32, #tpu.memory_space<vmem_shared>>
      tpu.enqueue_dma source(%dma_start3A_39 : memref<128x128xf32, #tpu.memory_space<vmem_shared>>) target(%arg8 : memref<128x128xf32, #tpu.memory_space<vmem>>) target_semaphore(%run_scoped3A : memref<!tpu.dma_semaphore, #tpu.memory_space<semaphore_mem>>)
      %dma_wait3A = arith.constant 0 : i32
      %dma_wait3A_40 = tpu.memref_slice %arg9[%add3A_30, %dma_wait3A] : memref<10112x128xf32, #tpu.memory_space<vmem_shared>> -> memref<128x128xf32, #tpu.memory_space<vmem_shared>>
      %dma_wait3A_41 = arith.constant 0 : i32
      %dma_wait3A_42 = tpu.memref_slice %arg9[%add3A_30, %dma_wait3A_41] : memref<10112x128xf32, #tpu.memory_space<vmem_shared>> -> memref<128x128xf32, #tpu.memory_space<vmem_shared>>
      tpu.wait_dma2 semaphore(%run_scoped3A : memref<!tpu.dma_semaphore, #tpu.memory_space<semaphore_mem>>) src(%dma_wait3A_42 : memref<128x128xf32, #tpu.memory_space<vmem_shared>>) dst(%arg8 : memref<128x128xf32, #tpu.memory_space<vmem>>)
      tpu.yield
    }) : () -> ()
    "tpu.region"() ({
      %run_scoped3A = tpu.sem_alloc : memref<!tpu.dma_semaphore, #tpu.memory_space<semaphore_mem>>
      %dma_start3A = arith.constant 0 : i32
      %dma_start3A_37 = tpu.memref_slice %arg4[%arg0, %add3A_30, %dma_start3A] : memref<2x10112x128xf32, #tpu.memory_space<hbm>> -> memref<1x128x128xf32, #tpu.memory_space<hbm>>
      %dma_start3A_38 = tpu.memref_squeeze %dma_start3A_37 : memref<1x128x128xf32, #tpu.memory_space<hbm>> -> memref<128x128xf32, #tpu.memory_space<hbm>>
      %dma_start3A_39 = arith.constant 0 : i32
      %dma_start3A_40 = tpu.memref_slice %arg4[%arg0, %add3A_30, %dma_start3A_39] : memref<2x10112x128xf32, #tpu.memory_space<hbm>> -> memref<1x128x128xf32, #tpu.memory_space<hbm>>
      %dma_start3A_41 = tpu.memref_squeeze %dma_start3A_40 : memref<1x128x128xf32, #tpu.memory_space<hbm>> -> memref<128x128xf32, #tpu.memory_space<hbm>>
      tpu.enqueue_dma source(%arg8 : memref<128x128xf32, #tpu.memory_space<vmem>>) target(%dma_start3A_41 : memref<128x128xf32, #tpu.memory_space<hbm>>) target_semaphore(%run_scoped3A : memref<!tpu.dma_semaphore, #tpu.memory_space<semaphore_mem>>)
      %dma_wait3A = arith.constant 0 : i32
      %dma_wait3A_42 = tpu.memref_slice %arg4[%arg0, %add3A_30, %dma_wait3A] : memref<2x10112x128xf32, #tpu.memory_space<hbm>> -> memref<1x128x128xf32, #tpu.memory_space<hbm>>
      %dma_wait3A_43 = tpu.memref_squeeze %dma_wait3A_42 : memref<1x128x128xf32, #tpu.memory_space<hbm>> -> memref<128x128xf32, #tpu.memory_space<hbm>>
      %dma_wait3A_44 = arith.constant 0 : i32
      %dma_wait3A_45 = tpu.memref_slice %arg4[%arg0, %add3A_30, %dma_wait3A_44] : memref<2x10112x128xf32, #tpu.memory_space<hbm>> -> memref<1x128x128xf32, #tpu.memory_space<hbm>>
      %dma_wait3A_46 = tpu.memref_squeeze %dma_wait3A_45 : memref<1x128x128xf32, #tpu.memory_space<hbm>> -> memref<128x128xf32, #tpu.memory_space<hbm>>
      tpu.wait_dma2 semaphore(%run_scoped3A : memref<!tpu.dma_semaphore, #tpu.memory_space<semaphore_mem>>) src(%arg8 : memref<128x128xf32, #tpu.memory_space<vmem>>) dst(%dma_wait3A_46 : memref<128x128xf32, #tpu.memory_space<hbm>>)
      tpu.yield
    }) : () -> ()
    %add3A_31 = arith.constant 256 : i32
    %add3A_32 = arith.addi %mul3A_2, %add3A_31 : i32
    "tpu.region"() ({
      %run_scoped3A = tpu.sem_alloc : memref<!tpu.dma_semaphore, #tpu.memory_space<semaphore_mem>>
      %dma_start3A = arith.constant 0 : i32
      %dma_start3A_37 = tpu.memref_slice %arg9[%add3A_32, %dma_start3A] : memref<10112x128xf32, #tpu.memory_space<vmem_shared>> -> memref<128x128xf32, #tpu.memory_space<vmem_shared>>
      %dma_start3A_38 = arith.constant 0 : i32
      %dma_start3A_39 = tpu.memref_slice %arg9[%add3A_32, %dma_start3A_38] : memref<10112x128xf32, #tpu.memory_space<vmem_shared>> -> memref<128x128xf32, #tpu.memory_space<vmem_shared>>
      tpu.enqueue_dma source(%dma_start3A_39 : memref<128x128xf32, #tpu.memory_space<vmem_shared>>) target(%arg8 : memref<128x128xf32, #tpu.memory_space<vmem>>) target_semaphore(%run_scoped3A : memref<!tpu.dma_semaphore, #tpu.memory_space<semaphore_mem>>)
      %dma_wait3A = arith.constant 0 : i32
      %dma_wait3A_40 = tpu.memref_slice %arg9[%add3A_32, %dma_wait3A] : memref<10112x128xf32, #tpu.memory_space<vmem_shared>> -> memref<128x128xf32, #tpu.memory_space<vmem_shared>>
      %dma_wait3A_41 = arith.constant 0 : i32
      %dma_wait3A_42 = tpu.memref_slice %arg9[%add3A_32, %dma_wait3A_41] : memref<10112x128xf32, #tpu.memory_space<vmem_shared>> -> memref<128x128xf32, #tpu.memory_space<vmem_shared>>
      tpu.wait_dma2 semaphore(%run_scoped3A : memref<!tpu.dma_semaphore, #tpu.memory_space<semaphore_mem>>) src(%dma_wait3A_42 : memref<128x128xf32, #tpu.memory_space<vmem_shared>>) dst(%arg8 : memref<128x128xf32, #tpu.memory_space<vmem>>)
      tpu.yield
    }) : () -> ()
    "tpu.region"() ({
      %run_scoped3A = tpu.sem_alloc : memref<!tpu.dma_semaphore, #tpu.memory_space<semaphore_mem>>
      %dma_start3A = arith.constant 0 : i32
      %dma_start3A_37 = tpu.memref_slice %arg4[%arg0, %add3A_32, %dma_start3A] : memref<2x10112x128xf32, #tpu.memory_space<hbm>> -> memref<1x128x128xf32, #tpu.memory_space<hbm>>
      %dma_start3A_38 = tpu.memref_squeeze %dma_start3A_37 : memref<1x128x128xf32, #tpu.memory_space<hbm>> -> memref<128x128xf32, #tpu.memory_space<hbm>>
      %dma_start3A_39 = arith.constant 0 : i32
      %dma_start3A_40 = tpu.memref_slice %arg4[%arg0, %add3A_32, %dma_start3A_39] : memref<2x10112x128xf32, #tpu.memory_space<hbm>> -> memref<1x128x128xf32, #tpu.memory_space<hbm>>
      %dma_start3A_41 = tpu.memref_squeeze %dma_start3A_40 : memref<1x128x128xf32, #tpu.memory_space<hbm>> -> memref<128x128xf32, #tpu.memory_space<hbm>>
      tpu.enqueue_dma source(%arg8 : memref<128x128xf32, #tpu.memory_space<vmem>>) target(%dma_start3A_41 : memref<128x128xf32, #tpu.memory_space<hbm>>) target_semaphore(%run_scoped3A : memref<!tpu.dma_semaphore, #tpu.memory_space<semaphore_mem>>)
      %dma_wait3A = arith.constant 0 : i32
      %dma_wait3A_42 = tpu.memref_slice %arg4[%arg0, %add3A_32, %dma_wait3A] : memref<2x10112x128xf32, #tpu.memory_space<hbm>> -> memref<1x128x128xf32, #tpu.memory_space<hbm>>
      %dma_wait3A_43 = tpu.memref_squeeze %dma_wait3A_42 : memref<1x128x128xf32, #tpu.memory_space<hbm>> -> memref<128x128xf32, #tpu.memory_space<hbm>>
      %dma_wait3A_44 = arith.constant 0 : i32
      %dma_wait3A_45 = tpu.memref_slice %arg4[%arg0, %add3A_32, %dma_wait3A_44] : memref<2x10112x128xf32, #tpu.memory_space<hbm>> -> memref<1x128x128xf32, #tpu.memory_space<hbm>>
      %dma_wait3A_46 = tpu.memref_squeeze %dma_wait3A_45 : memref<1x128x128xf32, #tpu.memory_space<hbm>> -> memref<128x128xf32, #tpu.memory_space<hbm>>
      tpu.wait_dma2 semaphore(%run_scoped3A : memref<!tpu.dma_semaphore, #tpu.memory_space<semaphore_mem>>) src(%arg8 : memref<128x128xf32, #tpu.memory_space<vmem>>) dst(%dma_wait3A_46 : memref<128x128xf32, #tpu.memory_space<hbm>>)
      tpu.yield
    }) : () -> ()
    %add3A_33 = arith.constant 384 : i32
    %add3A_34 = arith.addi %mul3A_2, %add3A_33 : i32
    "tpu.region"() ({
      %run_scoped3A = tpu.sem_alloc : memref<!tpu.dma_semaphore, #tpu.memory_space<semaphore_mem>>
      %dma_start3A = arith.constant 0 : i32
      %dma_start3A_37 = tpu.memref_slice %arg9[%add3A_34, %dma_start3A] : memref<10112x128xf32, #tpu.memory_space<vmem_shared>> -> memref<128x128xf32, #tpu.memory_space<vmem_shared>>
      %dma_start3A_38 = arith.constant 0 : i32
      %dma_start3A_39 = tpu.memref_slice %arg9[%add3A_34, %dma_start3A_38] : memref<10112x128xf32, #tpu.memory_space<vmem_shared>> -> memref<128x128xf32, #tpu.memory_space<vmem_shared>>
      tpu.enqueue_dma source(%dma_start3A_39 : memref<128x128xf32, #tpu.memory_space<vmem_shared>>) target(%arg8 : memref<128x128xf32, #tpu.memory_space<vmem>>) target_semaphore(%run_scoped3A : memref<!tpu.dma_semaphore, #tpu.memory_space<semaphore_mem>>)
      %dma_wait3A = arith.constant 0 : i32
      %dma_wait3A_40 = tpu.memref_slice %arg9[%add3A_34, %dma_wait3A] : memref<10112x128xf32, #tpu.memory_space<vmem_shared>> -> memref<128x128xf32, #tpu.memory_space<vmem_shared>>
      %dma_wait3A_41 = arith.constant 0 : i32
      %dma_wait3A_42 = tpu.memref_slice %arg9[%add3A_34, %dma_wait3A_41] : memref<10112x128xf32, #tpu.memory_space<vmem_shared>> -> memref<128x128xf32, #tpu.memory_space<vmem_shared>>
      tpu.wait_dma2 semaphore(%run_scoped3A : memref<!tpu.dma_semaphore, #tpu.memory_space<semaphore_mem>>) src(%dma_wait3A_42 : memref<128x128xf32, #tpu.memory_space<vmem_shared>>) dst(%arg8 : memref<128x128xf32, #tpu.memory_space<vmem>>)
      tpu.yield
    }) : () -> ()
    "tpu.region"() ({
      %run_scoped3A = tpu.sem_alloc : memref<!tpu.dma_semaphore, #tpu.memory_space<semaphore_mem>>
      %dma_start3A = arith.constant 0 : i32
      %dma_start3A_37 = tpu.memref_slice %arg4[%arg0, %add3A_34, %dma_start3A] : memref<2x10112x128xf32, #tpu.memory_space<hbm>> -> memref<1x128x128xf32, #tpu.memory_space<hbm>>
      %dma_start3A_38 = tpu.memref_squeeze %dma_start3A_37 : memref<1x128x128xf32, #tpu.memory_space<hbm>> -> memref<128x128xf32, #tpu.memory_space<hbm>>
      %dma_start3A_39 = arith.constant 0 : i32
      %dma_start3A_40 = tpu.memref_slice %arg4[%arg0, %add3A_34, %dma_start3A_39] : memref<2x10112x128xf32, #tpu.memory_space<hbm>> -> memref<1x128x128xf32, #tpu.memory_space<hbm>>
      %dma_start3A_41 = tpu.memref_squeeze %dma_start3A_40 : memref<1x128x128xf32, #tpu.memory_space<hbm>> -> memref<128x128xf32, #tpu.memory_space<hbm>>
      tpu.enqueue_dma source(%arg8 : memref<128x128xf32, #tpu.memory_space<vmem>>) target(%dma_start3A_41 : memref<128x128xf32, #tpu.memory_space<hbm>>) target_semaphore(%run_scoped3A : memref<!tpu.dma_semaphore, #tpu.memory_space<semaphore_mem>>)
      %dma_wait3A = arith.constant 0 : i32
      %dma_wait3A_42 = tpu.memref_slice %arg4[%arg0, %add3A_34, %dma_wait3A] : memref<2x10112x128xf32, #tpu.memory_space<hbm>> -> memref<1x128x128xf32, #tpu.memory_space<hbm>>
      %dma_wait3A_43 = tpu.memref_squeeze %dma_wait3A_42 : memref<1x128x128xf32, #tpu.memory_space<hbm>> -> memref<128x128xf32, #tpu.memory_space<hbm>>
      %dma_wait3A_44 = arith.constant 0 : i32
      %dma_wait3A_45 = tpu.memref_slice %arg4[%arg0, %add3A_34, %dma_wait3A_44] : memref<2x10112x128xf32, #tpu.memory_space<hbm>> -> memref<1x128x128xf32, #tpu.memory_space<hbm>>
      %dma_wait3A_46 = tpu.memref_squeeze %dma_wait3A_45 : memref<1x128x128xf32, #tpu.memory_space<hbm>> -> memref<128x128xf32, #tpu.memory_space<hbm>>
      tpu.wait_dma2 semaphore(%run_scoped3A : memref<!tpu.dma_semaphore, #tpu.memory_space<semaphore_mem>>) src(%arg8 : memref<128x128xf32, #tpu.memory_space<vmem>>) dst(%dma_wait3A_46 : memref<128x128xf32, #tpu.memory_space<hbm>>)
      tpu.yield
    }) : () -> ()
    %add3A_35 = arith.constant 512 : i32
    %add3A_36 = arith.addi %mul3A_2, %add3A_35 : i32
    "tpu.region"() ({
      %run_scoped3A = tpu.sem_alloc : memref<!tpu.dma_semaphore, #tpu.memory_space<semaphore_mem>>
      %dma_start3A = arith.constant 0 : i32
      %dma_start3A_37 = arith.constant 0 : i32
      %dma_start3A_38 = tpu.memref_slice %arg8[%dma_start3A, %dma_start3A_37] : memref<128x128xf32, #tpu.memory_space<vmem>> -> memref<120x128xf32, #tpu.memory_space<vmem>>
      %dma_start3A_39 = arith.constant 0 : i32
      %dma_start3A_40 = tpu.memref_slice %arg9[%add3A_36, %dma_start3A_39] : memref<10112x128xf32, #tpu.memory_space<vmem_shared>> -> memref<120x128xf32, #tpu.memory_space<vmem_shared>>
      %dma_start3A_41 = arith.constant 0 : i32
      %dma_start3A_42 = arith.constant 0 : i32
      %dma_start3A_43 = tpu.memref_slice %arg8[%dma_start3A_41, %dma_start3A_42] : memref<128x128xf32, #tpu.memory_space<vmem>> -> memref<120x128xf32, #tpu.memory_space<vmem>>
      %dma_start3A_44 = arith.constant 0 : i32
      %dma_start3A_45 = tpu.memref_slice %arg9[%add3A_36, %dma_start3A_44] : memref<10112x128xf32, #tpu.memory_space<vmem_shared>> -> memref<120x128xf32, #tpu.memory_space<vmem_shared>>
      tpu.enqueue_dma source(%dma_start3A_45 : memref<120x128xf32, #tpu.memory_space<vmem_shared>>) target(%dma_start3A_43 : memref<120x128xf32, #tpu.memory_space<vmem>>) target_semaphore(%run_scoped3A : memref<!tpu.dma_semaphore, #tpu.memory_space<semaphore_mem>>)
      %dma_wait3A = arith.constant 0 : i32
      %dma_wait3A_46 = arith.constant 0 : i32
      %dma_wait3A_47 = tpu.memref_slice %arg8[%dma_wait3A, %dma_wait3A_46] : memref<128x128xf32, #tpu.memory_space<vmem>> -> memref<120x128xf32, #tpu.memory_space<vmem>>
      %dma_wait3A_48 = arith.constant 0 : i32
      %dma_wait3A_49 = tpu.memref_slice %arg9[%add3A_36, %dma_wait3A_48] : memref<10112x128xf32, #tpu.memory_space<vmem_shared>> -> memref<120x128xf32, #tpu.memory_space<vmem_shared>>
      %dma_wait3A_50 = arith.constant 0 : i32
      %dma_wait3A_51 = arith.constant 0 : i32
      %dma_wait3A_52 = tpu.memref_slice %arg8[%dma_wait3A_50, %dma_wait3A_51] : memref<128x128xf32, #tpu.memory_space<vmem>> -> memref<120x128xf32, #tpu.memory_space<vmem>>
      %dma_wait3A_53 = arith.constant 0 : i32
      %dma_wait3A_54 = tpu.memref_slice %arg9[%add3A_36, %dma_wait3A_53] : memref<10112x128xf32, #tpu.memory_space<vmem_shared>> -> memref<120x128xf32, #tpu.memory_space<vmem_shared>>
      tpu.wait_dma2 semaphore(%run_scoped3A : memref<!tpu.dma_semaphore, #tpu.memory_space<semaphore_mem>>) src(%dma_wait3A_54 : memref<120x128xf32, #tpu.memory_space<vmem_shared>>) dst(%dma_wait3A_52 : memref<120x128xf32, #tpu.memory_space<vmem>>)
      tpu.yield
    }) : () -> ()
    "tpu.region"() ({
      %run_scoped3A = tpu.sem_alloc : memref<!tpu.dma_semaphore, #tpu.memory_space<semaphore_mem>>
      %dma_start3A = arith.constant 0 : i32
      %dma_start3A_37 = arith.constant 0 : i32
      %dma_start3A_38 = tpu.memref_slice %arg8[%dma_start3A, %dma_start3A_37] : memref<128x128xf32, #tpu.memory_space<vmem>> -> memref<120x128xf32, #tpu.memory_space<vmem>>
      %dma_start3A_39 = arith.constant 0 : i32
      %dma_start3A_40 = tpu.memref_slice %arg4[%arg0, %add3A_36, %dma_start3A_39] : memref<2x10112x128xf32, #tpu.memory_space<hbm>> -> memref<1x120x128xf32, #tpu.memory_space<hbm>>
      %dma_start3A_41 = tpu.memref_squeeze %dma_start3A_40 : memref<1x120x128xf32, #tpu.memory_space<hbm>> -> memref<120x128xf32, #tpu.memory_space<hbm>>
      %dma_start3A_42 = arith.constant 0 : i32
      %dma_start3A_43 = tpu.memref_slice %arg4[%arg0, %add3A_36, %dma_start3A_42] : memref<2x10112x128xf32, #tpu.memory_space<hbm>> -> memref<1x120x128xf32, #tpu.memory_space<hbm>>
      %dma_start3A_44 = tpu.memref_squeeze %dma_start3A_43 : memref<1x120x128xf32, #tpu.memory_space<hbm>> -> memref<120x128xf32, #tpu.memory_space<hbm>>
      %dma_start3A_45 = arith.constant 0 : i32
      %dma_start3A_46 = arith.constant 0 : i32
      %dma_start3A_47 = tpu.memref_slice %arg8[%dma_start3A_45, %dma_start3A_46] : memref<128x128xf32, #tpu.memory_space<vmem>> -> memref<120x128xf32, #tpu.memory_space<vmem>>
      tpu.enqueue_dma source(%dma_start3A_47 : memref<120x128xf32, #tpu.memory_space<vmem>>) target(%dma_start3A_44 : memref<120x128xf32, #tpu.memory_space<hbm>>) target_semaphore(%run_scoped3A : memref<!tpu.dma_semaphore, #tpu.memory_space<semaphore_mem>>)
      %dma_wait3A = arith.constant 0 : i32
      %dma_wait3A_48 = arith.constant 0 : i32
      %dma_wait3A_49 = tpu.memref_slice %arg8[%dma_wait3A, %dma_wait3A_48] : memref<128x128xf32, #tpu.memory_space<vmem>> -> memref<120x128xf32, #tpu.memory_space<vmem>>
      %dma_wait3A_50 = arith.constant 0 : i32
      %dma_wait3A_51 = tpu.memref_slice %arg4[%arg0, %add3A_36, %dma_wait3A_50] : memref<2x10112x128xf32, #tpu.memory_space<hbm>> -> memref<1x120x128xf32, #tpu.memory_space<hbm>>
      %dma_wait3A_52 = tpu.memref_squeeze %dma_wait3A_51 : memref<1x120x128xf32, #tpu.memory_space<hbm>> -> memref<120x128xf32, #tpu.memory_space<hbm>>
      %dma_wait3A_53 = arith.constant 0 : i32
      %dma_wait3A_54 = tpu.memref_slice %arg4[%arg0, %add3A_36, %dma_wait3A_53] : memref<2x10112x128xf32, #tpu.memory_space<hbm>> -> memref<1x120x128xf32, #tpu.memory_space<hbm>>
      %dma_wait3A_55 = tpu.memref_squeeze %dma_wait3A_54 : memref<1x120x128xf32, #tpu.memory_space<hbm>> -> memref<120x128xf32, #tpu.memory_space<hbm>>
      %dma_wait3A_56 = arith.constant 0 : i32
      %dma_wait3A_57 = arith.constant 0 : i32
      %dma_wait3A_58 = tpu.memref_slice %arg8[%dma_wait3A_56, %dma_wait3A_57] : memref<128x128xf32, #tpu.memory_space<vmem>> -> memref<120x128xf32, #tpu.memory_space<vmem>>
      tpu.wait_dma2 semaphore(%run_scoped3A : memref<!tpu.dma_semaphore, #tpu.memory_space<semaphore_mem>>) src(%dma_wait3A_58 : memref<120x128xf32, #tpu.memory_space<vmem>>) dst(%dma_wait3A_55 : memref<120x128xf32, #tpu.memory_space<hbm>>)
      tpu.yield
    }) : () -> ()
    return
  }
}

module attributes {stable_mosaic.version = 14 : i64} {
  func.func @_table_body(%arg0: i32, %arg1: memref<400x128xf32, #tpu.memory_space<vmem>>, %arg2: memref<8x128x128xf32, #tpu.memory_space<vmem>>, %arg3: memref<4x8xf32, #tpu.memory_space<vmem>>, %arg4: memref<400x512xf32, #tpu.memory_space<vmem>>) attributes {dimension_semantics = [#tpu.dimension_semantics<arbitrary>], iteration_bounds = array<i64: 25>, scalar_prefetch = 0 : i64, scratch_operands = 0 : i64, tpu.core_type = #tpu.core_type<tc>, window_params = [{transform_indices = @transform_0, window_bounds = array<i64: 400, 128>}, {pipeline_mode = #tpu.pipeline_mode<synchronous>, transform_indices = @transform_1, window_bounds = array<i64: 8, 128, 128>}, {pipeline_mode = #tpu.pipeline_mode<synchronous>, transform_indices = @transform_2, window_bounds = array<i64: 4, 8>}, {transform_indices = @transform_3, window_bounds = array<i64: 400, 512>}]} {
    %get3A = arith.constant 0 : index
    %get3A_0 = arith.constant 0 : index
    %get3A_1 = vector.load %arg1[%get3A, %get3A_0] : memref<400x128xf32, #tpu.memory_space<vmem>>, vector<400x128xf32>
    %get3A_2 = arith.constant 0 : index
    %get3A_3 = arith.constant 0 : index
    %get3A_4 = vector.load %arg3[%get3A_2, %get3A_3] : memref<4x8xf32, #tpu.memory_space<vmem>>, vector<4x8xf32>
    %convert_element_type3A = arith.truncf %get3A_4 : vector<4x8xf32> to vector<4x8xbf16>
    %convert_element_type3A_5 = arith.extf %convert_element_type3A : vector<4x8xbf16> to vector<4x8xf32>
    %get3A_6 = arith.constant 0 : index
    %get3A_7 = arith.constant 0 : index
    %get3A_8 = arith.constant 0 : index
    %get3A_9 = vector.load %arg2[%get3A_6, %get3A_7, %get3A_8] : memref<8x128x128xf32, #tpu.memory_space<vmem>>, vector<1x128x128xf32>
    %get3A_10 = vector.shape_cast %get3A_9 : vector<1x128x128xf32> to vector<128x128xf32>
    %convert_element_type3A_11 = arith.truncf %get3A_10 : vector<128x128xf32> to vector<128x128xbf16>
    %convert_element_type3A_12 = arith.extf %convert_element_type3A_11 : vector<128x128xbf16> to vector<128x128xf32>
    %slice3A = vector.extract_strided_slice %convert_element_type3A_5 {offsets = [0, 0], sizes = [1, 1], strides = [1, 1]} : vector<4x8xf32> to vector<1x1xf32>
    %squeeze3A = vector.extract %slice3A[0, 0] : f32 from vector<1x1xf32>
    %mul3A = vector.broadcast %squeeze3A : f32 to vector<128x128xf32>
    %mul3A_13 = arith.mulf %mul3A, %convert_element_type3A_12 : vector<128x128xf32>
    %get3A_14 = arith.constant 1 : index
    %get3A_15 = arith.constant 0 : index
    %get3A_16 = arith.constant 0 : index
    %get3A_17 = vector.load %arg2[%get3A_14, %get3A_15, %get3A_16] : memref<8x128x128xf32, #tpu.memory_space<vmem>>, vector<1x128x128xf32>
    %get3A_18 = vector.shape_cast %get3A_17 : vector<1x128x128xf32> to vector<128x128xf32>
    %convert_element_type3A_19 = arith.truncf %get3A_18 : vector<128x128xf32> to vector<128x128xbf16>
    %convert_element_type3A_20 = arith.extf %convert_element_type3A_19 : vector<128x128xbf16> to vector<128x128xf32>
    %slice3A_21 = vector.extract_strided_slice %convert_element_type3A_5 {offsets = [0, 1], sizes = [1, 1], strides = [1, 1]} : vector<4x8xf32> to vector<1x1xf32>
    %squeeze3A_22 = vector.extract %slice3A_21[0, 0] : f32 from vector<1x1xf32>
    %mul3A_23 = vector.broadcast %squeeze3A_22 : f32 to vector<128x128xf32>
    %mul3A_24 = arith.mulf %mul3A_23, %convert_element_type3A_20 : vector<128x128xf32>
    %add3A = arith.addf %mul3A_13, %mul3A_24 : vector<128x128xf32>
    %get3A_25 = arith.constant 2 : index
    %get3A_26 = arith.constant 0 : index
    %get3A_27 = arith.constant 0 : index
    %get3A_28 = vector.load %arg2[%get3A_25, %get3A_26, %get3A_27] : memref<8x128x128xf32, #tpu.memory_space<vmem>>, vector<1x128x128xf32>
    %get3A_29 = vector.shape_cast %get3A_28 : vector<1x128x128xf32> to vector<128x128xf32>
    %convert_element_type3A_30 = arith.truncf %get3A_29 : vector<128x128xf32> to vector<128x128xbf16>
    %convert_element_type3A_31 = arith.extf %convert_element_type3A_30 : vector<128x128xbf16> to vector<128x128xf32>
    %slice3A_32 = vector.extract_strided_slice %convert_element_type3A_5 {offsets = [0, 2], sizes = [1, 1], strides = [1, 1]} : vector<4x8xf32> to vector<1x1xf32>
    %squeeze3A_33 = vector.extract %slice3A_32[0, 0] : f32 from vector<1x1xf32>
    %mul3A_34 = vector.broadcast %squeeze3A_33 : f32 to vector<128x128xf32>
    %mul3A_35 = arith.mulf %mul3A_34, %convert_element_type3A_31 : vector<128x128xf32>
    %add3A_36 = arith.addf %add3A, %mul3A_35 : vector<128x128xf32>
    %get3A_37 = arith.constant 3 : index
    %get3A_38 = arith.constant 0 : index
    %get3A_39 = arith.constant 0 : index
    %get3A_40 = vector.load %arg2[%get3A_37, %get3A_38, %get3A_39] : memref<8x128x128xf32, #tpu.memory_space<vmem>>, vector<1x128x128xf32>
    %get3A_41 = vector.shape_cast %get3A_40 : vector<1x128x128xf32> to vector<128x128xf32>
    %convert_element_type3A_42 = arith.truncf %get3A_41 : vector<128x128xf32> to vector<128x128xbf16>
    %convert_element_type3A_43 = arith.extf %convert_element_type3A_42 : vector<128x128xbf16> to vector<128x128xf32>
    %slice3A_44 = vector.extract_strided_slice %convert_element_type3A_5 {offsets = [0, 3], sizes = [1, 1], strides = [1, 1]} : vector<4x8xf32> to vector<1x1xf32>
    %squeeze3A_45 = vector.extract %slice3A_44[0, 0] : f32 from vector<1x1xf32>
    %mul3A_46 = vector.broadcast %squeeze3A_45 : f32 to vector<128x128xf32>
    %mul3A_47 = arith.mulf %mul3A_46, %convert_element_type3A_43 : vector<128x128xf32>
    %add3A_48 = arith.addf %add3A_36, %mul3A_47 : vector<128x128xf32>
    %get3A_49 = arith.constant 4 : index
    %get3A_50 = arith.constant 0 : index
    %get3A_51 = arith.constant 0 : index
    %get3A_52 = vector.load %arg2[%get3A_49, %get3A_50, %get3A_51] : memref<8x128x128xf32, #tpu.memory_space<vmem>>, vector<1x128x128xf32>
    %get3A_53 = vector.shape_cast %get3A_52 : vector<1x128x128xf32> to vector<128x128xf32>
    %convert_element_type3A_54 = arith.truncf %get3A_53 : vector<128x128xf32> to vector<128x128xbf16>
    %convert_element_type3A_55 = arith.extf %convert_element_type3A_54 : vector<128x128xbf16> to vector<128x128xf32>
    %slice3A_56 = vector.extract_strided_slice %convert_element_type3A_5 {offsets = [0, 4], sizes = [1, 1], strides = [1, 1]} : vector<4x8xf32> to vector<1x1xf32>
    %squeeze3A_57 = vector.extract %slice3A_56[0, 0] : f32 from vector<1x1xf32>
    %mul3A_58 = vector.broadcast %squeeze3A_57 : f32 to vector<128x128xf32>
    %mul3A_59 = arith.mulf %mul3A_58, %convert_element_type3A_55 : vector<128x128xf32>
    %add3A_60 = arith.addf %add3A_48, %mul3A_59 : vector<128x128xf32>
    %get3A_61 = arith.constant 5 : index
    %get3A_62 = arith.constant 0 : index
    %get3A_63 = arith.constant 0 : index
    %get3A_64 = vector.load %arg2[%get3A_61, %get3A_62, %get3A_63] : memref<8x128x128xf32, #tpu.memory_space<vmem>>, vector<1x128x128xf32>
    %get3A_65 = vector.shape_cast %get3A_64 : vector<1x128x128xf32> to vector<128x128xf32>
    %convert_element_type3A_66 = arith.truncf %get3A_65 : vector<128x128xf32> to vector<128x128xbf16>
    %convert_element_type3A_67 = arith.extf %convert_element_type3A_66 : vector<128x128xbf16> to vector<128x128xf32>
    %slice3A_68 = vector.extract_strided_slice %convert_element_type3A_5 {offsets = [0, 5], sizes = [1, 1], strides = [1, 1]} : vector<4x8xf32> to vector<1x1xf32>
    %squeeze3A_69 = vector.extract %slice3A_68[0, 0] : f32 from vector<1x1xf32>
    %mul3A_70 = vector.broadcast %squeeze3A_69 : f32 to vector<128x128xf32>
    %mul3A_71 = arith.mulf %mul3A_70, %convert_element_type3A_67 : vector<128x128xf32>
    %add3A_72 = arith.addf %add3A_60, %mul3A_71 : vector<128x128xf32>
    %get3A_73 = arith.constant 6 : index
    %get3A_74 = arith.constant 0 : index
    %get3A_75 = arith.constant 0 : index
    %get3A_76 = vector.load %arg2[%get3A_73, %get3A_74, %get3A_75] : memref<8x128x128xf32, #tpu.memory_space<vmem>>, vector<1x128x128xf32>
    %get3A_77 = vector.shape_cast %get3A_76 : vector<1x128x128xf32> to vector<128x128xf32>
    %convert_element_type3A_78 = arith.truncf %get3A_77 : vector<128x128xf32> to vector<128x128xbf16>
    %convert_element_type3A_79 = arith.extf %convert_element_type3A_78 : vector<128x128xbf16> to vector<128x128xf32>
    %slice3A_80 = vector.extract_strided_slice %convert_element_type3A_5 {offsets = [0, 6], sizes = [1, 1], strides = [1, 1]} : vector<4x8xf32> to vector<1x1xf32>
    %squeeze3A_81 = vector.extract %slice3A_80[0, 0] : f32 from vector<1x1xf32>
    %mul3A_82 = vector.broadcast %squeeze3A_81 : f32 to vector<128x128xf32>
    %mul3A_83 = arith.mulf %mul3A_82, %convert_element_type3A_79 : vector<128x128xf32>
    %add3A_84 = arith.addf %add3A_72, %mul3A_83 : vector<128x128xf32>
    %get3A_85 = arith.constant 7 : index
    %get3A_86 = arith.constant 0 : index
    %get3A_87 = arith.constant 0 : index
    %get3A_88 = vector.load %arg2[%get3A_85, %get3A_86, %get3A_87] : memref<8x128x128xf32, #tpu.memory_space<vmem>>, vector<1x128x128xf32>
    %get3A_89 = vector.shape_cast %get3A_88 : vector<1x128x128xf32> to vector<128x128xf32>
    %convert_element_type3A_90 = arith.truncf %get3A_89 : vector<128x128xf32> to vector<128x128xbf16>
    %convert_element_type3A_91 = arith.extf %convert_element_type3A_90 : vector<128x128xbf16> to vector<128x128xf32>
    %slice3A_92 = vector.extract_strided_slice %convert_element_type3A_5 {offsets = [0, 7], sizes = [1, 1], strides = [1, 1]} : vector<4x8xf32> to vector<1x1xf32>
    %squeeze3A_93 = vector.extract %slice3A_92[0, 0] : f32 from vector<1x1xf32>
    %mul3A_94 = vector.broadcast %squeeze3A_93 : f32 to vector<128x128xf32>
    %mul3A_95 = arith.mulf %mul3A_94, %convert_element_type3A_91 : vector<128x128xf32>
    %add3A_96 = arith.addf %add3A_84, %mul3A_95 : vector<128x128xf32>
    %get3A_97 = arith.constant 0 : index
    %get3A_98 = arith.constant 0 : index
    %get3A_99 = arith.constant 0 : index
    %get3A_100 = vector.load %arg2[%get3A_97, %get3A_98, %get3A_99] : memref<8x128x128xf32, #tpu.memory_space<vmem>>, vector<1x128x128xf32>
    %get3A_101 = vector.shape_cast %get3A_100 : vector<1x128x128xf32> to vector<128x128xf32>
    %convert_element_type3A_102 = arith.truncf %get3A_101 : vector<128x128xf32> to vector<128x128xbf16>
    %convert_element_type3A_103 = arith.extf %convert_element_type3A_102 : vector<128x128xbf16> to vector<128x128xf32>
    %slice3A_104 = vector.extract_strided_slice %convert_element_type3A_5 {offsets = [1, 0], sizes = [1, 1], strides = [1, 1]} : vector<4x8xf32> to vector<1x1xf32>
    %squeeze3A_105 = vector.extract %slice3A_104[0, 0] : f32 from vector<1x1xf32>
    %mul3A_106 = vector.broadcast %squeeze3A_105 : f32 to vector<128x128xf32>
    %mul3A_107 = arith.mulf %mul3A_106, %convert_element_type3A_103 : vector<128x128xf32>
    %get3A_108 = arith.constant 1 : index
    %get3A_109 = arith.constant 0 : index
    %get3A_110 = arith.constant 0 : index
    %get3A_111 = vector.load %arg2[%get3A_108, %get3A_109, %get3A_110] : memref<8x128x128xf32, #tpu.memory_space<vmem>>, vector<1x128x128xf32>
    %get3A_112 = vector.shape_cast %get3A_111 : vector<1x128x128xf32> to vector<128x128xf32>
    %convert_element_type3A_113 = arith.truncf %get3A_112 : vector<128x128xf32> to vector<128x128xbf16>
    %convert_element_type3A_114 = arith.extf %convert_element_type3A_113 : vector<128x128xbf16> to vector<128x128xf32>
    %slice3A_115 = vector.extract_strided_slice %convert_element_type3A_5 {offsets = [1, 1], sizes = [1, 1], strides = [1, 1]} : vector<4x8xf32> to vector<1x1xf32>
    %squeeze3A_116 = vector.extract %slice3A_115[0, 0] : f32 from vector<1x1xf32>
    %mul3A_117 = vector.broadcast %squeeze3A_116 : f32 to vector<128x128xf32>
    %mul3A_118 = arith.mulf %mul3A_117, %convert_element_type3A_114 : vector<128x128xf32>
    %add3A_119 = arith.addf %mul3A_107, %mul3A_118 : vector<128x128xf32>
    %get3A_120 = arith.constant 2 : index
    %get3A_121 = arith.constant 0 : index
    %get3A_122 = arith.constant 0 : index
    %get3A_123 = vector.load %arg2[%get3A_120, %get3A_121, %get3A_122] : memref<8x128x128xf32, #tpu.memory_space<vmem>>, vector<1x128x128xf32>
    %get3A_124 = vector.shape_cast %get3A_123 : vector<1x128x128xf32> to vector<128x128xf32>
    %convert_element_type3A_125 = arith.truncf %get3A_124 : vector<128x128xf32> to vector<128x128xbf16>
    %convert_element_type3A_126 = arith.extf %convert_element_type3A_125 : vector<128x128xbf16> to vector<128x128xf32>
    %slice3A_127 = vector.extract_strided_slice %convert_element_type3A_5 {offsets = [1, 2], sizes = [1, 1], strides = [1, 1]} : vector<4x8xf32> to vector<1x1xf32>
    %squeeze3A_128 = vector.extract %slice3A_127[0, 0] : f32 from vector<1x1xf32>
    %mul3A_129 = vector.broadcast %squeeze3A_128 : f32 to vector<128x128xf32>
    %mul3A_130 = arith.mulf %mul3A_129, %convert_element_type3A_126 : vector<128x128xf32>
    %add3A_131 = arith.addf %add3A_119, %mul3A_130 : vector<128x128xf32>
    %get3A_132 = arith.constant 3 : index
    %get3A_133 = arith.constant 0 : index
    %get3A_134 = arith.constant 0 : index
    %get3A_135 = vector.load %arg2[%get3A_132, %get3A_133, %get3A_134] : memref<8x128x128xf32, #tpu.memory_space<vmem>>, vector<1x128x128xf32>
    %get3A_136 = vector.shape_cast %get3A_135 : vector<1x128x128xf32> to vector<128x128xf32>
    %convert_element_type3A_137 = arith.truncf %get3A_136 : vector<128x128xf32> to vector<128x128xbf16>
    %convert_element_type3A_138 = arith.extf %convert_element_type3A_137 : vector<128x128xbf16> to vector<128x128xf32>
    %slice3A_139 = vector.extract_strided_slice %convert_element_type3A_5 {offsets = [1, 3], sizes = [1, 1], strides = [1, 1]} : vector<4x8xf32> to vector<1x1xf32>
    %squeeze3A_140 = vector.extract %slice3A_139[0, 0] : f32 from vector<1x1xf32>
    %mul3A_141 = vector.broadcast %squeeze3A_140 : f32 to vector<128x128xf32>
    %mul3A_142 = arith.mulf %mul3A_141, %convert_element_type3A_138 : vector<128x128xf32>
    %add3A_143 = arith.addf %add3A_131, %mul3A_142 : vector<128x128xf32>
    %get3A_144 = arith.constant 4 : index
    %get3A_145 = arith.constant 0 : index
    %get3A_146 = arith.constant 0 : index
    %get3A_147 = vector.load %arg2[%get3A_144, %get3A_145, %get3A_146] : memref<8x128x128xf32, #tpu.memory_space<vmem>>, vector<1x128x128xf32>
    %get3A_148 = vector.shape_cast %get3A_147 : vector<1x128x128xf32> to vector<128x128xf32>
    %convert_element_type3A_149 = arith.truncf %get3A_148 : vector<128x128xf32> to vector<128x128xbf16>
    %convert_element_type3A_150 = arith.extf %convert_element_type3A_149 : vector<128x128xbf16> to vector<128x128xf32>
    %slice3A_151 = vector.extract_strided_slice %convert_element_type3A_5 {offsets = [1, 4], sizes = [1, 1], strides = [1, 1]} : vector<4x8xf32> to vector<1x1xf32>
    %squeeze3A_152 = vector.extract %slice3A_151[0, 0] : f32 from vector<1x1xf32>
    %mul3A_153 = vector.broadcast %squeeze3A_152 : f32 to vector<128x128xf32>
    %mul3A_154 = arith.mulf %mul3A_153, %convert_element_type3A_150 : vector<128x128xf32>
    %add3A_155 = arith.addf %add3A_143, %mul3A_154 : vector<128x128xf32>
    %get3A_156 = arith.constant 5 : index
    %get3A_157 = arith.constant 0 : index
    %get3A_158 = arith.constant 0 : index
    %get3A_159 = vector.load %arg2[%get3A_156, %get3A_157, %get3A_158] : memref<8x128x128xf32, #tpu.memory_space<vmem>>, vector<1x128x128xf32>
    %get3A_160 = vector.shape_cast %get3A_159 : vector<1x128x128xf32> to vector<128x128xf32>
    %convert_element_type3A_161 = arith.truncf %get3A_160 : vector<128x128xf32> to vector<128x128xbf16>
    %convert_element_type3A_162 = arith.extf %convert_element_type3A_161 : vector<128x128xbf16> to vector<128x128xf32>
    %slice3A_163 = vector.extract_strided_slice %convert_element_type3A_5 {offsets = [1, 5], sizes = [1, 1], strides = [1, 1]} : vector<4x8xf32> to vector<1x1xf32>
    %squeeze3A_164 = vector.extract %slice3A_163[0, 0] : f32 from vector<1x1xf32>
    %mul3A_165 = vector.broadcast %squeeze3A_164 : f32 to vector<128x128xf32>
    %mul3A_166 = arith.mulf %mul3A_165, %convert_element_type3A_162 : vector<128x128xf32>
    %add3A_167 = arith.addf %add3A_155, %mul3A_166 : vector<128x128xf32>
    %get3A_168 = arith.constant 6 : index
    %get3A_169 = arith.constant 0 : index
    %get3A_170 = arith.constant 0 : index
    %get3A_171 = vector.load %arg2[%get3A_168, %get3A_169, %get3A_170] : memref<8x128x128xf32, #tpu.memory_space<vmem>>, vector<1x128x128xf32>
    %get3A_172 = vector.shape_cast %get3A_171 : vector<1x128x128xf32> to vector<128x128xf32>
    %convert_element_type3A_173 = arith.truncf %get3A_172 : vector<128x128xf32> to vector<128x128xbf16>
    %convert_element_type3A_174 = arith.extf %convert_element_type3A_173 : vector<128x128xbf16> to vector<128x128xf32>
    %slice3A_175 = vector.extract_strided_slice %convert_element_type3A_5 {offsets = [1, 6], sizes = [1, 1], strides = [1, 1]} : vector<4x8xf32> to vector<1x1xf32>
    %squeeze3A_176 = vector.extract %slice3A_175[0, 0] : f32 from vector<1x1xf32>
    %mul3A_177 = vector.broadcast %squeeze3A_176 : f32 to vector<128x128xf32>
    %mul3A_178 = arith.mulf %mul3A_177, %convert_element_type3A_174 : vector<128x128xf32>
    %add3A_179 = arith.addf %add3A_167, %mul3A_178 : vector<128x128xf32>
    %get3A_180 = arith.constant 7 : index
    %get3A_181 = arith.constant 0 : index
    %get3A_182 = arith.constant 0 : index
    %get3A_183 = vector.load %arg2[%get3A_180, %get3A_181, %get3A_182] : memref<8x128x128xf32, #tpu.memory_space<vmem>>, vector<1x128x128xf32>
    %get3A_184 = vector.shape_cast %get3A_183 : vector<1x128x128xf32> to vector<128x128xf32>
    %convert_element_type3A_185 = arith.truncf %get3A_184 : vector<128x128xf32> to vector<128x128xbf16>
    %convert_element_type3A_186 = arith.extf %convert_element_type3A_185 : vector<128x128xbf16> to vector<128x128xf32>
    %slice3A_187 = vector.extract_strided_slice %convert_element_type3A_5 {offsets = [1, 7], sizes = [1, 1], strides = [1, 1]} : vector<4x8xf32> to vector<1x1xf32>
    %squeeze3A_188 = vector.extract %slice3A_187[0, 0] : f32 from vector<1x1xf32>
    %mul3A_189 = vector.broadcast %squeeze3A_188 : f32 to vector<128x128xf32>
    %mul3A_190 = arith.mulf %mul3A_189, %convert_element_type3A_186 : vector<128x128xf32>
    %add3A_191 = arith.addf %add3A_179, %mul3A_190 : vector<128x128xf32>
    %get3A_192 = arith.constant 0 : index
    %get3A_193 = arith.constant 0 : index
    %get3A_194 = arith.constant 0 : index
    %get3A_195 = vector.load %arg2[%get3A_192, %get3A_193, %get3A_194] : memref<8x128x128xf32, #tpu.memory_space<vmem>>, vector<1x128x128xf32>
    %get3A_196 = vector.shape_cast %get3A_195 : vector<1x128x128xf32> to vector<128x128xf32>
    %convert_element_type3A_197 = arith.truncf %get3A_196 : vector<128x128xf32> to vector<128x128xbf16>
    %convert_element_type3A_198 = arith.extf %convert_element_type3A_197 : vector<128x128xbf16> to vector<128x128xf32>
    %slice3A_199 = vector.extract_strided_slice %convert_element_type3A_5 {offsets = [2, 0], sizes = [1, 1], strides = [1, 1]} : vector<4x8xf32> to vector<1x1xf32>
    %squeeze3A_200 = vector.extract %slice3A_199[0, 0] : f32 from vector<1x1xf32>
    %mul3A_201 = vector.broadcast %squeeze3A_200 : f32 to vector<128x128xf32>
    %mul3A_202 = arith.mulf %mul3A_201, %convert_element_type3A_198 : vector<128x128xf32>
    %get3A_203 = arith.constant 1 : index
    %get3A_204 = arith.constant 0 : index
    %get3A_205 = arith.constant 0 : index
    %get3A_206 = vector.load %arg2[%get3A_203, %get3A_204, %get3A_205] : memref<8x128x128xf32, #tpu.memory_space<vmem>>, vector<1x128x128xf32>
    %get3A_207 = vector.shape_cast %get3A_206 : vector<1x128x128xf32> to vector<128x128xf32>
    %convert_element_type3A_208 = arith.truncf %get3A_207 : vector<128x128xf32> to vector<128x128xbf16>
    %convert_element_type3A_209 = arith.extf %convert_element_type3A_208 : vector<128x128xbf16> to vector<128x128xf32>
    %slice3A_210 = vector.extract_strided_slice %convert_element_type3A_5 {offsets = [2, 1], sizes = [1, 1], strides = [1, 1]} : vector<4x8xf32> to vector<1x1xf32>
    %squeeze3A_211 = vector.extract %slice3A_210[0, 0] : f32 from vector<1x1xf32>
    %mul3A_212 = vector.broadcast %squeeze3A_211 : f32 to vector<128x128xf32>
    %mul3A_213 = arith.mulf %mul3A_212, %convert_element_type3A_209 : vector<128x128xf32>
    %add3A_214 = arith.addf %mul3A_202, %mul3A_213 : vector<128x128xf32>
    %get3A_215 = arith.constant 2 : index
    %get3A_216 = arith.constant 0 : index
    %get3A_217 = arith.constant 0 : index
    %get3A_218 = vector.load %arg2[%get3A_215, %get3A_216, %get3A_217] : memref<8x128x128xf32, #tpu.memory_space<vmem>>, vector<1x128x128xf32>
    %get3A_219 = vector.shape_cast %get3A_218 : vector<1x128x128xf32> to vector<128x128xf32>
    %convert_element_type3A_220 = arith.truncf %get3A_219 : vector<128x128xf32> to vector<128x128xbf16>
    %convert_element_type3A_221 = arith.extf %convert_element_type3A_220 : vector<128x128xbf16> to vector<128x128xf32>
    %slice3A_222 = vector.extract_strided_slice %convert_element_type3A_5 {offsets = [2, 2], sizes = [1, 1], strides = [1, 1]} : vector<4x8xf32> to vector<1x1xf32>
    %squeeze3A_223 = vector.extract %slice3A_222[0, 0] : f32 from vector<1x1xf32>
    %mul3A_224 = vector.broadcast %squeeze3A_223 : f32 to vector<128x128xf32>
    %mul3A_225 = arith.mulf %mul3A_224, %convert_element_type3A_221 : vector<128x128xf32>
    %add3A_226 = arith.addf %add3A_214, %mul3A_225 : vector<128x128xf32>
    %get3A_227 = arith.constant 3 : index
    %get3A_228 = arith.constant 0 : index
    %get3A_229 = arith.constant 0 : index
    %get3A_230 = vector.load %arg2[%get3A_227, %get3A_228, %get3A_229] : memref<8x128x128xf32, #tpu.memory_space<vmem>>, vector<1x128x128xf32>
    %get3A_231 = vector.shape_cast %get3A_230 : vector<1x128x128xf32> to vector<128x128xf32>
    %convert_element_type3A_232 = arith.truncf %get3A_231 : vector<128x128xf32> to vector<128x128xbf16>
    %convert_element_type3A_233 = arith.extf %convert_element_type3A_232 : vector<128x128xbf16> to vector<128x128xf32>
    %slice3A_234 = vector.extract_strided_slice %convert_element_type3A_5 {offsets = [2, 3], sizes = [1, 1], strides = [1, 1]} : vector<4x8xf32> to vector<1x1xf32>
    %squeeze3A_235 = vector.extract %slice3A_234[0, 0] : f32 from vector<1x1xf32>
    %mul3A_236 = vector.broadcast %squeeze3A_235 : f32 to vector<128x128xf32>
    %mul3A_237 = arith.mulf %mul3A_236, %convert_element_type3A_233 : vector<128x128xf32>
    %add3A_238 = arith.addf %add3A_226, %mul3A_237 : vector<128x128xf32>
    %get3A_239 = arith.constant 4 : index
    %get3A_240 = arith.constant 0 : index
    %get3A_241 = arith.constant 0 : index
    %get3A_242 = vector.load %arg2[%get3A_239, %get3A_240, %get3A_241] : memref<8x128x128xf32, #tpu.memory_space<vmem>>, vector<1x128x128xf32>
    %get3A_243 = vector.shape_cast %get3A_242 : vector<1x128x128xf32> to vector<128x128xf32>
    %convert_element_type3A_244 = arith.truncf %get3A_243 : vector<128x128xf32> to vector<128x128xbf16>
    %convert_element_type3A_245 = arith.extf %convert_element_type3A_244 : vector<128x128xbf16> to vector<128x128xf32>
    %slice3A_246 = vector.extract_strided_slice %convert_element_type3A_5 {offsets = [2, 4], sizes = [1, 1], strides = [1, 1]} : vector<4x8xf32> to vector<1x1xf32>
    %squeeze3A_247 = vector.extract %slice3A_246[0, 0] : f32 from vector<1x1xf32>
    %mul3A_248 = vector.broadcast %squeeze3A_247 : f32 to vector<128x128xf32>
    %mul3A_249 = arith.mulf %mul3A_248, %convert_element_type3A_245 : vector<128x128xf32>
    %add3A_250 = arith.addf %add3A_238, %mul3A_249 : vector<128x128xf32>
    %get3A_251 = arith.constant 5 : index
    %get3A_252 = arith.constant 0 : index
    %get3A_253 = arith.constant 0 : index
    %get3A_254 = vector.load %arg2[%get3A_251, %get3A_252, %get3A_253] : memref<8x128x128xf32, #tpu.memory_space<vmem>>, vector<1x128x128xf32>
    %get3A_255 = vector.shape_cast %get3A_254 : vector<1x128x128xf32> to vector<128x128xf32>
    %convert_element_type3A_256 = arith.truncf %get3A_255 : vector<128x128xf32> to vector<128x128xbf16>
    %convert_element_type3A_257 = arith.extf %convert_element_type3A_256 : vector<128x128xbf16> to vector<128x128xf32>
    %slice3A_258 = vector.extract_strided_slice %convert_element_type3A_5 {offsets = [2, 5], sizes = [1, 1], strides = [1, 1]} : vector<4x8xf32> to vector<1x1xf32>
    %squeeze3A_259 = vector.extract %slice3A_258[0, 0] : f32 from vector<1x1xf32>
    %mul3A_260 = vector.broadcast %squeeze3A_259 : f32 to vector<128x128xf32>
    %mul3A_261 = arith.mulf %mul3A_260, %convert_element_type3A_257 : vector<128x128xf32>
    %add3A_262 = arith.addf %add3A_250, %mul3A_261 : vector<128x128xf32>
    %get3A_263 = arith.constant 6 : index
    %get3A_264 = arith.constant 0 : index
    %get3A_265 = arith.constant 0 : index
    %get3A_266 = vector.load %arg2[%get3A_263, %get3A_264, %get3A_265] : memref<8x128x128xf32, #tpu.memory_space<vmem>>, vector<1x128x128xf32>
    %get3A_267 = vector.shape_cast %get3A_266 : vector<1x128x128xf32> to vector<128x128xf32>
    %convert_element_type3A_268 = arith.truncf %get3A_267 : vector<128x128xf32> to vector<128x128xbf16>
    %convert_element_type3A_269 = arith.extf %convert_element_type3A_268 : vector<128x128xbf16> to vector<128x128xf32>
    %slice3A_270 = vector.extract_strided_slice %convert_element_type3A_5 {offsets = [2, 6], sizes = [1, 1], strides = [1, 1]} : vector<4x8xf32> to vector<1x1xf32>
    %squeeze3A_271 = vector.extract %slice3A_270[0, 0] : f32 from vector<1x1xf32>
    %mul3A_272 = vector.broadcast %squeeze3A_271 : f32 to vector<128x128xf32>
    %mul3A_273 = arith.mulf %mul3A_272, %convert_element_type3A_269 : vector<128x128xf32>
    %add3A_274 = arith.addf %add3A_262, %mul3A_273 : vector<128x128xf32>
    %get3A_275 = arith.constant 7 : index
    %get3A_276 = arith.constant 0 : index
    %get3A_277 = arith.constant 0 : index
    %get3A_278 = vector.load %arg2[%get3A_275, %get3A_276, %get3A_277] : memref<8x128x128xf32, #tpu.memory_space<vmem>>, vector<1x128x128xf32>
    %get3A_279 = vector.shape_cast %get3A_278 : vector<1x128x128xf32> to vector<128x128xf32>
    %convert_element_type3A_280 = arith.truncf %get3A_279 : vector<128x128xf32> to vector<128x128xbf16>
    %convert_element_type3A_281 = arith.extf %convert_element_type3A_280 : vector<128x128xbf16> to vector<128x128xf32>
    %slice3A_282 = vector.extract_strided_slice %convert_element_type3A_5 {offsets = [2, 7], sizes = [1, 1], strides = [1, 1]} : vector<4x8xf32> to vector<1x1xf32>
    %squeeze3A_283 = vector.extract %slice3A_282[0, 0] : f32 from vector<1x1xf32>
    %mul3A_284 = vector.broadcast %squeeze3A_283 : f32 to vector<128x128xf32>
    %mul3A_285 = arith.mulf %mul3A_284, %convert_element_type3A_281 : vector<128x128xf32>
    %add3A_286 = arith.addf %add3A_274, %mul3A_285 : vector<128x128xf32>
    %get3A_287 = arith.constant 0 : index
    %get3A_288 = arith.constant 0 : index
    %get3A_289 = arith.constant 0 : index
    %get3A_290 = vector.load %arg2[%get3A_287, %get3A_288, %get3A_289] : memref<8x128x128xf32, #tpu.memory_space<vmem>>, vector<1x128x128xf32>
    %get3A_291 = vector.shape_cast %get3A_290 : vector<1x128x128xf32> to vector<128x128xf32>
    %convert_element_type3A_292 = arith.truncf %get3A_291 : vector<128x128xf32> to vector<128x128xbf16>
    %convert_element_type3A_293 = arith.extf %convert_element_type3A_292 : vector<128x128xbf16> to vector<128x128xf32>
    %slice3A_294 = vector.extract_strided_slice %convert_element_type3A_5 {offsets = [3, 0], sizes = [1, 1], strides = [1, 1]} : vector<4x8xf32> to vector<1x1xf32>
    %squeeze3A_295 = vector.extract %slice3A_294[0, 0] : f32 from vector<1x1xf32>
    %mul3A_296 = vector.broadcast %squeeze3A_295 : f32 to vector<128x128xf32>
    %mul3A_297 = arith.mulf %mul3A_296, %convert_element_type3A_293 : vector<128x128xf32>
    %get3A_298 = arith.constant 1 : index
    %get3A_299 = arith.constant 0 : index
    %get3A_300 = arith.constant 0 : index
    %get3A_301 = vector.load %arg2[%get3A_298, %get3A_299, %get3A_300] : memref<8x128x128xf32, #tpu.memory_space<vmem>>, vector<1x128x128xf32>
    %get3A_302 = vector.shape_cast %get3A_301 : vector<1x128x128xf32> to vector<128x128xf32>
    %convert_element_type3A_303 = arith.truncf %get3A_302 : vector<128x128xf32> to vector<128x128xbf16>
    %convert_element_type3A_304 = arith.extf %convert_element_type3A_303 : vector<128x128xbf16> to vector<128x128xf32>
    %slice3A_305 = vector.extract_strided_slice %convert_element_type3A_5 {offsets = [3, 1], sizes = [1, 1], strides = [1, 1]} : vector<4x8xf32> to vector<1x1xf32>
    %squeeze3A_306 = vector.extract %slice3A_305[0, 0] : f32 from vector<1x1xf32>
    %mul3A_307 = vector.broadcast %squeeze3A_306 : f32 to vector<128x128xf32>
    %mul3A_308 = arith.mulf %mul3A_307, %convert_element_type3A_304 : vector<128x128xf32>
    %add3A_309 = arith.addf %mul3A_297, %mul3A_308 : vector<128x128xf32>
    %get3A_310 = arith.constant 2 : index
    %get3A_311 = arith.constant 0 : index
    %get3A_312 = arith.constant 0 : index
    %get3A_313 = vector.load %arg2[%get3A_310, %get3A_311, %get3A_312] : memref<8x128x128xf32, #tpu.memory_space<vmem>>, vector<1x128x128xf32>
    %get3A_314 = vector.shape_cast %get3A_313 : vector<1x128x128xf32> to vector<128x128xf32>
    %convert_element_type3A_315 = arith.truncf %get3A_314 : vector<128x128xf32> to vector<128x128xbf16>
    %convert_element_type3A_316 = arith.extf %convert_element_type3A_315 : vector<128x128xbf16> to vector<128x128xf32>
    %slice3A_317 = vector.extract_strided_slice %convert_element_type3A_5 {offsets = [3, 2], sizes = [1, 1], strides = [1, 1]} : vector<4x8xf32> to vector<1x1xf32>
    %squeeze3A_318 = vector.extract %slice3A_317[0, 0] : f32 from vector<1x1xf32>
    %mul3A_319 = vector.broadcast %squeeze3A_318 : f32 to vector<128x128xf32>
    %mul3A_320 = arith.mulf %mul3A_319, %convert_element_type3A_316 : vector<128x128xf32>
    %add3A_321 = arith.addf %add3A_309, %mul3A_320 : vector<128x128xf32>
    %get3A_322 = arith.constant 3 : index
    %get3A_323 = arith.constant 0 : index
    %get3A_324 = arith.constant 0 : index
    %get3A_325 = vector.load %arg2[%get3A_322, %get3A_323, %get3A_324] : memref<8x128x128xf32, #tpu.memory_space<vmem>>, vector<1x128x128xf32>
    %get3A_326 = vector.shape_cast %get3A_325 : vector<1x128x128xf32> to vector<128x128xf32>
    %convert_element_type3A_327 = arith.truncf %get3A_326 : vector<128x128xf32> to vector<128x128xbf16>
    %convert_element_type3A_328 = arith.extf %convert_element_type3A_327 : vector<128x128xbf16> to vector<128x128xf32>
    %slice3A_329 = vector.extract_strided_slice %convert_element_type3A_5 {offsets = [3, 3], sizes = [1, 1], strides = [1, 1]} : vector<4x8xf32> to vector<1x1xf32>
    %squeeze3A_330 = vector.extract %slice3A_329[0, 0] : f32 from vector<1x1xf32>
    %mul3A_331 = vector.broadcast %squeeze3A_330 : f32 to vector<128x128xf32>
    %mul3A_332 = arith.mulf %mul3A_331, %convert_element_type3A_328 : vector<128x128xf32>
    %add3A_333 = arith.addf %add3A_321, %mul3A_332 : vector<128x128xf32>
    %get3A_334 = arith.constant 4 : index
    %get3A_335 = arith.constant 0 : index
    %get3A_336 = arith.constant 0 : index
    %get3A_337 = vector.load %arg2[%get3A_334, %get3A_335, %get3A_336] : memref<8x128x128xf32, #tpu.memory_space<vmem>>, vector<1x128x128xf32>
    %get3A_338 = vector.shape_cast %get3A_337 : vector<1x128x128xf32> to vector<128x128xf32>
    %convert_element_type3A_339 = arith.truncf %get3A_338 : vector<128x128xf32> to vector<128x128xbf16>
    %convert_element_type3A_340 = arith.extf %convert_element_type3A_339 : vector<128x128xbf16> to vector<128x128xf32>
    %slice3A_341 = vector.extract_strided_slice %convert_element_type3A_5 {offsets = [3, 4], sizes = [1, 1], strides = [1, 1]} : vector<4x8xf32> to vector<1x1xf32>
    %squeeze3A_342 = vector.extract %slice3A_341[0, 0] : f32 from vector<1x1xf32>
    %mul3A_343 = vector.broadcast %squeeze3A_342 : f32 to vector<128x128xf32>
    %mul3A_344 = arith.mulf %mul3A_343, %convert_element_type3A_340 : vector<128x128xf32>
    %add3A_345 = arith.addf %add3A_333, %mul3A_344 : vector<128x128xf32>
    %get3A_346 = arith.constant 5 : index
    %get3A_347 = arith.constant 0 : index
    %get3A_348 = arith.constant 0 : index
    %get3A_349 = vector.load %arg2[%get3A_346, %get3A_347, %get3A_348] : memref<8x128x128xf32, #tpu.memory_space<vmem>>, vector<1x128x128xf32>
    %get3A_350 = vector.shape_cast %get3A_349 : vector<1x128x128xf32> to vector<128x128xf32>
    %convert_element_type3A_351 = arith.truncf %get3A_350 : vector<128x128xf32> to vector<128x128xbf16>
    %convert_element_type3A_352 = arith.extf %convert_element_type3A_351 : vector<128x128xbf16> to vector<128x128xf32>
    %slice3A_353 = vector.extract_strided_slice %convert_element_type3A_5 {offsets = [3, 5], sizes = [1, 1], strides = [1, 1]} : vector<4x8xf32> to vector<1x1xf32>
    %squeeze3A_354 = vector.extract %slice3A_353[0, 0] : f32 from vector<1x1xf32>
    %mul3A_355 = vector.broadcast %squeeze3A_354 : f32 to vector<128x128xf32>
    %mul3A_356 = arith.mulf %mul3A_355, %convert_element_type3A_352 : vector<128x128xf32>
    %add3A_357 = arith.addf %add3A_345, %mul3A_356 : vector<128x128xf32>
    %get3A_358 = arith.constant 6 : index
    %get3A_359 = arith.constant 0 : index
    %get3A_360 = arith.constant 0 : index
    %get3A_361 = vector.load %arg2[%get3A_358, %get3A_359, %get3A_360] : memref<8x128x128xf32, #tpu.memory_space<vmem>>, vector<1x128x128xf32>
    %get3A_362 = vector.shape_cast %get3A_361 : vector<1x128x128xf32> to vector<128x128xf32>
    %convert_element_type3A_363 = arith.truncf %get3A_362 : vector<128x128xf32> to vector<128x128xbf16>
    %convert_element_type3A_364 = arith.extf %convert_element_type3A_363 : vector<128x128xbf16> to vector<128x128xf32>
    %slice3A_365 = vector.extract_strided_slice %convert_element_type3A_5 {offsets = [3, 6], sizes = [1, 1], strides = [1, 1]} : vector<4x8xf32> to vector<1x1xf32>
    %squeeze3A_366 = vector.extract %slice3A_365[0, 0] : f32 from vector<1x1xf32>
    %mul3A_367 = vector.broadcast %squeeze3A_366 : f32 to vector<128x128xf32>
    %mul3A_368 = arith.mulf %mul3A_367, %convert_element_type3A_364 : vector<128x128xf32>
    %add3A_369 = arith.addf %add3A_357, %mul3A_368 : vector<128x128xf32>
    %get3A_370 = arith.constant 7 : index
    %get3A_371 = arith.constant 0 : index
    %get3A_372 = arith.constant 0 : index
    %get3A_373 = vector.load %arg2[%get3A_370, %get3A_371, %get3A_372] : memref<8x128x128xf32, #tpu.memory_space<vmem>>, vector<1x128x128xf32>
    %get3A_374 = vector.shape_cast %get3A_373 : vector<1x128x128xf32> to vector<128x128xf32>
    %convert_element_type3A_375 = arith.truncf %get3A_374 : vector<128x128xf32> to vector<128x128xbf16>
    %convert_element_type3A_376 = arith.extf %convert_element_type3A_375 : vector<128x128xbf16> to vector<128x128xf32>
    %slice3A_377 = vector.extract_strided_slice %convert_element_type3A_5 {offsets = [3, 7], sizes = [1, 1], strides = [1, 1]} : vector<4x8xf32> to vector<1x1xf32>
    %squeeze3A_378 = vector.extract %slice3A_377[0, 0] : f32 from vector<1x1xf32>
    %mul3A_379 = vector.broadcast %squeeze3A_378 : f32 to vector<128x128xf32>
    %mul3A_380 = arith.mulf %mul3A_379, %convert_element_type3A_376 : vector<128x128xf32>
    %add3A_381 = arith.addf %add3A_369, %mul3A_380 : vector<128x128xf32>
    %concatenate3A = tpu.concatenate %add3A_96, %add3A_191, %add3A_286, %add3A_381 in 1 : vector<128x128xf32>, vector<128x128xf32>, vector<128x128xf32>, vector<128x128xf32> -> vector<128x512xf32>
    %dot_general3A = arith.constant dense<0.000000e+00> : vector<400x512xf32>
    %dot_general3A_382 = tpu.matmul %get3A_1, %concatenate3A, %dot_general3A {dimension_numbers = #tpu.dot_dimension_numbers<[1], [0], [0], [1], [0, 0, 1, 1], [], []>, transpose_lhs_hint = false} : vector<400x128xf32>, vector<128x512xf32>, vector<400x512xf32> -> vector<400x512xf32>
    %swap3A = arith.constant 0 : index
    %swap3A_383 = arith.constant 0 : index
    %swap3A_384 = vector.load %arg4[%swap3A, %swap3A_383] : memref<400x512xf32, #tpu.memory_space<vmem>>, vector<400x512xf32>
    tpu.vector_store %arg4[%swap3A, %swap3A_383], %dot_general3A_382 {strides = array<i32>} : memref<400x512xf32, #tpu.memory_space<vmem>>, vector<400x512xf32>,
    return
  }
  func.func @transform_0(%arg0: i32) -> (i32, i32) {
    %c0_i32 = arith.constant 0 : i32
    %c0_i32_0 = arith.constant 0 : i32
    return %arg0, %c0_i32 : i32, i32
  }
  func.func @transform_1(%arg0: i32) -> (i32, i32, i32) {
    %c0_i32 = arith.constant 0 : i32
    %c0_i32_0 = arith.constant 0 : i32
    %c0_i32_1 = arith.constant 0 : i32
    %c0_i32_2 = arith.constant 0 : i32
    return %c0_i32, %c0_i32_0, %c0_i32_1 : i32, i32, i32
  }
  func.func @transform_2(%arg0: i32) -> (i32, i32) {
    %c0_i32 = arith.constant 0 : i32
    %c0_i32_0 = arith.constant 0 : i32
    %c0_i32_1 = arith.constant 0 : i32
    return %c0_i32, %c0_i32_0 : i32, i32
  }
  func.func @transform_3(%arg0: i32) -> (i32, i32) {
    %c0_i32 = arith.constant 0 : i32
    %c0_i32_0 = arith.constant 0 : i32
    return %arg0, %c0_i32 : i32, i32
  }
}

module attributes {stable_mosaic.version = 14 : i64} {
  func.func @_combine_body(%arg0: i32, %arg1: memref<400x128xf32, #tpu.memory_space<vmem>>, %arg2: memref<400x128xf32, #tpu.memory_space<vmem>>, %arg3: memref<400x128xf32, #tpu.memory_space<vmem>>, %arg4: memref<400x128xf32, #tpu.memory_space<vmem>>, %arg5: memref<8x128x128xf32, #tpu.memory_space<vmem>>, %arg6: memref<4x8xf32, #tpu.memory_space<vmem>>, %arg7: memref<400x128xf32, #tpu.memory_space<vmem>>, %arg8: memref<400x512xf32, #tpu.memory_space<vmem>>) attributes {dimension_semantics = [#tpu.dimension_semantics<arbitrary>], iteration_bounds = array<i64: 25>, scalar_prefetch = 0 : i64, scratch_operands = 0 : i64, tpu.core_type = #tpu.core_type<tc>, window_params = [{transform_indices = @transform_0, window_bounds = array<i64: 400, 128>}, {transform_indices = @transform_1, window_bounds = array<i64: 400, 128>}, {transform_indices = @transform_2, window_bounds = array<i64: 400, 128>}, {transform_indices = @transform_3, window_bounds = array<i64: 400, 128>}, {pipeline_mode = #tpu.pipeline_mode<synchronous>, transform_indices = @transform_4, window_bounds = array<i64: 8, 128, 128>}, {pipeline_mode = #tpu.pipeline_mode<synchronous>, transform_indices = @transform_5, window_bounds = array<i64: 4, 8>}, {transform_indices = @transform_6, window_bounds = array<i64: 400, 128>}, {transform_indices = @transform_7, window_bounds = array<i64: 400, 512>}]} {
    %get3A = arith.constant 0 : index
    %get3A_0 = arith.constant 0 : index
    %get3A_1 = vector.load %arg3[%get3A, %get3A_0] : memref<400x128xf32, #tpu.memory_space<vmem>>, vector<400x1xf32>
    %get3A_2 = arith.constant 0 : index
    %get3A_3 = arith.constant 0 : index
    %get3A_4 = vector.load %arg4[%get3A_2, %get3A_3] : memref<400x128xf32, #tpu.memory_space<vmem>>, vector<400x1xf32>
    %add3A = arith.addf %get3A_1, %get3A_4 : vector<400x1xf32>
    %get3A_5 = arith.constant 0 : index
    %get3A_6 = arith.constant 0 : index
    %get3A_7 = vector.load %arg1[%get3A_5, %get3A_6] : memref<400x128xf32, #tpu.memory_space<vmem>>, vector<400x128xf32>
    %get3A_8 = arith.constant 0 : index
    %get3A_9 = arith.constant 0 : index
    %get3A_10 = vector.load %arg2[%get3A_8, %get3A_9] : memref<400x128xf32, #tpu.memory_space<vmem>>, vector<400x128xf32>
    %add3A_11 = arith.addf %get3A_7, %get3A_10 : vector<400x128xf32>
    %max3A = arith.constant 1.000000e+00 : f32
    %max3A_12 = vector.broadcast %max3A : f32 to vector<400x1xf32>
    %max3A_13 = arith.maximumf %add3A, %max3A_12 : vector<400x1xf32>
    %div3A = vector.broadcast %max3A_13 : vector<400x1xf32> to vector<400x128xf32>
    %div3A_14 = arith.divf %add3A_11, %div3A : vector<400x128xf32>
    %max3A_15 = arith.constant 0.000000e+00 : f32
    %max3A_16 = vector.broadcast %max3A_15 : f32 to vector<400x128xf32>
    %max3A_17 = arith.maximumf %div3A_14, %max3A_16 : vector<400x128xf32>
    %swap3A = arith.constant 0 : index
    %swap3A_18 = arith.constant 0 : index
    %swap3A_19 = vector.load %arg7[%swap3A, %swap3A_18] : memref<400x128xf32, #tpu.memory_space<vmem>>, vector<400x128xf32>
    tpu.vector_store %arg7[%swap3A, %swap3A_18], %max3A_17 {strides = array<i32>} : memref<400x128xf32, #tpu.memory_space<vmem>>, vector<400x128xf32>,
    %get3A_20 = arith.constant 0 : index
    %get3A_21 = arith.constant 0 : index
    %get3A_22 = vector.load %arg6[%get3A_20, %get3A_21] : memref<4x8xf32, #tpu.memory_space<vmem>>, vector<4x8xf32>
    %convert_element_type3A = arith.truncf %get3A_22 : vector<4x8xf32> to vector<4x8xbf16>
    %convert_element_type3A_23 = arith.extf %convert_element_type3A : vector<4x8xbf16> to vector<4x8xf32>
    %get3A_24 = arith.constant 0 : index
    %get3A_25 = arith.constant 0 : index
    %get3A_26 = arith.constant 0 : index
    %get3A_27 = vector.load %arg5[%get3A_24, %get3A_25, %get3A_26] : memref<8x128x128xf32, #tpu.memory_space<vmem>>, vector<1x128x128xf32>
    %get3A_28 = vector.shape_cast %get3A_27 : vector<1x128x128xf32> to vector<128x128xf32>
    %convert_element_type3A_29 = arith.truncf %get3A_28 : vector<128x128xf32> to vector<128x128xbf16>
    %convert_element_type3A_30 = arith.extf %convert_element_type3A_29 : vector<128x128xbf16> to vector<128x128xf32>
    %slice3A = vector.extract_strided_slice %convert_element_type3A_23 {offsets = [0, 0], sizes = [1, 1], strides = [1, 1]} : vector<4x8xf32> to vector<1x1xf32>
    %squeeze3A = vector.extract %slice3A[0, 0] : f32 from vector<1x1xf32>
    %mul3A = vector.broadcast %squeeze3A : f32 to vector<128x128xf32>
    %mul3A_31 = arith.mulf %mul3A, %convert_element_type3A_30 : vector<128x128xf32>
    %get3A_32 = arith.constant 1 : index
    %get3A_33 = arith.constant 0 : index
    %get3A_34 = arith.constant 0 : index
    %get3A_35 = vector.load %arg5[%get3A_32, %get3A_33, %get3A_34] : memref<8x128x128xf32, #tpu.memory_space<vmem>>, vector<1x128x128xf32>
    %get3A_36 = vector.shape_cast %get3A_35 : vector<1x128x128xf32> to vector<128x128xf32>
    %convert_element_type3A_37 = arith.truncf %get3A_36 : vector<128x128xf32> to vector<128x128xbf16>
    %convert_element_type3A_38 = arith.extf %convert_element_type3A_37 : vector<128x128xbf16> to vector<128x128xf32>
    %slice3A_39 = vector.extract_strided_slice %convert_element_type3A_23 {offsets = [0, 1], sizes = [1, 1], strides = [1, 1]} : vector<4x8xf32> to vector<1x1xf32>
    %squeeze3A_40 = vector.extract %slice3A_39[0, 0] : f32 from vector<1x1xf32>
    %mul3A_41 = vector.broadcast %squeeze3A_40 : f32 to vector<128x128xf32>
    %mul3A_42 = arith.mulf %mul3A_41, %convert_element_type3A_38 : vector<128x128xf32>
    %add3A_43 = arith.addf %mul3A_31, %mul3A_42 : vector<128x128xf32>
    %get3A_44 = arith.constant 2 : index
    %get3A_45 = arith.constant 0 : index
    %get3A_46 = arith.constant 0 : index
    %get3A_47 = vector.load %arg5[%get3A_44, %get3A_45, %get3A_46] : memref<8x128x128xf32, #tpu.memory_space<vmem>>, vector<1x128x128xf32>
    %get3A_48 = vector.shape_cast %get3A_47 : vector<1x128x128xf32> to vector<128x128xf32>
    %convert_element_type3A_49 = arith.truncf %get3A_48 : vector<128x128xf32> to vector<128x128xbf16>
    %convert_element_type3A_50 = arith.extf %convert_element_type3A_49 : vector<128x128xbf16> to vector<128x128xf32>
    %slice3A_51 = vector.extract_strided_slice %convert_element_type3A_23 {offsets = [0, 2], sizes = [1, 1], strides = [1, 1]} : vector<4x8xf32> to vector<1x1xf32>
    %squeeze3A_52 = vector.extract %slice3A_51[0, 0] : f32 from vector<1x1xf32>
    %mul3A_53 = vector.broadcast %squeeze3A_52 : f32 to vector<128x128xf32>
    %mul3A_54 = arith.mulf %mul3A_53, %convert_element_type3A_50 : vector<128x128xf32>
    %add3A_55 = arith.addf %add3A_43, %mul3A_54 : vector<128x128xf32>
    %get3A_56 = arith.constant 3 : index
    %get3A_57 = arith.constant 0 : index
    %get3A_58 = arith.constant 0 : index
    %get3A_59 = vector.load %arg5[%get3A_56, %get3A_57, %get3A_58] : memref<8x128x128xf32, #tpu.memory_space<vmem>>, vector<1x128x128xf32>
    %get3A_60 = vector.shape_cast %get3A_59 : vector<1x128x128xf32> to vector<128x128xf32>
    %convert_element_type3A_61 = arith.truncf %get3A_60 : vector<128x128xf32> to vector<128x128xbf16>
    %convert_element_type3A_62 = arith.extf %convert_element_type3A_61 : vector<128x128xbf16> to vector<128x128xf32>
    %slice3A_63 = vector.extract_strided_slice %convert_element_type3A_23 {offsets = [0, 3], sizes = [1, 1], strides = [1, 1]} : vector<4x8xf32> to vector<1x1xf32>
    %squeeze3A_64 = vector.extract %slice3A_63[0, 0] : f32 from vector<1x1xf32>
    %mul3A_65 = vector.broadcast %squeeze3A_64 : f32 to vector<128x128xf32>
    %mul3A_66 = arith.mulf %mul3A_65, %convert_element_type3A_62 : vector<128x128xf32>
    %add3A_67 = arith.addf %add3A_55, %mul3A_66 : vector<128x128xf32>
    %get3A_68 = arith.constant 4 : index
    %get3A_69 = arith.constant 0 : index
    %get3A_70 = arith.constant 0 : index
    %get3A_71 = vector.load %arg5[%get3A_68, %get3A_69, %get3A_70] : memref<8x128x128xf32, #tpu.memory_space<vmem>>, vector<1x128x128xf32>
    %get3A_72 = vector.shape_cast %get3A_71 : vector<1x128x128xf32> to vector<128x128xf32>
    %convert_element_type3A_73 = arith.truncf %get3A_72 : vector<128x128xf32> to vector<128x128xbf16>
    %convert_element_type3A_74 = arith.extf %convert_element_type3A_73 : vector<128x128xbf16> to vector<128x128xf32>
    %slice3A_75 = vector.extract_strided_slice %convert_element_type3A_23 {offsets = [0, 4], sizes = [1, 1], strides = [1, 1]} : vector<4x8xf32> to vector<1x1xf32>
    %squeeze3A_76 = vector.extract %slice3A_75[0, 0] : f32 from vector<1x1xf32>
    %mul3A_77 = vector.broadcast %squeeze3A_76 : f32 to vector<128x128xf32>
    %mul3A_78 = arith.mulf %mul3A_77, %convert_element_type3A_74 : vector<128x128xf32>
    %add3A_79 = arith.addf %add3A_67, %mul3A_78 : vector<128x128xf32>
    %get3A_80 = arith.constant 5 : index
    %get3A_81 = arith.constant 0 : index
    %get3A_82 = arith.constant 0 : index
    %get3A_83 = vector.load %arg5[%get3A_80, %get3A_81, %get3A_82] : memref<8x128x128xf32, #tpu.memory_space<vmem>>, vector<1x128x128xf32>
    %get3A_84 = vector.shape_cast %get3A_83 : vector<1x128x128xf32> to vector<128x128xf32>
    %convert_element_type3A_85 = arith.truncf %get3A_84 : vector<128x128xf32> to vector<128x128xbf16>
    %convert_element_type3A_86 = arith.extf %convert_element_type3A_85 : vector<128x128xbf16> to vector<128x128xf32>
    %slice3A_87 = vector.extract_strided_slice %convert_element_type3A_23 {offsets = [0, 5], sizes = [1, 1], strides = [1, 1]} : vector<4x8xf32> to vector<1x1xf32>
    %squeeze3A_88 = vector.extract %slice3A_87[0, 0] : f32 from vector<1x1xf32>
    %mul3A_89 = vector.broadcast %squeeze3A_88 : f32 to vector<128x128xf32>
    %mul3A_90 = arith.mulf %mul3A_89, %convert_element_type3A_86 : vector<128x128xf32>
    %add3A_91 = arith.addf %add3A_79, %mul3A_90 : vector<128x128xf32>
    %get3A_92 = arith.constant 6 : index
    %get3A_93 = arith.constant 0 : index
    %get3A_94 = arith.constant 0 : index
    %get3A_95 = vector.load %arg5[%get3A_92, %get3A_93, %get3A_94] : memref<8x128x128xf32, #tpu.memory_space<vmem>>, vector<1x128x128xf32>
    %get3A_96 = vector.shape_cast %get3A_95 : vector<1x128x128xf32> to vector<128x128xf32>
    %convert_element_type3A_97 = arith.truncf %get3A_96 : vector<128x128xf32> to vector<128x128xbf16>
    %convert_element_type3A_98 = arith.extf %convert_element_type3A_97 : vector<128x128xbf16> to vector<128x128xf32>
    %slice3A_99 = vector.extract_strided_slice %convert_element_type3A_23 {offsets = [0, 6], sizes = [1, 1], strides = [1, 1]} : vector<4x8xf32> to vector<1x1xf32>
    %squeeze3A_100 = vector.extract %slice3A_99[0, 0] : f32 from vector<1x1xf32>
    %mul3A_101 = vector.broadcast %squeeze3A_100 : f32 to vector<128x128xf32>
    %mul3A_102 = arith.mulf %mul3A_101, %convert_element_type3A_98 : vector<128x128xf32>
    %add3A_103 = arith.addf %add3A_91, %mul3A_102 : vector<128x128xf32>
    %get3A_104 = arith.constant 7 : index
    %get3A_105 = arith.constant 0 : index
    %get3A_106 = arith.constant 0 : index
    %get3A_107 = vector.load %arg5[%get3A_104, %get3A_105, %get3A_106] : memref<8x128x128xf32, #tpu.memory_space<vmem>>, vector<1x128x128xf32>
    %get3A_108 = vector.shape_cast %get3A_107 : vector<1x128x128xf32> to vector<128x128xf32>
    %convert_element_type3A_109 = arith.truncf %get3A_108 : vector<128x128xf32> to vector<128x128xbf16>
    %convert_element_type3A_110 = arith.extf %convert_element_type3A_109 : vector<128x128xbf16> to vector<128x128xf32>
    %slice3A_111 = vector.extract_strided_slice %convert_element_type3A_23 {offsets = [0, 7], sizes = [1, 1], strides = [1, 1]} : vector<4x8xf32> to vector<1x1xf32>
    %squeeze3A_112 = vector.extract %slice3A_111[0, 0] : f32 from vector<1x1xf32>
    %mul3A_113 = vector.broadcast %squeeze3A_112 : f32 to vector<128x128xf32>
    %mul3A_114 = arith.mulf %mul3A_113, %convert_element_type3A_110 : vector<128x128xf32>
    %add3A_115 = arith.addf %add3A_103, %mul3A_114 : vector<128x128xf32>
    %get3A_116 = arith.constant 0 : index
    %get3A_117 = arith.constant 0 : index
    %get3A_118 = arith.constant 0 : index
    %get3A_119 = vector.load %arg5[%get3A_116, %get3A_117, %get3A_118] : memref<8x128x128xf32, #tpu.memory_space<vmem>>, vector<1x128x128xf32>
    %get3A_120 = vector.shape_cast %get3A_119 : vector<1x128x128xf32> to vector<128x128xf32>
    %convert_element_type3A_121 = arith.truncf %get3A_120 : vector<128x128xf32> to vector<128x128xbf16>
    %convert_element_type3A_122 = arith.extf %convert_element_type3A_121 : vector<128x128xbf16> to vector<128x128xf32>
    %slice3A_123 = vector.extract_strided_slice %convert_element_type3A_23 {offsets = [1, 0], sizes = [1, 1], strides = [1, 1]} : vector<4x8xf32> to vector<1x1xf32>
    %squeeze3A_124 = vector.extract %slice3A_123[0, 0] : f32 from vector<1x1xf32>
    %mul3A_125 = vector.broadcast %squeeze3A_124 : f32 to vector<128x128xf32>
    %mul3A_126 = arith.mulf %mul3A_125, %convert_element_type3A_122 : vector<128x128xf32>
    %get3A_127 = arith.constant 1 : index
    %get3A_128 = arith.constant 0 : index
    %get3A_129 = arith.constant 0 : index
    %get3A_130 = vector.load %arg5[%get3A_127, %get3A_128, %get3A_129] : memref<8x128x128xf32, #tpu.memory_space<vmem>>, vector<1x128x128xf32>
    %get3A_131 = vector.shape_cast %get3A_130 : vector<1x128x128xf32> to vector<128x128xf32>
    %convert_element_type3A_132 = arith.truncf %get3A_131 : vector<128x128xf32> to vector<128x128xbf16>
    %convert_element_type3A_133 = arith.extf %convert_element_type3A_132 : vector<128x128xbf16> to vector<128x128xf32>
    %slice3A_134 = vector.extract_strided_slice %convert_element_type3A_23 {offsets = [1, 1], sizes = [1, 1], strides = [1, 1]} : vector<4x8xf32> to vector<1x1xf32>
    %squeeze3A_135 = vector.extract %slice3A_134[0, 0] : f32 from vector<1x1xf32>
    %mul3A_136 = vector.broadcast %squeeze3A_135 : f32 to vector<128x128xf32>
    %mul3A_137 = arith.mulf %mul3A_136, %convert_element_type3A_133 : vector<128x128xf32>
    %add3A_138 = arith.addf %mul3A_126, %mul3A_137 : vector<128x128xf32>
    %get3A_139 = arith.constant 2 : index
    %get3A_140 = arith.constant 0 : index
    %get3A_141 = arith.constant 0 : index
    %get3A_142 = vector.load %arg5[%get3A_139, %get3A_140, %get3A_141] : memref<8x128x128xf32, #tpu.memory_space<vmem>>, vector<1x128x128xf32>
    %get3A_143 = vector.shape_cast %get3A_142 : vector<1x128x128xf32> to vector<128x128xf32>
    %convert_element_type3A_144 = arith.truncf %get3A_143 : vector<128x128xf32> to vector<128x128xbf16>
    %convert_element_type3A_145 = arith.extf %convert_element_type3A_144 : vector<128x128xbf16> to vector<128x128xf32>
    %slice3A_146 = vector.extract_strided_slice %convert_element_type3A_23 {offsets = [1, 2], sizes = [1, 1], strides = [1, 1]} : vector<4x8xf32> to vector<1x1xf32>
    %squeeze3A_147 = vector.extract %slice3A_146[0, 0] : f32 from vector<1x1xf32>
    %mul3A_148 = vector.broadcast %squeeze3A_147 : f32 to vector<128x128xf32>
    %mul3A_149 = arith.mulf %mul3A_148, %convert_element_type3A_145 : vector<128x128xf32>
    %add3A_150 = arith.addf %add3A_138, %mul3A_149 : vector<128x128xf32>
    %get3A_151 = arith.constant 3 : index
    %get3A_152 = arith.constant 0 : index
    %get3A_153 = arith.constant 0 : index
    %get3A_154 = vector.load %arg5[%get3A_151, %get3A_152, %get3A_153] : memref<8x128x128xf32, #tpu.memory_space<vmem>>, vector<1x128x128xf32>
    %get3A_155 = vector.shape_cast %get3A_154 : vector<1x128x128xf32> to vector<128x128xf32>
    %convert_element_type3A_156 = arith.truncf %get3A_155 : vector<128x128xf32> to vector<128x128xbf16>
    %convert_element_type3A_157 = arith.extf %convert_element_type3A_156 : vector<128x128xbf16> to vector<128x128xf32>
    %slice3A_158 = vector.extract_strided_slice %convert_element_type3A_23 {offsets = [1, 3], sizes = [1, 1], strides = [1, 1]} : vector<4x8xf32> to vector<1x1xf32>
    %squeeze3A_159 = vector.extract %slice3A_158[0, 0] : f32 from vector<1x1xf32>
    %mul3A_160 = vector.broadcast %squeeze3A_159 : f32 to vector<128x128xf32>
    %mul3A_161 = arith.mulf %mul3A_160, %convert_element_type3A_157 : vector<128x128xf32>
    %add3A_162 = arith.addf %add3A_150, %mul3A_161 : vector<128x128xf32>
    %get3A_163 = arith.constant 4 : index
    %get3A_164 = arith.constant 0 : index
    %get3A_165 = arith.constant 0 : index
    %get3A_166 = vector.load %arg5[%get3A_163, %get3A_164, %get3A_165] : memref<8x128x128xf32, #tpu.memory_space<vmem>>, vector<1x128x128xf32>
    %get3A_167 = vector.shape_cast %get3A_166 : vector<1x128x128xf32> to vector<128x128xf32>
    %convert_element_type3A_168 = arith.truncf %get3A_167 : vector<128x128xf32> to vector<128x128xbf16>
    %convert_element_type3A_169 = arith.extf %convert_element_type3A_168 : vector<128x128xbf16> to vector<128x128xf32>
    %slice3A_170 = vector.extract_strided_slice %convert_element_type3A_23 {offsets = [1, 4], sizes = [1, 1], strides = [1, 1]} : vector<4x8xf32> to vector<1x1xf32>
    %squeeze3A_171 = vector.extract %slice3A_170[0, 0] : f32 from vector<1x1xf32>
    %mul3A_172 = vector.broadcast %squeeze3A_171 : f32 to vector<128x128xf32>
    %mul3A_173 = arith.mulf %mul3A_172, %convert_element_type3A_169 : vector<128x128xf32>
    %add3A_174 = arith.addf %add3A_162, %mul3A_173 : vector<128x128xf32>
    %get3A_175 = arith.constant 5 : index
    %get3A_176 = arith.constant 0 : index
    %get3A_177 = arith.constant 0 : index
    %get3A_178 = vector.load %arg5[%get3A_175, %get3A_176, %get3A_177] : memref<8x128x128xf32, #tpu.memory_space<vmem>>, vector<1x128x128xf32>
    %get3A_179 = vector.shape_cast %get3A_178 : vector<1x128x128xf32> to vector<128x128xf32>
    %convert_element_type3A_180 = arith.truncf %get3A_179 : vector<128x128xf32> to vector<128x128xbf16>
    %convert_element_type3A_181 = arith.extf %convert_element_type3A_180 : vector<128x128xbf16> to vector<128x128xf32>
    %slice3A_182 = vector.extract_strided_slice %convert_element_type3A_23 {offsets = [1, 5], sizes = [1, 1], strides = [1, 1]} : vector<4x8xf32> to vector<1x1xf32>
    %squeeze3A_183 = vector.extract %slice3A_182[0, 0] : f32 from vector<1x1xf32>
    %mul3A_184 = vector.broadcast %squeeze3A_183 : f32 to vector<128x128xf32>
    %mul3A_185 = arith.mulf %mul3A_184, %convert_element_type3A_181 : vector<128x128xf32>
    %add3A_186 = arith.addf %add3A_174, %mul3A_185 : vector<128x128xf32>
    %get3A_187 = arith.constant 6 : index
    %get3A_188 = arith.constant 0 : index
    %get3A_189 = arith.constant 0 : index
    %get3A_190 = vector.load %arg5[%get3A_187, %get3A_188, %get3A_189] : memref<8x128x128xf32, #tpu.memory_space<vmem>>, vector<1x128x128xf32>
    %get3A_191 = vector.shape_cast %get3A_190 : vector<1x128x128xf32> to vector<128x128xf32>
    %convert_element_type3A_192 = arith.truncf %get3A_191 : vector<128x128xf32> to vector<128x128xbf16>
    %convert_element_type3A_193 = arith.extf %convert_element_type3A_192 : vector<128x128xbf16> to vector<128x128xf32>
    %slice3A_194 = vector.extract_strided_slice %convert_element_type3A_23 {offsets = [1, 6], sizes = [1, 1], strides = [1, 1]} : vector<4x8xf32> to vector<1x1xf32>
    %squeeze3A_195 = vector.extract %slice3A_194[0, 0] : f32 from vector<1x1xf32>
    %mul3A_196 = vector.broadcast %squeeze3A_195 : f32 to vector<128x128xf32>
    %mul3A_197 = arith.mulf %mul3A_196, %convert_element_type3A_193 : vector<128x128xf32>
    %add3A_198 = arith.addf %add3A_186, %mul3A_197 : vector<128x128xf32>
    %get3A_199 = arith.constant 7 : index
    %get3A_200 = arith.constant 0 : index
    %get3A_201 = arith.constant 0 : index
    %get3A_202 = vector.load %arg5[%get3A_199, %get3A_200, %get3A_201] : memref<8x128x128xf32, #tpu.memory_space<vmem>>, vector<1x128x128xf32>
    %get3A_203 = vector.shape_cast %get3A_202 : vector<1x128x128xf32> to vector<128x128xf32>
    %convert_element_type3A_204 = arith.truncf %get3A_203 : vector<128x128xf32> to vector<128x128xbf16>
    %convert_element_type3A_205 = arith.extf %convert_element_type3A_204 : vector<128x128xbf16> to vector<128x128xf32>
    %slice3A_206 = vector.extract_strided_slice %convert_element_type3A_23 {offsets = [1, 7], sizes = [1, 1], strides = [1, 1]} : vector<4x8xf32> to vector<1x1xf32>
    %squeeze3A_207 = vector.extract %slice3A_206[0, 0] : f32 from vector<1x1xf32>
    %mul3A_208 = vector.broadcast %squeeze3A_207 : f32 to vector<128x128xf32>
    %mul3A_209 = arith.mulf %mul3A_208, %convert_element_type3A_205 : vector<128x128xf32>
    %add3A_210 = arith.addf %add3A_198, %mul3A_209 : vector<128x128xf32>
    %get3A_211 = arith.constant 0 : index
    %get3A_212 = arith.constant 0 : index
    %get3A_213 = arith.constant 0 : index
    %get3A_214 = vector.load %arg5[%get3A_211, %get3A_212, %get3A_213] : memref<8x128x128xf32, #tpu.memory_space<vmem>>, vector<1x128x128xf32>
    %get3A_215 = vector.shape_cast %get3A_214 : vector<1x128x128xf32> to vector<128x128xf32>
    %convert_element_type3A_216 = arith.truncf %get3A_215 : vector<128x128xf32> to vector<128x128xbf16>
    %convert_element_type3A_217 = arith.extf %convert_element_type3A_216 : vector<128x128xbf16> to vector<128x128xf32>
    %slice3A_218 = vector.extract_strided_slice %convert_element_type3A_23 {offsets = [2, 0], sizes = [1, 1], strides = [1, 1]} : vector<4x8xf32> to vector<1x1xf32>
    %squeeze3A_219 = vector.extract %slice3A_218[0, 0] : f32 from vector<1x1xf32>
    %mul3A_220 = vector.broadcast %squeeze3A_219 : f32 to vector<128x128xf32>
    %mul3A_221 = arith.mulf %mul3A_220, %convert_element_type3A_217 : vector<128x128xf32>
    %get3A_222 = arith.constant 1 : index
    %get3A_223 = arith.constant 0 : index
    %get3A_224 = arith.constant 0 : index
    %get3A_225 = vector.load %arg5[%get3A_222, %get3A_223, %get3A_224] : memref<8x128x128xf32, #tpu.memory_space<vmem>>, vector<1x128x128xf32>
    %get3A_226 = vector.shape_cast %get3A_225 : vector<1x128x128xf32> to vector<128x128xf32>
    %convert_element_type3A_227 = arith.truncf %get3A_226 : vector<128x128xf32> to vector<128x128xbf16>
    %convert_element_type3A_228 = arith.extf %convert_element_type3A_227 : vector<128x128xbf16> to vector<128x128xf32>
    %slice3A_229 = vector.extract_strided_slice %convert_element_type3A_23 {offsets = [2, 1], sizes = [1, 1], strides = [1, 1]} : vector<4x8xf32> to vector<1x1xf32>
    %squeeze3A_230 = vector.extract %slice3A_229[0, 0] : f32 from vector<1x1xf32>
    %mul3A_231 = vector.broadcast %squeeze3A_230 : f32 to vector<128x128xf32>
    %mul3A_232 = arith.mulf %mul3A_231, %convert_element_type3A_228 : vector<128x128xf32>
    %add3A_233 = arith.addf %mul3A_221, %mul3A_232 : vector<128x128xf32>
    %get3A_234 = arith.constant 2 : index
    %get3A_235 = arith.constant 0 : index
    %get3A_236 = arith.constant 0 : index
    %get3A_237 = vector.load %arg5[%get3A_234, %get3A_235, %get3A_236] : memref<8x128x128xf32, #tpu.memory_space<vmem>>, vector<1x128x128xf32>
    %get3A_238 = vector.shape_cast %get3A_237 : vector<1x128x128xf32> to vector<128x128xf32>
    %convert_element_type3A_239 = arith.truncf %get3A_238 : vector<128x128xf32> to vector<128x128xbf16>
    %convert_element_type3A_240 = arith.extf %convert_element_type3A_239 : vector<128x128xbf16> to vector<128x128xf32>
    %slice3A_241 = vector.extract_strided_slice %convert_element_type3A_23 {offsets = [2, 2], sizes = [1, 1], strides = [1, 1]} : vector<4x8xf32> to vector<1x1xf32>
    %squeeze3A_242 = vector.extract %slice3A_241[0, 0] : f32 from vector<1x1xf32>
    %mul3A_243 = vector.broadcast %squeeze3A_242 : f32 to vector<128x128xf32>
    %mul3A_244 = arith.mulf %mul3A_243, %convert_element_type3A_240 : vector<128x128xf32>
    %add3A_245 = arith.addf %add3A_233, %mul3A_244 : vector<128x128xf32>
    %get3A_246 = arith.constant 3 : index
    %get3A_247 = arith.constant 0 : index
    %get3A_248 = arith.constant 0 : index
    %get3A_249 = vector.load %arg5[%get3A_246, %get3A_247, %get3A_248] : memref<8x128x128xf32, #tpu.memory_space<vmem>>, vector<1x128x128xf32>
    %get3A_250 = vector.shape_cast %get3A_249 : vector<1x128x128xf32> to vector<128x128xf32>
    %convert_element_type3A_251 = arith.truncf %get3A_250 : vector<128x128xf32> to vector<128x128xbf16>
    %convert_element_type3A_252 = arith.extf %convert_element_type3A_251 : vector<128x128xbf16> to vector<128x128xf32>
    %slice3A_253 = vector.extract_strided_slice %convert_element_type3A_23 {offsets = [2, 3], sizes = [1, 1], strides = [1, 1]} : vector<4x8xf32> to vector<1x1xf32>
    %squeeze3A_254 = vector.extract %slice3A_253[0, 0] : f32 from vector<1x1xf32>
    %mul3A_255 = vector.broadcast %squeeze3A_254 : f32 to vector<128x128xf32>
    %mul3A_256 = arith.mulf %mul3A_255, %convert_element_type3A_252 : vector<128x128xf32>
    %add3A_257 = arith.addf %add3A_245, %mul3A_256 : vector<128x128xf32>
    %get3A_258 = arith.constant 4 : index
    %get3A_259 = arith.constant 0 : index
    %get3A_260 = arith.constant 0 : index
    %get3A_261 = vector.load %arg5[%get3A_258, %get3A_259, %get3A_260] : memref<8x128x128xf32, #tpu.memory_space<vmem>>, vector<1x128x128xf32>
    %get3A_262 = vector.shape_cast %get3A_261 : vector<1x128x128xf32> to vector<128x128xf32>
    %convert_element_type3A_263 = arith.truncf %get3A_262 : vector<128x128xf32> to vector<128x128xbf16>
    %convert_element_type3A_264 = arith.extf %convert_element_type3A_263 : vector<128x128xbf16> to vector<128x128xf32>
    %slice3A_265 = vector.extract_strided_slice %convert_element_type3A_23 {offsets = [2, 4], sizes = [1, 1], strides = [1, 1]} : vector<4x8xf32> to vector<1x1xf32>
    %squeeze3A_266 = vector.extract %slice3A_265[0, 0] : f32 from vector<1x1xf32>
    %mul3A_267 = vector.broadcast %squeeze3A_266 : f32 to vector<128x128xf32>
    %mul3A_268 = arith.mulf %mul3A_267, %convert_element_type3A_264 : vector<128x128xf32>
    %add3A_269 = arith.addf %add3A_257, %mul3A_268 : vector<128x128xf32>
    %get3A_270 = arith.constant 5 : index
    %get3A_271 = arith.constant 0 : index
    %get3A_272 = arith.constant 0 : index
    %get3A_273 = vector.load %arg5[%get3A_270, %get3A_271, %get3A_272] : memref<8x128x128xf32, #tpu.memory_space<vmem>>, vector<1x128x128xf32>
    %get3A_274 = vector.shape_cast %get3A_273 : vector<1x128x128xf32> to vector<128x128xf32>
    %convert_element_type3A_275 = arith.truncf %get3A_274 : vector<128x128xf32> to vector<128x128xbf16>
    %convert_element_type3A_276 = arith.extf %convert_element_type3A_275 : vector<128x128xbf16> to vector<128x128xf32>
    %slice3A_277 = vector.extract_strided_slice %convert_element_type3A_23 {offsets = [2, 5], sizes = [1, 1], strides = [1, 1]} : vector<4x8xf32> to vector<1x1xf32>
    %squeeze3A_278 = vector.extract %slice3A_277[0, 0] : f32 from vector<1x1xf32>
    %mul3A_279 = vector.broadcast %squeeze3A_278 : f32 to vector<128x128xf32>
    %mul3A_280 = arith.mulf %mul3A_279, %convert_element_type3A_276 : vector<128x128xf32>
    %add3A_281 = arith.addf %add3A_269, %mul3A_280 : vector<128x128xf32>
    %get3A_282 = arith.constant 6 : index
    %get3A_283 = arith.constant 0 : index
    %get3A_284 = arith.constant 0 : index
    %get3A_285 = vector.load %arg5[%get3A_282, %get3A_283, %get3A_284] : memref<8x128x128xf32, #tpu.memory_space<vmem>>, vector<1x128x128xf32>
    %get3A_286 = vector.shape_cast %get3A_285 : vector<1x128x128xf32> to vector<128x128xf32>
    %convert_element_type3A_287 = arith.truncf %get3A_286 : vector<128x128xf32> to vector<128x128xbf16>
    %convert_element_type3A_288 = arith.extf %convert_element_type3A_287 : vector<128x128xbf16> to vector<128x128xf32>
    %slice3A_289 = vector.extract_strided_slice %convert_element_type3A_23 {offsets = [2, 6], sizes = [1, 1], strides = [1, 1]} : vector<4x8xf32> to vector<1x1xf32>
    %squeeze3A_290 = vector.extract %slice3A_289[0, 0] : f32 from vector<1x1xf32>
    %mul3A_291 = vector.broadcast %squeeze3A_290 : f32 to vector<128x128xf32>
    %mul3A_292 = arith.mulf %mul3A_291, %convert_element_type3A_288 : vector<128x128xf32>
    %add3A_293 = arith.addf %add3A_281, %mul3A_292 : vector<128x128xf32>
    %get3A_294 = arith.constant 7 : index
    %get3A_295 = arith.constant 0 : index
    %get3A_296 = arith.constant 0 : index
    %get3A_297 = vector.load %arg5[%get3A_294, %get3A_295, %get3A_296] : memref<8x128x128xf32, #tpu.memory_space<vmem>>, vector<1x128x128xf32>
    %get3A_298 = vector.shape_cast %get3A_297 : vector<1x128x128xf32> to vector<128x128xf32>
    %convert_element_type3A_299 = arith.truncf %get3A_298 : vector<128x128xf32> to vector<128x128xbf16>
    %convert_element_type3A_300 = arith.extf %convert_element_type3A_299 : vector<128x128xbf16> to vector<128x128xf32>
    %slice3A_301 = vector.extract_strided_slice %convert_element_type3A_23 {offsets = [2, 7], sizes = [1, 1], strides = [1, 1]} : vector<4x8xf32> to vector<1x1xf32>
    %squeeze3A_302 = vector.extract %slice3A_301[0, 0] : f32 from vector<1x1xf32>
    %mul3A_303 = vector.broadcast %squeeze3A_302 : f32 to vector<128x128xf32>
    %mul3A_304 = arith.mulf %mul3A_303, %convert_element_type3A_300 : vector<128x128xf32>
    %add3A_305 = arith.addf %add3A_293, %mul3A_304 : vector<128x128xf32>
    %get3A_306 = arith.constant 0 : index
    %get3A_307 = arith.constant 0 : index
    %get3A_308 = arith.constant 0 : index
    %get3A_309 = vector.load %arg5[%get3A_306, %get3A_307, %get3A_308] : memref<8x128x128xf32, #tpu.memory_space<vmem>>, vector<1x128x128xf32>
    %get3A_310 = vector.shape_cast %get3A_309 : vector<1x128x128xf32> to vector<128x128xf32>
    %convert_element_type3A_311 = arith.truncf %get3A_310 : vector<128x128xf32> to vector<128x128xbf16>
    %convert_element_type3A_312 = arith.extf %convert_element_type3A_311 : vector<128x128xbf16> to vector<128x128xf32>
    %slice3A_313 = vector.extract_strided_slice %convert_element_type3A_23 {offsets = [3, 0], sizes = [1, 1], strides = [1, 1]} : vector<4x8xf32> to vector<1x1xf32>
    %squeeze3A_314 = vector.extract %slice3A_313[0, 0] : f32 from vector<1x1xf32>
    %mul3A_315 = vector.broadcast %squeeze3A_314 : f32 to vector<128x128xf32>
    %mul3A_316 = arith.mulf %mul3A_315, %convert_element_type3A_312 : vector<128x128xf32>
    %get3A_317 = arith.constant 1 : index
    %get3A_318 = arith.constant 0 : index
    %get3A_319 = arith.constant 0 : index
    %get3A_320 = vector.load %arg5[%get3A_317, %get3A_318, %get3A_319] : memref<8x128x128xf32, #tpu.memory_space<vmem>>, vector<1x128x128xf32>
    %get3A_321 = vector.shape_cast %get3A_320 : vector<1x128x128xf32> to vector<128x128xf32>
    %convert_element_type3A_322 = arith.truncf %get3A_321 : vector<128x128xf32> to vector<128x128xbf16>
    %convert_element_type3A_323 = arith.extf %convert_element_type3A_322 : vector<128x128xbf16> to vector<128x128xf32>
    %slice3A_324 = vector.extract_strided_slice %convert_element_type3A_23 {offsets = [3, 1], sizes = [1, 1], strides = [1, 1]} : vector<4x8xf32> to vector<1x1xf32>
    %squeeze3A_325 = vector.extract %slice3A_324[0, 0] : f32 from vector<1x1xf32>
    %mul3A_326 = vector.broadcast %squeeze3A_325 : f32 to vector<128x128xf32>
    %mul3A_327 = arith.mulf %mul3A_326, %convert_element_type3A_323 : vector<128x128xf32>
    %add3A_328 = arith.addf %mul3A_316, %mul3A_327 : vector<128x128xf32>
    %get3A_329 = arith.constant 2 : index
    %get3A_330 = arith.constant 0 : index
    %get3A_331 = arith.constant 0 : index
    %get3A_332 = vector.load %arg5[%get3A_329, %get3A_330, %get3A_331] : memref<8x128x128xf32, #tpu.memory_space<vmem>>, vector<1x128x128xf32>
    %get3A_333 = vector.shape_cast %get3A_332 : vector<1x128x128xf32> to vector<128x128xf32>
    %convert_element_type3A_334 = arith.truncf %get3A_333 : vector<128x128xf32> to vector<128x128xbf16>
    %convert_element_type3A_335 = arith.extf %convert_element_type3A_334 : vector<128x128xbf16> to vector<128x128xf32>
    %slice3A_336 = vector.extract_strided_slice %convert_element_type3A_23 {offsets = [3, 2], sizes = [1, 1], strides = [1, 1]} : vector<4x8xf32> to vector<1x1xf32>
    %squeeze3A_337 = vector.extract %slice3A_336[0, 0] : f32 from vector<1x1xf32>
    %mul3A_338 = vector.broadcast %squeeze3A_337 : f32 to vector<128x128xf32>
    %mul3A_339 = arith.mulf %mul3A_338, %convert_element_type3A_335 : vector<128x128xf32>
    %add3A_340 = arith.addf %add3A_328, %mul3A_339 : vector<128x128xf32>
    %get3A_341 = arith.constant 3 : index
    %get3A_342 = arith.constant 0 : index
    %get3A_343 = arith.constant 0 : index
    %get3A_344 = vector.load %arg5[%get3A_341, %get3A_342, %get3A_343] : memref<8x128x128xf32, #tpu.memory_space<vmem>>, vector<1x128x128xf32>
    %get3A_345 = vector.shape_cast %get3A_344 : vector<1x128x128xf32> to vector<128x128xf32>
    %convert_element_type3A_346 = arith.truncf %get3A_345 : vector<128x128xf32> to vector<128x128xbf16>
    %convert_element_type3A_347 = arith.extf %convert_element_type3A_346 : vector<128x128xbf16> to vector<128x128xf32>
    %slice3A_348 = vector.extract_strided_slice %convert_element_type3A_23 {offsets = [3, 3], sizes = [1, 1], strides = [1, 1]} : vector<4x8xf32> to vector<1x1xf32>
    %squeeze3A_349 = vector.extract %slice3A_348[0, 0] : f32 from vector<1x1xf32>
    %mul3A_350 = vector.broadcast %squeeze3A_349 : f32 to vector<128x128xf32>
    %mul3A_351 = arith.mulf %mul3A_350, %convert_element_type3A_347 : vector<128x128xf32>
    %add3A_352 = arith.addf %add3A_340, %mul3A_351 : vector<128x128xf32>
    %get3A_353 = arith.constant 4 : index
    %get3A_354 = arith.constant 0 : index
    %get3A_355 = arith.constant 0 : index
    %get3A_356 = vector.load %arg5[%get3A_353, %get3A_354, %get3A_355] : memref<8x128x128xf32, #tpu.memory_space<vmem>>, vector<1x128x128xf32>
    %get3A_357 = vector.shape_cast %get3A_356 : vector<1x128x128xf32> to vector<128x128xf32>
    %convert_element_type3A_358 = arith.truncf %get3A_357 : vector<128x128xf32> to vector<128x128xbf16>
    %convert_element_type3A_359 = arith.extf %convert_element_type3A_358 : vector<128x128xbf16> to vector<128x128xf32>
    %slice3A_360 = vector.extract_strided_slice %convert_element_type3A_23 {offsets = [3, 4], sizes = [1, 1], strides = [1, 1]} : vector<4x8xf32> to vector<1x1xf32>
    %squeeze3A_361 = vector.extract %slice3A_360[0, 0] : f32 from vector<1x1xf32>
    %mul3A_362 = vector.broadcast %squeeze3A_361 : f32 to vector<128x128xf32>
    %mul3A_363 = arith.mulf %mul3A_362, %convert_element_type3A_359 : vector<128x128xf32>
    %add3A_364 = arith.addf %add3A_352, %mul3A_363 : vector<128x128xf32>
    %get3A_365 = arith.constant 5 : index
    %get3A_366 = arith.constant 0 : index
    %get3A_367 = arith.constant 0 : index
    %get3A_368 = vector.load %arg5[%get3A_365, %get3A_366, %get3A_367] : memref<8x128x128xf32, #tpu.memory_space<vmem>>, vector<1x128x128xf32>
    %get3A_369 = vector.shape_cast %get3A_368 : vector<1x128x128xf32> to vector<128x128xf32>
    %convert_element_type3A_370 = arith.truncf %get3A_369 : vector<128x128xf32> to vector<128x128xbf16>
    %convert_element_type3A_371 = arith.extf %convert_element_type3A_370 : vector<128x128xbf16> to vector<128x128xf32>
    %slice3A_372 = vector.extract_strided_slice %convert_element_type3A_23 {offsets = [3, 5], sizes = [1, 1], strides = [1, 1]} : vector<4x8xf32> to vector<1x1xf32>
    %squeeze3A_373 = vector.extract %slice3A_372[0, 0] : f32 from vector<1x1xf32>
    %mul3A_374 = vector.broadcast %squeeze3A_373 : f32 to vector<128x128xf32>
    %mul3A_375 = arith.mulf %mul3A_374, %convert_element_type3A_371 : vector<128x128xf32>
    %add3A_376 = arith.addf %add3A_364, %mul3A_375 : vector<128x128xf32>
    %get3A_377 = arith.constant 6 : index
    %get3A_378 = arith.constant 0 : index
    %get3A_379 = arith.constant 0 : index
    %get3A_380 = vector.load %arg5[%get3A_377, %get3A_378, %get3A_379] : memref<8x128x128xf32, #tpu.memory_space<vmem>>, vector<1x128x128xf32>
    %get3A_381 = vector.shape_cast %get3A_380 : vector<1x128x128xf32> to vector<128x128xf32>
    %convert_element_type3A_382 = arith.truncf %get3A_381 : vector<128x128xf32> to vector<128x128xbf16>
    %convert_element_type3A_383 = arith.extf %convert_element_type3A_382 : vector<128x128xbf16> to vector<128x128xf32>
    %slice3A_384 = vector.extract_strided_slice %convert_element_type3A_23 {offsets = [3, 6], sizes = [1, 1], strides = [1, 1]} : vector<4x8xf32> to vector<1x1xf32>
    %squeeze3A_385 = vector.extract %slice3A_384[0, 0] : f32 from vector<1x1xf32>
    %mul3A_386 = vector.broadcast %squeeze3A_385 : f32 to vector<128x128xf32>
    %mul3A_387 = arith.mulf %mul3A_386, %convert_element_type3A_383 : vector<128x128xf32>
    %add3A_388 = arith.addf %add3A_376, %mul3A_387 : vector<128x128xf32>
    %get3A_389 = arith.constant 7 : index
    %get3A_390 = arith.constant 0 : index
    %get3A_391 = arith.constant 0 : index
    %get3A_392 = vector.load %arg5[%get3A_389, %get3A_390, %get3A_391] : memref<8x128x128xf32, #tpu.memory_space<vmem>>, vector<1x128x128xf32>
    %get3A_393 = vector.shape_cast %get3A_392 : vector<1x128x128xf32> to vector<128x128xf32>
    %convert_element_type3A_394 = arith.truncf %get3A_393 : vector<128x128xf32> to vector<128x128xbf16>
    %convert_element_type3A_395 = arith.extf %convert_element_type3A_394 : vector<128x128xbf16> to vector<128x128xf32>
    %slice3A_396 = vector.extract_strided_slice %convert_element_type3A_23 {offsets = [3, 7], sizes = [1, 1], strides = [1, 1]} : vector<4x8xf32> to vector<1x1xf32>
    %squeeze3A_397 = vector.extract %slice3A_396[0, 0] : f32 from vector<1x1xf32>
    %mul3A_398 = vector.broadcast %squeeze3A_397 : f32 to vector<128x128xf32>
    %mul3A_399 = arith.mulf %mul3A_398, %convert_element_type3A_395 : vector<128x128xf32>
    %add3A_400 = arith.addf %add3A_388, %mul3A_399 : vector<128x128xf32>
    %concatenate3A = tpu.concatenate %add3A_115, %add3A_210, %add3A_305, %add3A_400 in 1 : vector<128x128xf32>, vector<128x128xf32>, vector<128x128xf32>, vector<128x128xf32> -> vector<128x512xf32>
    %dot_general3A = arith.constant dense<0.000000e+00> : vector<400x512xf32>
    %dot_general3A_401 = tpu.matmul %max3A_17, %concatenate3A, %dot_general3A {dimension_numbers = #tpu.dot_dimension_numbers<[1], [0], [0], [1], [0, 0, 1, 1], [], []>, transpose_lhs_hint = false} : vector<400x128xf32>, vector<128x512xf32>, vector<400x512xf32> -> vector<400x512xf32>
    %swap3A_402 = arith.constant 0 : index
    %swap3A_403 = arith.constant 0 : index
    %swap3A_404 = vector.load %arg8[%swap3A_402, %swap3A_403] : memref<400x512xf32, #tpu.memory_space<vmem>>, vector<400x512xf32>
    tpu.vector_store %arg8[%swap3A_402, %swap3A_403], %dot_general3A_401 {strides = array<i32>} : memref<400x512xf32, #tpu.memory_space<vmem>>, vector<400x512xf32>,
    return
  }
  func.func @transform_0(%arg0: i32) -> (i32, i32) {
    %c0_i32 = arith.constant 0 : i32
    %c0_i32_0 = arith.constant 0 : i32
    return %arg0, %c0_i32 : i32, i32
  }
  func.func @transform_1(%arg0: i32) -> (i32, i32) {
    %c0_i32 = arith.constant 0 : i32
    %c0_i32_0 = arith.constant 0 : i32
    return %arg0, %c0_i32 : i32, i32
  }
  func.func @transform_2(%arg0: i32) -> (i32, i32) {
    %c0_i32 = arith.constant 0 : i32
    %c0_i32_0 = arith.constant 0 : i32
    return %arg0, %c0_i32 : i32, i32
  }
  func.func @transform_3(%arg0: i32) -> (i32, i32) {
    %c0_i32 = arith.constant 0 : i32
    %c0_i32_0 = arith.constant 0 : i32
    return %arg0, %c0_i32 : i32, i32
  }
  func.func @transform_4(%arg0: i32) -> (i32, i32, i32) {
    %c0_i32 = arith.constant 0 : i32
    %c0_i32_0 = arith.constant 0 : i32
    %c0_i32_1 = arith.constant 0 : i32
    %c0_i32_2 = arith.constant 0 : i32
    return %c0_i32, %c0_i32_0, %c0_i32_1 : i32, i32, i32
  }
  func.func @transform_5(%arg0: i32) -> (i32, i32) {
    %c0_i32 = arith.constant 0 : i32
    %c0_i32_0 = arith.constant 0 : i32
    %c0_i32_1 = arith.constant 0 : i32
    return %c0_i32, %c0_i32_0 : i32, i32
  }
  func.func @transform_6(%arg0: i32) -> (i32, i32) {
    %c0_i32 = arith.constant 0 : i32
    %c0_i32_0 = arith.constant 0 : i32
    return %arg0, %c0_i32 : i32, i32
  }
  func.func @transform_7(%arg0: i32) -> (i32, i32) {
    %c0_i32 = arith.constant 0 : i32
    %c0_i32_0 = arith.constant 0 : i32
    return %arg0, %c0_i32 : i32, i32
  }
}

module attributes {stable_mosaic.version = 14 : i64} {
  func.func @_final_body(%arg0: i32, %arg1: memref<400x128xf32, #tpu.memory_space<vmem>>, %arg2: memref<400x128xf32, #tpu.memory_space<vmem>>, %arg3: memref<400x128xf32, #tpu.memory_space<vmem>>, %arg4: memref<400x128xf32, #tpu.memory_space<vmem>>, %arg5: memref<128x1xf32, #tpu.memory_space<vmem>>, %arg6: memref<1x1xf32, #tpu.memory_space<vmem>>, %arg7: memref<400x128xf32, #tpu.memory_space<vmem>>, %arg8: memref<400x1xf32, #tpu.memory_space<vmem>>) attributes {dimension_semantics = [#tpu.dimension_semantics<arbitrary>], iteration_bounds = array<i64: 25>, scalar_prefetch = 0 : i64, scratch_operands = 0 : i64, tpu.core_type = #tpu.core_type<tc>, window_params = [{transform_indices = @transform_0, window_bounds = array<i64: 400, 128>}, {transform_indices = @transform_1, window_bounds = array<i64: 400, 128>}, {transform_indices = @transform_2, window_bounds = array<i64: 400, 128>}, {transform_indices = @transform_3, window_bounds = array<i64: 400, 128>}, {pipeline_mode = #tpu.pipeline_mode<synchronous>, transform_indices = @transform_4, window_bounds = array<i64: 128, 1>}, {pipeline_mode = #tpu.pipeline_mode<synchronous>, transform_indices = @transform_5, window_bounds = array<i64: 1, 1>}, {transform_indices = @transform_6, window_bounds = array<i64: 400, 128>}, {transform_indices = @transform_7, window_bounds = array<i64: 400, 1>}]} {
    %get3A = arith.constant 0 : index
    %get3A_0 = arith.constant 0 : index
    %get3A_1 = vector.load %arg3[%get3A, %get3A_0] : memref<400x128xf32, #tpu.memory_space<vmem>>, vector<400x1xf32>
    %get3A_2 = arith.constant 0 : index
    %get3A_3 = arith.constant 0 : index
    %get3A_4 = vector.load %arg4[%get3A_2, %get3A_3] : memref<400x128xf32, #tpu.memory_space<vmem>>, vector<400x1xf32>
    %add3A = arith.addf %get3A_1, %get3A_4 : vector<400x1xf32>
    %get3A_5 = arith.constant 0 : index
    %get3A_6 = arith.constant 0 : index
    %get3A_7 = vector.load %arg1[%get3A_5, %get3A_6] : memref<400x128xf32, #tpu.memory_space<vmem>>, vector<400x128xf32>
    %get3A_8 = arith.constant 0 : index
    %get3A_9 = arith.constant 0 : index
    %get3A_10 = vector.load %arg2[%get3A_8, %get3A_9] : memref<400x128xf32, #tpu.memory_space<vmem>>, vector<400x128xf32>
    %add3A_11 = arith.addf %get3A_7, %get3A_10 : vector<400x128xf32>
    %max3A = arith.constant 1.000000e+00 : f32
    %max3A_12 = vector.broadcast %max3A : f32 to vector<400x1xf32>
    %max3A_13 = arith.maximumf %add3A, %max3A_12 : vector<400x1xf32>
    %div3A = vector.broadcast %max3A_13 : vector<400x1xf32> to vector<400x128xf32>
    %div3A_14 = arith.divf %add3A_11, %div3A : vector<400x128xf32>
    %max3A_15 = arith.constant 0.000000e+00 : f32
    %max3A_16 = vector.broadcast %max3A_15 : f32 to vector<400x128xf32>
    %max3A_17 = arith.maximumf %div3A_14, %max3A_16 : vector<400x128xf32>
    %swap3A = arith.constant 0 : index
    %swap3A_18 = arith.constant 0 : index
    %swap3A_19 = vector.load %arg7[%swap3A, %swap3A_18] : memref<400x128xf32, #tpu.memory_space<vmem>>, vector<400x128xf32>
    tpu.vector_store %arg7[%swap3A, %swap3A_18], %max3A_17 {strides = array<i32>} : memref<400x128xf32, #tpu.memory_space<vmem>>, vector<400x128xf32>,
    %get3A_20 = arith.constant 0 : index
    %get3A_21 = arith.constant 0 : index
    %get3A_22 = vector.load %arg5[%get3A_20, %get3A_21] : memref<128x1xf32, #tpu.memory_space<vmem>>, vector<128x1xf32>
    %dot_general3A = arith.constant dense<0.000000e+00> : vector<400x1xf32>
    %dot_general3A_23 = tpu.matmul %max3A_17, %get3A_22, %dot_general3A {dimension_numbers = #tpu.dot_dimension_numbers<[1], [0], [0], [1], [0, 0, 1, 1], [], []>, transpose_lhs_hint = false} : vector<400x128xf32>, vector<128x1xf32>, vector<400x1xf32> -> vector<400x1xf32>
    %get3A_24 = arith.constant 0 : index
    %get3A_25 = arith.constant 0 : index
    %get3A_26 = vector.load %arg6[%get3A_24, %get3A_25] : memref<1x1xf32, #tpu.memory_space<vmem>>, vector<1x1xf32>
    %get3A_27 = vector.extract %get3A_26[0, 0] : f32 from vector<1x1xf32>
    %add3A_28 = vector.broadcast %get3A_27 : f32 to vector<400x1xf32>
    %add3A_29 = arith.addf %dot_general3A_23, %add3A_28 : vector<400x1xf32>
    %swap3A_30 = arith.constant 0 : index
    %swap3A_31 = arith.constant 0 : index
    %swap3A_32 = vector.load %arg8[%swap3A_30, %swap3A_31] : memref<400x1xf32, #tpu.memory_space<vmem>>, vector<400x1xf32>
    tpu.vector_store %arg8[%swap3A_30, %swap3A_31], %add3A_29 {strides = array<i32>} : memref<400x1xf32, #tpu.memory_space<vmem>>, vector<400x1xf32>,
    return
  }
  func.func @transform_0(%arg0: i32) -> (i32, i32) {
    %c0_i32 = arith.constant 0 : i32
    %c0_i32_0 = arith.constant 0 : i32
    return %arg0, %c0_i32 : i32, i32
  }
  func.func @transform_1(%arg0: i32) -> (i32, i32) {
    %c0_i32 = arith.constant 0 : i32
    %c0_i32_0 = arith.constant 0 : i32
    return %arg0, %c0_i32 : i32, i32
  }
  func.func @transform_2(%arg0: i32) -> (i32, i32) {
    %c0_i32 = arith.constant 0 : i32
    %c0_i32_0 = arith.constant 0 : i32
    return %arg0, %c0_i32 : i32, i32
  }
  func.func @transform_3(%arg0: i32) -> (i32, i32) {
    %c0_i32 = arith.constant 0 : i32
    %c0_i32_0 = arith.constant 0 : i32
    return %arg0, %c0_i32 : i32, i32
  }
  func.func @transform_4(%arg0: i32) -> (i32, i32) {
    %c0_i32 = arith.constant 0 : i32
    %c0_i32_0 = arith.constant 0 : i32
    %c0_i32_1 = arith.constant 0 : i32
    return %c0_i32, %c0_i32_0 : i32, i32
  }
  func.func @transform_5(%arg0: i32) -> (i32, i32) {
    %c0_i32 = arith.constant 0 : i32
    %c0_i32_0 = arith.constant 0 : i32
    %c0_i32_1 = arith.constant 0 : i32
    return %c0_i32, %c0_i32_0 : i32, i32
  }
  func.func @transform_6(%arg0: i32) -> (i32, i32) {
    %c0_i32 = arith.constant 0 : i32
    %c0_i32_0 = arith.constant 0 : i32
    return %arg0, %c0_i32 : i32, i32
  }
  func.func @transform_7(%arg0: i32) -> (i32, i32) {
    %c0_i32 = arith.constant 0 : i32
    %c0_i32_0 = arith.constant 0 : i32
    return %arg0, %c0_i32 : i32, i32
  }
}

</mosaic_0001>

<sc_bundles>
// kernel: kernel.11.cloned.1.call-start
scs
__scs_entry_jumppad:
0x0: {  	(pc) =	sbr.rel $0x88, $3  }
0x1: {  	(tag) =	ssettag $0x0;
	lr =	simm.s32 $0x1  }
0x2: {  	[smem:$0x3F98] =	sst lr;
	_ =	strace $0xD0000000  }
0x3: {  	_ = 	snop  }
0x4: {  	_ = 	snop  }
0x5: {  	_ = 	snop  }
0x6: {  	_ = 	snop  }
0x7: {  	_ = 	snop  }
__scs_overlays_trampoline_lowered:
0x8: {  	[smem:$0x3FA7] =	sst s0  }
0x9: {  	[smem:$0x3FA8] =	sst s1  }
0xa: {  	[smem:$0x3FA9] =	sst s2  }
0xb: {  	[smem:$0x3FAA] =	sst s3  }
0xc: {  	[smem:$0x3FAB] =	sst s4  }
0xd: {  	[smem:$0x3FAC] =	sst s5  }
0xe: {  	[smem:$0x3FAD] =	sst s6  }
0xf: {  	[smem:$0x3FAE] =	sst s7  }
0x10: {  	[smem:$0x3FAF] =	sst s8  }
0x11: {  	[smem:$0x3FB0] =	sst s9;
	s0 =	simm.s32 @!p0 $0x0  }
0x12: {  	s1 =	sld [smem:$0x3F96];
	s0 =	simm.s32 @p0 $0x1  }
0x13: {  	[smem:$0x3FB1] =	sst s0;
	s0 =	simm.s32 @!p1 $0x0  }
0x14: {  	s2 =	sld [smem:$0x3F95];
	s0 =	simm.s32 @p1 $0x1  }
0x15: {  	[smem:$0x3FB2] =	sst s0;
	s0 =	simm.s32 @!p2 $0x0  }
0x16: {  	s3 =	sld [smem:$0x3FDB];
	s0 =	simm.s32 @p2 $0x1  }
0x17: {  	s4 =	simm.s32 $0x1BF5;
	[smem:$0x3FB4] =	sst s0  }
0x18: {  	s0 =	sld [smem:$0x3F97];
	_ =	swait.ge [sflag:s4], $0x0  }
0x19: {  	s7 =	sld [smem:$0x3F98]  }
0x1a: {  	s8 =	sadd.s32 $0xFFFFE003, lr  }
0x1b: {  	s9 =	sadd.s32 $0xFFFFFEF7, lr;
	s5 =	simm.s32 $0xFFFFFFFF;
	p2 =	slt.u32 s8, $0xFFFFF086  }
0x1c: {  	p1 =	slt.u32 s9, $0xF7A;
	s5 =	simm.s32 @!p2 $0x0  }
0x1d: {  	s5 =	simm.s32 @p1 $0x1;
	p0 =	seq.s32 s7, s2  }
0x1e: {  	s7 =	smul.u32 @!p0 $0xF7A, s2;
	p2 =	seq.s32 @!p0 s5, $0x0  }
0x1f: {  	s9 =	smul.u32 $0xF7A, s1;
	s8 =	simm.s32 @!p0 $0x1BF5;
	p2 =	por !p2, p0  }
0x20: {  	[sflag:s8] =	ssyncset.s32 @!p0 $0xFFFFF086;
	s6 =	sadd.s32 @!p0 s3, s7;
	s7 =	simm.s32 @!p0 $0x108  }
0x21: {  	s3 =	sadd.s32 s3, s9;
	s6 =	sadd.s32 @!p0 $0x88, s6;
	s7 =	simm.s32 @p2 $0x1082  }
0x22: {  	[simem:s7], [sflag:s8] =	dma.local @!p0 [hbm:s6], $0xF7A  }
0x23: {  	s9 =	sor.u32 $0xD0000000, s2;
	s6 =	simm.s32 $0x108;
	_ =	swait.ge @!p0 [sflag:s8], $0x0  }
0x24: {  	s3 =	sadd.s32 $0x88, s3;
	s6 =	simm.s32 @!p1 $0x1082;
	[sflag:s4] =	ssyncset.s32 $0xFFFFF086  }
0x25: {  	[simem:s6], [sflag:s4] =	dma.local [hbm:s3], $0xF7A  }
0x26: {  	[smem:$0x3F98] =	sst s1;
	(tag) =	ssettag s2;
	_ =	strace s9  }
0x27: {  	s1 =	sld [smem:$0x3FA8]  }
0x28: {  	s2 =	sld [smem:$0x3FA9]  }
0x29: {  	s4 =	sld [smem:$0x3FAB]  }
0x2a: {  	p0 =	seq.s32 s5, $0x0;
	s5 =	sld [smem:$0x3FAC]  }
0x2b: {  	s6 =	sld [smem:$0x3FAD]  }
0x2c: {  	s7 =	sld [smem:$0x3FAE]  }
0x2d: {  	s3 =	simm.s32 $0x108;
	s8 =	sld [smem:$0x3FAF]  }
0x2e: {  	s3 =	simm.s32 @!p0 $0x1082;
	s9 =	sld [smem:$0x3FB0]  }
0x2f: {  	lr =	sadd.s32 s0, s3;
	s0 =	sld [smem:$0x3FA7]  }
0x30: {  	s3 =	sld [smem:$0x3FAA]  }
0x31: {  	[smem:$0x3FB3] =	sst s10  }
0x32: {  	s10 =	sld [smem:$0x3FB1];
	_ =	sdelay $0x3  }
0x33: {  	p0 =	seq.s32 s10, $0x1;
	s10 =	sld [smem:$0x3FB3];
	_ =	sdelay $0x3  }
0x34: {  	[smem:$0x3FB3] =	sst s10  }
0x35: {  	s10 =	sld [smem:$0x3FB2];
	_ =	sdelay $0x3  }
0x36: {  	p1 =	seq.s32 s10, $0x1;
	s10 =	sld [smem:$0x3FB3];
	_ =	sdelay $0x3  }
0x37: {  	[smem:$0x3FB3] =	sst s10  }
0x38: {  	s10 =	sld [smem:$0x3FB4]  }
0x39: {  	_ = 	snop;
	(pc) =	sbr.ind lr, $3  }
0x3a: {  	_ = 	snop  }
0x3b: {  	_ = 	snop  }
0x3c: {  	p2 =	seq.s32 s10, $0x1;
	s10 =	sld [smem:$0x3FB3]  }
0x3d: {  	_ =	shalt  }
0x3e: {  	_ =	shalt  }
0x3f: {  	_ =	shalt  }
0x40: {  	_ =	shalt  }
0x41: {  	_ =	shalt  }
0x42: {  	_ =	shalt  }
0x43: {  	_ =	shalt  }
0x44: {  	_ =	shalt  }
0x45: {  	_ =	shalt  }
0x46: {  	_ =	shalt  }
0x47: {  	_ =	shalt  }
0x48: {  	_ =	shalt  }
0x49: {  	_ =	shalt  }
0x4a: {  	_ =	shalt  }
0x4b: {  	_ =	shalt  }
0x4c: {  	_ =	shalt  }
0x4d: {  	_ =	shalt  }
0x4e: {  	_ =	shalt  }
0x4f: {  	_ =	shalt  }
0x50: {  	_ =	shalt  }
0x51: {  	_ =	shalt  }
0x52: {  	_ =	shalt  }
0x53: {  	_ =	shalt  }
0x54: {  	_ =	shalt  }
0x55: {  	_ =	shalt  }
0x56: {  	_ =	shalt  }
0x57: {  	_ =	shalt  }
0x58: {  	_ =	shalt  }
0x59: {  	_ =	shalt  }
0x5a: {  	_ =	shalt  }
0x5b: {  	_ =	shalt  }
0x5c: {  	_ =	shalt  }
0x5d: {  	_ =	shalt  }
0x5e: {  	_ =	shalt  }
0x5f: {  	_ =	shalt  }
0x60: {  	_ =	shalt  }
0x61: {  	_ =	shalt  }
0x62: {  	_ =	shalt  }
0x63: {  	_ =	shalt  }
0x64: {  	_ =	shalt  }
0x65: {  	_ =	shalt  }
0x66: {  	_ =	shalt  }
0x67: {  	_ =	shalt  }
0x68: {  	_ =	shalt  }
0x69: {  	_ =	shalt  }
0x6a: {  	_ =	shalt  }
0x6b: {  	_ =	shalt  }
0x6c: {  	_ =	shalt  }
0x6d: {  	_ =	shalt  }
0x6e: {  	_ =	shalt  }
0x6f: {  	_ =	shalt  }
0x70: {  	_ =	shalt  }
0x71: {  	_ =	shalt  }
0x72: {  	_ =	shalt  }
0x73: {  	_ =	shalt  }
0x74: {  	_ =	shalt  }
0x75: {  	_ =	shalt  }
0x76: {  	_ =	shalt  }
0x77: {  	_ =	shalt  }
0x78: {  	_ =	shalt  }
0x79: {  	_ =	shalt  }
0x7a: {  	_ =	shalt  }
0x7b: {  	_ =	shalt  }
0x7c: {  	_ =	shalt  }
0x7d: {  	_ =	shalt  }
0x7e: {  	_ =	shalt  }
0x7f: {  	_ =	shalt  }
0x80: {  	_ =	shalt  }
0x81: {  	_ =	shalt  }
0x82: {  	_ =	shalt  }
0x83: {  	_ =	shalt  }
0x84: {  	_ =	shalt  }
0x85: {  	_ =	shalt  }
0x86: {  	_ =	shalt  }
0x87: {  	_ =	shalt  }
.Lfunc_end0:
.L_simem_size_0:
called_computation.1_lowered:
.L_overlay_start_0:
0x88: {  	s2 =	sld [smem:$0x3FD9]  }
0x89: {  	s3 =	sld [smem:$0x3FFE];
	_ =	sdelay $0x1  }
0x8a: {  	s1 =	srdreg.scid  }
0x8b: {  	s0 =	sand.u32 $0x1, s1  }
0x8c: {  	s16 =	sshll.u32 s0, $0xA;
	s2 =	sadd.s32 s3, s2  }
0x8d: {  	s2 =	sadd.s32 s2, s16  }
0x8e: {  	[smem:$0x3FBF] =	sst s2  }
0x8f: {  	_ = 	snop  }
0x90: {  	(tm) =	ssettm $0x1  }
0x91: {  	s17 =	sld [smem:$0x3FFB];
	_ =	sdelay $0x3  }
0x92: {  	_ =	strace s17  }
0x93: {  	s2 =	sld [smem:$0x3FFC];
	_ =	sdelay $0x3  }
0x94: {  	_ =	strace s2  }
0x95: {  	s2 =	sld [smem:$0x3FFD];
	_ =	sdelay $0x3  }
0x96: {  	_ =	strace s2  }
0x97: {  	_ =	strace $0x8FFFFFFF  }
0x98: {  	s18 =	sld [smem:$0x3FDB];
	_ =	sdelay $0x1  }
0x99: {  	s19 =	simm.s32 $_scs_section_size  }
0x9a: {  	s4 =	simm.s32 $_size__tile_overlayer_lowered;
	s5 =	simm.s32 $_tile_overlayer_lowered  }
0x9b: {  	s22 =	simm.s32 $0x1BFF;
	s21 =	sshll.u32 s5, $0x1;
	s2 =	sadd.s32 s19, s18  }
0x9c: {  	s6 =	simm.s32 $0x0;
	s20 =	sshll.u32 s4, $0x1;
	s4 =	sadd.s32 s21, s2  }
0x9d: {  	[timem:s6], [sflag:s22] =	dma.local [hbm:s4], s20  }
0x9e: {  	_ =	swait.ge [sflag:s22], s20  }
0x9f: {  	s3 =	ssub.s32 $0x0, s20;
	[sflag:s22] =	ssyncset.done $0x0  }
0xa0: {  	[sflag:s22] =	ssyncadd.s32 s3;
	_ =	sdelay $0x1  }
0xa1: {  	s23 =	simm.s32 $0x1B8B  }
0xa2: {  	_ =	swait.ge [sflag:s23], $0x1  }
0xa3: {  	[sflag:s23] =	ssyncset.done $0x0  }
0xa4: {  	s25 =	simm.s32 $0x1B8E;
	s24 =	sld [smem:$0x3FFE];
	[sflag:s23] =	ssyncadd.s32 $0xFFFFFFFF  }
0xa5: {  	s26 =	simm.s32 $execute0_lowered;
	[smem:$0x3FD2] =	sst s25  }
0xa6: {  	s4 =	sshll.u32 s26, $0x1;
	_ =	strace $0x80000046;
	[dreg:$0x1] =	wrdreg $0xFFFFFFFF  }
0xa7: {  	s28 =	simm.s32 $_size_execute0_lowered;
	s2 =	sadd.s32 s2, s4;
	[dreg:$0x0] =	wrdreg $0x0  }
0xa8: {  	s4 =	sshll.u32 s28, $0x1;
	[dreg:$0x2] =	wrdreg s2  }
0xa9: {  	[dreg:$0x3] =	wrdreg s4  }
0xaa: {  	[dreg:$0x4] =	wrdreg $0xC0  }
0xab: {  	_ =	task [dreg:s6], $0x5FFFF  }
0xac: {  	[dreg:$0x1] =	wrdreg $0xFFFFFFFF  }
0xad: {  	[dreg:$0x0] =	wrdreg $0x60  }
0xae: {  	[dreg:$0x2] =	wrdreg s24  }
0xaf: {  	[dreg:$0x3] =	wrdreg $0x41800  }
0xb0: {  	[dreg:$0x4] =	wrdreg $0xA  }
0xb1: {  	_ =	task.clear_ibuf [dreg:s6], $0x5FFFF;
	_ =	strace $0x90000046  }
0xb2: {  	s29 =	simm.s32 $0xA;
	_ =	strace $0x80000048  }
0xb3: {  	_ =	swait.ge [sflag:s29], $0x1  }
0xb4: {  	[sflag:s29] =	ssyncadd.s32 $0xFFFFFFFF  }
0xb5: {  	_ =	strace $0x90000048  }
0xb6: {  	_ =	sfence  }
0xb7: {  	s30 =	sld [smem:$0x0];
	_ =	sdelay $0x2  }
0xb8: {  	s31 =	sshll.u32 s1, $0xD;
	s1 =	sshrl.u32 s1, $0x2  }
0xb9: {  	s3 =	sand.u32 $0x4000, s31;
	s1 =	sadd.s32 s1, s30  }
0xba: {  	s0 =	sor.u32 s3, s0;
	s1 =	sshll.u32 s1, $0x11  }
0xbb: {  	s0 =	sor.u32 s1, s0  }
0xbc: {  	s0 =	sadd.s32 $0x8F2B, s0  }
0xbd: {  	[sflag:s0] =	ssyncadd.remote.s32 $0x1  }
0xbe: {  	_ =	sfence.sel $0xFFFF  }
0xbf: {  	[dreg:$0x0] =	wrdreg $0xFFFFFFFF;
	(pc) =	sbr.abs _section_cstart, $3  }
0xc0: {  	[dreg:$0x1] =	wrdreg $0xFFFFFFFF  }
0xc1: {  	_ =	task.clear_ibuf [dreg:s6], $0x2FFFF;
	_ =	strace $0x9FFFFFFF  }
0xc2: {  	(tm) =	ssettm $0x7FFFFFFF  }
0xc3: {  	_ =	shalt  }
tec
execute0_lowered:
.L_overlay_start_1:
0x0: {  	(tag) =	ssettag $0x1  }
0x1: {  	s6 =	rddreg [dreg:$0x0]  }
0x2: {  	s1 =	rddreg [dreg:$0x1]  }
0x3: {  	s0 =	rddreg [dreg:$0x2];
	s3 =	simm.s32 $0x0;
	s4 =	srdreg.scid  }
0x4: {  	s2 =	stileid.u32;
	s21 =	simm.s32 $0x1;
	s22 =	simm.s32 $0x100  }
0x5: {  	s23 =	simm.s32 $0x0;
	[smem:$0x7FF] =	sst s3;
	s9 =	smul.u32 $0x4F000, s2  }
0x6: {  	s8 =	sand.u32 $0x1, s4;
	s4 =	sadd.s32 $0x1A00, s6;
	s11 =	smul.u32 $0x13C00, s2  }
0x7: {  	s5 =	sadd.s32 $0xA7E00, s6;
	s16 =	sadd.s32 $0xBA00, s6;
	_ =	strace $0x80000047  }
0x8: {  	s7 =	ssub.s32 $0x2, s8;
	s28 =	sshll.u32 s8, $0x4;
	s18 =	smul.u32 $0x13C000, s8  }
0x9: {  	s10 =	sshrl.u32 s7, $0x1;
	s29 =	sshrl.u32 s9, $0x2;
	s12 =	sadd.s32 $0x4000, s11  }
0xa: {  	s13 =	sor.u32 s2, s28;
	s14 =	sadd.s32 $0x8000, s11;
	s15 =	sadd.s32 $0xC000, s11  }
0xb: {  	s19 =	sadd.s32 $0x10000, s11;
	s17 =	ssub.s32 s7, s10;
	s6 =	sadd.s32 s29, s1  }
0xc: {  	s7 =	sadd.s32 s12, s1;
	s8 =	sadd.s32 s14, s1;
	s9 =	sadd.s32 s15, s1  }
0xd: {  	s10 =	sadd.s32 s19, s1;
	s20 =	sadd.s32 s11, s18;
	s12 =	sadd.s32 s18, s12  }
0xe: {  	s11 =	smul.u32 $0x2800, s13;
	s14 =	sadd.s32 s18, s14;
	s15 =	sadd.s32 s18, s15  }
0xf: {  	s18 =	sadd.s32 s18, s19;
	s19 =	simm.s32 $0x2;
	s30 =	sshrl.u32 s20, $0x3  }
0x10: {  	s31 =	sshrl.u32 s12, $0x3;
	s14 =	sshrl.u32 s14, $0x3;
	s15 =	sshrl.u32 s15, $0x3  }
0x11: {  	s18 =	sshrl.u32 s18, $0x3;
	s17 =	smax.u32 s17, $0x1;
	s20 =	simm.s32 $0x80  }
0x12: {  	s12 =	sadd.s32 s16, s30;
	s13 =	sadd.s32 s16, s31;
	s14 =	sadd.s32 s16, s14  }
0x13: {  	v0 =	vimm.f32 $0.0e+00;
	s15 =	sadd.s32 s16, s15;
	s16 =	sadd.s32 s16, s18;
	s18 =	simm.s32 $0x180  }
.LBB2_1:
0x14: {  	s24 =	simm.s32 $0x0;
	s25 =	simm.s32 $0x200  }
.LBB2_2:
0x15: {  	p0 =	sne.s32 s25, $0xFE00;
	[tilespmem:s24+$0x1F0] =	vst v0  }
0x16: {  	[tilespmem:s24+$0x180] =	vst v0  }
0x17: {  	[tilespmem:s24+$0x190] =	vst v0  }
.Ltmp0:
0x18: {  	[tilespmem:s24+$0x1A0] =	vst v0;
	(pc) =	sbr.rel @p0 .LBB2_2-.Ltmp0, $4  }
0x19: {  	[tilespmem:s24+$0x1B0] =	vst v0  }
0x1a: {  	[tilespmem:s24+$0x1C0] =	vst v0  }
0x1b: {  	[tilespmem:s24+$0x1D0] =	vst v0  }
0x1c: {  	[tilespmem:s24+$0x1E0] =	vst v0;
	s24 =	sshra.s32 s25, $0x2;
	s25 =	sadd.s32 $0x200, s25  }
0x1d: {  	[tilespmem:s24+$0x1F0] =	vst v0  }
0x1e: {  	[tilespmem:s24+$0x180] =	vst v0  }
0x1f: {  	[tilespmem:s24+$0x190] =	vst v0  }
0x20: {  	[tilespmem:s24+$0x1A0] =	vst v0  }
0x21: {  	[tilespmem:s24+$0x1B0] =	vst v0  }
0x22: {  	[tilespmem:s24+$0x1C0] =	vst v0  }
0x23: {  	[tilespmem:s24+$0x1D0] =	vst v0  }
0x24: {  	[tilespmem:s24+$0x1E0] =	vst v0  }
0x25: {  	[spmem:s6] =	stream.linear.scatter [tilespmem:s18], [sflag:$0x2], $0x4000, $0x38;
	[tilespmem:$0x17D80] =	vst v63  }
0x26: {  	_ =	swait.ge [sflag:s19], $0x4000  }
0x27: {  	[sflag:s19] =	ssyncset.done $0x0  }
0x28: {  	[sflag:s19] =	ssyncadd.s32 $0xFFFFC000  }
0x29: {  	[spmem:s7] =	stream.linear.scatter [tilespmem:s18], [sflag:$0x2], $0x4000, $0x38;
	[tilespmem:$0x17D80] =	vst v63  }
0x2a: {  	_ =	swait.ge [sflag:s19], $0x4000  }
0x2b: {  	[sflag:s19] =	ssyncset.done $0x0  }
0x2c: {  	[sflag:s19] =	ssyncadd.s32 $0xFFFFC000  }
0x2d: {  	[spmem:s8] =	stream.linear.scatter [tilespmem:s18], [sflag:$0x2], $0x4000, $0x38;
	[tilespmem:$0x17D80] =	vst v63  }
0x2e: {  	_ =	swait.ge [sflag:s19], $0x4000  }
0x2f: {  	[sflag:s19] =	ssyncset.done $0x0  }
0x30: {  	[sflag:s19] =	ssyncadd.s32 $0xFFFFC000  }
0x31: {  	[spmem:s9] =	stream.linear.scatter [tilespmem:s18], [sflag:$0x2], $0x4000, $0x38;
	[tilespmem:$0x17D80] =	vst v63  }
0x32: {  	_ =	swait.ge [sflag:s19], $0x4000  }
0x33: {  	s31 =	simm.s32 $0x0;
	[sflag:s19] =	ssyncset.done $0x0  }
0x34: {  	s25 =	sand.u32 $0x3C00, s31;
	[sflag:s19] =	ssyncadd.s32 $0xFFFFC000  }
0x35: {  	[spmem:s10] =	stream.linear.scatter [tilespmem:s18], [sflag:$0x2], $0x3C00, $0x38;
	[tilespmem:$0x17D80] =	vst v63  }
0x36: {  	s24 =	sand.u32 $0x380, s31;
	s25 =	sadd.s32 s11, s25;
	_ =	swait.ge [sflag:s19], $0x3C00  }
0x37: {  	s24 =	sor.u32 s24, s25;
	[sflag:s19] =	ssyncset.done $0x0  }
0x38: {  	s24 =	sshrl.u32 s24, $0x3;
	[sflag:s19] =	ssyncadd.s32 $0xFFFFC400  }
0x39: {  	s24 =	sadd.s32 s4, s24;
	[bflag:$0x0] =	sbarrier.arrive $0xFFFF  }
0x3a: {  	[tilespmem:s3], [sflag:$0x2] =	stream.linear.gather [hbm4b:s24+s3], $0x80, $0x38;
	[tilespmem:$0x17D80] =	vst v63  }
0x3b: {  	_ =	swait.ge [sflag:s19], $0x80  }
0x3c: {  	[sflag:s19] =	ssyncset.done $0x0  }
0x3d: {  	[sflag:s19] =	ssyncadd.s32 $0xFFFFFF80  }
0x3e: {  	v1 =	vld [tilespmem:$0x70];
	_ =	sdelay $0x1  }
0x3f: {  	v2 =	vld [tilespmem:$0x60]  }
0x40: {  	v3 =	vld [tilespmem:$0x20]  }
0x41: {  	v7 =	vld [tilespmem:$0x30]  }
0x42: {  	v5 =	vld [tilespmem:$0x0];
	v6 =	vshrl.u32 v1, $0x10  }
0x43: {  	v4 =	vld [tilespmem:$0x10];
	v1 =	vand.u32 $0xFFFF, v1;
	[tilespmem:$0x170] =	vst v6  }
0x44: {  	v9 =	vld [tilespmem:$0x50];
	v8 =	vshrl.u32 v2, $0x10;
	[tilespmem:$0xF0] =	vst v1  }
0x45: {  	v2 =	vand.u32 $0xFFFF, v2;
	v6 =	vld [tilespmem:$0x40];
	[tilespmem:$0x160] =	vst v8  }
0x46: {  	v10 =	vshrl.u32 v7, $0x10;
	[tilespmem:$0xE0] =	vst v2  }
0x47: {  	v11 =	vand.u32 $0xFFFF, v5;
	v1 =	vshrl.u32 v3, $0x10;
	[tilespmem:$0x130] =	vst v10  }
0x48: {  	v8 =	vand.u32 $0xFFFF, v3;
	v3 =	vand.u32 $0xFFFF, v4;
	v2 =	vshrl.u32 v5, $0x10;
	[tilespmem:$0x80] =	vst v11  }
0x49: {  	v5 =	vand.u32 $0xFFFF, v7;
	v7 =	vshrl.u32 v9, $0x10;
	[tilespmem:$0x120] =	vst v1;
	v1 =	vshrl.u32 v4, $0x10  }
0x4a: {  	s24 =	simm.s32 $0x80;
	[tilespmem:$0xA0] =	vst v8;
	v8 =	vand.u32 $0xFFFF, v9;
	v4 =	vshrl.u32 v6, $0x10;
	v6 =	vand.u32 $0xFFFF, v6  }
.LBB2_4:
0x4b: {  	p0 =	sne.s32 s24, $0x2700;
	[tilespmem:$0xD0] =	vst v8;
	s25 =	smov.u32 s24;
	s24 =	sadd.s32 $0x80, s24  }
0x4c: {  	[tilespmem:$0x90] =	vst v3  }
0x4d: {  	[tilespmem:$0x150] =	vst v7  }
0x4e: {  	[tilespmem:$0xB0] =	vst v5  }
0x4f: {  	[tilespmem:$0x110] =	vst v1  }
0x50: {  	[tilespmem:$0xC0] =	vst v6  }
0x51: {  	[tilespmem:$0x100] =	vst v2  }
0x52: {  	[tilespmem:$0x140] =	vst v4  }
0x53: {  	[tilespmem:s18], [sflag:$0x1] =	stream.indirect.gather [hbm4b:s5+s20], $0x80, s20, s20, $0xb8;
	[tilespmem:$0x17D80] =	vst v63  }
0x54: {  	_ =	swait.ge [sflag:s21], $0x4000  }
0x55: {  	s26 =	sand.u32 $0x3C00, s25;
	[sflag:s21] =	ssyncset.done $0x0  }
0x56: {  	s25 =	sand.u32 $0x380, s25;
	s26 =	sadd.s32 s11, s26;
	[sflag:s21] =	ssyncadd.s32 $0xFFFFC000  }
0x57: {  	[spmem:s1] =	stream.indirect.scatter.add.f32 [tilespmem:s18], [sflag:$0x2], $0x80, s22, s20, $0xb8;
	[tilespmem:$0x17D80] =	vst v63  }
0x58: {  	s25 =	sor.u32 s25, s26;
	_ =	swait.ge [sflag:s19], $0x4000  }
0x59: {  	s25 =	sshrl.u32 s25, $0x3;
	[sflag:s19] =	ssyncset.done $0x0  }
0x5a: {  	s25 =	sadd.s32 s4, s25;
	[sflag:s19] =	ssyncadd.s32 $0xFFFFC000  }
0x5b: {  	[tilespmem:s3], [sflag:$0x2] =	stream.linear.gather [hbm4b:s25+s3], $0x80, $0x38;
	[tilespmem:$0x17D80] =	vst v63  }
0x5c: {  	_ =	swait.ge [sflag:s19], $0x80  }
0x5d: {  	[sflag:s19] =	ssyncset.done $0x0  }
0x5e: {  	[sflag:s19] =	ssyncadd.s32 $0xFFFFFF80  }
0x5f: {  	v1 =	vld [tilespmem:$0x70]  }
0x60: {  	v2 =	vld [tilespmem:$0x60]  }
0x61: {  	v3 =	vld [tilespmem:$0x10]  }
0x62: {  	v4 =	vld [tilespmem:$0x20]  }
0x63: {  	v5 =	vld [tilespmem:$0x0]  }
0x64: {  	v6 =	vld [tilespmem:$0x30];
	v7 =	vshrl.u32 v1, $0x10;
	v1 =	vand.u32 $0xFFFF, v1  }
0x65: {  	v8 =	vld [tilespmem:$0x40];
	v9 =	vshrl.u32 v2, $0x10;
	v10 =	vand.u32 $0xFFFF, v2;
	[tilespmem:$0x170] =	vst v7  }
0x66: {  	v11 =	vld [tilespmem:$0x50];
	[tilespmem:$0xF0] =	vst v1  }
0x67: {  	v1 =	vshrl.u32 v3, $0x10;
	v3 =	vand.u32 $0xFFFF, v3;
	v7 =	vshrl.u32 v4, $0x10;
	[tilespmem:$0x160] =	vst v9  }
.Ltmp1:
0x68: {  	v4 =	vand.u32 $0xFFFF, v4;
	v2 =	vshrl.u32 v5, $0x10;
	v9 =	vand.u32 $0xFFFF, v5;
	[tilespmem:$0x120] =	vst v7;
	(pc) =	sbr.rel @p0 .LBB2_4-.Ltmp1, $4  }
0x69: {  	v7 =	vshrl.u32 v6, $0x10;
	v5 =	vand.u32 $0xFFFF, v6;
	[tilespmem:$0xE0] =	vst v10  }
0x6a: {  	[tilespmem:$0xA0] =	vst v4;
	v4 =	vshrl.u32 v8, $0x10;
	v6 =	vand.u32 $0xFFFF, v8  }
0x6b: {  	[tilespmem:$0x130] =	vst v7;
	v7 =	vshrl.u32 v11, $0x10;
	v8 =	vand.u32 $0xFFFF, v11  }
0x6c: {  	[tilespmem:$0x80] =	vst v9  }
0x6d: {  	[tilespmem:$0xD0] =	vst v8  }
0x6e: {  	[tilespmem:$0x90] =	vst v3  }
0x6f: {  	[tilespmem:$0x150] =	vst v7  }
0x70: {  	[tilespmem:$0xB0] =	vst v5  }
0x71: {  	[tilespmem:$0x110] =	vst v1  }
0x72: {  	[tilespmem:$0xC0] =	vst v6  }
0x73: {  	[tilespmem:$0x100] =	vst v2  }
0x74: {  	[tilespmem:$0x140] =	vst v4  }
0x75: {  	[tilespmem:s18], [sflag:$0x1] =	stream.indirect.gather [hbm4b:s5+s20], $0x80, s20, s20, $0xb8;
	[tilespmem:$0x17D80] =	vst v63  }
0x76: {  	_ =	swait.ge [sflag:s21], $0x4000  }
0x77: {  	[sflag:s21] =	ssyncset.done $0x0  }
0x78: {  	[sflag:s21] =	ssyncadd.s32 $0xFFFFC000  }
0x79: {  	[spmem:s1] =	stream.indirect.scatter.add.f32 [tilespmem:s18], [sflag:$0x2], $0x80, s22, s20, $0xb8;
	[tilespmem:$0x17D80] =	vst v63  }
0x7a: {  	_ =	swait.ge [sflag:s19], $0x4000  }
0x7b: {  	[sflag:s19] =	ssyncset.done $0x0  }
0x7c: {  	[sflag:s19] =	ssyncadd.s32 $0xFFFFC000  }
0x7d: {  	[bflag:$0x0] =	sbarrier.arrive $0xFFFF  }
0x7e: {  	[tilespmem:s18], [sflag:$0x2] =	stream.linear.gather [spmem:s6], $0x4000, $0x38;
	[tilespmem:$0x17D80] =	vst v63  }
0x7f: {  	_ =	swait.ge [sflag:s19], $0x4000  }
0x80: {  	[sflag:s19] =	ssyncset.done $0x0  }
0x81: {  	[sflag:s19] =	ssyncadd.s32 $0xFFFFC000  }
0x82: {  	[hbm4b:s12+s3] =	stream.linear.scatter [tilespmem:s18], [sflag:$0x2], $0x4000, $0x38;
	[tilespmem:$0x17D80] =	vst v63  }
0x83: {  	_ =	swait.ge [sflag:s19], $0x4000  }
0x84: {  	[sflag:s19] =	ssyncset.done $0x0  }
0x85: {  	[sflag:s19] =	ssyncadd.s32 $0xFFFFC000  }
0x86: {  	[tilespmem:s18], [sflag:$0x2] =	stream.linear.gather [spmem:s7], $0x4000, $0x38;
	[tilespmem:$0x17D80] =	vst v63  }
0x87: {  	_ =	swait.ge [sflag:s19], $0x4000  }
0x88: {  	[sflag:s19] =	ssyncset.done $0x0  }
0x89: {  	[sflag:s19] =	ssyncadd.s32 $0xFFFFC000  }
0x8a: {  	[hbm4b:s13+s3] =	stream.linear.scatter [tilespmem:s18], [sflag:$0x2], $0x4000, $0x38;
	[tilespmem:$0x17D80] =	vst v63  }
0x8b: {  	_ =	swait.ge [sflag:s19], $0x4000  }
0x8c: {  	[sflag:s19] =	ssyncset.done $0x0  }
0x8d: {  	[sflag:s19] =	ssyncadd.s32 $0xFFFFC000  }
0x8e: {  	[tilespmem:s18], [sflag:$0x2] =	stream.linear.gather [spmem:s8], $0x4000, $0x38;
	[tilespmem:$0x17D80] =	vst v63  }
0x8f: {  	_ =	swait.ge [sflag:s19], $0x4000  }
0x90: {  	[sflag:s19] =	ssyncset.done $0x0  }
0x91: {  	[sflag:s19] =	ssyncadd.s32 $0xFFFFC000  }
0x92: {  	[hbm4b:s14+s3] =	stream.linear.scatter [tilespmem:s18], [sflag:$0x2], $0x4000, $0x38;
	[tilespmem:$0x17D80] =	vst v63  }
0x93: {  	_ =	swait.ge [sflag:s19], $0x4000  }
0x94: {  	[sflag:s19] =	ssyncset.done $0x0  }
0x95: {  	[sflag:s19] =	ssyncadd.s32 $0xFFFFC000  }
0x96: {  	[tilespmem:s18], [sflag:$0x2] =	stream.linear.gather [spmem:s9], $0x4000, $0x38;
	[tilespmem:$0x17D80] =	vst v63  }
0x97: {  	_ =	swait.ge [sflag:s19], $0x4000  }
0x98: {  	[sflag:s19] =	ssyncset.done $0x0  }
0x99: {  	[sflag:s19] =	ssyncadd.s32 $0xFFFFC000  }
0x9a: {  	[hbm4b:s15+s3] =	stream.linear.scatter [tilespmem:s18], [sflag:$0x2], $0x4000, $0x38;
	[tilespmem:$0x17D80] =	vst v63  }
0x9b: {  	_ =	swait.ge [sflag:s19], $0x4000  }
0x9c: {  	[sflag:s19] =	ssyncset.done $0x0  }
0x9d: {  	[sflag:s19] =	ssyncadd.s32 $0xFFFFC000  }
0x9e: {  	[tilespmem:s18], [sflag:$0x2] =	stream.linear.gather [spmem:s10], $0x3C00, $0x38;
	[tilespmem:$0x17D80] =	vst v63  }
0x9f: {  	s23 =	sadd.s32 $0x1, s23;
	_ =	swait.ge [sflag:s19], $0x3C00  }
0xa0: {  	p0 =	sne.s32 s23, s17;
	[sflag:s19] =	ssyncset.done $0x0  }
.Ltmp2:
0xa1: {  	[sflag:s19] =	ssyncadd.s32 $0xFFFFC400;
	(pc) =	sbr.rel @p0 .LBB2_1-.Ltmp2, $4  }
0xa2: {  	[hbm4b:s16+s3] =	stream.linear.scatter [tilespmem:s18], [sflag:$0x2], $0x3C00, $0x38;
	[tilespmem:$0x17D80] =	vst v63  }
0xa3: {  	_ =	swait.ge [sflag:s19], $0x3C00  }
0xa4: {  	[sflag:s19] =	ssyncset.done $0x0  }
0xa5: {  	[sflag:s19] =	ssyncadd.s32 $0xFFFFC400  }
0xa6: {  	_ =	sfence.sel $0x180000  }
0xa7: {  	[bflag:$0x0] =	sbarrier.arrive $0xFFFF  }
0xa8: {  	p0 =	sne.s32 s2, $0x0;
	_ =	strace $0x90000047  }
0xa9: {  	s0 =	sadd.s32 @!p0 $0x100000, s0;
	[bflag:$0x2] =	sbarrier.arrive $0xFFFF  }
0xaa: {  	[sflag:s0] =	ssyncadd.tile.s32 @!p0 $0x1;
	_ =	shalt  }
.Lfunc_end2:
_tile_overlayer_lowered:
.L_overlay_start_2:
0xab: {  	(tag) =	ssettag $0x2  }
0xac: {  	s0 =	rddreg [dreg:$0x0];
	s2 =	stileid.u32  }
0xad: {  	s1 =	rddreg [dreg:$0x1];
	p0 =	sne.s32 s2, $0x0  }
0xae: {  	s3 =	rddreg [dreg:$0x2];
	[bflag:$0x3] =	sbarrier.arrive $0xFFFF;
	s2 =	simm.s32 @!p0 $0x1C02  }
0xaf: {  	[timem:s3], [sflag:s2] =	dma.local @!p0 [hbm:s0], s1  }
0xb0: {  	s0 =	simm.s32 @!p0 $0x2  }
0xb1: {  	_ =	swait.ge @!p0 [sflag:s0], s1  }
0xb2: {  	s1 =	ssub.s32 @!p0 $0x0, s1;
	[sflag:s0] =	ssyncset.done @!p0 $0x0  }
0xb3: {  	[sflag:s0] =	ssyncadd.s32 @!p0 s1  }
0xb4: {  	[bflag:$0x3] =	sbarrier.arrive $0xFFFF  }
0xb5: {  	_ =	shalt  }

// kernel: kernel.14.cloned.1.call-start
scs
__scs_entry_jumppad:
0x0: {  	(pc) =	sbr.rel $0x88, $3  }
0x1: {  	(tag) =	ssettag $0x0;
	lr =	simm.s32 $0x1  }
0x2: {  	[smem:$0x3F98] =	sst lr;
	_ =	strace $0xD0000000  }
0x3: {  	_ = 	snop  }
0x4: {  	_ = 	snop  }
0x5: {  	_ = 	snop  }
0x6: {  	_ = 	snop  }
0x7: {  	_ = 	snop  }
__scs_overlays_trampoline_lowered:
0x8: {  	[smem:$0x3FA7] =	sst s0  }
0x9: {  	[smem:$0x3FA8] =	sst s1  }
0xa: {  	[smem:$0x3FA9] =	sst s2  }
0xb: {  	[smem:$0x3FAA] =	sst s3  }
0xc: {  	[smem:$0x3FAB] =	sst s4  }
0xd: {  	[smem:$0x3FAC] =	sst s5  }
0xe: {  	[smem:$0x3FAD] =	sst s6  }
0xf: {  	[smem:$0x3FAE] =	sst s7  }
0x10: {  	[smem:$0x3FAF] =	sst s8  }
0x11: {  	[smem:$0x3FB0] =	sst s9;
	s0 =	simm.s32 @!p0 $0x0  }
0x12: {  	s1 =	sld [smem:$0x3F96];
	s0 =	simm.s32 @p0 $0x1  }
0x13: {  	[smem:$0x3FB1] =	sst s0;
	s0 =	simm.s32 @!p1 $0x0  }
0x14: {  	s2 =	sld [smem:$0x3F95];
	s0 =	simm.s32 @p1 $0x1  }
0x15: {  	[smem:$0x3FB2] =	sst s0;
	s0 =	simm.s32 @!p2 $0x0  }
0x16: {  	s3 =	sld [smem:$0x3FDB];
	s0 =	simm.s32 @p2 $0x1  }
0x17: {  	s4 =	simm.s32 $0x1BF5;
	[smem:$0x3FB4] =	sst s0  }
0x18: {  	s0 =	sld [smem:$0x3F97];
	_ =	swait.ge [sflag:s4], $0x0  }
0x19: {  	s7 =	sld [smem:$0x3F98]  }
0x1a: {  	s8 =	sadd.s32 $0xFFFFE003, lr  }
0x1b: {  	s9 =	sadd.s32 $0xFFFFFEF7, lr;
	s5 =	simm.s32 $0xFFFFFFFF;
	p2 =	slt.u32 s8, $0xFFFFF086  }
0x1c: {  	p1 =	slt.u32 s9, $0xF7A;
	s5 =	simm.s32 @!p2 $0x0  }
0x1d: {  	s5 =	simm.s32 @p1 $0x1;
	p0 =	seq.s32 s7, s2  }
0x1e: {  	s7 =	smul.u32 @!p0 $0xF7A, s2;
	p2 =	seq.s32 @!p0 s5, $0x0  }
0x1f: {  	s9 =	smul.u32 $0xF7A, s1;
	s8 =	simm.s32 @!p0 $0x1BF5;
	p2 =	por !p2, p0  }
0x20: {  	[sflag:s8] =	ssyncset.s32 @!p0 $0xFFFFF086;
	s6 =	sadd.s32 @!p0 s3, s7;
	s7 =	simm.s32 @!p0 $0x108  }
0x21: {  	s3 =	sadd.s32 s3, s9;
	s6 =	sadd.s32 @!p0 $0x88, s6;
	s7 =	simm.s32 @p2 $0x1082  }
0x22: {  	[simem:s7], [sflag:s8] =	dma.local @!p0 [hbm:s6], $0xF7A  }
0x23: {  	s9 =	sor.u32 $0xD0000000, s2;
	s6 =	simm.s32 $0x108;
	_ =	swait.ge @!p0 [sflag:s8], $0x0  }
0x24: {  	s3 =	sadd.s32 $0x88, s3;
	s6 =	simm.s32 @!p1 $0x1082;
	[sflag:s4] =	ssyncset.s32 $0xFFFFF086  }
0x25: {  	[simem:s6], [sflag:s4] =	dma.local [hbm:s3], $0xF7A  }
0x26: {  	[smem:$0x3F98] =	sst s1;
	(tag) =	ssettag s2;
	_ =	strace s9  }
0x27: {  	s1 =	sld [smem:$0x3FA8]  }
0x28: {  	s2 =	sld [smem:$0x3FA9]  }
0x29: {  	s4 =	sld [smem:$0x3FAB]  }
0x2a: {  	p0 =	seq.s32 s5, $0x0;
	s5 =	sld [smem:$0x3FAC]  }
0x2b: {  	s6 =	sld [smem:$0x3FAD]  }
0x2c: {  	s7 =	sld [smem:$0x3FAE]  }
0x2d: {  	s3 =	simm.s32 $0x108;
	s8 =	sld [smem:$0x3FAF]  }
0x2e: {  	s3 =	simm.s32 @!p0 $0x1082;
	s9 =	sld [smem:$0x3FB0]  }
0x2f: {  	lr =	sadd.s32 s0, s3;
	s0 =	sld [smem:$0x3FA7]  }
0x30: {  	s3 =	sld [smem:$0x3FAA]  }
0x31: {  	[smem:$0x3FB3] =	sst s10  }
0x32: {  	s10 =	sld [smem:$0x3FB1];
	_ =	sdelay $0x3  }
0x33: {  	p0 =	seq.s32 s10, $0x1;
	s10 =	sld [smem:$0x3FB3];
	_ =	sdelay $0x3  }
0x34: {  	[smem:$0x3FB3] =	sst s10  }
0x35: {  	s10 =	sld [smem:$0x3FB2];
	_ =	sdelay $0x3  }
0x36: {  	p1 =	seq.s32 s10, $0x1;
	s10 =	sld [smem:$0x3FB3];
	_ =	sdelay $0x3  }
0x37: {  	[smem:$0x3FB3] =	sst s10  }
0x38: {  	s10 =	sld [smem:$0x3FB4]  }
0x39: {  	_ = 	snop;
	(pc) =	sbr.ind lr, $3  }
0x3a: {  	_ = 	snop  }
0x3b: {  	_ = 	snop  }
0x3c: {  	p2 =	seq.s32 s10, $0x1;
	s10 =	sld [smem:$0x3FB3]  }
0x3d: {  	_ =	shalt  }
0x3e: {  	_ =	shalt  }
0x3f: {  	_ =	shalt  }
0x40: {  	_ =	shalt  }
0x41: {  	_ =	shalt  }
0x42: {  	_ =	shalt  }
0x43: {  	_ =	shalt  }
0x44: {  	_ =	shalt  }
0x45: {  	_ =	shalt  }
0x46: {  	_ =	shalt  }
0x47: {  	_ =	shalt  }
0x48: {  	_ =	shalt  }
0x49: {  	_ =	shalt  }
0x4a: {  	_ =	shalt  }
0x4b: {  	_ =	shalt  }
0x4c: {  	_ =	shalt  }
0x4d: {  	_ =	shalt  }
0x4e: {  	_ =	shalt  }
0x4f: {  	_ =	shalt  }
0x50: {  	_ =	shalt  }
0x51: {  	_ =	shalt  }
0x52: {  	_ =	shalt  }
0x53: {  	_ =	shalt  }
0x54: {  	_ =	shalt  }
0x55: {  	_ =	shalt  }
0x56: {  	_ =	shalt  }
0x57: {  	_ =	shalt  }
0x58: {  	_ =	shalt  }
0x59: {  	_ =	shalt  }
0x5a: {  	_ =	shalt  }
0x5b: {  	_ =	shalt  }
0x5c: {  	_ =	shalt  }
0x5d: {  	_ =	shalt  }
0x5e: {  	_ =	shalt  }
0x5f: {  	_ =	shalt  }
0x60: {  	_ =	shalt  }
0x61: {  	_ =	shalt  }
0x62: {  	_ =	shalt  }
0x63: {  	_ =	shalt  }
0x64: {  	_ =	shalt  }
0x65: {  	_ =	shalt  }
0x66: {  	_ =	shalt  }
0x67: {  	_ =	shalt  }
0x68: {  	_ =	shalt  }
0x69: {  	_ =	shalt  }
0x6a: {  	_ =	shalt  }
0x6b: {  	_ =	shalt  }
0x6c: {  	_ =	shalt  }
0x6d: {  	_ =	shalt  }
0x6e: {  	_ =	shalt  }
0x6f: {  	_ =	shalt  }
0x70: {  	_ =	shalt  }
0x71: {  	_ =	shalt  }
0x72: {  	_ =	shalt  }
0x73: {  	_ =	shalt  }
0x74: {  	_ =	shalt  }
0x75: {  	_ =	shalt  }
0x76: {  	_ =	shalt  }
0x77: {  	_ =	shalt  }
0x78: {  	_ =	shalt  }
0x79: {  	_ =	shalt  }
0x7a: {  	_ =	shalt  }
0x7b: {  	_ =	shalt  }
0x7c: {  	_ =	shalt  }
0x7d: {  	_ =	shalt  }
0x7e: {  	_ =	shalt  }
0x7f: {  	_ =	shalt  }
0x80: {  	_ =	shalt  }
0x81: {  	_ =	shalt  }
0x82: {  	_ =	shalt  }
0x83: {  	_ =	shalt  }
0x84: {  	_ =	shalt  }
0x85: {  	_ =	shalt  }
0x86: {  	_ =	shalt  }
0x87: {  	_ =	shalt  }
.Lfunc_end0:
.L_simem_size_0:
called_computation.2_lowered:
.L_overlay_start_0:
0x88: {  	s2 =	sld [smem:$0x3FD9]  }
0x89: {  	s3 =	sld [smem:$0x3FFE];
	_ =	sdelay $0x1  }
0x8a: {  	s1 =	srdreg.scid  }
0x8b: {  	s0 =	sand.u32 $0x1, s1  }
0x8c: {  	s16 =	sshll.u32 s0, $0xA;
	s2 =	sadd.s32 s3, s2  }
0x8d: {  	s2 =	sadd.s32 s2, s16  }
0x8e: {  	[smem:$0x3FBF] =	sst s2  }
0x8f: {  	_ = 	snop  }
0x90: {  	(tm) =	ssettm $0x1  }
0x91: {  	s17 =	sld [smem:$0x3FFB];
	_ =	sdelay $0x3  }
0x92: {  	_ =	strace s17  }
0x93: {  	s2 =	sld [smem:$0x3FFC];
	_ =	sdelay $0x3  }
0x94: {  	_ =	strace s2  }
0x95: {  	s2 =	sld [smem:$0x3FFD];
	_ =	sdelay $0x3  }
0x96: {  	_ =	strace s2  }
0x97: {  	_ =	strace $0x8FFFFFFF  }
0x98: {  	s18 =	sld [smem:$0x3FDB];
	_ =	sdelay $0x1  }
0x99: {  	s19 =	simm.s32 $_scs_section_size  }
0x9a: {  	s4 =	simm.s32 $_size__tile_overlayer_lowered;
	s5 =	simm.s32 $_tile_overlayer_lowered  }
0x9b: {  	s22 =	simm.s32 $0x1BFF;
	s21 =	sshll.u32 s5, $0x1;
	s2 =	sadd.s32 s19, s18  }
0x9c: {  	s6 =	simm.s32 $0x0;
	s20 =	sshll.u32 s4, $0x1;
	s4 =	sadd.s32 s21, s2  }
0x9d: {  	[timem:s6], [sflag:s22] =	dma.local [hbm:s4], s20  }
0x9e: {  	_ =	swait.ge [sflag:s22], s20  }
0x9f: {  	s3 =	ssub.s32 $0x0, s20;
	[sflag:s22] =	ssyncset.done $0x0  }
0xa0: {  	[sflag:s22] =	ssyncadd.s32 s3;
	_ =	sdelay $0x1  }
0xa1: {  	s23 =	simm.s32 $0x1B8B  }
0xa2: {  	_ =	swait.ge [sflag:s23], $0x1  }
0xa3: {  	[sflag:s23] =	ssyncset.done $0x0  }
0xa4: {  	s25 =	simm.s32 $0x1B8E;
	s24 =	sld [smem:$0x3FFE];
	[sflag:s23] =	ssyncadd.s32 $0xFFFFFFFF  }
0xa5: {  	s26 =	simm.s32 $execute0_lowered;
	[smem:$0x3FD2] =	sst s25  }
0xa6: {  	s4 =	sshll.u32 s26, $0x1;
	_ =	strace $0x8000004C;
	[dreg:$0x1] =	wrdreg $0xFFFFFFFF  }
0xa7: {  	s28 =	simm.s32 $_size_execute0_lowered;
	s2 =	sadd.s32 s2, s4;
	[dreg:$0x0] =	wrdreg $0x0  }
0xa8: {  	s4 =	sshll.u32 s28, $0x1;
	[dreg:$0x2] =	wrdreg s2  }
0xa9: {  	[dreg:$0x3] =	wrdreg s4  }
0xaa: {  	[dreg:$0x4] =	wrdreg $0xC0  }
0xab: {  	_ =	task [dreg:s6], $0x5FFFF  }
0xac: {  	[dreg:$0x1] =	wrdreg $0xFFFFFFFF  }
0xad: {  	[dreg:$0x0] =	wrdreg $0x60  }
0xae: {  	[dreg:$0x2] =	wrdreg s24  }
0xaf: {  	[dreg:$0x3] =	wrdreg $0x41800  }
0xb0: {  	[dreg:$0x4] =	wrdreg $0x9  }
0xb1: {  	_ =	task.clear_ibuf [dreg:s6], $0x5FFFF;
	_ =	strace $0x9000004C  }
0xb2: {  	s29 =	simm.s32 $0x9;
	_ =	strace $0x8000004E  }
0xb3: {  	_ =	swait.ge [sflag:s29], $0x1  }
0xb4: {  	[sflag:s29] =	ssyncadd.s32 $0xFFFFFFFF  }
0xb5: {  	_ =	strace $0x9000004E  }
0xb6: {  	_ =	sfence  }
0xb7: {  	s30 =	sld [smem:$0x0];
	_ =	sdelay $0x2  }
0xb8: {  	s31 =	sshll.u32 s1, $0xD;
	s1 =	sshrl.u32 s1, $0x2  }
0xb9: {  	s3 =	sand.u32 $0x4000, s31;
	s1 =	sadd.s32 s1, s30  }
0xba: {  	s0 =	sor.u32 s3, s0;
	s1 =	sshll.u32 s1, $0x11  }
0xbb: {  	s0 =	sor.u32 s1, s0  }
0xbc: {  	s0 =	sadd.s32 $0x8F2B, s0  }
0xbd: {  	[sflag:s0] =	ssyncadd.remote.s32 $0x1  }
0xbe: {  	_ =	sfence.sel $0xFFFF  }
0xbf: {  	[dreg:$0x0] =	wrdreg $0xFFFFFFFF;
	(pc) =	sbr.abs _section_cstart, $3  }
0xc0: {  	[dreg:$0x1] =	wrdreg $0xFFFFFFFF  }
0xc1: {  	_ =	task.clear_ibuf [dreg:s6], $0x2FFFF;
	_ =	strace $0x9FFFFFFF  }
0xc2: {  	(tm) =	ssettm $0x7FFFFFFF  }
0xc3: {  	_ =	shalt  }
tec
execute0_lowered:
.L_overlay_start_1:
0x0: {  	(tag) =	ssettag $0x1  }
0x1: {  	s6 =	rddreg [dreg:$0x0]  }
0x2: {  	s1 =	rddreg [dreg:$0x1]  }
0x3: {  	s0 =	rddreg [dreg:$0x2];
	s3 =	simm.s32 $0x0;
	s4 =	srdreg.scid  }
0x4: {  	s2 =	stileid.u32;
	s21 =	simm.s32 $0x1;
	s22 =	simm.s32 $0x100  }
0x5: {  	s23 =	simm.s32 $0x0;
	[smem:$0x7FF] =	sst s3;
	s9 =	smul.u32 $0x4F000, s2  }
0x6: {  	s8 =	sand.u32 $0x1, s4;
	s4 =	sadd.s32 $0x1A00, s6;
	s11 =	smul.u32 $0x13C00, s2  }
0x7: {  	s5 =	sadd.s32 $0x11E000, s6;
	s16 =	sadd.s32 $0xBA00, s6;
	_ =	strace $0x8000004D  }
0x8: {  	s7 =	ssub.s32 $0x2, s8;
	s28 =	sshll.u32 s8, $0x4;
	s18 =	smul.u32 $0x13C000, s8  }
0x9: {  	s10 =	sshrl.u32 s7, $0x1;
	s29 =	sshrl.u32 s9, $0x2;
	s12 =	sadd.s32 $0x4000, s11  }
0xa: {  	s13 =	sor.u32 s2, s28;
	s14 =	sadd.s32 $0x8000, s11;
	s15 =	sadd.s32 $0xC000, s11  }
0xb: {  	s19 =	sadd.s32 $0x10000, s11;
	s17 =	ssub.s32 s7, s10;
	s6 =	sadd.s32 s29, s1  }
0xc: {  	s7 =	sadd.s32 s12, s1;
	s8 =	sadd.s32 s14, s1;
	s9 =	sadd.s32 s15, s1  }
0xd: {  	s10 =	sadd.s32 s19, s1;
	s20 =	sadd.s32 s11, s18;
	s12 =	sadd.s32 s18, s12  }
0xe: {  	s11 =	smul.u32 $0x2800, s13;
	s14 =	sadd.s32 s18, s14;
	s15 =	sadd.s32 s18, s15  }
0xf: {  	s18 =	sadd.s32 s18, s19;
	s19 =	simm.s32 $0x2;
	s30 =	sshrl.u32 s20, $0x3  }
0x10: {  	s31 =	sshrl.u32 s12, $0x3;
	s14 =	sshrl.u32 s14, $0x3;
	s15 =	sshrl.u32 s15, $0x3  }
0x11: {  	s18 =	sshrl.u32 s18, $0x3;
	s17 =	smax.u32 s17, $0x1;
	s20 =	simm.s32 $0x80  }
0x12: {  	s12 =	sadd.s32 s16, s30;
	s13 =	sadd.s32 s16, s31;
	s14 =	sadd.s32 s16, s14  }
0x13: {  	v0 =	vimm.f32 $0.0e+00;
	s15 =	sadd.s32 s16, s15;
	s16 =	sadd.s32 s16, s18;
	s18 =	simm.s32 $0x180  }
.LBB2_1:
0x14: {  	s24 =	simm.s32 $0x0;
	s25 =	simm.s32 $0x200  }
.LBB2_2:
0x15: {  	p0 =	sne.s32 s25, $0xFE00;
	[tilespmem:s24+$0x1F0] =	vst v0  }
0x16: {  	[tilespmem:s24+$0x180] =	vst v0  }
0x17: {  	[tilespmem:s24+$0x190] =	vst v0  }
.Ltmp0:
0x18: {  	[tilespmem:s24+$0x1A0] =	vst v0;
	(pc) =	sbr.rel @p0 .LBB2_2-.Ltmp0, $4  }
0x19: {  	[tilespmem:s24+$0x1B0] =	vst v0  }
0x1a: {  	[tilespmem:s24+$0x1C0] =	vst v0  }
0x1b: {  	[tilespmem:s24+$0x1D0] =	vst v0  }
0x1c: {  	[tilespmem:s24+$0x1E0] =	vst v0;
	s24 =	sshra.s32 s25, $0x2;
	s25 =	sadd.s32 $0x200, s25  }
0x1d: {  	[tilespmem:s24+$0x1F0] =	vst v0  }
0x1e: {  	[tilespmem:s24+$0x180] =	vst v0  }
0x1f: {  	[tilespmem:s24+$0x190] =	vst v0  }
0x20: {  	[tilespmem:s24+$0x1A0] =	vst v0  }
0x21: {  	[tilespmem:s24+$0x1B0] =	vst v0  }
0x22: {  	[tilespmem:s24+$0x1C0] =	vst v0  }
0x23: {  	[tilespmem:s24+$0x1D0] =	vst v0  }
0x24: {  	[tilespmem:s24+$0x1E0] =	vst v0  }
0x25: {  	[spmem:s6] =	stream.linear.scatter [tilespmem:s18], [sflag:$0x2], $0x4000, $0x38;
	[tilespmem:$0x17D80] =	vst v63  }
0x26: {  	_ =	swait.ge [sflag:s19], $0x4000  }
0x27: {  	[sflag:s19] =	ssyncset.done $0x0  }
0x28: {  	[sflag:s19] =	ssyncadd.s32 $0xFFFFC000  }
0x29: {  	[spmem:s7] =	stream.linear.scatter [tilespmem:s18], [sflag:$0x2], $0x4000, $0x38;
	[tilespmem:$0x17D80] =	vst v63  }
0x2a: {  	_ =	swait.ge [sflag:s19], $0x4000  }
0x2b: {  	[sflag:s19] =	ssyncset.done $0x0  }
0x2c: {  	[sflag:s19] =	ssyncadd.s32 $0xFFFFC000  }
0x2d: {  	[spmem:s8] =	stream.linear.scatter [tilespmem:s18], [sflag:$0x2], $0x4000, $0x38;
	[tilespmem:$0x17D80] =	vst v63  }
0x2e: {  	_ =	swait.ge [sflag:s19], $0x4000  }
0x2f: {  	[sflag:s19] =	ssyncset.done $0x0  }
0x30: {  	[sflag:s19] =	ssyncadd.s32 $0xFFFFC000  }
0x31: {  	[spmem:s9] =	stream.linear.scatter [tilespmem:s18], [sflag:$0x2], $0x4000, $0x38;
	[tilespmem:$0x17D80] =	vst v63  }
0x32: {  	_ =	swait.ge [sflag:s19], $0x4000  }
0x33: {  	s31 =	simm.s32 $0x0;
	[sflag:s19] =	ssyncset.done $0x0  }
0x34: {  	s25 =	sand.u32 $0x3C00, s31;
	[sflag:s19] =	ssyncadd.s32 $0xFFFFC000  }
0x35: {  	[spmem:s10] =	stream.linear.scatter [tilespmem:s18], [sflag:$0x2], $0x3C00, $0x38;
	[tilespmem:$0x17D80] =	vst v63  }
0x36: {  	s24 =	sand.u32 $0x380, s31;
	s25 =	sadd.s32 s11, s25;
	_ =	swait.ge [sflag:s19], $0x3C00  }
0x37: {  	s24 =	sor.u32 s24, s25;
	[sflag:s19] =	ssyncset.done $0x0  }
0x38: {  	s24 =	sshrl.u32 s24, $0x3;
	[sflag:s19] =	ssyncadd.s32 $0xFFFFC400  }
0x39: {  	s24 =	sadd.s32 s4, s24;
	[bflag:$0x0] =	sbarrier.arrive $0xFFFF  }
0x3a: {  	[tilespmem:s3], [sflag:$0x2] =	stream.linear.gather [hbm4b:s24+s3], $0x80, $0x38;
	[tilespmem:$0x17D80] =	vst v63  }
0x3b: {  	_ =	swait.ge [sflag:s19], $0x80  }
0x3c: {  	[sflag:s19] =	ssyncset.done $0x0  }
0x3d: {  	[sflag:s19] =	ssyncadd.s32 $0xFFFFFF80  }
0x3e: {  	v1 =	vld [tilespmem:$0x70];
	_ =	sdelay $0x1  }
0x3f: {  	v2 =	vld [tilespmem:$0x60]  }
0x40: {  	v3 =	vld [tilespmem:$0x20]  }
0x41: {  	v7 =	vld [tilespmem:$0x30]  }
0x42: {  	v5 =	vld [tilespmem:$0x0];
	v6 =	vshrl.u32 v1, $0x10  }
0x43: {  	v4 =	vld [tilespmem:$0x10];
	v1 =	vand.u32 $0xFFFF, v1;
	[tilespmem:$0x170] =	vst v6  }
0x44: {  	v9 =	vld [tilespmem:$0x50];
	v8 =	vshrl.u32 v2, $0x10;
	[tilespmem:$0xF0] =	vst v1  }
0x45: {  	v2 =	vand.u32 $0xFFFF, v2;
	v6 =	vld [tilespmem:$0x40];
	[tilespmem:$0x160] =	vst v8  }
0x46: {  	v10 =	vshrl.u32 v7, $0x10;
	[tilespmem:$0xE0] =	vst v2  }
0x47: {  	v11 =	vand.u32 $0xFFFF, v5;
	v1 =	vshrl.u32 v3, $0x10;
	[tilespmem:$0x130] =	vst v10  }
0x48: {  	v8 =	vand.u32 $0xFFFF, v3;
	v3 =	vand.u32 $0xFFFF, v4;
	v2 =	vshrl.u32 v5, $0x10;
	[tilespmem:$0x80] =	vst v11  }
0x49: {  	v5 =	vand.u32 $0xFFFF, v7;
	v7 =	vshrl.u32 v9, $0x10;
	[tilespmem:$0x120] =	vst v1;
	v1 =	vshrl.u32 v4, $0x10  }
0x4a: {  	s24 =	simm.s32 $0x80;
	[tilespmem:$0xA0] =	vst v8;
	v8 =	vand.u32 $0xFFFF, v9;
	v4 =	vshrl.u32 v6, $0x10;
	v6 =	vand.u32 $0xFFFF, v6  }
.LBB2_4:
0x4b: {  	p0 =	sne.s32 s24, $0x2700;
	[tilespmem:$0xD0] =	vst v8;
	s25 =	smov.u32 s24;
	s24 =	sadd.s32 $0x80, s24  }
0x4c: {  	[tilespmem:$0x90] =	vst v3  }
0x4d: {  	[tilespmem:$0x150] =	vst v7  }
0x4e: {  	[tilespmem:$0xB0] =	vst v5  }
0x4f: {  	[tilespmem:$0x110] =	vst v1  }
0x50: {  	[tilespmem:$0xC0] =	vst v6  }
0x51: {  	[tilespmem:$0x100] =	vst v2  }
0x52: {  	[tilespmem:$0x140] =	vst v4  }
0x53: {  	[tilespmem:s18], [sflag:$0x1] =	stream.indirect.gather [hbm4b:s5+s20], $0x80, s20, s20, $0xb8;
	[tilespmem:$0x17D80] =	vst v63  }
0x54: {  	_ =	swait.ge [sflag:s21], $0x4000  }
0x55: {  	s26 =	sand.u32 $0x3C00, s25;
	[sflag:s21] =	ssyncset.done $0x0  }
0x56: {  	s25 =	sand.u32 $0x380, s25;
	s26 =	sadd.s32 s11, s26;
	[sflag:s21] =	ssyncadd.s32 $0xFFFFC000  }
0x57: {  	[spmem:s1] =	stream.indirect.scatter.add.f32 [tilespmem:s18], [sflag:$0x2], $0x80, s22, s20, $0xb8;
	[tilespmem:$0x17D80] =	vst v63  }
0x58: {  	s25 =	sor.u32 s25, s26;
	_ =	swait.ge [sflag:s19], $0x4000  }
0x59: {  	s25 =	sshrl.u32 s25, $0x3;
	[sflag:s19] =	ssyncset.done $0x0  }
0x5a: {  	s25 =	sadd.s32 s4, s25;
	[sflag:s19] =	ssyncadd.s32 $0xFFFFC000  }
0x5b: {  	[tilespmem:s3], [sflag:$0x2] =	stream.linear.gather [hbm4b:s25+s3], $0x80, $0x38;
	[tilespmem:$0x17D80] =	vst v63  }
0x5c: {  	_ =	swait.ge [sflag:s19], $0x80  }
0x5d: {  	[sflag:s19] =	ssyncset.done $0x0  }
0x5e: {  	[sflag:s19] =	ssyncadd.s32 $0xFFFFFF80  }
0x5f: {  	v1 =	vld [tilespmem:$0x70]  }
0x60: {  	v2 =	vld [tilespmem:$0x60]  }
0x61: {  	v3 =	vld [tilespmem:$0x10]  }
0x62: {  	v4 =	vld [tilespmem:$0x20]  }
0x63: {  	v5 =	vld [tilespmem:$0x0]  }
0x64: {  	v6 =	vld [tilespmem:$0x30];
	v7 =	vshrl.u32 v1, $0x10;
	v1 =	vand.u32 $0xFFFF, v1  }
0x65: {  	v8 =	vld [tilespmem:$0x40];
	v9 =	vshrl.u32 v2, $0x10;
	v10 =	vand.u32 $0xFFFF, v2;
	[tilespmem:$0x170] =	vst v7  }
0x66: {  	v11 =	vld [tilespmem:$0x50];
	[tilespmem:$0xF0] =	vst v1  }
0x67: {  	v1 =	vshrl.u32 v3, $0x10;
	v3 =	vand.u32 $0xFFFF, v3;
	v7 =	vshrl.u32 v4, $0x10;
	[tilespmem:$0x160] =	vst v9  }
.Ltmp1:
0x68: {  	v4 =	vand.u32 $0xFFFF, v4;
	v2 =	vshrl.u32 v5, $0x10;
	v9 =	vand.u32 $0xFFFF, v5;
	[tilespmem:$0x120] =	vst v7;
	(pc) =	sbr.rel @p0 .LBB2_4-.Ltmp1, $4  }
0x69: {  	v7 =	vshrl.u32 v6, $0x10;
	v5 =	vand.u32 $0xFFFF, v6;
	[tilespmem:$0xE0] =	vst v10  }
0x6a: {  	[tilespmem:$0xA0] =	vst v4;
	v4 =	vshrl.u32 v8, $0x10;
	v6 =	vand.u32 $0xFFFF, v8  }
0x6b: {  	[tilespmem:$0x130] =	vst v7;
	v7 =	vshrl.u32 v11, $0x10;
	v8 =	vand.u32 $0xFFFF, v11  }
0x6c: {  	[tilespmem:$0x80] =	vst v9  }
0x6d: {  	[tilespmem:$0xD0] =	vst v8  }
0x6e: {  	[tilespmem:$0x90] =	vst v3  }
0x6f: {  	[tilespmem:$0x150] =	vst v7  }
0x70: {  	[tilespmem:$0xB0] =	vst v5  }
0x71: {  	[tilespmem:$0x110] =	vst v1  }
0x72: {  	[tilespmem:$0xC0] =	vst v6  }
0x73: {  	[tilespmem:$0x100] =	vst v2  }
0x74: {  	[tilespmem:$0x140] =	vst v4  }
0x75: {  	[tilespmem:s18], [sflag:$0x1] =	stream.indirect.gather [hbm4b:s5+s20], $0x80, s20, s20, $0xb8;
	[tilespmem:$0x17D80] =	vst v63  }
0x76: {  	_ =	swait.ge [sflag:s21], $0x4000  }
0x77: {  	[sflag:s21] =	ssyncset.done $0x0  }
0x78: {  	[sflag:s21] =	ssyncadd.s32 $0xFFFFC000  }
0x79: {  	[spmem:s1] =	stream.indirect.scatter.add.f32 [tilespmem:s18], [sflag:$0x2], $0x80, s22, s20, $0xb8;
	[tilespmem:$0x17D80] =	vst v63  }
0x7a: {  	_ =	swait.ge [sflag:s19], $0x4000  }
0x7b: {  	[sflag:s19] =	ssyncset.done $0x0  }
0x7c: {  	[sflag:s19] =	ssyncadd.s32 $0xFFFFC000  }
0x7d: {  	[bflag:$0x0] =	sbarrier.arrive $0xFFFF  }
0x7e: {  	[tilespmem:s18], [sflag:$0x2] =	stream.linear.gather [spmem:s6], $0x4000, $0x38;
	[tilespmem:$0x17D80] =	vst v63  }
0x7f: {  	_ =	swait.ge [sflag:s19], $0x4000  }
0x80: {  	[sflag:s19] =	ssyncset.done $0x0  }
0x81: {  	[sflag:s19] =	ssyncadd.s32 $0xFFFFC000  }
0x82: {  	[hbm4b:s12+s3] =	stream.linear.scatter [tilespmem:s18], [sflag:$0x2], $0x4000, $0x38;
	[tilespmem:$0x17D80] =	vst v63  }
0x83: {  	_ =	swait.ge [sflag:s19], $0x4000  }
0x84: {  	[sflag:s19] =	ssyncset.done $0x0  }
0x85: {  	[sflag:s19] =	ssyncadd.s32 $0xFFFFC000  }
0x86: {  	[tilespmem:s18], [sflag:$0x2] =	stream.linear.gather [spmem:s7], $0x4000, $0x38;
	[tilespmem:$0x17D80] =	vst v63  }
0x87: {  	_ =	swait.ge [sflag:s19], $0x4000  }
0x88: {  	[sflag:s19] =	ssyncset.done $0x0  }
0x89: {  	[sflag:s19] =	ssyncadd.s32 $0xFFFFC000  }
0x8a: {  	[hbm4b:s13+s3] =	stream.linear.scatter [tilespmem:s18], [sflag:$0x2], $0x4000, $0x38;
	[tilespmem:$0x17D80] =	vst v63  }
0x8b: {  	_ =	swait.ge [sflag:s19], $0x4000  }
0x8c: {  	[sflag:s19] =	ssyncset.done $0x0  }
0x8d: {  	[sflag:s19] =	ssyncadd.s32 $0xFFFFC000  }
0x8e: {  	[tilespmem:s18], [sflag:$0x2] =	stream.linear.gather [spmem:s8], $0x4000, $0x38;
	[tilespmem:$0x17D80] =	vst v63  }
0x8f: {  	_ =	swait.ge [sflag:s19], $0x4000  }
0x90: {  	[sflag:s19] =	ssyncset.done $0x0  }
0x91: {  	[sflag:s19] =	ssyncadd.s32 $0xFFFFC000  }
0x92: {  	[hbm4b:s14+s3] =	stream.linear.scatter [tilespmem:s18], [sflag:$0x2], $0x4000, $0x38;
	[tilespmem:$0x17D80] =	vst v63  }
0x93: {  	_ =	swait.ge [sflag:s19], $0x4000  }
0x94: {  	[sflag:s19] =	ssyncset.done $0x0  }
0x95: {  	[sflag:s19] =	ssyncadd.s32 $0xFFFFC000  }
0x96: {  	[tilespmem:s18], [sflag:$0x2] =	stream.linear.gather [spmem:s9], $0x4000, $0x38;
	[tilespmem:$0x17D80] =	vst v63  }
0x97: {  	_ =	swait.ge [sflag:s19], $0x4000  }
0x98: {  	[sflag:s19] =	ssyncset.done $0x0  }
0x99: {  	[sflag:s19] =	ssyncadd.s32 $0xFFFFC000  }
0x9a: {  	[hbm4b:s15+s3] =	stream.linear.scatter [tilespmem:s18], [sflag:$0x2], $0x4000, $0x38;
	[tilespmem:$0x17D80] =	vst v63  }
0x9b: {  	_ =	swait.ge [sflag:s19], $0x4000  }
0x9c: {  	[sflag:s19] =	ssyncset.done $0x0  }
0x9d: {  	[sflag:s19] =	ssyncadd.s32 $0xFFFFC000  }
0x9e: {  	[tilespmem:s18], [sflag:$0x2] =	stream.linear.gather [spmem:s10], $0x3C00, $0x38;
	[tilespmem:$0x17D80] =	vst v63  }
0x9f: {  	s23 =	sadd.s32 $0x1, s23;
	_ =	swait.ge [sflag:s19], $0x3C00  }
0xa0: {  	p0 =	sne.s32 s23, s17;
	[sflag:s19] =	ssyncset.done $0x0  }
.Ltmp2:
0xa1: {  	[sflag:s19] =	ssyncadd.s32 $0xFFFFC400;
	(pc) =	sbr.rel @p0 .LBB2_1-.Ltmp2, $4  }
0xa2: {  	[hbm4b:s16+s3] =	stream.linear.scatter [tilespmem:s18], [sflag:$0x2], $0x3C00, $0x38;
	[tilespmem:$0x17D80] =	vst v63  }
0xa3: {  	_ =	swait.ge [sflag:s19], $0x3C00  }
0xa4: {  	[sflag:s19] =	ssyncset.done $0x0  }
0xa5: {  	[sflag:s19] =	ssyncadd.s32 $0xFFFFC400  }
0xa6: {  	_ =	sfence.sel $0x180000  }
0xa7: {  	[bflag:$0x0] =	sbarrier.arrive $0xFFFF  }
0xa8: {  	p0 =	sne.s32 s2, $0x0;
	_ =	strace $0x9000004D  }
0xa9: {  	s0 =	sadd.s32 @!p0 $0x100000, s0;
	[bflag:$0x2] =	sbarrier.arrive $0xFFFF  }
0xaa: {  	[sflag:s0] =	ssyncadd.tile.s32 @!p0 $0x1;
	_ =	shalt  }
.Lfunc_end2:
_tile_overlayer_lowered:
.L_overlay_start_2:
0xab: {  	(tag) =	ssettag $0x2  }
0xac: {  	s0 =	rddreg [dreg:$0x0];
	s2 =	stileid.u32  }
0xad: {  	s1 =	rddreg [dreg:$0x1];
	p0 =	sne.s32 s2, $0x0  }
0xae: {  	s3 =	rddreg [dreg:$0x2];
	[bflag:$0x3] =	sbarrier.arrive $0xFFFF;
	s2 =	simm.s32 @!p0 $0x1C02  }
0xaf: {  	[timem:s3], [sflag:s2] =	dma.local @!p0 [hbm:s0], s1  }
0xb0: {  	s0 =	simm.s32 @!p0 $0x2  }
0xb1: {  	_ =	swait.ge @!p0 [sflag:s0], s1  }
0xb2: {  	s1 =	ssub.s32 @!p0 $0x0, s1;
	[sflag:s0] =	ssyncset.done @!p0 $0x0  }
0xb3: {  	[sflag:s0] =	ssyncadd.s32 @!p0 s1  }
0xb4: {  	[bflag:$0x3] =	sbarrier.arrive $0xFFFF  }
0xb5: {  	_ =	shalt  }

// kernel: kernel.8.cloned.1.call-start
scs
__scs_entry_jumppad:
0x0: {  	(pc) =	sbr.rel $0x88, $3  }
0x1: {  	(tag) =	ssettag $0x0;
	lr =	simm.s32 $0x1  }
0x2: {  	[smem:$0x3F98] =	sst lr;
	_ =	strace $0xD0000000  }
0x3: {  	_ = 	snop  }
0x4: {  	_ = 	snop  }
0x5: {  	_ = 	snop  }
0x6: {  	_ = 	snop  }
0x7: {  	_ = 	snop  }
__scs_overlays_trampoline_lowered:
0x8: {  	[smem:$0x3FA7] =	sst s0  }
0x9: {  	[smem:$0x3FA8] =	sst s1  }
0xa: {  	[smem:$0x3FA9] =	sst s2  }
0xb: {  	[smem:$0x3FAA] =	sst s3  }
0xc: {  	[smem:$0x3FAB] =	sst s4  }
0xd: {  	[smem:$0x3FAC] =	sst s5  }
0xe: {  	[smem:$0x3FAD] =	sst s6  }
0xf: {  	[smem:$0x3FAE] =	sst s7  }
0x10: {  	[smem:$0x3FAF] =	sst s8  }
0x11: {  	[smem:$0x3FB0] =	sst s9;
	s0 =	simm.s32 @!p0 $0x0  }
0x12: {  	s1 =	sld [smem:$0x3F96];
	s0 =	simm.s32 @p0 $0x1  }
0x13: {  	[smem:$0x3FB1] =	sst s0;
	s0 =	simm.s32 @!p1 $0x0  }
0x14: {  	s2 =	sld [smem:$0x3F95];
	s0 =	simm.s32 @p1 $0x1  }
0x15: {  	[smem:$0x3FB2] =	sst s0;
	s0 =	simm.s32 @!p2 $0x0  }
0x16: {  	s3 =	sld [smem:$0x3FDB];
	s0 =	simm.s32 @p2 $0x1  }
0x17: {  	s4 =	simm.s32 $0x1BF5;
	[smem:$0x3FB4] =	sst s0  }
0x18: {  	s0 =	sld [smem:$0x3F97];
	_ =	swait.ge [sflag:s4], $0x0  }
0x19: {  	s7 =	sld [smem:$0x3F98]  }
0x1a: {  	s8 =	sadd.s32 $0xFFFFE003, lr  }
0x1b: {  	s9 =	sadd.s32 $0xFFFFFEF7, lr;
	s5 =	simm.s32 $0xFFFFFFFF;
	p2 =	slt.u32 s8, $0xFFFFF086  }
0x1c: {  	p1 =	slt.u32 s9, $0xF7A;
	s5 =	simm.s32 @!p2 $0x0  }
0x1d: {  	s5 =	simm.s32 @p1 $0x1;
	p0 =	seq.s32 s7, s2  }
0x1e: {  	s7 =	smul.u32 @!p0 $0xF7A, s2;
	p2 =	seq.s32 @!p0 s5, $0x0  }
0x1f: {  	s9 =	smul.u32 $0xF7A, s1;
	s8 =	simm.s32 @!p0 $0x1BF5;
	p2 =	por !p2, p0  }
0x20: {  	[sflag:s8] =	ssyncset.s32 @!p0 $0xFFFFF086;
	s6 =	sadd.s32 @!p0 s3, s7;
	s7 =	simm.s32 @!p0 $0x108  }
0x21: {  	s3 =	sadd.s32 s3, s9;
	s6 =	sadd.s32 @!p0 $0x88, s6;
	s7 =	simm.s32 @p2 $0x1082  }
0x22: {  	[simem:s7], [sflag:s8] =	dma.local @!p0 [hbm:s6], $0xF7A  }
0x23: {  	s9 =	sor.u32 $0xD0000000, s2;
	s6 =	simm.s32 $0x108;
	_ =	swait.ge @!p0 [sflag:s8], $0x0  }
0x24: {  	s3 =	sadd.s32 $0x88, s3;
	s6 =	simm.s32 @!p1 $0x1082;
	[sflag:s4] =	ssyncset.s32 $0xFFFFF086  }
0x25: {  	[simem:s6], [sflag:s4] =	dma.local [hbm:s3], $0xF7A  }
0x26: {  	[smem:$0x3F98] =	sst s1;
	(tag) =	ssettag s2;
	_ =	strace s9  }
0x27: {  	s1 =	sld [smem:$0x3FA8]  }
0x28: {  	s2 =	sld [smem:$0x3FA9]  }
0x29: {  	s4 =	sld [smem:$0x3FAB]  }
0x2a: {  	p0 =	seq.s32 s5, $0x0;
	s5 =	sld [smem:$0x3FAC]  }
0x2b: {  	s6 =	sld [smem:$0x3FAD]  }
0x2c: {  	s7 =	sld [smem:$0x3FAE]  }
0x2d: {  	s3 =	simm.s32 $0x108;
	s8 =	sld [smem:$0x3FAF]  }
0x2e: {  	s3 =	simm.s32 @!p0 $0x1082;
	s9 =	sld [smem:$0x3FB0]  }
0x2f: {  	lr =	sadd.s32 s0, s3;
	s0 =	sld [smem:$0x3FA7]  }
0x30: {  	s3 =	sld [smem:$0x3FAA]  }
0x31: {  	[smem:$0x3FB3] =	sst s10  }
0x32: {  	s10 =	sld [smem:$0x3FB1];
	_ =	sdelay $0x3  }
0x33: {  	p0 =	seq.s32 s10, $0x1;
	s10 =	sld [smem:$0x3FB3];
	_ =	sdelay $0x3  }
0x34: {  	[smem:$0x3FB3] =	sst s10  }
0x35: {  	s10 =	sld [smem:$0x3FB2];
	_ =	sdelay $0x3  }
0x36: {  	p1 =	seq.s32 s10, $0x1;
	s10 =	sld [smem:$0x3FB3];
	_ =	sdelay $0x3  }
0x37: {  	[smem:$0x3FB3] =	sst s10  }
0x38: {  	s10 =	sld [smem:$0x3FB4]  }
0x39: {  	_ = 	snop;
	(pc) =	sbr.ind lr, $3  }
0x3a: {  	_ = 	snop  }
0x3b: {  	_ = 	snop  }
0x3c: {  	p2 =	seq.s32 s10, $0x1;
	s10 =	sld [smem:$0x3FB3]  }
0x3d: {  	_ =	shalt  }
0x3e: {  	_ =	shalt  }
0x3f: {  	_ =	shalt  }
0x40: {  	_ =	shalt  }
0x41: {  	_ =	shalt  }
0x42: {  	_ =	shalt  }
0x43: {  	_ =	shalt  }
0x44: {  	_ =	shalt  }
0x45: {  	_ =	shalt  }
0x46: {  	_ =	shalt  }
0x47: {  	_ =	shalt  }
0x48: {  	_ =	shalt  }
0x49: {  	_ =	shalt  }
0x4a: {  	_ =	shalt  }
0x4b: {  	_ =	shalt  }
0x4c: {  	_ =	shalt  }
0x4d: {  	_ =	shalt  }
0x4e: {  	_ =	shalt  }
0x4f: {  	_ =	shalt  }
0x50: {  	_ =	shalt  }
0x51: {  	_ =	shalt  }
0x52: {  	_ =	shalt  }
0x53: {  	_ =	shalt  }
0x54: {  	_ =	shalt  }
0x55: {  	_ =	shalt  }
0x56: {  	_ =	shalt  }
0x57: {  	_ =	shalt  }
0x58: {  	_ =	shalt  }
0x59: {  	_ =	shalt  }
0x5a: {  	_ =	shalt  }
0x5b: {  	_ =	shalt  }
0x5c: {  	_ =	shalt  }
0x5d: {  	_ =	shalt  }
0x5e: {  	_ =	shalt  }
0x5f: {  	_ =	shalt  }
0x60: {  	_ =	shalt  }
0x61: {  	_ =	shalt  }
0x62: {  	_ =	shalt  }
0x63: {  	_ =	shalt  }
0x64: {  	_ =	shalt  }
0x65: {  	_ =	shalt  }
0x66: {  	_ =	shalt  }
0x67: {  	_ =	shalt  }
0x68: {  	_ =	shalt  }
0x69: {  	_ =	shalt  }
0x6a: {  	_ =	shalt  }
0x6b: {  	_ =	shalt  }
0x6c: {  	_ =	shalt  }
0x6d: {  	_ =	shalt  }
0x6e: {  	_ =	shalt  }
0x6f: {  	_ =	shalt  }
0x70: {  	_ =	shalt  }
0x71: {  	_ =	shalt  }
0x72: {  	_ =	shalt  }
0x73: {  	_ =	shalt  }
0x74: {  	_ =	shalt  }
0x75: {  	_ =	shalt  }
0x76: {  	_ =	shalt  }
0x77: {  	_ =	shalt  }
0x78: {  	_ =	shalt  }
0x79: {  	_ =	shalt  }
0x7a: {  	_ =	shalt  }
0x7b: {  	_ =	shalt  }
0x7c: {  	_ =	shalt  }
0x7d: {  	_ =	shalt  }
0x7e: {  	_ =	shalt  }
0x7f: {  	_ =	shalt  }
0x80: {  	_ =	shalt  }
0x81: {  	_ =	shalt  }
0x82: {  	_ =	shalt  }
0x83: {  	_ =	shalt  }
0x84: {  	_ =	shalt  }
0x85: {  	_ =	shalt  }
0x86: {  	_ =	shalt  }
0x87: {  	_ =	shalt  }
.Lfunc_end0:
.L_simem_size_0:
called_computation_lowered:
.L_overlay_start_0:
0x88: {  	s2 =	sld [smem:$0x3FD9]  }
0x89: {  	s3 =	sld [smem:$0x3FFE];
	_ =	sdelay $0x1  }
0x8a: {  	s1 =	srdreg.scid  }
0x8b: {  	s0 =	sand.u32 $0x1, s1  }
0x8c: {  	s17 =	sshll.u32 s0, $0xA;
	s2 =	sadd.s32 s3, s2  }
0x8d: {  	s2 =	sadd.s32 s2, s17  }
0x8e: {  	[smem:$0x3FBF] =	sst s2  }
0x8f: {  	_ = 	snop  }
0x90: {  	(tm) =	ssettm $0x1  }
0x91: {  	s18 =	sld [smem:$0x3FFB];
	_ =	sdelay $0x3  }
0x92: {  	_ =	strace s18  }
0x93: {  	s2 =	sld [smem:$0x3FFC];
	_ =	sdelay $0x3  }
0x94: {  	_ =	strace s2  }
0x95: {  	s2 =	sld [smem:$0x3FFD];
	_ =	sdelay $0x3  }
0x96: {  	_ =	strace s2  }
0x97: {  	_ =	strace $0x8FFFFFFF  }
0x98: {  	s19 =	sld [smem:$0x3FDB];
	_ =	sdelay $0x1  }
0x99: {  	s20 =	simm.s32 $_scs_section_size  }
0x9a: {  	s4 =	simm.s32 $_size__tile_overlayer_lowered;
	s5 =	simm.s32 $_tile_overlayer_lowered  }
0x9b: {  	s6 =	simm.s32 $0x1BFF;
	s21 =	sshll.u32 s5, $0x1;
	s3 =	sadd.s32 s20, s19  }
0x9c: {  	s22 =	simm.s32 $0x0;
	s4 =	sshll.u32 s4, $0x1;
	s5 =	sadd.s32 s21, s3  }
0x9d: {  	[timem:s22], [sflag:s6] =	dma.local [hbm:s5], s4  }
0x9e: {  	_ =	swait.ge [sflag:s6], s4  }
0x9f: {  	s4 =	ssub.s32 $0x0, s4;
	[sflag:s6] =	ssyncset.done $0x0  }
0xa0: {  	[sflag:s6] =	ssyncadd.s32 s4;
	_ =	sdelay $0x1  }
0xa1: {  	s23 =	simm.s32 $0x1B8B  }
0xa2: {  	_ =	swait.ge [sflag:s23], $0x1  }
0xa3: {  	[sflag:s23] =	ssyncset.done $0x0  }
0xa4: {  	[sflag:s23] =	ssyncadd.s32 $0xFFFFFFFF  }
0xa5: {  	s4 =	sld [smem:$0x0]  }
0xa6: {  	s5 =	sand.u32 $0xFFFFFFFE, s1  }
0xa7: {  	p0 =	sne.s32 s1, s5  }
0xa8: {  	s5 =	sshll.u32 @p0 s5, $0xE  }
0xa9: {  	s5 =	sadd.s32 @p0 $0x11B8D, s5;
	s6 =	sshll.u32 @p0 s4, $0x11  }
0xaa: {  	s5 =	sor.u32 @p0 s6, s5  }
0xab: {  	[sflag:s5] =	ssyncadd.remote.s32 @p0 $0x1;
	_ =	sdelay $0x1  }
0xac: {  	s5 =	simm.s32 @p0 $0x1B8D  }
0xad: {  	_ =	swait.eq @p0 [sflag:s5], $0x1  }
0xae: {  	[sflag:s5] =	ssyncadd.s32 @p0 $0xFFFFFFFF  }
0xaf: {  	s6 =	sshll.u32 @!p0 s1, $0xE  }
0xb0: {  	s6 =	sor.u32 @!p0 $0x4000, s6;
	s5 =	simm.s32 @!p0 $0x1B8D  }
0xb1: {  	s4 =	sshll.u32 @!p0 s4, $0x11;
	s6 =	sadd.s32 @!p0 $0x11B8D, s6;
	_ =	swait.eq @!p0 [sflag:s5], $0x1  }
0xb2: {  	s4 =	sor.u32 @!p0 s4, s6;
	[sflag:s5] =	ssyncadd.s32 @!p0 $0xFFFFFFFF  }
0xb3: {  	s25 =	simm.s32 $0x1B8E;
	s24 =	sld [smem:$0x3FFE];
	[sflag:s4] =	ssyncadd.remote.s32 @!p0 $0x1  }
0xb4: {  	s26 =	simm.s32 $execute0_lowered;
	[smem:$0x3FD2] =	sst s25  }
0xb5: {  	s5 =	sshll.u32 s26, $0x1;
	_ =	strace $0x80000049;
	[dreg:$0x1] =	wrdreg $0xFFFFFFFF  }
0xb6: {  	s28 =	simm.s32 $_size_execute0_lowered;
	s3 =	sadd.s32 s3, s5;
	[dreg:$0x0] =	wrdreg $0x0  }
0xb7: {  	s5 =	sshll.u32 s28, $0x1;
	[dreg:$0x2] =	wrdreg s3  }
0xb8: {  	[dreg:$0x3] =	wrdreg s5  }
0xb9: {  	[dreg:$0x4] =	wrdreg $0xC0  }
0xba: {  	_ =	task [dreg:s22], $0x5FFFF  }
0xbb: {  	[dreg:$0x1] =	wrdreg $0xFFFFFFFF  }
0xbc: {  	[dreg:$0x0] =	wrdreg $0x60  }
0xbd: {  	[dreg:$0x2] =	wrdreg s24  }
0xbe: {  	[dreg:$0x3] =	wrdreg $0x41000  }
0xbf: {  	[dreg:$0x4] =	wrdreg $0x9  }
0xc0: {  	_ =	task.clear_ibuf [dreg:s22], $0x5FFFF;
	_ =	strace $0x90000049  }
0xc1: {  	s29 =	simm.s32 $0x9;
	_ =	strace $0x8000004B  }
0xc2: {  	_ =	swait.ge [sflag:s29], $0x1  }
0xc3: {  	[sflag:s29] =	ssyncadd.s32 $0xFFFFFFFF  }
0xc4: {  	_ =	strace $0x9000004B  }
0xc5: {  	_ =	sfence  }
0xc6: {  	s30 =	sld [smem:$0x0];
	_ =	sdelay $0x2  }
0xc7: {  	s31 =	sshll.u32 s1, $0xD;
	s1 =	sshrl.u32 s1, $0x2  }
0xc8: {  	s4 =	sand.u32 $0x4000, s31;
	s1 =	sadd.s32 s1, s30  }
0xc9: {  	s0 =	sor.u32 s4, s0;
	s1 =	sshll.u32 s1, $0x11  }
0xca: {  	s0 =	sor.u32 s1, s0  }
0xcb: {  	s0 =	sadd.s32 $0x8F2B, s0  }
0xcc: {  	[sflag:s0] =	ssyncadd.remote.s32 $0x1  }
0xcd: {  	_ =	sfence.sel $0xFFFF  }
0xce: {  	[dreg:$0x0] =	wrdreg $0xFFFFFFFF;
	(pc) =	sbr.abs _section_cstart, $3  }
0xcf: {  	[dreg:$0x1] =	wrdreg $0xFFFFFFFF  }
0xd0: {  	_ =	task.clear_ibuf [dreg:s22], $0x2FFFF;
	_ =	strace $0x9FFFFFFF  }
0xd1: {  	(tm) =	ssettm $0x7FFFFFFF  }
tec
execute0_lowered:
.L_overlay_start_1:
0x0: {  	(tag) =	ssettag $0x1  }
0x1: {  	s5 =	rddreg [dreg:$0x0]  }
0x2: {  	s1 =	rddreg [dreg:$0x1]  }
0x3: {  	s0 =	rddreg [dreg:$0x2];
	s3 =	simm.s32 $0x0;
	s4 =	srdreg.scid  }
0x4: {  	s2 =	stileid.u32;
	s20 =	simm.s32 $0x0;
	[smem:$0x7FF] =	sst s3  }
0x5: {  	s6 =	sand.u32 $0x1, s4;
	s8 =	smul.u32 $0x4F000, s2;
	s15 =	sadd.s32 $0x144200, s5  }
0x6: {  	s4 =	sadd.s32 $0x1A00, s5;
	s10 =	smul.u32 $0x13C00, s2;
	_ =	strace $0x8000004A  }
0x7: {  	s7 =	ssub.s32 $0x2, s6;
	s9 =	sshll.u32 s6, $0x4;
	s14 =	smul.u32 $0x13C000, s6  }
0x8: {  	s30 =	sshrl.u32 s7, $0x1;
	s8 =	sshrl.u32 s8, $0x2;
	s11 =	sor.u32 s2, s9  }
0x9: {  	s12 =	sadd.s32 $0x4000, s10;
	s13 =	sadd.s32 $0x8000, s10;
	s17 =	sadd.s32 $0xC000, s10  }
0xa: {  	s18 =	sadd.s32 $0x10000, s10;
	s16 =	ssub.s32 s7, s30;
	s5 =	sadd.s32 s8, s1  }
0xb: {  	s6 =	sadd.s32 s12, s1;
	s7 =	sadd.s32 s13, s1;
	s8 =	sadd.s32 s17, s1  }
0xc: {  	s10 =	sadd.s32 s10, s14;
	s9 =	sadd.s32 s18, s1;
	s12 =	sadd.s32 s14, s12  }
0xd: {  	s13 =	sadd.s32 s14, s13;
	s17 =	sadd.s32 s14, s17;
	s18 =	sadd.s32 s14, s18  }
0xe: {  	s19 =	sshrl.u32 s10, $0x3;
	s10 =	smul.u32 $0x2800, s11;
	s12 =	sshrl.u32 s12, $0x3  }
0xf: {  	s13 =	sshrl.u32 s13, $0x3;
	s17 =	sshrl.u32 s17, $0x3;
	s31 =	sshrl.u32 s18, $0x3  }
0x10: {  	s16 =	smax.u32 s16, $0x1;
	s18 =	simm.s32 $0x1;
	s11 =	sadd.s32 s15, s19  }
0x11: {  	s12 =	sadd.s32 s15, s12;
	s13 =	sadd.s32 s15, s13;
	s14 =	sadd.s32 s15, s17  }
0x12: {  	v0 =	vimm.f32 $0.0e+00;
	v1 =	vimm.f32 $1.000000000e+00;
	s15 =	sadd.s32 s15, s31;
	s17 =	simm.s32 $0x100;
	s19 =	simm.s32 $0x80  }
.LBB2_1:
0x13: {  	s21 =	simm.s32 $0x0;
	s22 =	simm.s32 $0x200  }
.LBB2_2:
0x14: {  	p0 =	sne.s32 s22, $0xFE00;
	[tilespmem:s21+$0x170] =	vst v0  }
0x15: {  	[tilespmem:s21+$0x100] =	vst v0  }
0x16: {  	[tilespmem:s21+$0x110] =	vst v0  }
.Ltmp0:
0x17: {  	[tilespmem:s21+$0x120] =	vst v0;
	(pc) =	sbr.rel @p0 .LBB2_2-.Ltmp0, $4  }
0x18: {  	[tilespmem:s21+$0x130] =	vst v0  }
0x19: {  	[tilespmem:s21+$0x140] =	vst v0  }
0x1a: {  	[tilespmem:s21+$0x150] =	vst v0  }
0x1b: {  	[tilespmem:s21+$0x160] =	vst v0;
	s21 =	sshra.s32 s22, $0x2;
	s22 =	sadd.s32 $0x200, s22  }
0x1c: {  	[tilespmem:s21+$0x170] =	vst v0  }
0x1d: {  	[tilespmem:s21+$0x100] =	vst v0  }
0x1e: {  	[tilespmem:s21+$0x110] =	vst v0  }
0x1f: {  	[tilespmem:s21+$0x120] =	vst v0  }
0x20: {  	[tilespmem:s21+$0x130] =	vst v0  }
0x21: {  	[tilespmem:s21+$0x140] =	vst v0  }
0x22: {  	[tilespmem:s21+$0x150] =	vst v0  }
0x23: {  	[tilespmem:s21+$0x160] =	vst v0  }
0x24: {  	[spmem:s5] =	stream.linear.scatter [tilespmem:s17], [sflag:$0x1], $0x4000, $0x38;
	[tilespmem:$0x17D00] =	vst v63  }
0x25: {  	_ =	swait.ge [sflag:s18], $0x4000  }
0x26: {  	[sflag:s18] =	ssyncset.done $0x0  }
0x27: {  	[sflag:s18] =	ssyncadd.s32 $0xFFFFC000  }
0x28: {  	[spmem:s6] =	stream.linear.scatter [tilespmem:s17], [sflag:$0x1], $0x4000, $0x38;
	[tilespmem:$0x17D00] =	vst v63  }
0x29: {  	_ =	swait.ge [sflag:s18], $0x4000  }
0x2a: {  	[sflag:s18] =	ssyncset.done $0x0  }
0x2b: {  	[sflag:s18] =	ssyncadd.s32 $0xFFFFC000  }
0x2c: {  	[spmem:s7] =	stream.linear.scatter [tilespmem:s17], [sflag:$0x1], $0x4000, $0x38;
	[tilespmem:$0x17D00] =	vst v63  }
0x2d: {  	_ =	swait.ge [sflag:s18], $0x4000  }
0x2e: {  	[sflag:s18] =	ssyncset.done $0x0  }
0x2f: {  	[sflag:s18] =	ssyncadd.s32 $0xFFFFC000  }
0x30: {  	[spmem:s8] =	stream.linear.scatter [tilespmem:s17], [sflag:$0x1], $0x4000, $0x38;
	[tilespmem:$0x17D00] =	vst v63  }
0x31: {  	_ =	swait.ge [sflag:s18], $0x4000  }
0x32: {  	[sflag:s18] =	ssyncset.done $0x0  }
0x33: {  	[sflag:s18] =	ssyncadd.s32 $0xFFFFC000  }
0x34: {  	[spmem:s9] =	stream.linear.scatter [tilespmem:s17], [sflag:$0x1], $0x3C00, $0x38;
	[tilespmem:$0x17D00] =	vst v63  }
0x35: {  	_ =	swait.ge [sflag:s18], $0x3C00  }
0x36: {  	[sflag:s18] =	ssyncset.done $0x0  }
0x37: {  	s21 =	simm.s32 $0x0;
	s22 =	simm.s32 $0x200;
	[sflag:s18] =	ssyncadd.s32 $0xFFFFC400  }
.LBB2_4:
0x38: {  	p0 =	sne.s32 s22, $0xFE00;
	[tilespmem:s21+$0x170] =	vst v1  }
0x39: {  	[tilespmem:s21+$0x100] =	vst v1  }
0x3a: {  	[tilespmem:s21+$0x110] =	vst v1  }
.Ltmp1:
0x3b: {  	[tilespmem:s21+$0x120] =	vst v1;
	(pc) =	sbr.rel @p0 .LBB2_4-.Ltmp1, $4  }
0x3c: {  	[tilespmem:s21+$0x130] =	vst v1  }
0x3d: {  	[tilespmem:s21+$0x140] =	vst v1  }
0x3e: {  	[tilespmem:s21+$0x150] =	vst v1  }
0x3f: {  	[tilespmem:s21+$0x160] =	vst v1;
	s21 =	sshra.s32 s22, $0x2;
	s22 =	sadd.s32 $0x200, s22  }
0x40: {  	[tilespmem:s21+$0x170] =	vst v1  }
0x41: {  	[tilespmem:s21+$0x100] =	vst v1  }
0x42: {  	[tilespmem:s21+$0x110] =	vst v1  }
0x43: {  	[tilespmem:s21+$0x120] =	vst v1  }
0x44: {  	s22 =	simm.s32 $0x0;
	[tilespmem:s21+$0x130] =	vst v1  }
0x45: {  	[tilespmem:s21+$0x140] =	vst v1;
	s23 =	sand.u32 $0x3C00, s22  }
0x46: {  	[tilespmem:s21+$0x150] =	vst v1;
	s22 =	sand.u32 $0x380, s22;
	s23 =	sadd.s32 s10, s23  }
0x47: {  	[tilespmem:s21+$0x160] =	vst v1;
	s26 =	simm.s32 $0x80;
	s22 =	sor.u32 s22, s23  }
0x48: {  	s28 =	simm.s32 $0x100;
	[bflag:$0x0] =	sbarrier.arrive $0xFFFF;
	s25 =	sshrl.u32 s22, $0x3  }
0x49: {  	s24 =	sand.u32 $0x380, s26;
	s30 =	sand.u32 $0x3C00, s28;
	s21 =	sadd.s32 s4, s25  }
0x4a: {  	[tilespmem:s3], [sflag:$0x1] =	stream.linear.gather [hbm4b:s21+s3], $0x80, $0x38;
	[tilespmem:$0x17D00] =	vst v63  }
0x4b: {  	s23 =	sand.u32 $0x380, s28;
	s22 =	sand.u32 $0x3C00, s26;
	_ =	swait.ge [sflag:s18], $0x80  }
0x4c: {  	s29 =	sadd.s32 s10, s22;
	s22 =	sadd.s32 s10, s30;
	[sflag:s18] =	ssyncset.done $0x0  }
0x4d: {  	s21 =	sor.u32 s24, s29;
	s22 =	sor.u32 s23, s22;
	[sflag:s18] =	ssyncadd.s32 $0xFFFFFF80  }
0x4e: {  	s21 =	sshrl.u32 s21, $0x3;
	s31 =	sshrl.u32 s22, $0x3;
	v2 =	vld [tilespmem:$0x70]  }
0x4f: {  	s23 =	simm.s32 $0x180;
	s22 =	sadd.s32 s4, s21;
	s21 =	sadd.s32 s4, s31;
	v3 =	vld [tilespmem:$0x10]  }
.LBB2_6:
0x50: {  	p0 =	sne.s32 s23, $0x2700;
	v4 =	vld [tilespmem:$0x50];
	s24 =	smov.u32 s23;
	s23 =	sadd.s32 $0x80, s23  }
0x51: {  	s25 =	sand.u32 $0x380, s24;
	v5 =	vld [tilespmem:$0x40]  }
0x52: {  	v6 =	vld [tilespmem:$0x20]  }
0x53: {  	s24 =	sand.u32 $0x3C00, s24;
	v7 =	vld [tilespmem:$0x30];
	v2 =	vshrl.u32 v2, $0x10  }
0x54: {  	s24 =	sadd.s32 s10, s24;
	v8 =	vld [tilespmem:$0x0];
	v3 =	vshrl.u32 v3, $0x10;
	[tilespmem:$0xF0] =	vst v2  }
0x55: {  	s24 =	sor.u32 s25, s24;
	[tilespmem:$0x90] =	vst v3;
	v2 =	vshrl.u32 v4, $0x10;
	v3 =	vld [tilespmem:$0x60]  }
0x56: {  	s24 =	sshrl.u32 s24, $0x3;
	v4 =	vshrl.u32 v5, $0x10;
	[tilespmem:$0xD0] =	vst v2  }
0x57: {  	s24 =	sadd.s32 s4, s24;
	v2 =	vshrl.u32 v6, $0x10;
	[tilespmem:$0xC0] =	vst v4  }
0x58: {  	[tilespmem:$0xA0] =	vst v2;
	v2 =	vshrl.u32 v7, $0x10  }
0x59: {  	v4 =	vshrl.u32 v8, $0x10;
	[tilespmem:$0xB0] =	vst v2  }
0x5a: {  	[tilespmem:$0x80] =	vst v4;
	v2 =	vshrl.u32 v3, $0x10  }
0x5b: {  	[tilespmem:$0xE0] =	vst v2  }
0x5c: {  	[spmem:s1] =	stream.indirect.scatter.add.f32 [tilespmem:s17], [sflag:$0x1], $0x80, s19, s19, $0xb8;
	[tilespmem:$0x17D00] =	vst v63  }
0x5d: {  	_ =	swait.ge [sflag:s18], $0x4000  }
0x5e: {  	[sflag:s18] =	ssyncset.done $0x0  }
0x5f: {  	[sflag:s18] =	ssyncadd.s32 $0xFFFFC000  }
0x60: {  	[tilespmem:s3], [sflag:$0x1] =	stream.linear.gather [hbm4b:s22+s3], $0x80, $0x38;
	[tilespmem:$0x17D00] =	vst v63  }
.Ltmp2:
0x61: {  	s22 =	smov.u32 s21;
	_ =	swait.ge [sflag:s18], $0x80;
	(pc) =	sbr.rel @p0 .LBB2_6-.Ltmp2, $4  }
0x62: {  	s21 =	smov.u32 s24;
	[sflag:s18] =	ssyncset.done $0x0  }
0x63: {  	[sflag:s18] =	ssyncadd.s32 $0xFFFFFF80  }
0x64: {  	v2 =	vld [tilespmem:$0x70]  }
0x65: {  	v3 =	vld [tilespmem:$0x10]  }
0x66: {  	v4 =	vld [tilespmem:$0x50]  }
0x67: {  	v5 =	vld [tilespmem:$0x40]  }
0x68: {  	v8 =	vld [tilespmem:$0x0]  }
0x69: {  	v6 =	vld [tilespmem:$0x20];
	v2 =	vshrl.u32 v2, $0x10  }
0x6a: {  	v7 =	vld [tilespmem:$0x30];
	v3 =	vshrl.u32 v3, $0x10;
	[tilespmem:$0xF0] =	vst v2  }
0x6b: {  	[tilespmem:$0x90] =	vst v3;
	v2 =	vshrl.u32 v4, $0x10;
	v3 =	vld [tilespmem:$0x60]  }
0x6c: {  	v48 =	vshrl.u32 v5, $0x10;
	[tilespmem:$0xD0] =	vst v2  }
0x6d: {  	v49 =	vshrl.u32 v8, $0x10;
	[tilespmem:$0xC0] =	vst v48  }
0x6e: {  	v2 =	vshrl.u32 v6, $0x10;
	[tilespmem:$0x80] =	vst v49  }
0x6f: {  	[tilespmem:$0xA0] =	vst v2;
	v2 =	vshrl.u32 v7, $0x10  }
0x70: {  	[tilespmem:$0xB0] =	vst v2;
	v2 =	vshrl.u32 v3, $0x10  }
0x71: {  	[tilespmem:$0xE0] =	vst v2  }
0x72: {  	[spmem:s1] =	stream.indirect.scatter.add.f32 [tilespmem:s17], [sflag:$0x1], $0x80, s19, s19, $0xb8;
	[tilespmem:$0x17D00] =	vst v63  }
0x73: {  	_ =	swait.ge [sflag:s18], $0x4000  }
0x74: {  	[sflag:s18] =	ssyncset.done $0x0  }
0x75: {  	[sflag:s18] =	ssyncadd.s32 $0xFFFFC000  }
0x76: {  	[tilespmem:s3], [sflag:$0x1] =	stream.linear.gather [hbm4b:s22+s3], $0x80, $0x38;
	[tilespmem:$0x17D00] =	vst v63  }
0x77: {  	_ =	swait.ge [sflag:s18], $0x80  }
0x78: {  	[sflag:s18] =	ssyncset.done $0x0  }
0x79: {  	[sflag:s18] =	ssyncadd.s32 $0xFFFFFF80  }
0x7a: {  	v2 =	vld [tilespmem:$0x70]  }
0x7b: {  	v3 =	vld [tilespmem:$0x10]  }
0x7c: {  	v51 =	vld [tilespmem:$0x40]  }
0x7d: {  	v54 =	vld [tilespmem:$0x0]  }
0x7e: {  	v50 =	vld [tilespmem:$0x50]  }
0x7f: {  	v52 =	vld [tilespmem:$0x20];
	v2 =	vshrl.u32 v2, $0x10  }
0x80: {  	v53 =	vld [tilespmem:$0x30];
	v3 =	vshrl.u32 v3, $0x10;
	[tilespmem:$0xF0] =	vst v2  }
0x81: {  	v55 =	vshrl.u32 v51, $0x10;
	[tilespmem:$0x90] =	vst v3;
	v3 =	vld [tilespmem:$0x60]  }
0x82: {  	v56 =	vshrl.u32 v54, $0x10;
	[tilespmem:$0xC0] =	vst v55  }
0x83: {  	v2 =	vshrl.u32 v50, $0x10;
	[tilespmem:$0x80] =	vst v56  }
0x84: {  	[tilespmem:$0xD0] =	vst v2;
	v2 =	vshrl.u32 v52, $0x10  }
0x85: {  	[tilespmem:$0xA0] =	vst v2;
	v2 =	vshrl.u32 v53, $0x10  }
0x86: {  	[tilespmem:$0xB0] =	vst v2;
	v2 =	vshrl.u32 v3, $0x10  }
0x87: {  	[tilespmem:$0xE0] =	vst v2  }
0x88: {  	[spmem:s1] =	stream.indirect.scatter.add.f32 [tilespmem:s17], [sflag:$0x1], $0x80, s19, s19, $0xb8;
	[tilespmem:$0x17D00] =	vst v63  }
0x89: {  	_ =	swait.ge [sflag:s18], $0x4000  }
0x8a: {  	[sflag:s18] =	ssyncset.done $0x0  }
0x8b: {  	[sflag:s18] =	ssyncadd.s32 $0xFFFFC000  }
0x8c: {  	[tilespmem:s3], [sflag:$0x1] =	stream.linear.gather [hbm4b:s21+s3], $0x80, $0x38;
	[tilespmem:$0x17D00] =	vst v63  }
0x8d: {  	_ =	swait.ge [sflag:s18], $0x80  }
0x8e: {  	[sflag:s18] =	ssyncset.done $0x0  }
0x8f: {  	[sflag:s18] =	ssyncadd.s32 $0xFFFFFF80  }
0x90: {  	v2 =	vld [tilespmem:$0x70]  }
0x91: {  	v3 =	vld [tilespmem:$0x10]  }
0x92: {  	v58 =	vld [tilespmem:$0x40]  }
0x93: {  	v61 =	vld [tilespmem:$0x0]  }
0x94: {  	v57 =	vld [tilespmem:$0x50]  }
0x95: {  	v59 =	vld [tilespmem:$0x20];
	v2 =	vshrl.u32 v2, $0x10  }
0x96: {  	v60 =	vld [tilespmem:$0x30];
	v3 =	vshrl.u32 v3, $0x10;
	[tilespmem:$0xF0] =	vst v2  }
0x97: {  	v62 =	vshrl.u32 v58, $0x10;
	[tilespmem:$0x90] =	vst v3;
	v3 =	vld [tilespmem:$0x60]  }
0x98: {  	v63 =	vshrl.u32 v61, $0x10;
	[tilespmem:$0xC0] =	vst v62  }
0x99: {  	v2 =	vshrl.u32 v57, $0x10;
	[tilespmem:$0x80] =	vst v63  }
0x9a: {  	[tilespmem:$0xD0] =	vst v2;
	v2 =	vshrl.u32 v59, $0x10  }
0x9b: {  	[tilespmem:$0xA0] =	vst v2;
	v2 =	vshrl.u32 v60, $0x10  }
0x9c: {  	[tilespmem:$0xB0] =	vst v2;
	v2 =	vshrl.u32 v3, $0x10  }
0x9d: {  	[tilespmem:$0xE0] =	vst v2  }
0x9e: {  	[spmem:s1] =	stream.indirect.scatter.add.f32 [tilespmem:s17], [sflag:$0x1], $0x80, s19, s19, $0xb8;
	[tilespmem:$0x17D00] =	vst v63  }
0x9f: {  	_ =	swait.ge [sflag:s18], $0x4000  }
0xa0: {  	[sflag:s18] =	ssyncset.done $0x0  }
0xa1: {  	[sflag:s18] =	ssyncadd.s32 $0xFFFFC000  }
0xa2: {  	[bflag:$0x0] =	sbarrier.arrive $0xFFFF  }
0xa3: {  	[tilespmem:s17], [sflag:$0x1] =	stream.linear.gather [spmem:s5], $0x4000, $0x38;
	[tilespmem:$0x17D00] =	vst v63  }
0xa4: {  	_ =	swait.ge [sflag:s18], $0x4000  }
0xa5: {  	[sflag:s18] =	ssyncset.done $0x0  }
0xa6: {  	[sflag:s18] =	ssyncadd.s32 $0xFFFFC000  }
0xa7: {  	[hbm4b:s11+s3] =	stream.linear.scatter [tilespmem:s17], [sflag:$0x1], $0x4000, $0x38;
	[tilespmem:$0x17D00] =	vst v63  }
0xa8: {  	_ =	swait.ge [sflag:s18], $0x4000  }
0xa9: {  	[sflag:s18] =	ssyncset.done $0x0  }
0xaa: {  	[sflag:s18] =	ssyncadd.s32 $0xFFFFC000  }
0xab: {  	[tilespmem:s17], [sflag:$0x1] =	stream.linear.gather [spmem:s6], $0x4000, $0x38;
	[tilespmem:$0x17D00] =	vst v63  }
0xac: {  	_ =	swait.ge [sflag:s18], $0x4000  }
0xad: {  	[sflag:s18] =	ssyncset.done $0x0  }
0xae: {  	[sflag:s18] =	ssyncadd.s32 $0xFFFFC000  }
0xaf: {  	[hbm4b:s12+s3] =	stream.linear.scatter [tilespmem:s17], [sflag:$0x1], $0x4000, $0x38;
	[tilespmem:$0x17D00] =	vst v63  }
0xb0: {  	_ =	swait.ge [sflag:s18], $0x4000  }
0xb1: {  	[sflag:s18] =	ssyncset.done $0x0  }
0xb2: {  	[sflag:s18] =	ssyncadd.s32 $0xFFFFC000  }
0xb3: {  	[tilespmem:s17], [sflag:$0x1] =	stream.linear.gather [spmem:s7], $0x4000, $0x38;
	[tilespmem:$0x17D00] =	vst v63  }
0xb4: {  	_ =	swait.ge [sflag:s18], $0x4000  }
0xb5: {  	[sflag:s18] =	ssyncset.done $0x0  }
0xb6: {  	[sflag:s18] =	ssyncadd.s32 $0xFFFFC000  }
0xb7: {  	[hbm4b:s13+s3] =	stream.linear.scatter [tilespmem:s17], [sflag:$0x1], $0x4000, $0x38;
	[tilespmem:$0x17D00] =	vst v63  }
0xb8: {  	_ =	swait.ge [sflag:s18], $0x4000  }
0xb9: {  	[sflag:s18] =	ssyncset.done $0x0  }
0xba: {  	[sflag:s18] =	ssyncadd.s32 $0xFFFFC000  }
0xbb: {  	[tilespmem:s17], [sflag:$0x1] =	stream.linear.gather [spmem:s8], $0x4000, $0x38;
	[tilespmem:$0x17D00] =	vst v63  }
0xbc: {  	_ =	swait.ge [sflag:s18], $0x4000  }
0xbd: {  	[sflag:s18] =	ssyncset.done $0x0  }
0xbe: {  	[sflag:s18] =	ssyncadd.s32 $0xFFFFC000  }
0xbf: {  	[hbm4b:s14+s3] =	stream.linear.scatter [tilespmem:s17], [sflag:$0x1], $0x4000, $0x38;
	[tilespmem:$0x17D00] =	vst v63  }
0xc0: {  	_ =	swait.ge [sflag:s18], $0x4000  }
0xc1: {  	[sflag:s18] =	ssyncset.done $0x0  }
0xc2: {  	[sflag:s18] =	ssyncadd.s32 $0xFFFFC000  }
0xc3: {  	[tilespmem:s17], [sflag:$0x1] =	stream.linear.gather [spmem:s9], $0x3C00, $0x38;
	[tilespmem:$0x17D00] =	vst v63  }
0xc4: {  	s20 =	sadd.s32 $0x1, s20;
	_ =	swait.ge [sflag:s18], $0x3C00  }
0xc5: {  	p0 =	sne.s32 s20, s16;
	[sflag:s18] =	ssyncset.done $0x0  }
.Ltmp3:
0xc6: {  	[sflag:s18] =	ssyncadd.s32 $0xFFFFC400;
	(pc) =	sbr.rel @p0 .LBB2_1-.Ltmp3, $4  }
0xc7: {  	[hbm4b:s15+s3] =	stream.linear.scatter [tilespmem:s17], [sflag:$0x1], $0x3C00, $0x38;
	[tilespmem:$0x17D00] =	vst v63  }
0xc8: {  	_ =	swait.ge [sflag:s18], $0x3C00  }
0xc9: {  	[sflag:s18] =	ssyncset.done $0x0  }
0xca: {  	[sflag:s18] =	ssyncadd.s32 $0xFFFFC400  }
0xcb: {  	_ =	sfence.sel $0x180000  }
0xcc: {  	[bflag:$0x0] =	sbarrier.arrive $0xFFFF  }
0xcd: {  	p0 =	sne.s32 s2, $0x0;
	_ =	strace $0x9000004A  }
0xce: {  	s0 =	sadd.s32 @!p0 $0x100000, s0;
	[bflag:$0x2] =	sbarrier.arrive $0xFFFF  }
0xcf: {  	[sflag:s0] =	ssyncadd.tile.s32 @!p0 $0x1;
	_ =	shalt  }
.Lfunc_end2:
_tile_overlayer_lowered:
.L_overlay_start_2:
0xd0: {  	(tag) =	ssettag $0x2  }
0xd1: {  	s0 =	rddreg [dreg:$0x0];
	s2 =	stileid.u32  }
0xd2: {  	s1 =	rddreg [dreg:$0x1];
	p0 =	sne.s32 s2, $0x0  }
0xd3: {  	s3 =	rddreg [dreg:$0x2];
	[bflag:$0x3] =	sbarrier.arrive $0xFFFF;
	s2 =	simm.s32 @!p0 $0x1C01  }
0xd4: {  	[timem:s3], [sflag:s2] =	dma.local @!p0 [hbm:s0], s1  }
0xd5: {  	s0 =	simm.s32 @!p0 $0x1  }
0xd6: {  	_ =	swait.ge @!p0 [sflag:s0], s1  }
0xd7: {  	s1 =	ssub.s32 @!p0 $0x0, s1;
	[sflag:s0] =	ssyncset.done @!p0 $0x0  }
0xd8: {  	[sflag:s0] =	ssyncadd.s32 @!p0 s1  }
0xd9: {  	[bflag:$0x3] =	sbarrier.arrive $0xFFFF  }
0xda: {  	_ =	shalt  }

</sc_bundles>
